<compile_context>
chip_gen: v7x
topology: tpu7x:2x2x1
jax: 0.10.2.dev20260603
libtpu: 0.0.44.dev20260713+nightly
codegen_flags: <defaults>
</compile_context>

<pallas_src>
import functools

import jax
import jax.numpy as jnp
from jax import lax
from jax.experimental import pallas as pl
from jax.experimental.pallas import tpu as pltpu
from jax.experimental.pallas import tpu_sc as plsc

N = 10000
D = 128
NC = 2
NS = 16
NW = NC * NS
N_PAD = 10240
ROWS_PER_SUB = N_PAD // NS
CHUNK = 128
IBLK = 8
R_BLK = 512
FAST_CORE = 1
FAST_FRAC_NUM, FAST_FRAC_DEN = 19, 20


def _make_deg_kernel(total_rows):
    mesh = plsc.VectorSubcoreMesh(core_axis_name="c", subcore_axis_name="s")
    rows_per_sub = total_rows // NS

    @functools.partial(
        pl.kernel,
        mesh=mesh,
        out_type=jax.ShapeDtypeStruct((NC, N_PAD, D), jnp.float32),
        scratch_types=[
            pltpu.VMEM_SHARED((N_PAD, D), jnp.float32),
            pltpu.VMEM((CHUNK, D), jnp.float32),
            pltpu.VMEM((IBLK, CHUNK), jnp.int32),
            pltpu.SemaphoreType.DMA,
        ],
    )
    def deg_kernel(src_hbm, dst_hbm, cnt_hbm, cnt_sh, ones_v, idx_blk, ssem):
        c = lax.axis_index("c")
        s = lax.axis_index("s")

        def fill(val):
            def body(i, _):
                for k in range(D // 16):
                    ones_v[i, pl.ds(k * 16, 16)] = jnp.full((16,), val,
                                                            jnp.float32)
                return 0
            lax.fori_loop(0, CHUNK, body, 0)

        fill(0.0)
        base = s * ROWS_PER_SUB
        for k in range(ROWS_PER_SUB // CHUNK):
            pltpu.sync_copy(ones_v, cnt_sh.at[pl.ds(base + k * CHUNK, CHUNK)])
        fill(1.0)
        plsc.subcore_barrier()

        def count(edge_hbm):
            def body(b, _):
                rb = s * rows_per_sub + b * IBLK
                pltpu.sync_copy(edge_hbm.at[pl.ds(rb, IBLK)], idx_blk)
                cps = [pltpu.async_copy(ones_v, cnt_sh.at[idx_blk.at[j]],
                                        ssem, add=True)
                       for j in range(IBLK)]
                for cp in cps:
                    cp.wait()
                return 0
            lax.fori_loop(0, rows_per_sub // IBLK, body, 0)

        @pl.when(c == 0)
        def _():
            count(src_hbm)

        @pl.when(c == 1)
        def _():
            count(dst_hbm)

        plsc.subcore_barrier()
        for k in range(ROWS_PER_SUB // CHUNK):
            pltpu.sync_copy(cnt_sh.at[pl.ds(base + k * CHUNK, CHUNK)], ones_v)
            pltpu.sync_copy(ones_v,
                            cnt_hbm.at[c].at[pl.ds(base + k * CHUNK, CHUNK)])

    return deg_kernel


def _make_agg_kernel(total_rows):
    mesh = plsc.VectorSubcoreMesh(core_axis_name="c", subcore_axis_name="s")
    grain = NS * IBLK
    fast_total = (total_rows * FAST_FRAC_NUM // FAST_FRAC_DEN) // grain * grain
    f_t = fast_total // NS
    s_t = (total_rows - fast_total) // NS

    @functools.partial(
        pl.kernel,
        mesh=mesh,
        out_type=jax.ShapeDtypeStruct((NC, N_PAD, D), jnp.float32),
        scratch_types=[
            pltpu.VMEM_SHARED((N_PAD, D), jnp.float32),
            pltpu.VMEM((CHUNK, D), jnp.float32),
            pltpu.VMEM((CHUNK, D), jnp.float32),
            pltpu.VMEM((IBLK, CHUNK), jnp.int32),
            pltpu.VMEM((IBLK, CHUNK), jnp.int32),
            pltpu.SemaphoreType.DMA,
            pltpu.SemaphoreType.DMA,
            pltpu.SemaphoreType.DMA,
            pltpu.SemaphoreType.DMA,
        ],
    )
    def agg_kernel(table_hbm, src_hbm, dst_hbm, out_hbm,
                   acc_sh, rows0, rows1, sidx_blk, didx_blk,
                   gsem0, gsem1, ssem0, ssem1):
        c = lax.axis_index("c")
        s = lax.axis_index("s")
        my_rows = jnp.where(c == FAST_CORE, f_t, s_t)
        my_base = jnp.where(c == FAST_CORE, s * f_t, fast_total + s * s_t)

        def zrow(i, _):
            for k in range(D // 16):
                rows0[i, pl.ds(k * 16, 16)] = jnp.zeros((16,), jnp.float32)
            return 0
        lax.fori_loop(0, CHUNK, zrow, 0)

        base = s * ROWS_PER_SUB
        for k in range(ROWS_PER_SUB // CHUNK):
            pltpu.sync_copy(rows0, acc_sh.at[pl.ds(base + k * CHUNK, CHUNK)])
        plsc.subcore_barrier()

        def body(b, _):
            @pl.when(b > 0)
            def _():
                pltpu.make_async_copy(table_hbm.at[sidx_blk.at[0]], rows0,
                                      ssem0).wait()
                pltpu.make_async_copy(table_hbm.at[sidx_blk.at[0]], rows1,
                                      ssem1).wait()
            rb = my_base + b * IBLK
            pltpu.sync_copy(src_hbm.at[pl.ds(rb, IBLK)], sidx_blk)
            pltpu.sync_copy(dst_hbm.at[pl.ds(rb, IBLK)], didx_blk)
            for jj in range(IBLK // 2):
                j0, j1 = 2 * jj, 2 * jj + 1
                if jj > 0:
                    pltpu.make_async_copy(table_hbm.at[sidx_blk.at[j0]],
                                          rows0, ssem0).wait()
                    pltpu.make_async_copy(table_hbm.at[sidx_blk.at[j1]],
                                          rows1, ssem1).wait()
                cp0 = pltpu.async_copy(table_hbm.at[sidx_blk.at[j0]], rows0,
                                       gsem0)
                cp1 = pltpu.async_copy(table_hbm.at[sidx_blk.at[j1]], rows1,
                                       gsem1)
                cp0.wait()
                pltpu.async_copy(rows0, acc_sh.at[didx_blk.at[j0]], ssem0,
                                 add=True)
                cp1.wait()
                pltpu.async_copy(rows1, acc_sh.at[didx_blk.at[j1]], ssem1,
                                 add=True)
            return 0
        lax.fori_loop(0, my_rows // IBLK, body, 0)

        @pl.when(my_rows > 0)
        def _():
            pltpu.make_async_copy(table_hbm.at[sidx_blk.at[0]], rows0,
                                  ssem0).wait()
            pltpu.make_async_copy(table_hbm.at[sidx_blk.at[0]], rows1,
                                  ssem1).wait()
        plsc.subcore_barrier()

        for k in range(ROWS_PER_SUB // CHUNK):
            pltpu.sync_copy(acc_sh.at[pl.ds(base + k * CHUNK, CHUNK)], rows0)
            pltpu.sync_copy(rows0,
                            out_hbm.at[c].at[pl.ds(base + k * CHUNK, CHUNK)])

    return agg_kernel


def _tc_prep(cnt, feat_pad):
    def body(c_ref, f_ref, t1_ref, so_ref, si_ref):
        so = lax.rsqrt(jnp.maximum(c_ref[0], 1.0))
        si = lax.rsqrt(jnp.maximum(c_ref[1], 1.0))
        t1_ref[...] = f_ref[...] * so
        so_ref[...] = so
        si_ref[...] = si

    return pl.pallas_call(
        body,
        grid=(N_PAD // R_BLK,),
        in_specs=[
            pl.BlockSpec((NC, R_BLK, D), lambda i: (0, i, 0)),
            pl.BlockSpec((R_BLK, D), lambda i: (i, 0)),
        ],
        out_specs=[pl.BlockSpec((R_BLK, D), lambda i: (i, 0))] * 3,
        out_shape=[jax.ShapeDtypeStruct((N_PAD, D), jnp.float32)] * 3,
    )(cnt, feat_pad)


def _tc_dense(parts, sins, souts, W1, b1, W2):
    def body(p_ref, si_ref, so_ref, w1_ref, b1_ref, w2_ref, t2_ref):
        a = (p_ref[0] + p_ref[1]) * si_ref[...]
        h = jnp.dot(a, w1_ref[...], preferred_element_type=jnp.float32,
                    precision=lax.Precision.HIGHEST) + b1_ref[...]
        h = jnp.maximum(h, 0.0)
        so_wide = jnp.broadcast_to(so_ref[:, :1], h.shape)
        t2_ref[...] = jnp.dot(h * so_wide, w2_ref[...],
                              preferred_element_type=jnp.float32,
                              precision=lax.Precision.HIGHEST)

    dh = W1.shape[1]
    return pl.pallas_call(
        body,
        grid=(N_PAD // R_BLK,),
        in_specs=[
            pl.BlockSpec((NC, R_BLK, D), lambda i: (0, i, 0)),
            pl.BlockSpec((R_BLK, D), lambda i: (i, 0)),
            pl.BlockSpec((R_BLK, D), lambda i: (i, 0)),
            pl.BlockSpec((D, dh), lambda i: (0, 0)),
            pl.BlockSpec((1, dh), lambda i: (0, 0)),
            pl.BlockSpec((dh, D), lambda i: (0, 0)),
        ],
        out_specs=pl.BlockSpec((R_BLK, D), lambda i: (i, 0)),
        out_shape=jax.ShapeDtypeStruct((N_PAD, D), jnp.float32),
    )(parts, sins, souts, W1, b1.reshape(1, dh), W2)


def _tc_final(parts, sins, b2):
    def body(q_ref, si_ref, b2_ref, o_ref):
        q = (q_ref[0] + q_ref[1]) * si_ref[...]
        o_ref[...] = jnp.maximum(q + b2_ref[...], 0.0)

    return pl.pallas_call(
        body,
        grid=(N_PAD // R_BLK,),
        in_specs=[
            pl.BlockSpec((NC, R_BLK, D), lambda i: (0, i, 0)),
            pl.BlockSpec((R_BLK, D), lambda i: (i, 0)),
            pl.BlockSpec((1, D), lambda i: (0, 0)),
        ],
        out_specs=pl.BlockSpec((R_BLK, D), lambda i: (i, 0)),
        out_shape=jax.ShapeDtypeStruct((N_PAD, D), jnp.float32),
    )(parts, sins, b2.reshape(1, D))


def kernel(feat, edge_index, W1, b1, W2, b2):
    src = edge_index[0].astype(jnp.int32)
    dst = edge_index[1].astype(jnp.int32)
    e = src.shape[0]
    rows = -(-e // CHUNK)
    rpw = -(-rows // NW)
    rpw = -(-rpw // 4) * 4
    e_pad = rpw * NW * CHUNK
    pad = e_pad - e
    rows_pad = rpw * NW
    src_p = jnp.concatenate([src, jnp.full((pad,), N, jnp.int32)])
    src_p = src_p.reshape(rows_pad, CHUNK)
    dst_p = jnp.concatenate([dst, jnp.full((pad,), N, jnp.int32)])
    dst_p = dst_p.reshape(rows_pad, CHUNK)
    feat_p = jnp.pad(feat, ((0, N_PAD - N), (0, 0)))

    cnt = _make_deg_kernel(rpw * NW)(src_p, dst_p)
    t1, souts, sins = _tc_prep(cnt, feat_p)
    parts1 = _make_agg_kernel(rows_pad)(t1, src_p, dst_p)
    t2 = _tc_dense(parts1, sins, souts, W1, b1, W2)
    parts2 = _make_agg_kernel(rows_pad)(t2, src_p, dst_p)
    out = _tc_final(parts2, sins, b2)
    return out[:N]

# --- scband reference (transcript-rebuilt; emitter-appended) ---
"""Pipeline reference for scband-gcn-32109175505051 (READ-ONLY COPY).

The authoritative reference and input builder live on the scoring server;
editing this copy changes nothing except your own understanding.
"""

import jax, jax.numpy as jnp
import numpy as np

N = 10000
E = 320000
D_IN = 128
D_OUT = 128
D_HID = 2 * D_OUT  # GCN uses out_dim*2 for hidden layers


def setup_inputs(seed: int = 0) -> dict:
    key = jax.random.key(seed)
    k1, k2, k3, k4 = jax.random.split(key, 4)
    feat = jax.random.normal(k1, (N, D_IN), dtype=jnp.float32)
    edge_index = jax.random.randint(k2, (2, E), 0, N)
    # Layer weights (DGL GraphConv: weight [in, out], bias [out], glorot init)
    W1 = jax.random.normal(k3, (D_IN, D_HID), dtype=jnp.float32) * (2.0 / (D_IN + D_HID)) ** 0.5
    b1 = jnp.zeros((D_HID,), dtype=jnp.float32)
    W2 = jax.random.normal(k4, (D_HID, D_OUT), dtype=jnp.float32) * (2.0 / (D_HID + D_OUT)) ** 0.5
    b2 = jnp.zeros((D_OUT,), dtype=jnp.float32)
    return {"feat": feat, "edge_index": edge_index, "W1": W1, "b1": b1, "W2": W2, "b2": b2}


def _gcn_layer(feat, src, dst, W, b):
    # DGL GraphConv with norm='both', allow_zero_in_degree=True:
    #   h = D_out^{-1/2} * feat; aggregate sum over edges src->dst; h = D_in^{-1/2} * h; h @ W + b
    # (matmul commutes with the linear aggregation, so applying W after aggregation is exact)
    out_deg = jnp.maximum(jnp.bincount(src, length=N), 1).astype(feat.dtype)
    in_deg = jnp.maximum(jnp.bincount(dst, length=N), 1).astype(feat.dtype)
    h = feat * (out_deg ** -0.5)[:, None]
    msgs = jnp.take(h, src, axis=0)                     # gather over edges
    agg = jax.ops.segment_sum(msgs, dst, num_segments=N)  # scatter-add to dst nodes
    agg = agg * (in_deg ** -0.5)[:, None]
    return agg @ W + b


def reference(feat, edge_index, W1, b1, W2, b2):
    src = edge_index[0]
    dst = edge_index[1]
    h = jax.nn.relu(_gcn_layer(feat, src, dst, W1, b1))
    h = jax.nn.relu(_gcn_layer(h, src, dst, W2, b2))
    return h

if __name__ == "__main__":
    import jax
    _d = setup_inputs()
    print(jax.jit(kernel)(*tuple(_d.values())))

</pallas_src>

<mosaic_0001>
#map = affine_map<(d0, d1) -> (0, 0)>
#map1 = affine_map<(d0, d1) -> (0, 0, 0)>
module attributes {stable_mosaic.version = 14 : i64} {
  func.func @agg_kernel(%arg0: i32, %arg1: i32, %arg2: memref<10240x128xf32, #tpu.memory_space<hbm>>, %arg3: memref<2560x128xi32, #tpu.memory_space<hbm>>, %arg4: memref<2560x128xi32, #tpu.memory_space<hbm>>, %arg5: memref<2x10240x128xf32, #tpu.memory_space<hbm>>, %arg6: memref<10240x128xf32, #tpu.memory_space<vmem_shared>>, %arg7: memref<128x128xf32, #tpu.memory_space<vmem>>, %arg8: memref<128x128xf32, #tpu.memory_space<vmem>>, %arg9: memref<8x128xi32, #tpu.memory_space<vmem>>, %arg10: memref<8x128xi32, #tpu.memory_space<vmem>>, %arg11: memref<!tpu.dma_semaphore, #tpu.memory_space<semaphore_mem>>, %arg12: memref<!tpu.dma_semaphore, #tpu.memory_space<semaphore_mem>>, %arg13: memref<!tpu.dma_semaphore, #tpu.memory_space<semaphore_mem>>, %arg14: memref<!tpu.dma_semaphore, #tpu.memory_space<semaphore_mem>>) attributes {dimension_semantics = [#tpu.dimension_semantics<core_parallel>, #tpu.dimension_semantics<subcore_parallel>], iteration_bounds = array<i64: 2, 16>, scalar_prefetch = 0 : i64, scratch_operands = 9 : i64, tpu.core_type = #tpu.core_type<sc_vector_subcore>, window_params = [{transform_indices = #map}, {transform_indices = #map}, {transform_indices = #map}, {transform_indices = #map1}]} {
    %eq3A = arith.constant 1 : i32
    %eq3A_0 = arith.cmpi eq, %arg0, %eq3A : i32
    %jit3A = arith.constant 152 : i32
    %jit3A_1 = arith.constant 8 : i32
    %select_n3A = arith.select %eq3A_0, %jit3A, %jit3A_1 : i32
    %eq3A_2 = arith.constant 1 : i32
    %eq3A_3 = arith.cmpi eq, %arg0, %eq3A_2 : i32
    %mul3A = arith.constant 152 : i32
    %mul3A_4 = arith.muli %arg1, %mul3A : i32
    %mul3A_5 = arith.constant 8 : i32
    %mul3A_6 = arith.muli %arg1, %mul3A_5 : i32
    %add3A = arith.constant 2432 : i32
    %add3A_7 = arith.addi %add3A, %mul3A_6 : i32
    %select_n3A_8 = arith.select %eq3A_3, %mul3A_4, %add3A_7 : i32
    %scan3A = arith.constant 0 : i32
    %scan3A_9 = arith.constant 0 : i32
    %scan3A_10 = arith.constant 128 : i32
    %scan3A_11 = arith.addi %scan3A_9, %scan3A_10 : i32
    %scan3A_12 = arith.constant 1 : i32
    %scan3A_13 = scf.for %scan3A_79 = %scan3A_9 to %scan3A_11 step %scan3A_12 iter_args(%scan3A_80 = %scan3A) -> (i32)  : i32 {
      %broadcast_in_dim3A = arith.constant 0.000000e+00 : f32
      %broadcast_in_dim3A_81 = vector.broadcast %broadcast_in_dim3A : f32 to vector<16xf32>
      %swap3A = arith.index_cast %scan3A_79 : i32 to index
      %swap3A_82 = arith.constant 0 : index
      %swap3A_83 = tpu.vector_load %arg7[%swap3A, %swap3A_82] {strides = array<i32>} : memref<128x128xf32, #tpu.memory_space<vmem>>, vector<1x16xf32>,
      %swap3A_84 = vector.shape_cast %swap3A_83 : vector<1x16xf32> to vector<16xf32>
      %swap3A_85 = vector.shape_cast %broadcast_in_dim3A_81 : vector<16xf32> to vector<1x16xf32>
      tpu.vector_store %arg7[%swap3A, %swap3A_82], %swap3A_85 {strides = array<i32>} : memref<128x128xf32, #tpu.memory_space<vmem>>, vector<1x16xf32>,
      %broadcast_in_dim3A_86 = arith.constant 0.000000e+00 : f32
      %broadcast_in_dim3A_87 = vector.broadcast %broadcast_in_dim3A_86 : f32 to vector<16xf32>
      %swap3A_88 = arith.index_cast %scan3A_79 : i32 to index
      %swap3A_89 = arith.constant 16 : index
      %swap3A_90 = tpu.vector_load %arg7[%swap3A_88, %swap3A_89] {strides = array<i32>} : memref<128x128xf32, #tpu.memory_space<vmem>>, vector<1x16xf32>,
      %swap3A_91 = vector.shape_cast %swap3A_90 : vector<1x16xf32> to vector<16xf32>
      %swap3A_92 = vector.shape_cast %broadcast_in_dim3A_87 : vector<16xf32> to vector<1x16xf32>
      tpu.vector_store %arg7[%swap3A_88, %swap3A_89], %swap3A_92 {strides = array<i32>} : memref<128x128xf32, #tpu.memory_space<vmem>>, vector<1x16xf32>,
      %broadcast_in_dim3A_93 = arith.constant 0.000000e+00 : f32
      %broadcast_in_dim3A_94 = vector.broadcast %broadcast_in_dim3A_93 : f32 to vector<16xf32>
      %swap3A_95 = arith.index_cast %scan3A_79 : i32 to index
      %swap3A_96 = arith.constant 32 : index
      %swap3A_97 = tpu.vector_load %arg7[%swap3A_95, %swap3A_96] {strides = array<i32>} : memref<128x128xf32, #tpu.memory_space<vmem>>, vector<1x16xf32>,
      %swap3A_98 = vector.shape_cast %swap3A_97 : vector<1x16xf32> to vector<16xf32>
      %swap3A_99 = vector.shape_cast %broadcast_in_dim3A_94 : vector<16xf32> to vector<1x16xf32>
      tpu.vector_store %arg7[%swap3A_95, %swap3A_96], %swap3A_99 {strides = array<i32>} : memref<128x128xf32, #tpu.memory_space<vmem>>, vector<1x16xf32>,
      %broadcast_in_dim3A_100 = arith.constant 0.000000e+00 : f32
      %broadcast_in_dim3A_101 = vector.broadcast %broadcast_in_dim3A_100 : f32 to vector<16xf32>
      %swap3A_102 = arith.index_cast %scan3A_79 : i32 to index
      %swap3A_103 = arith.constant 48 : index
      %swap3A_104 = tpu.vector_load %arg7[%swap3A_102, %swap3A_103] {strides = array<i32>} : memref<128x128xf32, #tpu.memory_space<vmem>>, vector<1x16xf32>,
      %swap3A_105 = vector.shape_cast %swap3A_104 : vector<1x16xf32> to vector<16xf32>
      %swap3A_106 = vector.shape_cast %broadcast_in_dim3A_101 : vector<16xf32> to vector<1x16xf32>
      tpu.vector_store %arg7[%swap3A_102, %swap3A_103], %swap3A_106 {strides = array<i32>} : memref<128x128xf32, #tpu.memory_space<vmem>>, vector<1x16xf32>,
      %broadcast_in_dim3A_107 = arith.constant 0.000000e+00 : f32
      %broadcast_in_dim3A_108 = vector.broadcast %broadcast_in_dim3A_107 : f32 to vector<16xf32>
      %swap3A_109 = arith.index_cast %scan3A_79 : i32 to index
      %swap3A_110 = arith.constant 64 : index
      %swap3A_111 = tpu.vector_load %arg7[%swap3A_109, %swap3A_110] {strides = array<i32>} : memref<128x128xf32, #tpu.memory_space<vmem>>, vector<1x16xf32>,
      %swap3A_112 = vector.shape_cast %swap3A_111 : vector<1x16xf32> to vector<16xf32>
      %swap3A_113 = vector.shape_cast %broadcast_in_dim3A_108 : vector<16xf32> to vector<1x16xf32>
      tpu.vector_store %arg7[%swap3A_109, %swap3A_110], %swap3A_113 {strides = array<i32>} : memref<128x128xf32, #tpu.memory_space<vmem>>, vector<1x16xf32>,
      %broadcast_in_dim3A_114 = arith.constant 0.000000e+00 : f32
      %broadcast_in_dim3A_115 = vector.broadcast %broadcast_in_dim3A_114 : f32 to vector<16xf32>
      %swap3A_116 = arith.index_cast %scan3A_79 : i32 to index
      %swap3A_117 = arith.constant 80 : index
      %swap3A_118 = tpu.vector_load %arg7[%swap3A_116, %swap3A_117] {strides = array<i32>} : memref<128x128xf32, #tpu.memory_space<vmem>>, vector<1x16xf32>,
      %swap3A_119 = vector.shape_cast %swap3A_118 : vector<1x16xf32> to vector<16xf32>
      %swap3A_120 = vector.shape_cast %broadcast_in_dim3A_115 : vector<16xf32> to vector<1x16xf32>
      tpu.vector_store %arg7[%swap3A_116, %swap3A_117], %swap3A_120 {strides = array<i32>} : memref<128x128xf32, #tpu.memory_space<vmem>>, vector<1x16xf32>,
      %broadcast_in_dim3A_121 = arith.constant 0.000000e+00 : f32
      %broadcast_in_dim3A_122 = vector.broadcast %broadcast_in_dim3A_121 : f32 to vector<16xf32>
      %swap3A_123 = arith.index_cast %scan3A_79 : i32 to index
      %swap3A_124 = arith.constant 96 : index
      %swap3A_125 = tpu.vector_load %arg7[%swap3A_123, %swap3A_124] {strides = array<i32>} : memref<128x128xf32, #tpu.memory_space<vmem>>, vector<1x16xf32>,
      %swap3A_126 = vector.shape_cast %swap3A_125 : vector<1x16xf32> to vector<16xf32>
      %swap3A_127 = vector.shape_cast %broadcast_in_dim3A_122 : vector<16xf32> to vector<1x16xf32>
      tpu.vector_store %arg7[%swap3A_123, %swap3A_124], %swap3A_127 {strides = array<i32>} : memref<128x128xf32, #tpu.memory_space<vmem>>, vector<1x16xf32>,
      %broadcast_in_dim3A_128 = arith.constant 0.000000e+00 : f32
      %broadcast_in_dim3A_129 = vector.broadcast %broadcast_in_dim3A_128 : f32 to vector<16xf32>
      %swap3A_130 = arith.index_cast %scan3A_79 : i32 to index
      %swap3A_131 = arith.constant 112 : index
      %swap3A_132 = tpu.vector_load %arg7[%swap3A_130, %swap3A_131] {strides = array<i32>} : memref<128x128xf32, #tpu.memory_space<vmem>>, vector<1x16xf32>,
      %swap3A_133 = vector.shape_cast %swap3A_132 : vector<1x16xf32> to vector<16xf32>
      %swap3A_134 = vector.shape_cast %broadcast_in_dim3A_129 : vector<16xf32> to vector<1x16xf32>
      tpu.vector_store %arg7[%swap3A_130, %swap3A_131], %swap3A_134 {strides = array<i32>} : memref<128x128xf32, #tpu.memory_space<vmem>>, vector<1x16xf32>,
      %scan3A_135 = arith.constant 0 : i32
      scf.yield %scan3A_135 : i32
    }
    %scan3A_14 = arith.constant 128 : i32
    %mul3A_15 = arith.constant 640 : i32
    %mul3A_16 = arith.muli %arg1, %mul3A_15 : i32
    %add3A_17 = arith.constant 0 : i32
    %add3A_18 = arith.addi %mul3A_16, %add3A_17 : i32
    "tpu.region"() ({
      %run_scoped3A = tpu.sem_alloc : memref<!tpu.dma_semaphore, #tpu.memory_space<semaphore_mem>>
      %dma_start3A = arith.constant 0 : i32
      %dma_start3A_79 = tpu.memref_slice %arg6[%add3A_18, %dma_start3A] : memref<10240x128xf32, #tpu.memory_space<vmem_shared>> -> memref<128x128xf32, #tpu.memory_space<vmem_shared>>
      %dma_start3A_80 = arith.constant 0 : i32
      %dma_start3A_81 = tpu.memref_slice %arg6[%add3A_18, %dma_start3A_80] : memref<10240x128xf32, #tpu.memory_space<vmem_shared>> -> memref<128x128xf32, #tpu.memory_space<vmem_shared>>
      tpu.enqueue_dma source(%arg7 : memref<128x128xf32, #tpu.memory_space<vmem>>) target(%dma_start3A_81 : memref<128x128xf32, #tpu.memory_space<vmem_shared>>) target_semaphore(%run_scoped3A : memref<!tpu.dma_semaphore, #tpu.memory_space<semaphore_mem>>)
      %dma_wait3A = arith.constant 0 : i32
      %dma_wait3A_82 = tpu.memref_slice %arg6[%add3A_18, %dma_wait3A] : memref<10240x128xf32, #tpu.memory_space<vmem_shared>> -> memref<128x128xf32, #tpu.memory_space<vmem_shared>>
      %dma_wait3A_83 = arith.constant 0 : i32
      %dma_wait3A_84 = tpu.memref_slice %arg6[%add3A_18, %dma_wait3A_83] : memref<10240x128xf32, #tpu.memory_space<vmem_shared>> -> memref<128x128xf32, #tpu.memory_space<vmem_shared>>
      tpu.wait_dma2 semaphore(%run_scoped3A : memref<!tpu.dma_semaphore, #tpu.memory_space<semaphore_mem>>) src(%arg7 : memref<128x128xf32, #tpu.memory_space<vmem>>) dst(%dma_wait3A_84 : memref<128x128xf32, #tpu.memory_space<vmem_shared>>)
      tpu.yield
    }) : () -> ()
    %add3A_19 = arith.constant 128 : i32
    %add3A_20 = arith.addi %mul3A_16, %add3A_19 : i32
    "tpu.region"() ({
      %run_scoped3A = tpu.sem_alloc : memref<!tpu.dma_semaphore, #tpu.memory_space<semaphore_mem>>
      %dma_start3A = arith.constant 0 : i32
      %dma_start3A_79 = tpu.memref_slice %arg6[%add3A_20, %dma_start3A] : memref<10240x128xf32, #tpu.memory_space<vmem_shared>> -> memref<128x128xf32, #tpu.memory_space<vmem_shared>>
      %dma_start3A_80 = arith.constant 0 : i32
      %dma_start3A_81 = tpu.memref_slice %arg6[%add3A_20, %dma_start3A_80] : memref<10240x128xf32, #tpu.memory_space<vmem_shared>> -> memref<128x128xf32, #tpu.memory_space<vmem_shared>>
      tpu.enqueue_dma source(%arg7 : memref<128x128xf32, #tpu.memory_space<vmem>>) target(%dma_start3A_81 : memref<128x128xf32, #tpu.memory_space<vmem_shared>>) target_semaphore(%run_scoped3A : memref<!tpu.dma_semaphore, #tpu.memory_space<semaphore_mem>>)
      %dma_wait3A = arith.constant 0 : i32
      %dma_wait3A_82 = tpu.memref_slice %arg6[%add3A_20, %dma_wait3A] : memref<10240x128xf32, #tpu.memory_space<vmem_shared>> -> memref<128x128xf32, #tpu.memory_space<vmem_shared>>
      %dma_wait3A_83 = arith.constant 0 : i32
      %dma_wait3A_84 = tpu.memref_slice %arg6[%add3A_20, %dma_wait3A_83] : memref<10240x128xf32, #tpu.memory_space<vmem_shared>> -> memref<128x128xf32, #tpu.memory_space<vmem_shared>>
      tpu.wait_dma2 semaphore(%run_scoped3A : memref<!tpu.dma_semaphore, #tpu.memory_space<semaphore_mem>>) src(%arg7 : memref<128x128xf32, #tpu.memory_space<vmem>>) dst(%dma_wait3A_84 : memref<128x128xf32, #tpu.memory_space<vmem_shared>>)
      tpu.yield
    }) : () -> ()
    %add3A_21 = arith.constant 256 : i32
    %add3A_22 = arith.addi %mul3A_16, %add3A_21 : i32
    "tpu.region"() ({
      %run_scoped3A = tpu.sem_alloc : memref<!tpu.dma_semaphore, #tpu.memory_space<semaphore_mem>>
      %dma_start3A = arith.constant 0 : i32
      %dma_start3A_79 = tpu.memref_slice %arg6[%add3A_22, %dma_start3A] : memref<10240x128xf32, #tpu.memory_space<vmem_shared>> -> memref<128x128xf32, #tpu.memory_space<vmem_shared>>
      %dma_start3A_80 = arith.constant 0 : i32
      %dma_start3A_81 = tpu.memref_slice %arg6[%add3A_22, %dma_start3A_80] : memref<10240x128xf32, #tpu.memory_space<vmem_shared>> -> memref<128x128xf32, #tpu.memory_space<vmem_shared>>
      tpu.enqueue_dma source(%arg7 : memref<128x128xf32, #tpu.memory_space<vmem>>) target(%dma_start3A_81 : memref<128x128xf32, #tpu.memory_space<vmem_shared>>) target_semaphore(%run_scoped3A : memref<!tpu.dma_semaphore, #tpu.memory_space<semaphore_mem>>)
      %dma_wait3A = arith.constant 0 : i32
      %dma_wait3A_82 = tpu.memref_slice %arg6[%add3A_22, %dma_wait3A] : memref<10240x128xf32, #tpu.memory_space<vmem_shared>> -> memref<128x128xf32, #tpu.memory_space<vmem_shared>>
      %dma_wait3A_83 = arith.constant 0 : i32
      %dma_wait3A_84 = tpu.memref_slice %arg6[%add3A_22, %dma_wait3A_83] : memref<10240x128xf32, #tpu.memory_space<vmem_shared>> -> memref<128x128xf32, #tpu.memory_space<vmem_shared>>
      tpu.wait_dma2 semaphore(%run_scoped3A : memref<!tpu.dma_semaphore, #tpu.memory_space<semaphore_mem>>) src(%arg7 : memref<128x128xf32, #tpu.memory_space<vmem>>) dst(%dma_wait3A_84 : memref<128x128xf32, #tpu.memory_space<vmem_shared>>)
      tpu.yield
    }) : () -> ()
    %add3A_23 = arith.constant 384 : i32
    %add3A_24 = arith.addi %mul3A_16, %add3A_23 : i32
    "tpu.region"() ({
      %run_scoped3A = tpu.sem_alloc : memref<!tpu.dma_semaphore, #tpu.memory_space<semaphore_mem>>
      %dma_start3A = arith.constant 0 : i32
      %dma_start3A_79 = tpu.memref_slice %arg6[%add3A_24, %dma_start3A] : memref<10240x128xf32, #tpu.memory_space<vmem_shared>> -> memref<128x128xf32, #tpu.memory_space<vmem_shared>>
      %dma_start3A_80 = arith.constant 0 : i32
      %dma_start3A_81 = tpu.memref_slice %arg6[%add3A_24, %dma_start3A_80] : memref<10240x128xf32, #tpu.memory_space<vmem_shared>> -> memref<128x128xf32, #tpu.memory_space<vmem_shared>>
      tpu.enqueue_dma source(%arg7 : memref<128x128xf32, #tpu.memory_space<vmem>>) target(%dma_start3A_81 : memref<128x128xf32, #tpu.memory_space<vmem_shared>>) target_semaphore(%run_scoped3A : memref<!tpu.dma_semaphore, #tpu.memory_space<semaphore_mem>>)
      %dma_wait3A = arith.constant 0 : i32
      %dma_wait3A_82 = tpu.memref_slice %arg6[%add3A_24, %dma_wait3A] : memref<10240x128xf32, #tpu.memory_space<vmem_shared>> -> memref<128x128xf32, #tpu.memory_space<vmem_shared>>
      %dma_wait3A_83 = arith.constant 0 : i32
      %dma_wait3A_84 = tpu.memref_slice %arg6[%add3A_24, %dma_wait3A_83] : memref<10240x128xf32, #tpu.memory_space<vmem_shared>> -> memref<128x128xf32, #tpu.memory_space<vmem_shared>>
      tpu.wait_dma2 semaphore(%run_scoped3A : memref<!tpu.dma_semaphore, #tpu.memory_space<semaphore_mem>>) src(%arg7 : memref<128x128xf32, #tpu.memory_space<vmem>>) dst(%dma_wait3A_84 : memref<128x128xf32, #tpu.memory_space<vmem_shared>>)
      tpu.yield
    }) : () -> ()
    %add3A_25 = arith.constant 512 : i32
    %add3A_26 = arith.addi %mul3A_16, %add3A_25 : i32
    "tpu.region"() ({
      %run_scoped3A = tpu.sem_alloc : memref<!tpu.dma_semaphore, #tpu.memory_space<semaphore_mem>>
      %dma_start3A = arith.constant 0 : i32
      %dma_start3A_79 = tpu.memref_slice %arg6[%add3A_26, %dma_start3A] : memref<10240x128xf32, #tpu.memory_space<vmem_shared>> -> memref<128x128xf32, #tpu.memory_space<vmem_shared>>
      %dma_start3A_80 = arith.constant 0 : i32
      %dma_start3A_81 = tpu.memref_slice %arg6[%add3A_26, %dma_start3A_80] : memref<10240x128xf32, #tpu.memory_space<vmem_shared>> -> memref<128x128xf32, #tpu.memory_space<vmem_shared>>
      tpu.enqueue_dma source(%arg7 : memref<128x128xf32, #tpu.memory_space<vmem>>) target(%dma_start3A_81 : memref<128x128xf32, #tpu.memory_space<vmem_shared>>) target_semaphore(%run_scoped3A : memref<!tpu.dma_semaphore, #tpu.memory_space<semaphore_mem>>)
      %dma_wait3A = arith.constant 0 : i32
      %dma_wait3A_82 = tpu.memref_slice %arg6[%add3A_26, %dma_wait3A] : memref<10240x128xf32, #tpu.memory_space<vmem_shared>> -> memref<128x128xf32, #tpu.memory_space<vmem_shared>>
      %dma_wait3A_83 = arith.constant 0 : i32
      %dma_wait3A_84 = tpu.memref_slice %arg6[%add3A_26, %dma_wait3A_83] : memref<10240x128xf32, #tpu.memory_space<vmem_shared>> -> memref<128x128xf32, #tpu.memory_space<vmem_shared>>
      tpu.wait_dma2 semaphore(%run_scoped3A : memref<!tpu.dma_semaphore, #tpu.memory_space<semaphore_mem>>) src(%arg7 : memref<128x128xf32, #tpu.memory_space<vmem>>) dst(%dma_wait3A_84 : memref<128x128xf32, #tpu.memory_space<vmem_shared>>)
      tpu.yield
    }) : () -> ()
    %barrier3A = arith.constant 0 : index
    tpu.barrier barrier_id(%barrier3A)
    %jit3A_27 = arith.constant 8 : i32
    %div3A = arith.divsi %select_n3A, %jit3A_27 : i32
    %sign3A = arith.constant 0 : i32
    %sign3A_28 = arith.cmpi sgt, %select_n3A, %sign3A : i32
    %sign3A_29 = arith.extui %sign3A_28 : i1 to i32
    %sign3A_30 = arith.constant 0 : i32
    %sign3A_31 = arith.cmpi slt, %select_n3A, %sign3A_30 : i32
    %sign3A_32 = arith.extui %sign3A_31 : i1 to i32
    %sign3A_33 = arith.subi %sign3A_29, %sign3A_32 : i32
    %sign3A_34 = arith.constant 0 : i32
    %sign3A_35 = arith.cmpi sgt, %jit3A_27, %sign3A_34 : i32
    %sign3A_36 = arith.extui %sign3A_35 : i1 to i32
    %sign3A_37 = arith.constant 0 : i32
    %sign3A_38 = arith.cmpi slt, %jit3A_27, %sign3A_37 : i32
    %sign3A_39 = arith.extui %sign3A_38 : i1 to i32
    %sign3A_40 = arith.subi %sign3A_36, %sign3A_39 : i32
    %ne3A = arith.cmpi ne, %sign3A_33, %sign3A_40 : i32
    %rem3A = arith.remsi %select_n3A, %jit3A_27 : i32
    %ne3A_41 = arith.constant 0 : i32
    %ne3A_42 = arith.cmpi ne, %rem3A, %ne3A_41 : i32
    %and3A = arith.andi %ne3A, %ne3A_42 : i1
    %sub3A = arith.constant 1 : i32
    %sub3A_43 = arith.subi %div3A, %sub3A : i32
    %select_n3A_44 = arith.select %and3A, %sub3A_43, %div3A : i32
    %while3A = arith.constant 0 : i32
    %while3A_45 = arith.constant 0 : i32
    %while3A_46 = arith.subi %select_n3A_44, %while3A : i32
    %while3A_47 = arith.addi %while3A, %while3A_46 : i32
    %while3A_48 = arith.constant 1 : i32
    %while3A_49 = arith.divsi %while3A_46, %while3A_48 : i32
    %while3A_50 = arith.muli %while3A_49, %while3A_48 : i32
    %while3A_51 = arith.addi %while3A, %while3A_50 : i32
    %while3A_52 = arith.constant 1 : i32
    %while3A_53 = scf.for %while3A_79 = %while3A to %while3A_51 step %while3A_52 iter_args(%while3A_80 = %while3A_45) -> (i32)  : i32 {
      %gt3A_81 = arith.constant 0 : i32
      %gt3A_82 = arith.cmpi sgt, %while3A_79, %gt3A_81 : i32
      %convert_element_type3A_83 = arith.extui %gt3A_82 : i1 to i32
      %cond3A_84 = arith.constant 0 : i32
      %cond3A_85 = arith.cmpi ne, %convert_element_type3A_83, %cond3A_84 : i32
      scf.if %cond3A_85 {
        %dma_wait3A_298 = arith.constant 0 : i32
        %dma_wait3A_299 = arith.constant 0 : i32
        %dma_wait3A_300 = tpu.memref_slice %arg9[%dma_wait3A_298, %dma_wait3A_299] : memref<8x128xi32, #tpu.memory_space<vmem>> -> memref<1x128xi32, #tpu.memory_space<vmem>>
        %dma_wait3A_301 = tpu.memref_squeeze %dma_wait3A_300 : memref<1x128xi32, #tpu.memory_space<vmem>> -> memref<128xi32, #tpu.memory_space<vmem>>
        %dma_wait3A_302 = arith.constant 0 : i32
        %dma_wait3A_303 = arith.constant 0 : i32
        %dma_wait3A_304 = tpu.memref_slice %arg2[%dma_wait3A_302, %dma_wait3A_303] : memref<10240x128xf32, #tpu.memory_space<hbm>> -> memref<10240x128xf32, #tpu.memory_space<hbm>>
        tpu.wait_indirect_dma semaphore(%arg13 : memref<!tpu.dma_semaphore, #tpu.memory_space<semaphore_mem>>) src(%dma_wait3A_304 : memref<10240x128xf32, #tpu.memory_space<hbm>>) dst(%arg7 : memref<128x128xf32, #tpu.memory_space<vmem>>)
        %dma_wait3A_305 = arith.constant 0 : i32
        %dma_wait3A_306 = arith.constant 0 : i32
        %dma_wait3A_307 = tpu.memref_slice %arg9[%dma_wait3A_305, %dma_wait3A_306] : memref<8x128xi32, #tpu.memory_space<vmem>> -> memref<1x128xi32, #tpu.memory_space<vmem>>
        %dma_wait3A_308 = tpu.memref_squeeze %dma_wait3A_307 : memref<1x128xi32, #tpu.memory_space<vmem>> -> memref<128xi32, #tpu.memory_space<vmem>>
        %dma_wait3A_309 = arith.constant 0 : i32
        %dma_wait3A_310 = arith.constant 0 : i32
        %dma_wait3A_311 = tpu.memref_slice %arg2[%dma_wait3A_309, %dma_wait3A_310] : memref<10240x128xf32, #tpu.memory_space<hbm>> -> memref<10240x128xf32, #tpu.memory_space<hbm>>
        tpu.wait_indirect_dma semaphore(%arg14 : memref<!tpu.dma_semaphore, #tpu.memory_space<semaphore_mem>>) src(%dma_wait3A_311 : memref<10240x128xf32, #tpu.memory_space<hbm>>) dst(%arg8 : memref<128x128xf32, #tpu.memory_space<vmem>>)
      } else {
      }
      %mul3A_86 = arith.constant 8 : i32
      %mul3A_87 = arith.muli %while3A_79, %mul3A_86 : i32
      %add3A_88 = arith.addi %select_n3A_8, %mul3A_87 : i32
      "tpu.region"() ({
        %run_scoped3A = tpu.sem_alloc : memref<!tpu.dma_semaphore, #tpu.memory_space<semaphore_mem>>
        %dma_start3A_298 = arith.constant 0 : i32
        %dma_start3A_299 = tpu.memref_slice %arg3[%add3A_88, %dma_start3A_298] : memref<2560x128xi32, #tpu.memory_space<hbm>> -> memref<8x128xi32, #tpu.memory_space<hbm>>
        %dma_start3A_300 = arith.constant 0 : i32
        %dma_start3A_301 = tpu.memref_slice %arg3[%add3A_88, %dma_start3A_300] : memref<2560x128xi32, #tpu.memory_space<hbm>> -> memref<8x128xi32, #tpu.memory_space<hbm>>
        tpu.enqueue_dma source(%dma_start3A_301 : memref<8x128xi32, #tpu.memory_space<hbm>>) target(%arg9 : memref<8x128xi32, #tpu.memory_space<vmem>>) target_semaphore(%run_scoped3A : memref<!tpu.dma_semaphore, #tpu.memory_space<semaphore_mem>>)
        %dma_wait3A_302 = arith.constant 0 : i32
        %dma_wait3A_303 = tpu.memref_slice %arg3[%add3A_88, %dma_wait3A_302] : memref<2560x128xi32, #tpu.memory_space<hbm>> -> memref<8x128xi32, #tpu.memory_space<hbm>>
        %dma_wait3A_304 = arith.constant 0 : i32
        %dma_wait3A_305 = tpu.memref_slice %arg3[%add3A_88, %dma_wait3A_304] : memref<2560x128xi32, #tpu.memory_space<hbm>> -> memref<8x128xi32, #tpu.memory_space<hbm>>
        tpu.wait_dma2 semaphore(%run_scoped3A : memref<!tpu.dma_semaphore, #tpu.memory_space<semaphore_mem>>) src(%dma_wait3A_305 : memref<8x128xi32, #tpu.memory_space<hbm>>) dst(%arg9 : memref<8x128xi32, #tpu.memory_space<vmem>>)
        tpu.yield
      }) : () -> ()
      "tpu.region"() ({
        %run_scoped3A = tpu.sem_alloc : memref<!tpu.dma_semaphore, #tpu.memory_space<semaphore_mem>>
        %dma_start3A_298 = arith.constant 0 : i32
        %dma_start3A_299 = tpu.memref_slice %arg4[%add3A_88, %dma_start3A_298] : memref<2560x128xi32, #tpu.memory_space<hbm>> -> memref<8x128xi32, #tpu.memory_space<hbm>>
        %dma_start3A_300 = arith.constant 0 : i32
        %dma_start3A_301 = tpu.memref_slice %arg4[%add3A_88, %dma_start3A_300] : memref<2560x128xi32, #tpu.memory_space<hbm>> -> memref<8x128xi32, #tpu.memory_space<hbm>>
        tpu.enqueue_dma source(%dma_start3A_301 : memref<8x128xi32, #tpu.memory_space<hbm>>) target(%arg10 : memref<8x128xi32, #tpu.memory_space<vmem>>) target_semaphore(%run_scoped3A : memref<!tpu.dma_semaphore, #tpu.memory_space<semaphore_mem>>)
        %dma_wait3A_302 = arith.constant 0 : i32
        %dma_wait3A_303 = tpu.memref_slice %arg4[%add3A_88, %dma_wait3A_302] : memref<2560x128xi32, #tpu.memory_space<hbm>> -> memref<8x128xi32, #tpu.memory_space<hbm>>
        %dma_wait3A_304 = arith.constant 0 : i32
        %dma_wait3A_305 = tpu.memref_slice %arg4[%add3A_88, %dma_wait3A_304] : memref<2560x128xi32, #tpu.memory_space<hbm>> -> memref<8x128xi32, #tpu.memory_space<hbm>>
        tpu.wait_dma2 semaphore(%run_scoped3A : memref<!tpu.dma_semaphore, #tpu.memory_space<semaphore_mem>>) src(%dma_wait3A_305 : memref<8x128xi32, #tpu.memory_space<hbm>>) dst(%arg10 : memref<8x128xi32, #tpu.memory_space<vmem>>)
        tpu.yield
      }) : () -> ()
      %dma_start3A = arith.constant 0 : i32
      %dma_start3A_89 = arith.constant 0 : i32
      %dma_start3A_90 = tpu.memref_slice %arg9[%dma_start3A, %dma_start3A_89] : memref<8x128xi32, #tpu.memory_space<vmem>> -> memref<1x128xi32, #tpu.memory_space<vmem>>
      %dma_start3A_91 = tpu.memref_squeeze %dma_start3A_90 : memref<1x128xi32, #tpu.memory_space<vmem>> -> memref<128xi32, #tpu.memory_space<vmem>>
      %dma_start3A_92 = arith.constant 0 : i32
      %dma_start3A_93 = arith.constant 0 : i32
      %dma_start3A_94 = tpu.memref_slice %arg2[%dma_start3A_92, %dma_start3A_93] : memref<10240x128xf32, #tpu.memory_space<hbm>> -> memref<10240x128xf32, #tpu.memory_space<hbm>>
      tpu.enqueue_indirect_dma source(%dma_start3A_94 : memref<10240x128xf32, #tpu.memory_space<hbm>>) target(%arg7 : memref<128x128xf32, #tpu.memory_space<vmem>>) offsets(%dma_start3A_91 : memref<128xi32, #tpu.memory_space<vmem>>) semaphore(%arg11 : memref<!tpu.dma_semaphore, #tpu.memory_space<semaphore_mem>>)
      %dma_start3A_95 = arith.constant 1 : i32
      %dma_start3A_96 = arith.constant 0 : i32
      %dma_start3A_97 = tpu.memref_slice %arg9[%dma_start3A_95, %dma_start3A_96] : memref<8x128xi32, #tpu.memory_space<vmem>> -> memref<1x128xi32, #tpu.memory_space<vmem>>
      %dma_start3A_98 = tpu.memref_squeeze %dma_start3A_97 : memref<1x128xi32, #tpu.memory_space<vmem>> -> memref<128xi32, #tpu.memory_space<vmem>>
      %dma_start3A_99 = arith.constant 0 : i32
      %dma_start3A_100 = arith.constant 0 : i32
      %dma_start3A_101 = tpu.memref_slice %arg2[%dma_start3A_99, %dma_start3A_100] : memref<10240x128xf32, #tpu.memory_space<hbm>> -> memref<10240x128xf32, #tpu.memory_space<hbm>>
      tpu.enqueue_indirect_dma source(%dma_start3A_101 : memref<10240x128xf32, #tpu.memory_space<hbm>>) target(%arg8 : memref<128x128xf32, #tpu.memory_space<vmem>>) offsets(%dma_start3A_98 : memref<128xi32, #tpu.memory_space<vmem>>) semaphore(%arg12 : memref<!tpu.dma_semaphore, #tpu.memory_space<semaphore_mem>>)
      %dma_wait3A = arith.constant 0 : i32
      %dma_wait3A_102 = arith.constant 0 : i32
      %dma_wait3A_103 = tpu.memref_slice %arg9[%dma_wait3A, %dma_wait3A_102] : memref<8x128xi32, #tpu.memory_space<vmem>> -> memref<1x128xi32, #tpu.memory_space<vmem>>
      %dma_wait3A_104 = tpu.memref_squeeze %dma_wait3A_103 : memref<1x128xi32, #tpu.memory_space<vmem>> -> memref<128xi32, #tpu.memory_space<vmem>>
      %dma_wait3A_105 = arith.constant 0 : i32
      %dma_wait3A_106 = arith.constant 0 : i32
      %dma_wait3A_107 = tpu.memref_slice %arg2[%dma_wait3A_105, %dma_wait3A_106] : memref<10240x128xf32, #tpu.memory_space<hbm>> -> memref<10240x128xf32, #tpu.memory_space<hbm>>
      tpu.wait_indirect_dma semaphore(%arg11 : memref<!tpu.dma_semaphore, #tpu.memory_space<semaphore_mem>>) src(%dma_wait3A_107 : memref<10240x128xf32, #tpu.memory_space<hbm>>) dst(%arg7 : memref<128x128xf32, #tpu.memory_space<vmem>>)
      %dma_start3A_108 = arith.constant 0 : i32
      %dma_start3A_109 = arith.constant 0 : i32
      %dma_start3A_110 = tpu.memref_slice %arg10[%dma_start3A_108, %dma_start3A_109] : memref<8x128xi32, #tpu.memory_space<vmem>> -> memref<1x128xi32, #tpu.memory_space<vmem>>
      %dma_start3A_111 = tpu.memref_squeeze %dma_start3A_110 : memref<1x128xi32, #tpu.memory_space<vmem>> -> memref<128xi32, #tpu.memory_space<vmem>>
      %dma_start3A_112 = arith.constant 0 : i32
      %dma_start3A_113 = arith.constant 0 : i32
      %dma_start3A_114 = tpu.memref_slice %arg6[%dma_start3A_112, %dma_start3A_113] : memref<10240x128xf32, #tpu.memory_space<vmem_shared>> -> memref<10240x128xf32, #tpu.memory_space<vmem_shared>>
      tpu.enqueue_indirect_dma source(%arg7 : memref<128x128xf32, #tpu.memory_space<vmem>>) target(%dma_start3A_114 : memref<10240x128xf32, #tpu.memory_space<vmem_shared>>) offsets(%dma_start3A_111 : memref<128xi32, #tpu.memory_space<vmem>>) semaphore(%arg13 : memref<!tpu.dma_semaphore, #tpu.memory_space<semaphore_mem>>) {add = true}
      %dma_wait3A_115 = arith.constant 1 : i32
      %dma_wait3A_116 = arith.constant 0 : i32
      %dma_wait3A_117 = tpu.memref_slice %arg9[%dma_wait3A_115, %dma_wait3A_116] : memref<8x128xi32, #tpu.memory_space<vmem>> -> memref<1x128xi32, #tpu.memory_space<vmem>>
      %dma_wait3A_118 = tpu.memref_squeeze %dma_wait3A_117 : memref<1x128xi32, #tpu.memory_space<vmem>> -> memref<128xi32, #tpu.memory_space<vmem>>
      %dma_wait3A_119 = arith.constant 0 : i32
      %dma_wait3A_120 = arith.constant 0 : i32
      %dma_wait3A_121 = tpu.memref_slice %arg2[%dma_wait3A_119, %dma_wait3A_120] : memref<10240x128xf32, #tpu.memory_space<hbm>> -> memref<10240x128xf32, #tpu.memory_space<hbm>>
      tpu.wait_indirect_dma semaphore(%arg12 : memref<!tpu.dma_semaphore, #tpu.memory_space<semaphore_mem>>) src(%dma_wait3A_121 : memref<10240x128xf32, #tpu.memory_space<hbm>>) dst(%arg8 : memref<128x128xf32, #tpu.memory_space<vmem>>)
      %dma_start3A_122 = arith.constant 1 : i32
      %dma_start3A_123 = arith.constant 0 : i32
      %dma_start3A_124 = tpu.memref_slice %arg10[%dma_start3A_122, %dma_start3A_123] : memref<8x128xi32, #tpu.memory_space<vmem>> -> memref<1x128xi32, #tpu.memory_space<vmem>>
      %dma_start3A_125 = tpu.memref_squeeze %dma_start3A_124 : memref<1x128xi32, #tpu.memory_space<vmem>> -> memref<128xi32, #tpu.memory_space<vmem>>
      %dma_start3A_126 = arith.constant 0 : i32
      %dma_start3A_127 = arith.constant 0 : i32
      %dma_start3A_128 = tpu.memref_slice %arg6[%dma_start3A_126, %dma_start3A_127] : memref<10240x128xf32, #tpu.memory_space<vmem_shared>> -> memref<10240x128xf32, #tpu.memory_space<vmem_shared>>
      tpu.enqueue_indirect_dma source(%arg8 : memref<128x128xf32, #tpu.memory_space<vmem>>) target(%dma_start3A_128 : memref<10240x128xf32, #tpu.memory_space<vmem_shared>>) offsets(%dma_start3A_125 : memref<128xi32, #tpu.memory_space<vmem>>) semaphore(%arg14 : memref<!tpu.dma_semaphore, #tpu.memory_space<semaphore_mem>>) {add = true}
      %dma_wait3A_129 = arith.constant 2 : i32
      %dma_wait3A_130 = arith.constant 0 : i32
      %dma_wait3A_131 = tpu.memref_slice %arg9[%dma_wait3A_129, %dma_wait3A_130] : memref<8x128xi32, #tpu.memory_space<vmem>> -> memref<1x128xi32, #tpu.memory_space<vmem>>
      %dma_wait3A_132 = tpu.memref_squeeze %dma_wait3A_131 : memref<1x128xi32, #tpu.memory_space<vmem>> -> memref<128xi32, #tpu.memory_space<vmem>>
      %dma_wait3A_133 = arith.constant 0 : i32
      %dma_wait3A_134 = arith.constant 0 : i32
      %dma_wait3A_135 = tpu.memref_slice %arg2[%dma_wait3A_133, %dma_wait3A_134] : memref<10240x128xf32, #tpu.memory_space<hbm>> -> memref<10240x128xf32, #tpu.memory_space<hbm>>
      tpu.wait_indirect_dma semaphore(%arg13 : memref<!tpu.dma_semaphore, #tpu.memory_space<semaphore_mem>>) src(%dma_wait3A_135 : memref<10240x128xf32, #tpu.memory_space<hbm>>) dst(%arg7 : memref<128x128xf32, #tpu.memory_space<vmem>>)
      %dma_wait3A_136 = arith.constant 3 : i32
      %dma_wait3A_137 = arith.constant 0 : i32
      %dma_wait3A_138 = tpu.memref_slice %arg9[%dma_wait3A_136, %dma_wait3A_137] : memref<8x128xi32, #tpu.memory_space<vmem>> -> memref<1x128xi32, #tpu.memory_space<vmem>>
      %dma_wait3A_139 = tpu.memref_squeeze %dma_wait3A_138 : memref<1x128xi32, #tpu.memory_space<vmem>> -> memref<128xi32, #tpu.memory_space<vmem>>
      %dma_wait3A_140 = arith.constant 0 : i32
      %dma_wait3A_141 = arith.constant 0 : i32
      %dma_wait3A_142 = tpu.memref_slice %arg2[%dma_wait3A_140, %dma_wait3A_141] : memref<10240x128xf32, #tpu.memory_space<hbm>> -> memref<10240x128xf32, #tpu.memory_space<hbm>>
      tpu.wait_indirect_dma semaphore(%arg14 : memref<!tpu.dma_semaphore, #tpu.memory_space<semaphore_mem>>) src(%dma_wait3A_142 : memref<10240x128xf32, #tpu.memory_space<hbm>>) dst(%arg8 : memref<128x128xf32, #tpu.memory_space<vmem>>)
      %dma_start3A_143 = arith.constant 2 : i32
      %dma_start3A_144 = arith.constant 0 : i32
      %dma_start3A_145 = tpu.memref_slice %arg9[%dma_start3A_143, %dma_start3A_144] : memref<8x128xi32, #tpu.memory_space<vmem>> -> memref<1x128xi32, #tpu.memory_space<vmem>>
      %dma_start3A_146 = tpu.memref_squeeze %dma_start3A_145 : memref<1x128xi32, #tpu.memory_space<vmem>> -> memref<128xi32, #tpu.memory_space<vmem>>
      %dma_start3A_147 = arith.constant 0 : i32
      %dma_start3A_148 = arith.constant 0 : i32
      %dma_start3A_149 = tpu.memref_slice %arg2[%dma_start3A_147, %dma_start3A_148] : memref<10240x128xf32, #tpu.memory_space<hbm>> -> memref<10240x128xf32, #tpu.memory_space<hbm>>
      tpu.enqueue_indirect_dma source(%dma_start3A_149 : memref<10240x128xf32, #tpu.memory_space<hbm>>) target(%arg7 : memref<128x128xf32, #tpu.memory_space<vmem>>) offsets(%dma_start3A_146 : memref<128xi32, #tpu.memory_space<vmem>>) semaphore(%arg11 : memref<!tpu.dma_semaphore, #tpu.memory_space<semaphore_mem>>)
      %dma_start3A_150 = arith.constant 3 : i32
      %dma_start3A_151 = arith.constant 0 : i32
      %dma_start3A_152 = tpu.memref_slice %arg9[%dma_start3A_150, %dma_start3A_151] : memref<8x128xi32, #tpu.memory_space<vmem>> -> memref<1x128xi32, #tpu.memory_space<vmem>>
      %dma_start3A_153 = tpu.memref_squeeze %dma_start3A_152 : memref<1x128xi32, #tpu.memory_space<vmem>> -> memref<128xi32, #tpu.memory_space<vmem>>
      %dma_start3A_154 = arith.constant 0 : i32
      %dma_start3A_155 = arith.constant 0 : i32
      %dma_start3A_156 = tpu.memref_slice %arg2[%dma_start3A_154, %dma_start3A_155] : memref<10240x128xf32, #tpu.memory_space<hbm>> -> memref<10240x128xf32, #tpu.memory_space<hbm>>
      tpu.enqueue_indirect_dma source(%dma_start3A_156 : memref<10240x128xf32, #tpu.memory_space<hbm>>) target(%arg8 : memref<128x128xf32, #tpu.memory_space<vmem>>) offsets(%dma_start3A_153 : memref<128xi32, #tpu.memory_space<vmem>>) semaphore(%arg12 : memref<!tpu.dma_semaphore, #tpu.memory_space<semaphore_mem>>)
      %dma_wait3A_157 = arith.constant 2 : i32
      %dma_wait3A_158 = arith.constant 0 : i32
      %dma_wait3A_159 = tpu.memref_slice %arg9[%dma_wait3A_157, %dma_wait3A_158] : memref<8x128xi32, #tpu.memory_space<vmem>> -> memref<1x128xi32, #tpu.memory_space<vmem>>
      %dma_wait3A_160 = tpu.memref_squeeze %dma_wait3A_159 : memref<1x128xi32, #tpu.memory_space<vmem>> -> memref<128xi32, #tpu.memory_space<vmem>>
      %dma_wait3A_161 = arith.constant 0 : i32
      %dma_wait3A_162 = arith.constant 0 : i32
      %dma_wait3A_163 = tpu.memref_slice %arg2[%dma_wait3A_161, %dma_wait3A_162] : memref<10240x128xf32, #tpu.memory_space<hbm>> -> memref<10240x128xf32, #tpu.memory_space<hbm>>
      tpu.wait_indirect_dma semaphore(%arg11 : memref<!tpu.dma_semaphore, #tpu.memory_space<semaphore_mem>>) src(%dma_wait3A_163 : memref<10240x128xf32, #tpu.memory_space<hbm>>) dst(%arg7 : memref<128x128xf32, #tpu.memory_space<vmem>>)
      %dma_start3A_164 = arith.constant 2 : i32
      %dma_start3A_165 = arith.constant 0 : i32
      %dma_start3A_166 = tpu.memref_slice %arg10[%dma_start3A_164, %dma_start3A_165] : memref<8x128xi32, #tpu.memory_space<vmem>> -> memref<1x128xi32, #tpu.memory_space<vmem>>
      %dma_start3A_167 = tpu.memref_squeeze %dma_start3A_166 : memref<1x128xi32, #tpu.memory_space<vmem>> -> memref<128xi32, #tpu.memory_space<vmem>>
      %dma_start3A_168 = arith.constant 0 : i32
      %dma_start3A_169 = arith.constant 0 : i32
      %dma_start3A_170 = tpu.memref_slice %arg6[%dma_start3A_168, %dma_start3A_169] : memref<10240x128xf32, #tpu.memory_space<vmem_shared>> -> memref<10240x128xf32, #tpu.memory_space<vmem_shared>>
      tpu.enqueue_indirect_dma source(%arg7 : memref<128x128xf32, #tpu.memory_space<vmem>>) target(%dma_start3A_170 : memref<10240x128xf32, #tpu.memory_space<vmem_shared>>) offsets(%dma_start3A_167 : memref<128xi32, #tpu.memory_space<vmem>>) semaphore(%arg13 : memref<!tpu.dma_semaphore, #tpu.memory_space<semaphore_mem>>) {add = true}
      %dma_wait3A_171 = arith.constant 3 : i32
      %dma_wait3A_172 = arith.constant 0 : i32
      %dma_wait3A_173 = tpu.memref_slice %arg9[%dma_wait3A_171, %dma_wait3A_172] : memref<8x128xi32, #tpu.memory_space<vmem>> -> memref<1x128xi32, #tpu.memory_space<vmem>>
      %dma_wait3A_174 = tpu.memref_squeeze %dma_wait3A_173 : memref<1x128xi32, #tpu.memory_space<vmem>> -> memref<128xi32, #tpu.memory_space<vmem>>
      %dma_wait3A_175 = arith.constant 0 : i32
      %dma_wait3A_176 = arith.constant 0 : i32
      %dma_wait3A_177 = tpu.memref_slice %arg2[%dma_wait3A_175, %dma_wait3A_176] : memref<10240x128xf32, #tpu.memory_space<hbm>> -> memref<10240x128xf32, #tpu.memory_space<hbm>>
      tpu.wait_indirect_dma semaphore(%arg12 : memref<!tpu.dma_semaphore, #tpu.memory_space<semaphore_mem>>) src(%dma_wait3A_177 : memref<10240x128xf32, #tpu.memory_space<hbm>>) dst(%arg8 : memref<128x128xf32, #tpu.memory_space<vmem>>)
      %dma_start3A_178 = arith.constant 3 : i32
      %dma_start3A_179 = arith.constant 0 : i32
      %dma_start3A_180 = tpu.memref_slice %arg10[%dma_start3A_178, %dma_start3A_179] : memref<8x128xi32, #tpu.memory_space<vmem>> -> memref<1x128xi32, #tpu.memory_space<vmem>>
      %dma_start3A_181 = tpu.memref_squeeze %dma_start3A_180 : memref<1x128xi32, #tpu.memory_space<vmem>> -> memref<128xi32, #tpu.memory_space<vmem>>
      %dma_start3A_182 = arith.constant 0 : i32
      %dma_start3A_183 = arith.constant 0 : i32
      %dma_start3A_184 = tpu.memref_slice %arg6[%dma_start3A_182, %dma_start3A_183] : memref<10240x128xf32, #tpu.memory_space<vmem_shared>> -> memref<10240x128xf32, #tpu.memory_space<vmem_shared>>
      tpu.enqueue_indirect_dma source(%arg8 : memref<128x128xf32, #tpu.memory_space<vmem>>) target(%dma_start3A_184 : memref<10240x128xf32, #tpu.memory_space<vmem_shared>>) offsets(%dma_start3A_181 : memref<128xi32, #tpu.memory_space<vmem>>) semaphore(%arg14 : memref<!tpu.dma_semaphore, #tpu.memory_space<semaphore_mem>>) {add = true}
      %dma_wait3A_185 = arith.constant 4 : i32
      %dma_wait3A_186 = arith.constant 0 : i32
      %dma_wait3A_187 = tpu.memref_slice %arg9[%dma_wait3A_185, %dma_wait3A_186] : memref<8x128xi32, #tpu.memory_space<vmem>> -> memref<1x128xi32, #tpu.memory_space<vmem>>
      %dma_wait3A_188 = tpu.memref_squeeze %dma_wait3A_187 : memref<1x128xi32, #tpu.memory_space<vmem>> -> memref<128xi32, #tpu.memory_space<vmem>>
      %dma_wait3A_189 = arith.constant 0 : i32
      %dma_wait3A_190 = arith.constant 0 : i32
      %dma_wait3A_191 = tpu.memref_slice %arg2[%dma_wait3A_189, %dma_wait3A_190] : memref<10240x128xf32, #tpu.memory_space<hbm>> -> memref<10240x128xf32, #tpu.memory_space<hbm>>
      tpu.wait_indirect_dma semaphore(%arg13 : memref<!tpu.dma_semaphore, #tpu.memory_space<semaphore_mem>>) src(%dma_wait3A_191 : memref<10240x128xf32, #tpu.memory_space<hbm>>) dst(%arg7 : memref<128x128xf32, #tpu.memory_space<vmem>>)
      %dma_wait3A_192 = arith.constant 5 : i32
      %dma_wait3A_193 = arith.constant 0 : i32
      %dma_wait3A_194 = tpu.memref_slice %arg9[%dma_wait3A_192, %dma_wait3A_193] : memref<8x128xi32, #tpu.memory_space<vmem>> -> memref<1x128xi32, #tpu.memory_space<vmem>>
      %dma_wait3A_195 = tpu.memref_squeeze %dma_wait3A_194 : memref<1x128xi32, #tpu.memory_space<vmem>> -> memref<128xi32, #tpu.memory_space<vmem>>
      %dma_wait3A_196 = arith.constant 0 : i32
      %dma_wait3A_197 = arith.constant 0 : i32
      %dma_wait3A_198 = tpu.memref_slice %arg2[%dma_wait3A_196, %dma_wait3A_197] : memref<10240x128xf32, #tpu.memory_space<hbm>> -> memref<10240x128xf32, #tpu.memory_space<hbm>>
      tpu.wait_indirect_dma semaphore(%arg14 : memref<!tpu.dma_semaphore, #tpu.memory_space<semaphore_mem>>) src(%dma_wait3A_198 : memref<10240x128xf32, #tpu.memory_space<hbm>>) dst(%arg8 : memref<128x128xf32, #tpu.memory_space<vmem>>)
      %dma_start3A_199 = arith.constant 4 : i32
      %dma_start3A_200 = arith.constant 0 : i32
      %dma_start3A_201 = tpu.memref_slice %arg9[%dma_start3A_199, %dma_start3A_200] : memref<8x128xi32, #tpu.memory_space<vmem>> -> memref<1x128xi32, #tpu.memory_space<vmem>>
      %dma_start3A_202 = tpu.memref_squeeze %dma_start3A_201 : memref<1x128xi32, #tpu.memory_space<vmem>> -> memref<128xi32, #tpu.memory_space<vmem>>
      %dma_start3A_203 = arith.constant 0 : i32
      %dma_start3A_204 = arith.constant 0 : i32
      %dma_start3A_205 = tpu.memref_slice %arg2[%dma_start3A_203, %dma_start3A_204] : memref<10240x128xf32, #tpu.memory_space<hbm>> -> memref<10240x128xf32, #tpu.memory_space<hbm>>
      tpu.enqueue_indirect_dma source(%dma_start3A_205 : memref<10240x128xf32, #tpu.memory_space<hbm>>) target(%arg7 : memref<128x128xf32, #tpu.memory_space<vmem>>) offsets(%dma_start3A_202 : memref<128xi32, #tpu.memory_space<vmem>>) semaphore(%arg11 : memref<!tpu.dma_semaphore, #tpu.memory_space<semaphore_mem>>)
      %dma_start3A_206 = arith.constant 5 : i32
      %dma_start3A_207 = arith.constant 0 : i32
      %dma_start3A_208 = tpu.memref_slice %arg9[%dma_start3A_206, %dma_start3A_207] : memref<8x128xi32, #tpu.memory_space<vmem>> -> memref<1x128xi32, #tpu.memory_space<vmem>>
      %dma_start3A_209 = tpu.memref_squeeze %dma_start3A_208 : memref<1x128xi32, #tpu.memory_space<vmem>> -> memref<128xi32, #tpu.memory_space<vmem>>
      %dma_start3A_210 = arith.constant 0 : i32
      %dma_start3A_211 = arith.constant 0 : i32
      %dma_start3A_212 = tpu.memref_slice %arg2[%dma_start3A_210, %dma_start3A_211] : memref<10240x128xf32, #tpu.memory_space<hbm>> -> memref<10240x128xf32, #tpu.memory_space<hbm>>
      tpu.enqueue_indirect_dma source(%dma_start3A_212 : memref<10240x128xf32, #tpu.memory_space<hbm>>) target(%arg8 : memref<128x128xf32, #tpu.memory_space<vmem>>) offsets(%dma_start3A_209 : memref<128xi32, #tpu.memory_space<vmem>>) semaphore(%arg12 : memref<!tpu.dma_semaphore, #tpu.memory_space<semaphore_mem>>)
      %dma_wait3A_213 = arith.constant 4 : i32
      %dma_wait3A_214 = arith.constant 0 : i32
      %dma_wait3A_215 = tpu.memref_slice %arg9[%dma_wait3A_213, %dma_wait3A_214] : memref<8x128xi32, #tpu.memory_space<vmem>> -> memref<1x128xi32, #tpu.memory_space<vmem>>
      %dma_wait3A_216 = tpu.memref_squeeze %dma_wait3A_215 : memref<1x128xi32, #tpu.memory_space<vmem>> -> memref<128xi32, #tpu.memory_space<vmem>>
      %dma_wait3A_217 = arith.constant 0 : i32
      %dma_wait3A_218 = arith.constant 0 : i32
      %dma_wait3A_219 = tpu.memref_slice %arg2[%dma_wait3A_217, %dma_wait3A_218] : memref<10240x128xf32, #tpu.memory_space<hbm>> -> memref<10240x128xf32, #tpu.memory_space<hbm>>
      tpu.wait_indirect_dma semaphore(%arg11 : memref<!tpu.dma_semaphore, #tpu.memory_space<semaphore_mem>>) src(%dma_wait3A_219 : memref<10240x128xf32, #tpu.memory_space<hbm>>) dst(%arg7 : memref<128x128xf32, #tpu.memory_space<vmem>>)
      %dma_start3A_220 = arith.constant 4 : i32
      %dma_start3A_221 = arith.constant 0 : i32
      %dma_start3A_222 = tpu.memref_slice %arg10[%dma_start3A_220, %dma_start3A_221] : memref<8x128xi32, #tpu.memory_space<vmem>> -> memref<1x128xi32, #tpu.memory_space<vmem>>
      %dma_start3A_223 = tpu.memref_squeeze %dma_start3A_222 : memref<1x128xi32, #tpu.memory_space<vmem>> -> memref<128xi32, #tpu.memory_space<vmem>>
      %dma_start3A_224 = arith.constant 0 : i32
      %dma_start3A_225 = arith.constant 0 : i32
      %dma_start3A_226 = tpu.memref_slice %arg6[%dma_start3A_224, %dma_start3A_225] : memref<10240x128xf32, #tpu.memory_space<vmem_shared>> -> memref<10240x128xf32, #tpu.memory_space<vmem_shared>>
      tpu.enqueue_indirect_dma source(%arg7 : memref<128x128xf32, #tpu.memory_space<vmem>>) target(%dma_start3A_226 : memref<10240x128xf32, #tpu.memory_space<vmem_shared>>) offsets(%dma_start3A_223 : memref<128xi32, #tpu.memory_space<vmem>>) semaphore(%arg13 : memref<!tpu.dma_semaphore, #tpu.memory_space<semaphore_mem>>) {add = true}
      %dma_wait3A_227 = arith.constant 5 : i32
      %dma_wait3A_228 = arith.constant 0 : i32
      %dma_wait3A_229 = tpu.memref_slice %arg9[%dma_wait3A_227, %dma_wait3A_228] : memref<8x128xi32, #tpu.memory_space<vmem>> -> memref<1x128xi32, #tpu.memory_space<vmem>>
      %dma_wait3A_230 = tpu.memref_squeeze %dma_wait3A_229 : memref<1x128xi32, #tpu.memory_space<vmem>> -> memref<128xi32, #tpu.memory_space<vmem>>
      %dma_wait3A_231 = arith.constant 0 : i32
      %dma_wait3A_232 = arith.constant 0 : i32
      %dma_wait3A_233 = tpu.memref_slice %arg2[%dma_wait3A_231, %dma_wait3A_232] : memref<10240x128xf32, #tpu.memory_space<hbm>> -> memref<10240x128xf32, #tpu.memory_space<hbm>>
      tpu.wait_indirect_dma semaphore(%arg12 : memref<!tpu.dma_semaphore, #tpu.memory_space<semaphore_mem>>) src(%dma_wait3A_233 : memref<10240x128xf32, #tpu.memory_space<hbm>>) dst(%arg8 : memref<128x128xf32, #tpu.memory_space<vmem>>)
      %dma_start3A_234 = arith.constant 5 : i32
      %dma_start3A_235 = arith.constant 0 : i32
      %dma_start3A_236 = tpu.memref_slice %arg10[%dma_start3A_234, %dma_start3A_235] : memref<8x128xi32, #tpu.memory_space<vmem>> -> memref<1x128xi32, #tpu.memory_space<vmem>>
      %dma_start3A_237 = tpu.memref_squeeze %dma_start3A_236 : memref<1x128xi32, #tpu.memory_space<vmem>> -> memref<128xi32, #tpu.memory_space<vmem>>
      %dma_start3A_238 = arith.constant 0 : i32
      %dma_start3A_239 = arith.constant 0 : i32
      %dma_start3A_240 = tpu.memref_slice %arg6[%dma_start3A_238, %dma_start3A_239] : memref<10240x128xf32, #tpu.memory_space<vmem_shared>> -> memref<10240x128xf32, #tpu.memory_space<vmem_shared>>
      tpu.enqueue_indirect_dma source(%arg8 : memref<128x128xf32, #tpu.memory_space<vmem>>) target(%dma_start3A_240 : memref<10240x128xf32, #tpu.memory_space<vmem_shared>>) offsets(%dma_start3A_237 : memref<128xi32, #tpu.memory_space<vmem>>) semaphore(%arg14 : memref<!tpu.dma_semaphore, #tpu.memory_space<semaphore_mem>>) {add = true}
      %dma_wait3A_241 = arith.constant 6 : i32
      %dma_wait3A_242 = arith.constant 0 : i32
      %dma_wait3A_243 = tpu.memref_slice %arg9[%dma_wait3A_241, %dma_wait3A_242] : memref<8x128xi32, #tpu.memory_space<vmem>> -> memref<1x128xi32, #tpu.memory_space<vmem>>
      %dma_wait3A_244 = tpu.memref_squeeze %dma_wait3A_243 : memref<1x128xi32, #tpu.memory_space<vmem>> -> memref<128xi32, #tpu.memory_space<vmem>>
      %dma_wait3A_245 = arith.constant 0 : i32
      %dma_wait3A_246 = arith.constant 0 : i32
      %dma_wait3A_247 = tpu.memref_slice %arg2[%dma_wait3A_245, %dma_wait3A_246] : memref<10240x128xf32, #tpu.memory_space<hbm>> -> memref<10240x128xf32, #tpu.memory_space<hbm>>
      tpu.wait_indirect_dma semaphore(%arg13 : memref<!tpu.dma_semaphore, #tpu.memory_space<semaphore_mem>>) src(%dma_wait3A_247 : memref<10240x128xf32, #tpu.memory_space<hbm>>) dst(%arg7 : memref<128x128xf32, #tpu.memory_space<vmem>>)
      %dma_wait3A_248 = arith.constant 7 : i32
      %dma_wait3A_249 = arith.constant 0 : i32
      %dma_wait3A_250 = tpu.memref_slice %arg9[%dma_wait3A_248, %dma_wait3A_249] : memref<8x128xi32, #tpu.memory_space<vmem>> -> memref<1x128xi32, #tpu.memory_space<vmem>>
      %dma_wait3A_251 = tpu.memref_squeeze %dma_wait3A_250 : memref<1x128xi32, #tpu.memory_space<vmem>> -> memref<128xi32, #tpu.memory_space<vmem>>
      %dma_wait3A_252 = arith.constant 0 : i32
      %dma_wait3A_253 = arith.constant 0 : i32
      %dma_wait3A_254 = tpu.memref_slice %arg2[%dma_wait3A_252, %dma_wait3A_253] : memref<10240x128xf32, #tpu.memory_space<hbm>> -> memref<10240x128xf32, #tpu.memory_space<hbm>>
      tpu.wait_indirect_dma semaphore(%arg14 : memref<!tpu.dma_semaphore, #tpu.memory_space<semaphore_mem>>) src(%dma_wait3A_254 : memref<10240x128xf32, #tpu.memory_space<hbm>>) dst(%arg8 : memref<128x128xf32, #tpu.memory_space<vmem>>)
      %dma_start3A_255 = arith.constant 6 : i32
      %dma_start3A_256 = arith.constant 0 : i32
      %dma_start3A_257 = tpu.memref_slice %arg9[%dma_start3A_255, %dma_start3A_256] : memref<8x128xi32, #tpu.memory_space<vmem>> -> memref<1x128xi32, #tpu.memory_space<vmem>>
      %dma_start3A_258 = tpu.memref_squeeze %dma_start3A_257 : memref<1x128xi32, #tpu.memory_space<vmem>> -> memref<128xi32, #tpu.memory_space<vmem>>
      %dma_start3A_259 = arith.constant 0 : i32
      %dma_start3A_260 = arith.constant 0 : i32
      %dma_start3A_261 = tpu.memref_slice %arg2[%dma_start3A_259, %dma_start3A_260] : memref<10240x128xf32, #tpu.memory_space<hbm>> -> memref<10240x128xf32, #tpu.memory_space<hbm>>
      tpu.enqueue_indirect_dma source(%dma_start3A_261 : memref<10240x128xf32, #tpu.memory_space<hbm>>) target(%arg7 : memref<128x128xf32, #tpu.memory_space<vmem>>) offsets(%dma_start3A_258 : memref<128xi32, #tpu.memory_space<vmem>>) semaphore(%arg11 : memref<!tpu.dma_semaphore, #tpu.memory_space<semaphore_mem>>)
      %dma_start3A_262 = arith.constant 7 : i32
      %dma_start3A_263 = arith.constant 0 : i32
      %dma_start3A_264 = tpu.memref_slice %arg9[%dma_start3A_262, %dma_start3A_263] : memref<8x128xi32, #tpu.memory_space<vmem>> -> memref<1x128xi32, #tpu.memory_space<vmem>>
      %dma_start3A_265 = tpu.memref_squeeze %dma_start3A_264 : memref<1x128xi32, #tpu.memory_space<vmem>> -> memref<128xi32, #tpu.memory_space<vmem>>
      %dma_start3A_266 = arith.constant 0 : i32
      %dma_start3A_267 = arith.constant 0 : i32
      %dma_start3A_268 = tpu.memref_slice %arg2[%dma_start3A_266, %dma_start3A_267] : memref<10240x128xf32, #tpu.memory_space<hbm>> -> memref<10240x128xf32, #tpu.memory_space<hbm>>
      tpu.enqueue_indirect_dma source(%dma_start3A_268 : memref<10240x128xf32, #tpu.memory_space<hbm>>) target(%arg8 : memref<128x128xf32, #tpu.memory_space<vmem>>) offsets(%dma_start3A_265 : memref<128xi32, #tpu.memory_space<vmem>>) semaphore(%arg12 : memref<!tpu.dma_semaphore, #tpu.memory_space<semaphore_mem>>)
      %dma_wait3A_269 = arith.constant 6 : i32
      %dma_wait3A_270 = arith.constant 0 : i32
      %dma_wait3A_271 = tpu.memref_slice %arg9[%dma_wait3A_269, %dma_wait3A_270] : memref<8x128xi32, #tpu.memory_space<vmem>> -> memref<1x128xi32, #tpu.memory_space<vmem>>
      %dma_wait3A_272 = tpu.memref_squeeze %dma_wait3A_271 : memref<1x128xi32, #tpu.memory_space<vmem>> -> memref<128xi32, #tpu.memory_space<vmem>>
      %dma_wait3A_273 = arith.constant 0 : i32
      %dma_wait3A_274 = arith.constant 0 : i32
      %dma_wait3A_275 = tpu.memref_slice %arg2[%dma_wait3A_273, %dma_wait3A_274] : memref<10240x128xf32, #tpu.memory_space<hbm>> -> memref<10240x128xf32, #tpu.memory_space<hbm>>
      tpu.wait_indirect_dma semaphore(%arg11 : memref<!tpu.dma_semaphore, #tpu.memory_space<semaphore_mem>>) src(%dma_wait3A_275 : memref<10240x128xf32, #tpu.memory_space<hbm>>) dst(%arg7 : memref<128x128xf32, #tpu.memory_space<vmem>>)
      %dma_start3A_276 = arith.constant 6 : i32
      %dma_start3A_277 = arith.constant 0 : i32
      %dma_start3A_278 = tpu.memref_slice %arg10[%dma_start3A_276, %dma_start3A_277] : memref<8x128xi32, #tpu.memory_space<vmem>> -> memref<1x128xi32, #tpu.memory_space<vmem>>
      %dma_start3A_279 = tpu.memref_squeeze %dma_start3A_278 : memref<1x128xi32, #tpu.memory_space<vmem>> -> memref<128xi32, #tpu.memory_space<vmem>>
      %dma_start3A_280 = arith.constant 0 : i32
      %dma_start3A_281 = arith.constant 0 : i32
      %dma_start3A_282 = tpu.memref_slice %arg6[%dma_start3A_280, %dma_start3A_281] : memref<10240x128xf32, #tpu.memory_space<vmem_shared>> -> memref<10240x128xf32, #tpu.memory_space<vmem_shared>>
      tpu.enqueue_indirect_dma source(%arg7 : memref<128x128xf32, #tpu.memory_space<vmem>>) target(%dma_start3A_282 : memref<10240x128xf32, #tpu.memory_space<vmem_shared>>) offsets(%dma_start3A_279 : memref<128xi32, #tpu.memory_space<vmem>>) semaphore(%arg13 : memref<!tpu.dma_semaphore, #tpu.memory_space<semaphore_mem>>) {add = true}
      %dma_wait3A_283 = arith.constant 7 : i32
      %dma_wait3A_284 = arith.constant 0 : i32
      %dma_wait3A_285 = tpu.memref_slice %arg9[%dma_wait3A_283, %dma_wait3A_284] : memref<8x128xi32, #tpu.memory_space<vmem>> -> memref<1x128xi32, #tpu.memory_space<vmem>>
      %dma_wait3A_286 = tpu.memref_squeeze %dma_wait3A_285 : memref<1x128xi32, #tpu.memory_space<vmem>> -> memref<128xi32, #tpu.memory_space<vmem>>
      %dma_wait3A_287 = arith.constant 0 : i32
      %dma_wait3A_288 = arith.constant 0 : i32
      %dma_wait3A_289 = tpu.memref_slice %arg2[%dma_wait3A_287, %dma_wait3A_288] : memref<10240x128xf32, #tpu.memory_space<hbm>> -> memref<10240x128xf32, #tpu.memory_space<hbm>>
      tpu.wait_indirect_dma semaphore(%arg12 : memref<!tpu.dma_semaphore, #tpu.memory_space<semaphore_mem>>) src(%dma_wait3A_289 : memref<10240x128xf32, #tpu.memory_space<hbm>>) dst(%arg8 : memref<128x128xf32, #tpu.memory_space<vmem>>)
      %dma_start3A_290 = arith.constant 7 : i32
      %dma_start3A_291 = arith.constant 0 : i32
      %dma_start3A_292 = tpu.memref_slice %arg10[%dma_start3A_290, %dma_start3A_291] : memref<8x128xi32, #tpu.memory_space<vmem>> -> memref<1x128xi32, #tpu.memory_space<vmem>>
      %dma_start3A_293 = tpu.memref_squeeze %dma_start3A_292 : memref<1x128xi32, #tpu.memory_space<vmem>> -> memref<128xi32, #tpu.memory_space<vmem>>
      %dma_start3A_294 = arith.constant 0 : i32
      %dma_start3A_295 = arith.constant 0 : i32
      %dma_start3A_296 = tpu.memref_slice %arg6[%dma_start3A_294, %dma_start3A_295] : memref<10240x128xf32, #tpu.memory_space<vmem_shared>> -> memref<10240x128xf32, #tpu.memory_space<vmem_shared>>
      tpu.enqueue_indirect_dma source(%arg8 : memref<128x128xf32, #tpu.memory_space<vmem>>) target(%dma_start3A_296 : memref<10240x128xf32, #tpu.memory_space<vmem_shared>>) offsets(%dma_start3A_293 : memref<128xi32, #tpu.memory_space<vmem>>) semaphore(%arg14 : memref<!tpu.dma_semaphore, #tpu.memory_space<semaphore_mem>>) {add = true}
      %while3A_297 = arith.constant 0 : i32
      scf.yield %while3A_297 : i32
    }
    %while3A_54 = arith.constant 1 : i32
    %while3A_55 = scf.for %while3A_79 = %while3A_51 to %while3A_47 step %while3A_54 iter_args(%while3A_80 = %while3A_53) -> (i32)  : i32 {
      %gt3A_81 = arith.constant 0 : i32
      %gt3A_82 = arith.cmpi sgt, %while3A_79, %gt3A_81 : i32
      %convert_element_type3A_83 = arith.extui %gt3A_82 : i1 to i32
      %cond3A_84 = arith.constant 0 : i32
      %cond3A_85 = arith.cmpi ne, %convert_element_type3A_83, %cond3A_84 : i32
      scf.if %cond3A_85 {
        %dma_wait3A_298 = arith.constant 0 : i32
        %dma_wait3A_299 = arith.constant 0 : i32
        %dma_wait3A_300 = tpu.memref_slice %arg9[%dma_wait3A_298, %dma_wait3A_299] : memref<8x128xi32, #tpu.memory_space<vmem>> -> memref<1x128xi32, #tpu.memory_space<vmem>>
        %dma_wait3A_301 = tpu.memref_squeeze %dma_wait3A_300 : memref<1x128xi32, #tpu.memory_space<vmem>> -> memref<128xi32, #tpu.memory_space<vmem>>
        %dma_wait3A_302 = arith.constant 0 : i32
        %dma_wait3A_303 = arith.constant 0 : i32
        %dma_wait3A_304 = tpu.memref_slice %arg2[%dma_wait3A_302, %dma_wait3A_303] : memref<10240x128xf32, #tpu.memory_space<hbm>> -> memref<10240x128xf32, #tpu.memory_space<hbm>>
        tpu.wait_indirect_dma semaphore(%arg13 : memref<!tpu.dma_semaphore, #tpu.memory_space<semaphore_mem>>) src(%dma_wait3A_304 : memref<10240x128xf32, #tpu.memory_space<hbm>>) dst(%arg7 : memref<128x128xf32, #tpu.memory_space<vmem>>)
        %dma_wait3A_305 = arith.constant 0 : i32
        %dma_wait3A_306 = arith.constant 0 : i32
        %dma_wait3A_307 = tpu.memref_slice %arg9[%dma_wait3A_305, %dma_wait3A_306] : memref<8x128xi32, #tpu.memory_space<vmem>> -> memref<1x128xi32, #tpu.memory_space<vmem>>
        %dma_wait3A_308 = tpu.memref_squeeze %dma_wait3A_307 : memref<1x128xi32, #tpu.memory_space<vmem>> -> memref<128xi32, #tpu.memory_space<vmem>>
        %dma_wait3A_309 = arith.constant 0 : i32
        %dma_wait3A_310 = arith.constant 0 : i32
        %dma_wait3A_311 = tpu.memref_slice %arg2[%dma_wait3A_309, %dma_wait3A_310] : memref<10240x128xf32, #tpu.memory_space<hbm>> -> memref<10240x128xf32, #tpu.memory_space<hbm>>
        tpu.wait_indirect_dma semaphore(%arg14 : memref<!tpu.dma_semaphore, #tpu.memory_space<semaphore_mem>>) src(%dma_wait3A_311 : memref<10240x128xf32, #tpu.memory_space<hbm>>) dst(%arg8 : memref<128x128xf32, #tpu.memory_space<vmem>>)
      } else {
      }
      %mul3A_86 = arith.constant 8 : i32
      %mul3A_87 = arith.muli %while3A_79, %mul3A_86 : i32
      %add3A_88 = arith.addi %select_n3A_8, %mul3A_87 : i32
      "tpu.region"() ({
        %run_scoped3A = tpu.sem_alloc : memref<!tpu.dma_semaphore, #tpu.memory_space<semaphore_mem>>
        %dma_start3A_298 = arith.constant 0 : i32
        %dma_start3A_299 = tpu.memref_slice %arg3[%add3A_88, %dma_start3A_298] : memref<2560x128xi32, #tpu.memory_space<hbm>> -> memref<8x128xi32, #tpu.memory_space<hbm>>
        %dma_start3A_300 = arith.constant 0 : i32
        %dma_start3A_301 = tpu.memref_slice %arg3[%add3A_88, %dma_start3A_300] : memref<2560x128xi32, #tpu.memory_space<hbm>> -> memref<8x128xi32, #tpu.memory_space<hbm>>
        tpu.enqueue_dma source(%dma_start3A_301 : memref<8x128xi32, #tpu.memory_space<hbm>>) target(%arg9 : memref<8x128xi32, #tpu.memory_space<vmem>>) target_semaphore(%run_scoped3A : memref<!tpu.dma_semaphore, #tpu.memory_space<semaphore_mem>>)
        %dma_wait3A_302 = arith.constant 0 : i32
        %dma_wait3A_303 = tpu.memref_slice %arg3[%add3A_88, %dma_wait3A_302] : memref<2560x128xi32, #tpu.memory_space<hbm>> -> memref<8x128xi32, #tpu.memory_space<hbm>>
        %dma_wait3A_304 = arith.constant 0 : i32
        %dma_wait3A_305 = tpu.memref_slice %arg3[%add3A_88, %dma_wait3A_304] : memref<2560x128xi32, #tpu.memory_space<hbm>> -> memref<8x128xi32, #tpu.memory_space<hbm>>
        tpu.wait_dma2 semaphore(%run_scoped3A : memref<!tpu.dma_semaphore, #tpu.memory_space<semaphore_mem>>) src(%dma_wait3A_305 : memref<8x128xi32, #tpu.memory_space<hbm>>) dst(%arg9 : memref<8x128xi32, #tpu.memory_space<vmem>>)
        tpu.yield
      }) : () -> ()
      "tpu.region"() ({
        %run_scoped3A = tpu.sem_alloc : memref<!tpu.dma_semaphore, #tpu.memory_space<semaphore_mem>>
        %dma_start3A_298 = arith.constant 0 : i32
        %dma_start3A_299 = tpu.memref_slice %arg4[%add3A_88, %dma_start3A_298] : memref<2560x128xi32, #tpu.memory_space<hbm>> -> memref<8x128xi32, #tpu.memory_space<hbm>>
        %dma_start3A_300 = arith.constant 0 : i32
        %dma_start3A_301 = tpu.memref_slice %arg4[%add3A_88, %dma_start3A_300] : memref<2560x128xi32, #tpu.memory_space<hbm>> -> memref<8x128xi32, #tpu.memory_space<hbm>>
        tpu.enqueue_dma source(%dma_start3A_301 : memref<8x128xi32, #tpu.memory_space<hbm>>) target(%arg10 : memref<8x128xi32, #tpu.memory_space<vmem>>) target_semaphore(%run_scoped3A : memref<!tpu.dma_semaphore, #tpu.memory_space<semaphore_mem>>)
        %dma_wait3A_302 = arith.constant 0 : i32
        %dma_wait3A_303 = tpu.memref_slice %arg4[%add3A_88, %dma_wait3A_302] : memref<2560x128xi32, #tpu.memory_space<hbm>> -> memref<8x128xi32, #tpu.memory_space<hbm>>
        %dma_wait3A_304 = arith.constant 0 : i32
        %dma_wait3A_305 = tpu.memref_slice %arg4[%add3A_88, %dma_wait3A_304] : memref<2560x128xi32, #tpu.memory_space<hbm>> -> memref<8x128xi32, #tpu.memory_space<hbm>>
        tpu.wait_dma2 semaphore(%run_scoped3A : memref<!tpu.dma_semaphore, #tpu.memory_space<semaphore_mem>>) src(%dma_wait3A_305 : memref<8x128xi32, #tpu.memory_space<hbm>>) dst(%arg10 : memref<8x128xi32, #tpu.memory_space<vmem>>)
        tpu.yield
      }) : () -> ()
      %dma_start3A = arith.constant 0 : i32
      %dma_start3A_89 = arith.constant 0 : i32
      %dma_start3A_90 = tpu.memref_slice %arg9[%dma_start3A, %dma_start3A_89] : memref<8x128xi32, #tpu.memory_space<vmem>> -> memref<1x128xi32, #tpu.memory_space<vmem>>
      %dma_start3A_91 = tpu.memref_squeeze %dma_start3A_90 : memref<1x128xi32, #tpu.memory_space<vmem>> -> memref<128xi32, #tpu.memory_space<vmem>>
      %dma_start3A_92 = arith.constant 0 : i32
      %dma_start3A_93 = arith.constant 0 : i32
      %dma_start3A_94 = tpu.memref_slice %arg2[%dma_start3A_92, %dma_start3A_93] : memref<10240x128xf32, #tpu.memory_space<hbm>> -> memref<10240x128xf32, #tpu.memory_space<hbm>>
      tpu.enqueue_indirect_dma source(%dma_start3A_94 : memref<10240x128xf32, #tpu.memory_space<hbm>>) target(%arg7 : memref<128x128xf32, #tpu.memory_space<vmem>>) offsets(%dma_start3A_91 : memref<128xi32, #tpu.memory_space<vmem>>) semaphore(%arg11 : memref<!tpu.dma_semaphore, #tpu.memory_space<semaphore_mem>>)
      %dma_start3A_95 = arith.constant 1 : i32
      %dma_start3A_96 = arith.constant 0 : i32
      %dma_start3A_97 = tpu.memref_slice %arg9[%dma_start3A_95, %dma_start3A_96] : memref<8x128xi32, #tpu.memory_space<vmem>> -> memref<1x128xi32, #tpu.memory_space<vmem>>
      %dma_start3A_98 = tpu.memref_squeeze %dma_start3A_97 : memref<1x128xi32, #tpu.memory_space<vmem>> -> memref<128xi32, #tpu.memory_space<vmem>>
      %dma_start3A_99 = arith.constant 0 : i32
      %dma_start3A_100 = arith.constant 0 : i32
      %dma_start3A_101 = tpu.memref_slice %arg2[%dma_start3A_99, %dma_start3A_100] : memref<10240x128xf32, #tpu.memory_space<hbm>> -> memref<10240x128xf32, #tpu.memory_space<hbm>>
      tpu.enqueue_indirect_dma source(%dma_start3A_101 : memref<10240x128xf32, #tpu.memory_space<hbm>>) target(%arg8 : memref<128x128xf32, #tpu.memory_space<vmem>>) offsets(%dma_start3A_98 : memref<128xi32, #tpu.memory_space<vmem>>) semaphore(%arg12 : memref<!tpu.dma_semaphore, #tpu.memory_space<semaphore_mem>>)
      %dma_wait3A = arith.constant 0 : i32
      %dma_wait3A_102 = arith.constant 0 : i32
      %dma_wait3A_103 = tpu.memref_slice %arg9[%dma_wait3A, %dma_wait3A_102] : memref<8x128xi32, #tpu.memory_space<vmem>> -> memref<1x128xi32, #tpu.memory_space<vmem>>
      %dma_wait3A_104 = tpu.memref_squeeze %dma_wait3A_103 : memref<1x128xi32, #tpu.memory_space<vmem>> -> memref<128xi32, #tpu.memory_space<vmem>>
      %dma_wait3A_105 = arith.constant 0 : i32
      %dma_wait3A_106 = arith.constant 0 : i32
      %dma_wait3A_107 = tpu.memref_slice %arg2[%dma_wait3A_105, %dma_wait3A_106] : memref<10240x128xf32, #tpu.memory_space<hbm>> -> memref<10240x128xf32, #tpu.memory_space<hbm>>
      tpu.wait_indirect_dma semaphore(%arg11 : memref<!tpu.dma_semaphore, #tpu.memory_space<semaphore_mem>>) src(%dma_wait3A_107 : memref<10240x128xf32, #tpu.memory_space<hbm>>) dst(%arg7 : memref<128x128xf32, #tpu.memory_space<vmem>>)
      %dma_start3A_108 = arith.constant 0 : i32
      %dma_start3A_109 = arith.constant 0 : i32
      %dma_start3A_110 = tpu.memref_slice %arg10[%dma_start3A_108, %dma_start3A_109] : memref<8x128xi32, #tpu.memory_space<vmem>> -> memref<1x128xi32, #tpu.memory_space<vmem>>
      %dma_start3A_111 = tpu.memref_squeeze %dma_start3A_110 : memref<1x128xi32, #tpu.memory_space<vmem>> -> memref<128xi32, #tpu.memory_space<vmem>>
      %dma_start3A_112 = arith.constant 0 : i32
      %dma_start3A_113 = arith.constant 0 : i32
      %dma_start3A_114 = tpu.memref_slice %arg6[%dma_start3A_112, %dma_start3A_113] : memref<10240x128xf32, #tpu.memory_space<vmem_shared>> -> memref<10240x128xf32, #tpu.memory_space<vmem_shared>>
      tpu.enqueue_indirect_dma source(%arg7 : memref<128x128xf32, #tpu.memory_space<vmem>>) target(%dma_start3A_114 : memref<10240x128xf32, #tpu.memory_space<vmem_shared>>) offsets(%dma_start3A_111 : memref<128xi32, #tpu.memory_space<vmem>>) semaphore(%arg13 : memref<!tpu.dma_semaphore, #tpu.memory_space<semaphore_mem>>) {add = true}
      %dma_wait3A_115 = arith.constant 1 : i32
      %dma_wait3A_116 = arith.constant 0 : i32
      %dma_wait3A_117 = tpu.memref_slice %arg9[%dma_wait3A_115, %dma_wait3A_116] : memref<8x128xi32, #tpu.memory_space<vmem>> -> memref<1x128xi32, #tpu.memory_space<vmem>>
      %dma_wait3A_118 = tpu.memref_squeeze %dma_wait3A_117 : memref<1x128xi32, #tpu.memory_space<vmem>> -> memref<128xi32, #tpu.memory_space<vmem>>
      %dma_wait3A_119 = arith.constant 0 : i32
      %dma_wait3A_120 = arith.constant 0 : i32
      %dma_wait3A_121 = tpu.memref_slice %arg2[%dma_wait3A_119, %dma_wait3A_120] : memref<10240x128xf32, #tpu.memory_space<hbm>> -> memref<10240x128xf32, #tpu.memory_space<hbm>>
      tpu.wait_indirect_dma semaphore(%arg12 : memref<!tpu.dma_semaphore, #tpu.memory_space<semaphore_mem>>) src(%dma_wait3A_121 : memref<10240x128xf32, #tpu.memory_space<hbm>>) dst(%arg8 : memref<128x128xf32, #tpu.memory_space<vmem>>)
      %dma_start3A_122 = arith.constant 1 : i32
      %dma_start3A_123 = arith.constant 0 : i32
      %dma_start3A_124 = tpu.memref_slice %arg10[%dma_start3A_122, %dma_start3A_123] : memref<8x128xi32, #tpu.memory_space<vmem>> -> memref<1x128xi32, #tpu.memory_space<vmem>>
      %dma_start3A_125 = tpu.memref_squeeze %dma_start3A_124 : memref<1x128xi32, #tpu.memory_space<vmem>> -> memref<128xi32, #tpu.memory_space<vmem>>
      %dma_start3A_126 = arith.constant 0 : i32
      %dma_start3A_127 = arith.constant 0 : i32
      %dma_start3A_128 = tpu.memref_slice %arg6[%dma_start3A_126, %dma_start3A_127] : memref<10240x128xf32, #tpu.memory_space<vmem_shared>> -> memref<10240x128xf32, #tpu.memory_space<vmem_shared>>
      tpu.enqueue_indirect_dma source(%arg8 : memref<128x128xf32, #tpu.memory_space<vmem>>) target(%dma_start3A_128 : memref<10240x128xf32, #tpu.memory_space<vmem_shared>>) offsets(%dma_start3A_125 : memref<128xi32, #tpu.memory_space<vmem>>) semaphore(%arg14 : memref<!tpu.dma_semaphore, #tpu.memory_space<semaphore_mem>>) {add = true}
      %dma_wait3A_129 = arith.constant 2 : i32
      %dma_wait3A_130 = arith.constant 0 : i32
      %dma_wait3A_131 = tpu.memref_slice %arg9[%dma_wait3A_129, %dma_wait3A_130] : memref<8x128xi32, #tpu.memory_space<vmem>> -> memref<1x128xi32, #tpu.memory_space<vmem>>
      %dma_wait3A_132 = tpu.memref_squeeze %dma_wait3A_131 : memref<1x128xi32, #tpu.memory_space<vmem>> -> memref<128xi32, #tpu.memory_space<vmem>>
      %dma_wait3A_133 = arith.constant 0 : i32
      %dma_wait3A_134 = arith.constant 0 : i32
      %dma_wait3A_135 = tpu.memref_slice %arg2[%dma_wait3A_133, %dma_wait3A_134] : memref<10240x128xf32, #tpu.memory_space<hbm>> -> memref<10240x128xf32, #tpu.memory_space<hbm>>
      tpu.wait_indirect_dma semaphore(%arg13 : memref<!tpu.dma_semaphore, #tpu.memory_space<semaphore_mem>>) src(%dma_wait3A_135 : memref<10240x128xf32, #tpu.memory_space<hbm>>) dst(%arg7 : memref<128x128xf32, #tpu.memory_space<vmem>>)
      %dma_wait3A_136 = arith.constant 3 : i32
      %dma_wait3A_137 = arith.constant 0 : i32
      %dma_wait3A_138 = tpu.memref_slice %arg9[%dma_wait3A_136, %dma_wait3A_137] : memref<8x128xi32, #tpu.memory_space<vmem>> -> memref<1x128xi32, #tpu.memory_space<vmem>>
      %dma_wait3A_139 = tpu.memref_squeeze %dma_wait3A_138 : memref<1x128xi32, #tpu.memory_space<vmem>> -> memref<128xi32, #tpu.memory_space<vmem>>
      %dma_wait3A_140 = arith.constant 0 : i32
      %dma_wait3A_141 = arith.constant 0 : i32
      %dma_wait3A_142 = tpu.memref_slice %arg2[%dma_wait3A_140, %dma_wait3A_141] : memref<10240x128xf32, #tpu.memory_space<hbm>> -> memref<10240x128xf32, #tpu.memory_space<hbm>>
      tpu.wait_indirect_dma semaphore(%arg14 : memref<!tpu.dma_semaphore, #tpu.memory_space<semaphore_mem>>) src(%dma_wait3A_142 : memref<10240x128xf32, #tpu.memory_space<hbm>>) dst(%arg8 : memref<128x128xf32, #tpu.memory_space<vmem>>)
      %dma_start3A_143 = arith.constant 2 : i32
      %dma_start3A_144 = arith.constant 0 : i32
      %dma_start3A_145 = tpu.memref_slice %arg9[%dma_start3A_143, %dma_start3A_144] : memref<8x128xi32, #tpu.memory_space<vmem>> -> memref<1x128xi32, #tpu.memory_space<vmem>>
      %dma_start3A_146 = tpu.memref_squeeze %dma_start3A_145 : memref<1x128xi32, #tpu.memory_space<vmem>> -> memref<128xi32, #tpu.memory_space<vmem>>
      %dma_start3A_147 = arith.constant 0 : i32
      %dma_start3A_148 = arith.constant 0 : i32
      %dma_start3A_149 = tpu.memref_slice %arg2[%dma_start3A_147, %dma_start3A_148] : memref<10240x128xf32, #tpu.memory_space<hbm>> -> memref<10240x128xf32, #tpu.memory_space<hbm>>
      tpu.enqueue_indirect_dma source(%dma_start3A_149 : memref<10240x128xf32, #tpu.memory_space<hbm>>) target(%arg7 : memref<128x128xf32, #tpu.memory_space<vmem>>) offsets(%dma_start3A_146 : memref<128xi32, #tpu.memory_space<vmem>>) semaphore(%arg11 : memref<!tpu.dma_semaphore, #tpu.memory_space<semaphore_mem>>)
      %dma_start3A_150 = arith.constant 3 : i32
      %dma_start3A_151 = arith.constant 0 : i32
      %dma_start3A_152 = tpu.memref_slice %arg9[%dma_start3A_150, %dma_start3A_151] : memref<8x128xi32, #tpu.memory_space<vmem>> -> memref<1x128xi32, #tpu.memory_space<vmem>>
      %dma_start3A_153 = tpu.memref_squeeze %dma_start3A_152 : memref<1x128xi32, #tpu.memory_space<vmem>> -> memref<128xi32, #tpu.memory_space<vmem>>
      %dma_start3A_154 = arith.constant 0 : i32
      %dma_start3A_155 = arith.constant 0 : i32
      %dma_start3A_156 = tpu.memref_slice %arg2[%dma_start3A_154, %dma_start3A_155] : memref<10240x128xf32, #tpu.memory_space<hbm>> -> memref<10240x128xf32, #tpu.memory_space<hbm>>
      tpu.enqueue_indirect_dma source(%dma_start3A_156 : memref<10240x128xf32, #tpu.memory_space<hbm>>) target(%arg8 : memref<128x128xf32, #tpu.memory_space<vmem>>) offsets(%dma_start3A_153 : memref<128xi32, #tpu.memory_space<vmem>>) semaphore(%arg12 : memref<!tpu.dma_semaphore, #tpu.memory_space<semaphore_mem>>)
      %dma_wait3A_157 = arith.constant 2 : i32
      %dma_wait3A_158 = arith.constant 0 : i32
      %dma_wait3A_159 = tpu.memref_slice %arg9[%dma_wait3A_157, %dma_wait3A_158] : memref<8x128xi32, #tpu.memory_space<vmem>> -> memref<1x128xi32, #tpu.memory_space<vmem>>
      %dma_wait3A_160 = tpu.memref_squeeze %dma_wait3A_159 : memref<1x128xi32, #tpu.memory_space<vmem>> -> memref<128xi32, #tpu.memory_space<vmem>>
      %dma_wait3A_161 = arith.constant 0 : i32
      %dma_wait3A_162 = arith.constant 0 : i32
      %dma_wait3A_163 = tpu.memref_slice %arg2[%dma_wait3A_161, %dma_wait3A_162] : memref<10240x128xf32, #tpu.memory_space<hbm>> -> memref<10240x128xf32, #tpu.memory_space<hbm>>
      tpu.wait_indirect_dma semaphore(%arg11 : memref<!tpu.dma_semaphore, #tpu.memory_space<semaphore_mem>>) src(%dma_wait3A_163 : memref<10240x128xf32, #tpu.memory_space<hbm>>) dst(%arg7 : memref<128x128xf32, #tpu.memory_space<vmem>>)
      %dma_start3A_164 = arith.constant 2 : i32
      %dma_start3A_165 = arith.constant 0 : i32
      %dma_start3A_166 = tpu.memref_slice %arg10[%dma_start3A_164, %dma_start3A_165] : memref<8x128xi32, #tpu.memory_space<vmem>> -> memref<1x128xi32, #tpu.memory_space<vmem>>
      %dma_start3A_167 = tpu.memref_squeeze %dma_start3A_166 : memref<1x128xi32, #tpu.memory_space<vmem>> -> memref<128xi32, #tpu.memory_space<vmem>>
      %dma_start3A_168 = arith.constant 0 : i32
      %dma_start3A_169 = arith.constant 0 : i32
      %dma_start3A_170 = tpu.memref_slice %arg6[%dma_start3A_168, %dma_start3A_169] : memref<10240x128xf32, #tpu.memory_space<vmem_shared>> -> memref<10240x128xf32, #tpu.memory_space<vmem_shared>>
      tpu.enqueue_indirect_dma source(%arg7 : memref<128x128xf32, #tpu.memory_space<vmem>>) target(%dma_start3A_170 : memref<10240x128xf32, #tpu.memory_space<vmem_shared>>) offsets(%dma_start3A_167 : memref<128xi32, #tpu.memory_space<vmem>>) semaphore(%arg13 : memref<!tpu.dma_semaphore, #tpu.memory_space<semaphore_mem>>) {add = true}
      %dma_wait3A_171 = arith.constant 3 : i32
      %dma_wait3A_172 = arith.constant 0 : i32
      %dma_wait3A_173 = tpu.memref_slice %arg9[%dma_wait3A_171, %dma_wait3A_172] : memref<8x128xi32, #tpu.memory_space<vmem>> -> memref<1x128xi32, #tpu.memory_space<vmem>>
      %dma_wait3A_174 = tpu.memref_squeeze %dma_wait3A_173 : memref<1x128xi32, #tpu.memory_space<vmem>> -> memref<128xi32, #tpu.memory_space<vmem>>
      %dma_wait3A_175 = arith.constant 0 : i32
      %dma_wait3A_176 = arith.constant 0 : i32
      %dma_wait3A_177 = tpu.memref_slice %arg2[%dma_wait3A_175, %dma_wait3A_176] : memref<10240x128xf32, #tpu.memory_space<hbm>> -> memref<10240x128xf32, #tpu.memory_space<hbm>>
      tpu.wait_indirect_dma semaphore(%arg12 : memref<!tpu.dma_semaphore, #tpu.memory_space<semaphore_mem>>) src(%dma_wait3A_177 : memref<10240x128xf32, #tpu.memory_space<hbm>>) dst(%arg8 : memref<128x128xf32, #tpu.memory_space<vmem>>)
      %dma_start3A_178 = arith.constant 3 : i32
      %dma_start3A_179 = arith.constant 0 : i32
      %dma_start3A_180 = tpu.memref_slice %arg10[%dma_start3A_178, %dma_start3A_179] : memref<8x128xi32, #tpu.memory_space<vmem>> -> memref<1x128xi32, #tpu.memory_space<vmem>>
      %dma_start3A_181 = tpu.memref_squeeze %dma_start3A_180 : memref<1x128xi32, #tpu.memory_space<vmem>> -> memref<128xi32, #tpu.memory_space<vmem>>
      %dma_start3A_182 = arith.constant 0 : i32
      %dma_start3A_183 = arith.constant 0 : i32
      %dma_start3A_184 = tpu.memref_slice %arg6[%dma_start3A_182, %dma_start3A_183] : memref<10240x128xf32, #tpu.memory_space<vmem_shared>> -> memref<10240x128xf32, #tpu.memory_space<vmem_shared>>
      tpu.enqueue_indirect_dma source(%arg8 : memref<128x128xf32, #tpu.memory_space<vmem>>) target(%dma_start3A_184 : memref<10240x128xf32, #tpu.memory_space<vmem_shared>>) offsets(%dma_start3A_181 : memref<128xi32, #tpu.memory_space<vmem>>) semaphore(%arg14 : memref<!tpu.dma_semaphore, #tpu.memory_space<semaphore_mem>>) {add = true}
      %dma_wait3A_185 = arith.constant 4 : i32
      %dma_wait3A_186 = arith.constant 0 : i32
      %dma_wait3A_187 = tpu.memref_slice %arg9[%dma_wait3A_185, %dma_wait3A_186] : memref<8x128xi32, #tpu.memory_space<vmem>> -> memref<1x128xi32, #tpu.memory_space<vmem>>
      %dma_wait3A_188 = tpu.memref_squeeze %dma_wait3A_187 : memref<1x128xi32, #tpu.memory_space<vmem>> -> memref<128xi32, #tpu.memory_space<vmem>>
      %dma_wait3A_189 = arith.constant 0 : i32
      %dma_wait3A_190 = arith.constant 0 : i32
      %dma_wait3A_191 = tpu.memref_slice %arg2[%dma_wait3A_189, %dma_wait3A_190] : memref<10240x128xf32, #tpu.memory_space<hbm>> -> memref<10240x128xf32, #tpu.memory_space<hbm>>
      tpu.wait_indirect_dma semaphore(%arg13 : memref<!tpu.dma_semaphore, #tpu.memory_space<semaphore_mem>>) src(%dma_wait3A_191 : memref<10240x128xf32, #tpu.memory_space<hbm>>) dst(%arg7 : memref<128x128xf32, #tpu.memory_space<vmem>>)
      %dma_wait3A_192 = arith.constant 5 : i32
      %dma_wait3A_193 = arith.constant 0 : i32
      %dma_wait3A_194 = tpu.memref_slice %arg9[%dma_wait3A_192, %dma_wait3A_193] : memref<8x128xi32, #tpu.memory_space<vmem>> -> memref<1x128xi32, #tpu.memory_space<vmem>>
      %dma_wait3A_195 = tpu.memref_squeeze %dma_wait3A_194 : memref<1x128xi32, #tpu.memory_space<vmem>> -> memref<128xi32, #tpu.memory_space<vmem>>
      %dma_wait3A_196 = arith.constant 0 : i32
      %dma_wait3A_197 = arith.constant 0 : i32
      %dma_wait3A_198 = tpu.memref_slice %arg2[%dma_wait3A_196, %dma_wait3A_197] : memref<10240x128xf32, #tpu.memory_space<hbm>> -> memref<10240x128xf32, #tpu.memory_space<hbm>>
      tpu.wait_indirect_dma semaphore(%arg14 : memref<!tpu.dma_semaphore, #tpu.memory_space<semaphore_mem>>) src(%dma_wait3A_198 : memref<10240x128xf32, #tpu.memory_space<hbm>>) dst(%arg8 : memref<128x128xf32, #tpu.memory_space<vmem>>)
      %dma_start3A_199 = arith.constant 4 : i32
      %dma_start3A_200 = arith.constant 0 : i32
      %dma_start3A_201 = tpu.memref_slice %arg9[%dma_start3A_199, %dma_start3A_200] : memref<8x128xi32, #tpu.memory_space<vmem>> -> memref<1x128xi32, #tpu.memory_space<vmem>>
      %dma_start3A_202 = tpu.memref_squeeze %dma_start3A_201 : memref<1x128xi32, #tpu.memory_space<vmem>> -> memref<128xi32, #tpu.memory_space<vmem>>
      %dma_start3A_203 = arith.constant 0 : i32
      %dma_start3A_204 = arith.constant 0 : i32
      %dma_start3A_205 = tpu.memref_slice %arg2[%dma_start3A_203, %dma_start3A_204] : memref<10240x128xf32, #tpu.memory_space<hbm>> -> memref<10240x128xf32, #tpu.memory_space<hbm>>
      tpu.enqueue_indirect_dma source(%dma_start3A_205 : memref<10240x128xf32, #tpu.memory_space<hbm>>) target(%arg7 : memref<128x128xf32, #tpu.memory_space<vmem>>) offsets(%dma_start3A_202 : memref<128xi32, #tpu.memory_space<vmem>>) semaphore(%arg11 : memref<!tpu.dma_semaphore, #tpu.memory_space<semaphore_mem>>)
      %dma_start3A_206 = arith.constant 5 : i32
      %dma_start3A_207 = arith.constant 0 : i32
      %dma_start3A_208 = tpu.memref_slice %arg9[%dma_start3A_206, %dma_start3A_207] : memref<8x128xi32, #tpu.memory_space<vmem>> -> memref<1x128xi32, #tpu.memory_space<vmem>>
      %dma_start3A_209 = tpu.memref_squeeze %dma_start3A_208 : memref<1x128xi32, #tpu.memory_space<vmem>> -> memref<128xi32, #tpu.memory_space<vmem>>
      %dma_start3A_210 = arith.constant 0 : i32
      %dma_start3A_211 = arith.constant 0 : i32
      %dma_start3A_212 = tpu.memref_slice %arg2[%dma_start3A_210, %dma_start3A_211] : memref<10240x128xf32, #tpu.memory_space<hbm>> -> memref<10240x128xf32, #tpu.memory_space<hbm>>
      tpu.enqueue_indirect_dma source(%dma_start3A_212 : memref<10240x128xf32, #tpu.memory_space<hbm>>) target(%arg8 : memref<128x128xf32, #tpu.memory_space<vmem>>) offsets(%dma_start3A_209 : memref<128xi32, #tpu.memory_space<vmem>>) semaphore(%arg12 : memref<!tpu.dma_semaphore, #tpu.memory_space<semaphore_mem>>)
      %dma_wait3A_213 = arith.constant 4 : i32
      %dma_wait3A_214 = arith.constant 0 : i32
      %dma_wait3A_215 = tpu.memref_slice %arg9[%dma_wait3A_213, %dma_wait3A_214] : memref<8x128xi32, #tpu.memory_space<vmem>> -> memref<1x128xi32, #tpu.memory_space<vmem>>
      %dma_wait3A_216 = tpu.memref_squeeze %dma_wait3A_215 : memref<1x128xi32, #tpu.memory_space<vmem>> -> memref<128xi32, #tpu.memory_space<vmem>>
      %dma_wait3A_217 = arith.constant 0 : i32
      %dma_wait3A_218 = arith.constant 0 : i32
      %dma_wait3A_219 = tpu.memref_slice %arg2[%dma_wait3A_217, %dma_wait3A_218] : memref<10240x128xf32, #tpu.memory_space<hbm>> -> memref<10240x128xf32, #tpu.memory_space<hbm>>
      tpu.wait_indirect_dma semaphore(%arg11 : memref<!tpu.dma_semaphore, #tpu.memory_space<semaphore_mem>>) src(%dma_wait3A_219 : memref<10240x128xf32, #tpu.memory_space<hbm>>) dst(%arg7 : memref<128x128xf32, #tpu.memory_space<vmem>>)
      %dma_start3A_220 = arith.constant 4 : i32
      %dma_start3A_221 = arith.constant 0 : i32
      %dma_start3A_222 = tpu.memref_slice %arg10[%dma_start3A_220, %dma_start3A_221] : memref<8x128xi32, #tpu.memory_space<vmem>> -> memref<1x128xi32, #tpu.memory_space<vmem>>
      %dma_start3A_223 = tpu.memref_squeeze %dma_start3A_222 : memref<1x128xi32, #tpu.memory_space<vmem>> -> memref<128xi32, #tpu.memory_space<vmem>>
      %dma_start3A_224 = arith.constant 0 : i32
      %dma_start3A_225 = arith.constant 0 : i32
      %dma_start3A_226 = tpu.memref_slice %arg6[%dma_start3A_224, %dma_start3A_225] : memref<10240x128xf32, #tpu.memory_space<vmem_shared>> -> memref<10240x128xf32, #tpu.memory_space<vmem_shared>>
      tpu.enqueue_indirect_dma source(%arg7 : memref<128x128xf32, #tpu.memory_space<vmem>>) target(%dma_start3A_226 : memref<10240x128xf32, #tpu.memory_space<vmem_shared>>) offsets(%dma_start3A_223 : memref<128xi32, #tpu.memory_space<vmem>>) semaphore(%arg13 : memref<!tpu.dma_semaphore, #tpu.memory_space<semaphore_mem>>) {add = true}
      %dma_wait3A_227 = arith.constant 5 : i32
      %dma_wait3A_228 = arith.constant 0 : i32
      %dma_wait3A_229 = tpu.memref_slice %arg9[%dma_wait3A_227, %dma_wait3A_228] : memref<8x128xi32, #tpu.memory_space<vmem>> -> memref<1x128xi32, #tpu.memory_space<vmem>>
      %dma_wait3A_230 = tpu.memref_squeeze %dma_wait3A_229 : memref<1x128xi32, #tpu.memory_space<vmem>> -> memref<128xi32, #tpu.memory_space<vmem>>
      %dma_wait3A_231 = arith.constant 0 : i32
      %dma_wait3A_232 = arith.constant 0 : i32
      %dma_wait3A_233 = tpu.memref_slice %arg2[%dma_wait3A_231, %dma_wait3A_232] : memref<10240x128xf32, #tpu.memory_space<hbm>> -> memref<10240x128xf32, #tpu.memory_space<hbm>>
      tpu.wait_indirect_dma semaphore(%arg12 : memref<!tpu.dma_semaphore, #tpu.memory_space<semaphore_mem>>) src(%dma_wait3A_233 : memref<10240x128xf32, #tpu.memory_space<hbm>>) dst(%arg8 : memref<128x128xf32, #tpu.memory_space<vmem>>)
      %dma_start3A_234 = arith.constant 5 : i32
      %dma_start3A_235 = arith.constant 0 : i32
      %dma_start3A_236 = tpu.memref_slice %arg10[%dma_start3A_234, %dma_start3A_235] : memref<8x128xi32, #tpu.memory_space<vmem>> -> memref<1x128xi32, #tpu.memory_space<vmem>>
      %dma_start3A_237 = tpu.memref_squeeze %dma_start3A_236 : memref<1x128xi32, #tpu.memory_space<vmem>> -> memref<128xi32, #tpu.memory_space<vmem>>
      %dma_start3A_238 = arith.constant 0 : i32
      %dma_start3A_239 = arith.constant 0 : i32
      %dma_start3A_240 = tpu.memref_slice %arg6[%dma_start3A_238, %dma_start3A_239] : memref<10240x128xf32, #tpu.memory_space<vmem_shared>> -> memref<10240x128xf32, #tpu.memory_space<vmem_shared>>
      tpu.enqueue_indirect_dma source(%arg8 : memref<128x128xf32, #tpu.memory_space<vmem>>) target(%dma_start3A_240 : memref<10240x128xf32, #tpu.memory_space<vmem_shared>>) offsets(%dma_start3A_237 : memref<128xi32, #tpu.memory_space<vmem>>) semaphore(%arg14 : memref<!tpu.dma_semaphore, #tpu.memory_space<semaphore_mem>>) {add = true}
      %dma_wait3A_241 = arith.constant 6 : i32
      %dma_wait3A_242 = arith.constant 0 : i32
      %dma_wait3A_243 = tpu.memref_slice %arg9[%dma_wait3A_241, %dma_wait3A_242] : memref<8x128xi32, #tpu.memory_space<vmem>> -> memref<1x128xi32, #tpu.memory_space<vmem>>
      %dma_wait3A_244 = tpu.memref_squeeze %dma_wait3A_243 : memref<1x128xi32, #tpu.memory_space<vmem>> -> memref<128xi32, #tpu.memory_space<vmem>>
      %dma_wait3A_245 = arith.constant 0 : i32
      %dma_wait3A_246 = arith.constant 0 : i32
      %dma_wait3A_247 = tpu.memref_slice %arg2[%dma_wait3A_245, %dma_wait3A_246] : memref<10240x128xf32, #tpu.memory_space<hbm>> -> memref<10240x128xf32, #tpu.memory_space<hbm>>
      tpu.wait_indirect_dma semaphore(%arg13 : memref<!tpu.dma_semaphore, #tpu.memory_space<semaphore_mem>>) src(%dma_wait3A_247 : memref<10240x128xf32, #tpu.memory_space<hbm>>) dst(%arg7 : memref<128x128xf32, #tpu.memory_space<vmem>>)
      %dma_wait3A_248 = arith.constant 7 : i32
      %dma_wait3A_249 = arith.constant 0 : i32
      %dma_wait3A_250 = tpu.memref_slice %arg9[%dma_wait3A_248, %dma_wait3A_249] : memref<8x128xi32, #tpu.memory_space<vmem>> -> memref<1x128xi32, #tpu.memory_space<vmem>>
      %dma_wait3A_251 = tpu.memref_squeeze %dma_wait3A_250 : memref<1x128xi32, #tpu.memory_space<vmem>> -> memref<128xi32, #tpu.memory_space<vmem>>
      %dma_wait3A_252 = arith.constant 0 : i32
      %dma_wait3A_253 = arith.constant 0 : i32
      %dma_wait3A_254 = tpu.memref_slice %arg2[%dma_wait3A_252, %dma_wait3A_253] : memref<10240x128xf32, #tpu.memory_space<hbm>> -> memref<10240x128xf32, #tpu.memory_space<hbm>>
      tpu.wait_indirect_dma semaphore(%arg14 : memref<!tpu.dma_semaphore, #tpu.memory_space<semaphore_mem>>) src(%dma_wait3A_254 : memref<10240x128xf32, #tpu.memory_space<hbm>>) dst(%arg8 : memref<128x128xf32, #tpu.memory_space<vmem>>)
      %dma_start3A_255 = arith.constant 6 : i32
      %dma_start3A_256 = arith.constant 0 : i32
      %dma_start3A_257 = tpu.memref_slice %arg9[%dma_start3A_255, %dma_start3A_256] : memref<8x128xi32, #tpu.memory_space<vmem>> -> memref<1x128xi32, #tpu.memory_space<vmem>>
      %dma_start3A_258 = tpu.memref_squeeze %dma_start3A_257 : memref<1x128xi32, #tpu.memory_space<vmem>> -> memref<128xi32, #tpu.memory_space<vmem>>
      %dma_start3A_259 = arith.constant 0 : i32
      %dma_start3A_260 = arith.constant 0 : i32
      %dma_start3A_261 = tpu.memref_slice %arg2[%dma_start3A_259, %dma_start3A_260] : memref<10240x128xf32, #tpu.memory_space<hbm>> -> memref<10240x128xf32, #tpu.memory_space<hbm>>
      tpu.enqueue_indirect_dma source(%dma_start3A_261 : memref<10240x128xf32, #tpu.memory_space<hbm>>) target(%arg7 : memref<128x128xf32, #tpu.memory_space<vmem>>) offsets(%dma_start3A_258 : memref<128xi32, #tpu.memory_space<vmem>>) semaphore(%arg11 : memref<!tpu.dma_semaphore, #tpu.memory_space<semaphore_mem>>)
      %dma_start3A_262 = arith.constant 7 : i32
      %dma_start3A_263 = arith.constant 0 : i32
      %dma_start3A_264 = tpu.memref_slice %arg9[%dma_start3A_262, %dma_start3A_263] : memref<8x128xi32, #tpu.memory_space<vmem>> -> memref<1x128xi32, #tpu.memory_space<vmem>>
      %dma_start3A_265 = tpu.memref_squeeze %dma_start3A_264 : memref<1x128xi32, #tpu.memory_space<vmem>> -> memref<128xi32, #tpu.memory_space<vmem>>
      %dma_start3A_266 = arith.constant 0 : i32
      %dma_start3A_267 = arith.constant 0 : i32
      %dma_start3A_268 = tpu.memref_slice %arg2[%dma_start3A_266, %dma_start3A_267] : memref<10240x128xf32, #tpu.memory_space<hbm>> -> memref<10240x128xf32, #tpu.memory_space<hbm>>
      tpu.enqueue_indirect_dma source(%dma_start3A_268 : memref<10240x128xf32, #tpu.memory_space<hbm>>) target(%arg8 : memref<128x128xf32, #tpu.memory_space<vmem>>) offsets(%dma_start3A_265 : memref<128xi32, #tpu.memory_space<vmem>>) semaphore(%arg12 : memref<!tpu.dma_semaphore, #tpu.memory_space<semaphore_mem>>)
      %dma_wait3A_269 = arith.constant 6 : i32
      %dma_wait3A_270 = arith.constant 0 : i32
      %dma_wait3A_271 = tpu.memref_slice %arg9[%dma_wait3A_269, %dma_wait3A_270] : memref<8x128xi32, #tpu.memory_space<vmem>> -> memref<1x128xi32, #tpu.memory_space<vmem>>
      %dma_wait3A_272 = tpu.memref_squeeze %dma_wait3A_271 : memref<1x128xi32, #tpu.memory_space<vmem>> -> memref<128xi32, #tpu.memory_space<vmem>>
      %dma_wait3A_273 = arith.constant 0 : i32
      %dma_wait3A_274 = arith.constant 0 : i32
      %dma_wait3A_275 = tpu.memref_slice %arg2[%dma_wait3A_273, %dma_wait3A_274] : memref<10240x128xf32, #tpu.memory_space<hbm>> -> memref<10240x128xf32, #tpu.memory_space<hbm>>
      tpu.wait_indirect_dma semaphore(%arg11 : memref<!tpu.dma_semaphore, #tpu.memory_space<semaphore_mem>>) src(%dma_wait3A_275 : memref<10240x128xf32, #tpu.memory_space<hbm>>) dst(%arg7 : memref<128x128xf32, #tpu.memory_space<vmem>>)
      %dma_start3A_276 = arith.constant 6 : i32
      %dma_start3A_277 = arith.constant 0 : i32
      %dma_start3A_278 = tpu.memref_slice %arg10[%dma_start3A_276, %dma_start3A_277] : memref<8x128xi32, #tpu.memory_space<vmem>> -> memref<1x128xi32, #tpu.memory_space<vmem>>
      %dma_start3A_279 = tpu.memref_squeeze %dma_start3A_278 : memref<1x128xi32, #tpu.memory_space<vmem>> -> memref<128xi32, #tpu.memory_space<vmem>>
      %dma_start3A_280 = arith.constant 0 : i32
      %dma_start3A_281 = arith.constant 0 : i32
      %dma_start3A_282 = tpu.memref_slice %arg6[%dma_start3A_280, %dma_start3A_281] : memref<10240x128xf32, #tpu.memory_space<vmem_shared>> -> memref<10240x128xf32, #tpu.memory_space<vmem_shared>>
      tpu.enqueue_indirect_dma source(%arg7 : memref<128x128xf32, #tpu.memory_space<vmem>>) target(%dma_start3A_282 : memref<10240x128xf32, #tpu.memory_space<vmem_shared>>) offsets(%dma_start3A_279 : memref<128xi32, #tpu.memory_space<vmem>>) semaphore(%arg13 : memref<!tpu.dma_semaphore, #tpu.memory_space<semaphore_mem>>) {add = true}
      %dma_wait3A_283 = arith.constant 7 : i32
      %dma_wait3A_284 = arith.constant 0 : i32
      %dma_wait3A_285 = tpu.memref_slice %arg9[%dma_wait3A_283, %dma_wait3A_284] : memref<8x128xi32, #tpu.memory_space<vmem>> -> memref<1x128xi32, #tpu.memory_space<vmem>>
      %dma_wait3A_286 = tpu.memref_squeeze %dma_wait3A_285 : memref<1x128xi32, #tpu.memory_space<vmem>> -> memref<128xi32, #tpu.memory_space<vmem>>
      %dma_wait3A_287 = arith.constant 0 : i32
      %dma_wait3A_288 = arith.constant 0 : i32
      %dma_wait3A_289 = tpu.memref_slice %arg2[%dma_wait3A_287, %dma_wait3A_288] : memref<10240x128xf32, #tpu.memory_space<hbm>> -> memref<10240x128xf32, #tpu.memory_space<hbm>>
      tpu.wait_indirect_dma semaphore(%arg12 : memref<!tpu.dma_semaphore, #tpu.memory_space<semaphore_mem>>) src(%dma_wait3A_289 : memref<10240x128xf32, #tpu.memory_space<hbm>>) dst(%arg8 : memref<128x128xf32, #tpu.memory_space<vmem>>)
      %dma_start3A_290 = arith.constant 7 : i32
      %dma_start3A_291 = arith.constant 0 : i32
      %dma_start3A_292 = tpu.memref_slice %arg10[%dma_start3A_290, %dma_start3A_291] : memref<8x128xi32, #tpu.memory_space<vmem>> -> memref<1x128xi32, #tpu.memory_space<vmem>>
      %dma_start3A_293 = tpu.memref_squeeze %dma_start3A_292 : memref<1x128xi32, #tpu.memory_space<vmem>> -> memref<128xi32, #tpu.memory_space<vmem>>
      %dma_start3A_294 = arith.constant 0 : i32
      %dma_start3A_295 = arith.constant 0 : i32
      %dma_start3A_296 = tpu.memref_slice %arg6[%dma_start3A_294, %dma_start3A_295] : memref<10240x128xf32, #tpu.memory_space<vmem_shared>> -> memref<10240x128xf32, #tpu.memory_space<vmem_shared>>
      tpu.enqueue_indirect_dma source(%arg8 : memref<128x128xf32, #tpu.memory_space<vmem>>) target(%dma_start3A_296 : memref<10240x128xf32, #tpu.memory_space<vmem_shared>>) offsets(%dma_start3A_293 : memref<128xi32, #tpu.memory_space<vmem>>) semaphore(%arg14 : memref<!tpu.dma_semaphore, #tpu.memory_space<semaphore_mem>>) {add = true}
      %while3A_297 = arith.constant 0 : i32
      scf.yield %while3A_297 : i32
    }
    %gt3A = arith.constant 0 : i32
    %gt3A_56 = arith.cmpi sgt, %select_n3A, %gt3A : i32
    %convert_element_type3A = arith.extui %gt3A_56 : i1 to i32
    %cond3A = arith.constant 0 : i32
    %cond3A_57 = arith.cmpi ne, %convert_element_type3A, %cond3A : i32
    scf.if %cond3A_57 {
      %dma_wait3A = arith.constant 0 : i32
      %dma_wait3A_79 = arith.constant 0 : i32
      %dma_wait3A_80 = tpu.memref_slice %arg9[%dma_wait3A, %dma_wait3A_79] : memref<8x128xi32, #tpu.memory_space<vmem>> -> memref<1x128xi32, #tpu.memory_space<vmem>>
      %dma_wait3A_81 = tpu.memref_squeeze %dma_wait3A_80 : memref<1x128xi32, #tpu.memory_space<vmem>> -> memref<128xi32, #tpu.memory_space<vmem>>
      %dma_wait3A_82 = arith.constant 0 : i32
      %dma_wait3A_83 = arith.constant 0 : i32
      %dma_wait3A_84 = tpu.memref_slice %arg2[%dma_wait3A_82, %dma_wait3A_83] : memref<10240x128xf32, #tpu.memory_space<hbm>> -> memref<10240x128xf32, #tpu.memory_space<hbm>>
      tpu.wait_indirect_dma semaphore(%arg13 : memref<!tpu.dma_semaphore, #tpu.memory_space<semaphore_mem>>) src(%dma_wait3A_84 : memref<10240x128xf32, #tpu.memory_space<hbm>>) dst(%arg7 : memref<128x128xf32, #tpu.memory_space<vmem>>)
      %dma_wait3A_85 = arith.constant 0 : i32
      %dma_wait3A_86 = arith.constant 0 : i32
      %dma_wait3A_87 = tpu.memref_slice %arg9[%dma_wait3A_85, %dma_wait3A_86] : memref<8x128xi32, #tpu.memory_space<vmem>> -> memref<1x128xi32, #tpu.memory_space<vmem>>
      %dma_wait3A_88 = tpu.memref_squeeze %dma_wait3A_87 : memref<1x128xi32, #tpu.memory_space<vmem>> -> memref<128xi32, #tpu.memory_space<vmem>>
      %dma_wait3A_89 = arith.constant 0 : i32
      %dma_wait3A_90 = arith.constant 0 : i32
      %dma_wait3A_91 = tpu.memref_slice %arg2[%dma_wait3A_89, %dma_wait3A_90] : memref<10240x128xf32, #tpu.memory_space<hbm>> -> memref<10240x128xf32, #tpu.memory_space<hbm>>
      tpu.wait_indirect_dma semaphore(%arg14 : memref<!tpu.dma_semaphore, #tpu.memory_space<semaphore_mem>>) src(%dma_wait3A_91 : memref<10240x128xf32, #tpu.memory_space<hbm>>) dst(%arg8 : memref<128x128xf32, #tpu.memory_space<vmem>>)
    } else {
    }
    %barrier3A_58 = arith.constant 0 : index
    tpu.barrier barrier_id(%barrier3A_58)
    %add3A_59 = arith.constant 0 : i32
    %add3A_60 = arith.addi %mul3A_16, %add3A_59 : i32
    "tpu.region"() ({
      %run_scoped3A = tpu.sem_alloc : memref<!tpu.dma_semaphore, #tpu.memory_space<semaphore_mem>>
      %dma_start3A = arith.constant 0 : i32
      %dma_start3A_79 = tpu.memref_slice %arg6[%add3A_60, %dma_start3A] : memref<10240x128xf32, #tpu.memory_space<vmem_shared>> -> memref<128x128xf32, #tpu.memory_space<vmem_shared>>
      %dma_start3A_80 = arith.constant 0 : i32
      %dma_start3A_81 = tpu.memref_slice %arg6[%add3A_60, %dma_start3A_80] : memref<10240x128xf32, #tpu.memory_space<vmem_shared>> -> memref<128x128xf32, #tpu.memory_space<vmem_shared>>
      tpu.enqueue_dma source(%dma_start3A_81 : memref<128x128xf32, #tpu.memory_space<vmem_shared>>) target(%arg7 : memref<128x128xf32, #tpu.memory_space<vmem>>) target_semaphore(%run_scoped3A : memref<!tpu.dma_semaphore, #tpu.memory_space<semaphore_mem>>)
      %dma_wait3A = arith.constant 0 : i32
      %dma_wait3A_82 = tpu.memref_slice %arg6[%add3A_60, %dma_wait3A] : memref<10240x128xf32, #tpu.memory_space<vmem_shared>> -> memref<128x128xf32, #tpu.memory_space<vmem_shared>>
      %dma_wait3A_83 = arith.constant 0 : i32
      %dma_wait3A_84 = tpu.memref_slice %arg6[%add3A_60, %dma_wait3A_83] : memref<10240x128xf32, #tpu.memory_space<vmem_shared>> -> memref<128x128xf32, #tpu.memory_space<vmem_shared>>
      tpu.wait_dma2 semaphore(%run_scoped3A : memref<!tpu.dma_semaphore, #tpu.memory_space<semaphore_mem>>) src(%dma_wait3A_84 : memref<128x128xf32, #tpu.memory_space<vmem_shared>>) dst(%arg7 : memref<128x128xf32, #tpu.memory_space<vmem>>)
      tpu.yield
    }) : () -> ()
    %add3A_61 = arith.constant 0 : i32
    %add3A_62 = arith.addi %mul3A_16, %add3A_61 : i32
    "tpu.region"() ({
      %run_scoped3A = tpu.sem_alloc : memref<!tpu.dma_semaphore, #tpu.memory_space<semaphore_mem>>
      %dma_start3A = arith.constant 0 : i32
      %dma_start3A_79 = arith.constant 0 : i32
      %dma_start3A_80 = tpu.memref_slice %arg5[%arg0, %dma_start3A, %dma_start3A_79] : memref<2x10240x128xf32, #tpu.memory_space<hbm>> -> memref<1x10240x128xf32, #tpu.memory_space<hbm>>
      %dma_start3A_81 = tpu.memref_squeeze %dma_start3A_80 : memref<1x10240x128xf32, #tpu.memory_space<hbm>> -> memref<10240x128xf32, #tpu.memory_space<hbm>>
      %dma_start3A_82 = arith.constant 0 : i32
      %dma_start3A_83 = tpu.memref_slice %dma_start3A_81[%add3A_62, %dma_start3A_82] : memref<10240x128xf32, #tpu.memory_space<hbm>> -> memref<128x128xf32, #tpu.memory_space<hbm>>
      %dma_start3A_84 = arith.constant 0 : i32
      %dma_start3A_85 = arith.constant 0 : i32
      %dma_start3A_86 = tpu.memref_slice %arg5[%arg0, %dma_start3A_84, %dma_start3A_85] : memref<2x10240x128xf32, #tpu.memory_space<hbm>> -> memref<1x10240x128xf32, #tpu.memory_space<hbm>>
      %dma_start3A_87 = tpu.memref_squeeze %dma_start3A_86 : memref<1x10240x128xf32, #tpu.memory_space<hbm>> -> memref<10240x128xf32, #tpu.memory_space<hbm>>
      %dma_start3A_88 = arith.constant 0 : i32
      %dma_start3A_89 = tpu.memref_slice %dma_start3A_87[%add3A_62, %dma_start3A_88] : memref<10240x128xf32, #tpu.memory_space<hbm>> -> memref<128x128xf32, #tpu.memory_space<hbm>>
      tpu.enqueue_dma source(%arg7 : memref<128x128xf32, #tpu.memory_space<vmem>>) target(%dma_start3A_89 : memref<128x128xf32, #tpu.memory_space<hbm>>) target_semaphore(%run_scoped3A : memref<!tpu.dma_semaphore, #tpu.memory_space<semaphore_mem>>)
      %dma_wait3A = arith.constant 0 : i32
      %dma_wait3A_90 = arith.constant 0 : i32
      %dma_wait3A_91 = tpu.memref_slice %arg5[%arg0, %dma_wait3A, %dma_wait3A_90] : memref<2x10240x128xf32, #tpu.memory_space<hbm>> -> memref<1x10240x128xf32, #tpu.memory_space<hbm>>
      %dma_wait3A_92 = tpu.memref_squeeze %dma_wait3A_91 : memref<1x10240x128xf32, #tpu.memory_space<hbm>> -> memref<10240x128xf32, #tpu.memory_space<hbm>>
      %dma_wait3A_93 = arith.constant 0 : i32
      %dma_wait3A_94 = tpu.memref_slice %dma_wait3A_92[%add3A_62, %dma_wait3A_93] : memref<10240x128xf32, #tpu.memory_space<hbm>> -> memref<128x128xf32, #tpu.memory_space<hbm>>
      %dma_wait3A_95 = arith.constant 0 : i32
      %dma_wait3A_96 = arith.constant 0 : i32
      %dma_wait3A_97 = tpu.memref_slice %arg5[%arg0, %dma_wait3A_95, %dma_wait3A_96] : memref<2x10240x128xf32, #tpu.memory_space<hbm>> -> memref<1x10240x128xf32, #tpu.memory_space<hbm>>
      %dma_wait3A_98 = tpu.memref_squeeze %dma_wait3A_97 : memref<1x10240x128xf32, #tpu.memory_space<hbm>> -> memref<10240x128xf32, #tpu.memory_space<hbm>>
      %dma_wait3A_99 = arith.constant 0 : i32
      %dma_wait3A_100 = tpu.memref_slice %dma_wait3A_98[%add3A_62, %dma_wait3A_99] : memref<10240x128xf32, #tpu.memory_space<hbm>> -> memref<128x128xf32, #tpu.memory_space<hbm>>
      tpu.wait_dma2 semaphore(%run_scoped3A : memref<!tpu.dma_semaphore, #tpu.memory_space<semaphore_mem>>) src(%arg7 : memref<128x128xf32, #tpu.memory_space<vmem>>) dst(%dma_wait3A_100 : memref<128x128xf32, #tpu.memory_space<hbm>>)
      tpu.yield
    }) : () -> ()
    %add3A_63 = arith.constant 128 : i32
    %add3A_64 = arith.addi %mul3A_16, %add3A_63 : i32
    "tpu.region"() ({
      %run_scoped3A = tpu.sem_alloc : memref<!tpu.dma_semaphore, #tpu.memory_space<semaphore_mem>>
      %dma_start3A = arith.constant 0 : i32
      %dma_start3A_79 = tpu.memref_slice %arg6[%add3A_64, %dma_start3A] : memref<10240x128xf32, #tpu.memory_space<vmem_shared>> -> memref<128x128xf32, #tpu.memory_space<vmem_shared>>
      %dma_start3A_80 = arith.constant 0 : i32
      %dma_start3A_81 = tpu.memref_slice %arg6[%add3A_64, %dma_start3A_80] : memref<10240x128xf32, #tpu.memory_space<vmem_shared>> -> memref<128x128xf32, #tpu.memory_space<vmem_shared>>
      tpu.enqueue_dma source(%dma_start3A_81 : memref<128x128xf32, #tpu.memory_space<vmem_shared>>) target(%arg7 : memref<128x128xf32, #tpu.memory_space<vmem>>) target_semaphore(%run_scoped3A : memref<!tpu.dma_semaphore, #tpu.memory_space<semaphore_mem>>)
      %dma_wait3A = arith.constant 0 : i32
      %dma_wait3A_82 = tpu.memref_slice %arg6[%add3A_64, %dma_wait3A] : memref<10240x128xf32, #tpu.memory_space<vmem_shared>> -> memref<128x128xf32, #tpu.memory_space<vmem_shared>>
      %dma_wait3A_83 = arith.constant 0 : i32
      %dma_wait3A_84 = tpu.memref_slice %arg6[%add3A_64, %dma_wait3A_83] : memref<10240x128xf32, #tpu.memory_space<vmem_shared>> -> memref<128x128xf32, #tpu.memory_space<vmem_shared>>
      tpu.wait_dma2 semaphore(%run_scoped3A : memref<!tpu.dma_semaphore, #tpu.memory_space<semaphore_mem>>) src(%dma_wait3A_84 : memref<128x128xf32, #tpu.memory_space<vmem_shared>>) dst(%arg7 : memref<128x128xf32, #tpu.memory_space<vmem>>)
      tpu.yield
    }) : () -> ()
    %add3A_65 = arith.constant 128 : i32
    %add3A_66 = arith.addi %mul3A_16, %add3A_65 : i32
    "tpu.region"() ({
      %run_scoped3A = tpu.sem_alloc : memref<!tpu.dma_semaphore, #tpu.memory_space<semaphore_mem>>
      %dma_start3A = arith.constant 0 : i32
      %dma_start3A_79 = arith.constant 0 : i32
      %dma_start3A_80 = tpu.memref_slice %arg5[%arg0, %dma_start3A, %dma_start3A_79] : memref<2x10240x128xf32, #tpu.memory_space<hbm>> -> memref<1x10240x128xf32, #tpu.memory_space<hbm>>
      %dma_start3A_81 = tpu.memref_squeeze %dma_start3A_80 : memref<1x10240x128xf32, #tpu.memory_space<hbm>> -> memref<10240x128xf32, #tpu.memory_space<hbm>>
      %dma_start3A_82 = arith.constant 0 : i32
      %dma_start3A_83 = tpu.memref_slice %dma_start3A_81[%add3A_66, %dma_start3A_82] : memref<10240x128xf32, #tpu.memory_space<hbm>> -> memref<128x128xf32, #tpu.memory_space<hbm>>
      %dma_start3A_84 = arith.constant 0 : i32
      %dma_start3A_85 = arith.constant 0 : i32
      %dma_start3A_86 = tpu.memref_slice %arg5[%arg0, %dma_start3A_84, %dma_start3A_85] : memref<2x10240x128xf32, #tpu.memory_space<hbm>> -> memref<1x10240x128xf32, #tpu.memory_space<hbm>>
      %dma_start3A_87 = tpu.memref_squeeze %dma_start3A_86 : memref<1x10240x128xf32, #tpu.memory_space<hbm>> -> memref<10240x128xf32, #tpu.memory_space<hbm>>
      %dma_start3A_88 = arith.constant 0 : i32
      %dma_start3A_89 = tpu.memref_slice %dma_start3A_87[%add3A_66, %dma_start3A_88] : memref<10240x128xf32, #tpu.memory_space<hbm>> -> memref<128x128xf32, #tpu.memory_space<hbm>>
      tpu.enqueue_dma source(%arg7 : memref<128x128xf32, #tpu.memory_space<vmem>>) target(%dma_start3A_89 : memref<128x128xf32, #tpu.memory_space<hbm>>) target_semaphore(%run_scoped3A : memref<!tpu.dma_semaphore, #tpu.memory_space<semaphore_mem>>)
      %dma_wait3A = arith.constant 0 : i32
      %dma_wait3A_90 = arith.constant 0 : i32
      %dma_wait3A_91 = tpu.memref_slice %arg5[%arg0, %dma_wait3A, %dma_wait3A_90] : memref<2x10240x128xf32, #tpu.memory_space<hbm>> -> memref<1x10240x128xf32, #tpu.memory_space<hbm>>
      %dma_wait3A_92 = tpu.memref_squeeze %dma_wait3A_91 : memref<1x10240x128xf32, #tpu.memory_space<hbm>> -> memref<10240x128xf32, #tpu.memory_space<hbm>>
      %dma_wait3A_93 = arith.constant 0 : i32
      %dma_wait3A_94 = tpu.memref_slice %dma_wait3A_92[%add3A_66, %dma_wait3A_93] : memref<10240x128xf32, #tpu.memory_space<hbm>> -> memref<128x128xf32, #tpu.memory_space<hbm>>
      %dma_wait3A_95 = arith.constant 0 : i32
      %dma_wait3A_96 = arith.constant 0 : i32
      %dma_wait3A_97 = tpu.memref_slice %arg5[%arg0, %dma_wait3A_95, %dma_wait3A_96] : memref<2x10240x128xf32, #tpu.memory_space<hbm>> -> memref<1x10240x128xf32, #tpu.memory_space<hbm>>
      %dma_wait3A_98 = tpu.memref_squeeze %dma_wait3A_97 : memref<1x10240x128xf32, #tpu.memory_space<hbm>> -> memref<10240x128xf32, #tpu.memory_space<hbm>>
      %dma_wait3A_99 = arith.constant 0 : i32
      %dma_wait3A_100 = tpu.memref_slice %dma_wait3A_98[%add3A_66, %dma_wait3A_99] : memref<10240x128xf32, #tpu.memory_space<hbm>> -> memref<128x128xf32, #tpu.memory_space<hbm>>
      tpu.wait_dma2 semaphore(%run_scoped3A : memref<!tpu.dma_semaphore, #tpu.memory_space<semaphore_mem>>) src(%arg7 : memref<128x128xf32, #tpu.memory_space<vmem>>) dst(%dma_wait3A_100 : memref<128x128xf32, #tpu.memory_space<hbm>>)
      tpu.yield
    }) : () -> ()
    %add3A_67 = arith.constant 256 : i32
    %add3A_68 = arith.addi %mul3A_16, %add3A_67 : i32
    "tpu.region"() ({
      %run_scoped3A = tpu.sem_alloc : memref<!tpu.dma_semaphore, #tpu.memory_space<semaphore_mem>>
      %dma_start3A = arith.constant 0 : i32
      %dma_start3A_79 = tpu.memref_slice %arg6[%add3A_68, %dma_start3A] : memref<10240x128xf32, #tpu.memory_space<vmem_shared>> -> memref<128x128xf32, #tpu.memory_space<vmem_shared>>
      %dma_start3A_80 = arith.constant 0 : i32
      %dma_start3A_81 = tpu.memref_slice %arg6[%add3A_68, %dma_start3A_80] : memref<10240x128xf32, #tpu.memory_space<vmem_shared>> -> memref<128x128xf32, #tpu.memory_space<vmem_shared>>
      tpu.enqueue_dma source(%dma_start3A_81 : memref<128x128xf32, #tpu.memory_space<vmem_shared>>) target(%arg7 : memref<128x128xf32, #tpu.memory_space<vmem>>) target_semaphore(%run_scoped3A : memref<!tpu.dma_semaphore, #tpu.memory_space<semaphore_mem>>)
      %dma_wait3A = arith.constant 0 : i32
      %dma_wait3A_82 = tpu.memref_slice %arg6[%add3A_68, %dma_wait3A] : memref<10240x128xf32, #tpu.memory_space<vmem_shared>> -> memref<128x128xf32, #tpu.memory_space<vmem_shared>>
      %dma_wait3A_83 = arith.constant 0 : i32
      %dma_wait3A_84 = tpu.memref_slice %arg6[%add3A_68, %dma_wait3A_83] : memref<10240x128xf32, #tpu.memory_space<vmem_shared>> -> memref<128x128xf32, #tpu.memory_space<vmem_shared>>
      tpu.wait_dma2 semaphore(%run_scoped3A : memref<!tpu.dma_semaphore, #tpu.memory_space<semaphore_mem>>) src(%dma_wait3A_84 : memref<128x128xf32, #tpu.memory_space<vmem_shared>>) dst(%arg7 : memref<128x128xf32, #tpu.memory_space<vmem>>)
      tpu.yield
    }) : () -> ()
    %add3A_69 = arith.constant 256 : i32
    %add3A_70 = arith.addi %mul3A_16, %add3A_69 : i32
    "tpu.region"() ({
      %run_scoped3A = tpu.sem_alloc : memref<!tpu.dma_semaphore, #tpu.memory_space<semaphore_mem>>
      %dma_start3A = arith.constant 0 : i32
      %dma_start3A_79 = arith.constant 0 : i32
      %dma_start3A_80 = tpu.memref_slice %arg5[%arg0, %dma_start3A, %dma_start3A_79] : memref<2x10240x128xf32, #tpu.memory_space<hbm>> -> memref<1x10240x128xf32, #tpu.memory_space<hbm>>
      %dma_start3A_81 = tpu.memref_squeeze %dma_start3A_80 : memref<1x10240x128xf32, #tpu.memory_space<hbm>> -> memref<10240x128xf32, #tpu.memory_space<hbm>>
      %dma_start3A_82 = arith.constant 0 : i32
      %dma_start3A_83 = tpu.memref_slice %dma_start3A_81[%add3A_70, %dma_start3A_82] : memref<10240x128xf32, #tpu.memory_space<hbm>> -> memref<128x128xf32, #tpu.memory_space<hbm>>
      %dma_start3A_84 = arith.constant 0 : i32
      %dma_start3A_85 = arith.constant 0 : i32
      %dma_start3A_86 = tpu.memref_slice %arg5[%arg0, %dma_start3A_84, %dma_start3A_85] : memref<2x10240x128xf32, #tpu.memory_space<hbm>> -> memref<1x10240x128xf32, #tpu.memory_space<hbm>>
      %dma_start3A_87 = tpu.memref_squeeze %dma_start3A_86 : memref<1x10240x128xf32, #tpu.memory_space<hbm>> -> memref<10240x128xf32, #tpu.memory_space<hbm>>
      %dma_start3A_88 = arith.constant 0 : i32
      %dma_start3A_89 = tpu.memref_slice %dma_start3A_87[%add3A_70, %dma_start3A_88] : memref<10240x128xf32, #tpu.memory_space<hbm>> -> memref<128x128xf32, #tpu.memory_space<hbm>>
      tpu.enqueue_dma source(%arg7 : memref<128x128xf32, #tpu.memory_space<vmem>>) target(%dma_start3A_89 : memref<128x128xf32, #tpu.memory_space<hbm>>) target_semaphore(%run_scoped3A : memref<!tpu.dma_semaphore, #tpu.memory_space<semaphore_mem>>)
      %dma_wait3A = arith.constant 0 : i32
      %dma_wait3A_90 = arith.constant 0 : i32
      %dma_wait3A_91 = tpu.memref_slice %arg5[%arg0, %dma_wait3A, %dma_wait3A_90] : memref<2x10240x128xf32, #tpu.memory_space<hbm>> -> memref<1x10240x128xf32, #tpu.memory_space<hbm>>
      %dma_wait3A_92 = tpu.memref_squeeze %dma_wait3A_91 : memref<1x10240x128xf32, #tpu.memory_space<hbm>> -> memref<10240x128xf32, #tpu.memory_space<hbm>>
      %dma_wait3A_93 = arith.constant 0 : i32
      %dma_wait3A_94 = tpu.memref_slice %dma_wait3A_92[%add3A_70, %dma_wait3A_93] : memref<10240x128xf32, #tpu.memory_space<hbm>> -> memref<128x128xf32, #tpu.memory_space<hbm>>
      %dma_wait3A_95 = arith.constant 0 : i32
      %dma_wait3A_96 = arith.constant 0 : i32
      %dma_wait3A_97 = tpu.memref_slice %arg5[%arg0, %dma_wait3A_95, %dma_wait3A_96] : memref<2x10240x128xf32, #tpu.memory_space<hbm>> -> memref<1x10240x128xf32, #tpu.memory_space<hbm>>
      %dma_wait3A_98 = tpu.memref_squeeze %dma_wait3A_97 : memref<1x10240x128xf32, #tpu.memory_space<hbm>> -> memref<10240x128xf32, #tpu.memory_space<hbm>>
      %dma_wait3A_99 = arith.constant 0 : i32
      %dma_wait3A_100 = tpu.memref_slice %dma_wait3A_98[%add3A_70, %dma_wait3A_99] : memref<10240x128xf32, #tpu.memory_space<hbm>> -> memref<128x128xf32, #tpu.memory_space<hbm>>
      tpu.wait_dma2 semaphore(%run_scoped3A : memref<!tpu.dma_semaphore, #tpu.memory_space<semaphore_mem>>) src(%arg7 : memref<128x128xf32, #tpu.memory_space<vmem>>) dst(%dma_wait3A_100 : memref<128x128xf32, #tpu.memory_space<hbm>>)
      tpu.yield
    }) : () -> ()
    %add3A_71 = arith.constant 384 : i32
    %add3A_72 = arith.addi %mul3A_16, %add3A_71 : i32
    "tpu.region"() ({
      %run_scoped3A = tpu.sem_alloc : memref<!tpu.dma_semaphore, #tpu.memory_space<semaphore_mem>>
      %dma_start3A = arith.constant 0 : i32
      %dma_start3A_79 = tpu.memref_slice %arg6[%add3A_72, %dma_start3A] : memref<10240x128xf32, #tpu.memory_space<vmem_shared>> -> memref<128x128xf32, #tpu.memory_space<vmem_shared>>
      %dma_start3A_80 = arith.constant 0 : i32
      %dma_start3A_81 = tpu.memref_slice %arg6[%add3A_72, %dma_start3A_80] : memref<10240x128xf32, #tpu.memory_space<vmem_shared>> -> memref<128x128xf32, #tpu.memory_space<vmem_shared>>
      tpu.enqueue_dma source(%dma_start3A_81 : memref<128x128xf32, #tpu.memory_space<vmem_shared>>) target(%arg7 : memref<128x128xf32, #tpu.memory_space<vmem>>) target_semaphore(%run_scoped3A : memref<!tpu.dma_semaphore, #tpu.memory_space<semaphore_mem>>)
      %dma_wait3A = arith.constant 0 : i32
      %dma_wait3A_82 = tpu.memref_slice %arg6[%add3A_72, %dma_wait3A] : memref<10240x128xf32, #tpu.memory_space<vmem_shared>> -> memref<128x128xf32, #tpu.memory_space<vmem_shared>>
      %dma_wait3A_83 = arith.constant 0 : i32
      %dma_wait3A_84 = tpu.memref_slice %arg6[%add3A_72, %dma_wait3A_83] : memref<10240x128xf32, #tpu.memory_space<vmem_shared>> -> memref<128x128xf32, #tpu.memory_space<vmem_shared>>
      tpu.wait_dma2 semaphore(%run_scoped3A : memref<!tpu.dma_semaphore, #tpu.memory_space<semaphore_mem>>) src(%dma_wait3A_84 : memref<128x128xf32, #tpu.memory_space<vmem_shared>>) dst(%arg7 : memref<128x128xf32, #tpu.memory_space<vmem>>)
      tpu.yield
    }) : () -> ()
    %add3A_73 = arith.constant 384 : i32
    %add3A_74 = arith.addi %mul3A_16, %add3A_73 : i32
    "tpu.region"() ({
      %run_scoped3A = tpu.sem_alloc : memref<!tpu.dma_semaphore, #tpu.memory_space<semaphore_mem>>
      %dma_start3A = arith.constant 0 : i32
      %dma_start3A_79 = arith.constant 0 : i32
      %dma_start3A_80 = tpu.memref_slice %arg5[%arg0, %dma_start3A, %dma_start3A_79] : memref<2x10240x128xf32, #tpu.memory_space<hbm>> -> memref<1x10240x128xf32, #tpu.memory_space<hbm>>
      %dma_start3A_81 = tpu.memref_squeeze %dma_start3A_80 : memref<1x10240x128xf32, #tpu.memory_space<hbm>> -> memref<10240x128xf32, #tpu.memory_space<hbm>>
      %dma_start3A_82 = arith.constant 0 : i32
      %dma_start3A_83 = tpu.memref_slice %dma_start3A_81[%add3A_74, %dma_start3A_82] : memref<10240x128xf32, #tpu.memory_space<hbm>> -> memref<128x128xf32, #tpu.memory_space<hbm>>
      %dma_start3A_84 = arith.constant 0 : i32
      %dma_start3A_85 = arith.constant 0 : i32
      %dma_start3A_86 = tpu.memref_slice %arg5[%arg0, %dma_start3A_84, %dma_start3A_85] : memref<2x10240x128xf32, #tpu.memory_space<hbm>> -> memref<1x10240x128xf32, #tpu.memory_space<hbm>>
      %dma_start3A_87 = tpu.memref_squeeze %dma_start3A_86 : memref<1x10240x128xf32, #tpu.memory_space<hbm>> -> memref<10240x128xf32, #tpu.memory_space<hbm>>
      %dma_start3A_88 = arith.constant 0 : i32
      %dma_start3A_89 = tpu.memref_slice %dma_start3A_87[%add3A_74, %dma_start3A_88] : memref<10240x128xf32, #tpu.memory_space<hbm>> -> memref<128x128xf32, #tpu.memory_space<hbm>>
      tpu.enqueue_dma source(%arg7 : memref<128x128xf32, #tpu.memory_space<vmem>>) target(%dma_start3A_89 : memref<128x128xf32, #tpu.memory_space<hbm>>) target_semaphore(%run_scoped3A : memref<!tpu.dma_semaphore, #tpu.memory_space<semaphore_mem>>)
      %dma_wait3A = arith.constant 0 : i32
      %dma_wait3A_90 = arith.constant 0 : i32
      %dma_wait3A_91 = tpu.memref_slice %arg5[%arg0, %dma_wait3A, %dma_wait3A_90] : memref<2x10240x128xf32, #tpu.memory_space<hbm>> -> memref<1x10240x128xf32, #tpu.memory_space<hbm>>
      %dma_wait3A_92 = tpu.memref_squeeze %dma_wait3A_91 : memref<1x10240x128xf32, #tpu.memory_space<hbm>> -> memref<10240x128xf32, #tpu.memory_space<hbm>>
      %dma_wait3A_93 = arith.constant 0 : i32
      %dma_wait3A_94 = tpu.memref_slice %dma_wait3A_92[%add3A_74, %dma_wait3A_93] : memref<10240x128xf32, #tpu.memory_space<hbm>> -> memref<128x128xf32, #tpu.memory_space<hbm>>
      %dma_wait3A_95 = arith.constant 0 : i32
      %dma_wait3A_96 = arith.constant 0 : i32
      %dma_wait3A_97 = tpu.memref_slice %arg5[%arg0, %dma_wait3A_95, %dma_wait3A_96] : memref<2x10240x128xf32, #tpu.memory_space<hbm>> -> memref<1x10240x128xf32, #tpu.memory_space<hbm>>
      %dma_wait3A_98 = tpu.memref_squeeze %dma_wait3A_97 : memref<1x10240x128xf32, #tpu.memory_space<hbm>> -> memref<10240x128xf32, #tpu.memory_space<hbm>>
      %dma_wait3A_99 = arith.constant 0 : i32
      %dma_wait3A_100 = tpu.memref_slice %dma_wait3A_98[%add3A_74, %dma_wait3A_99] : memref<10240x128xf32, #tpu.memory_space<hbm>> -> memref<128x128xf32, #tpu.memory_space<hbm>>
      tpu.wait_dma2 semaphore(%run_scoped3A : memref<!tpu.dma_semaphore, #tpu.memory_space<semaphore_mem>>) src(%arg7 : memref<128x128xf32, #tpu.memory_space<vmem>>) dst(%dma_wait3A_100 : memref<128x128xf32, #tpu.memory_space<hbm>>)
      tpu.yield
    }) : () -> ()
    %add3A_75 = arith.constant 512 : i32
    %add3A_76 = arith.addi %mul3A_16, %add3A_75 : i32
    "tpu.region"() ({
      %run_scoped3A = tpu.sem_alloc : memref<!tpu.dma_semaphore, #tpu.memory_space<semaphore_mem>>
      %dma_start3A = arith.constant 0 : i32
      %dma_start3A_79 = tpu.memref_slice %arg6[%add3A_76, %dma_start3A] : memref<10240x128xf32, #tpu.memory_space<vmem_shared>> -> memref<128x128xf32, #tpu.memory_space<vmem_shared>>
      %dma_start3A_80 = arith.constant 0 : i32
      %dma_start3A_81 = tpu.memref_slice %arg6[%add3A_76, %dma_start3A_80] : memref<10240x128xf32, #tpu.memory_space<vmem_shared>> -> memref<128x128xf32, #tpu.memory_space<vmem_shared>>
      tpu.enqueue_dma source(%dma_start3A_81 : memref<128x128xf32, #tpu.memory_space<vmem_shared>>) target(%arg7 : memref<128x128xf32, #tpu.memory_space<vmem>>) target_semaphore(%run_scoped3A : memref<!tpu.dma_semaphore, #tpu.memory_space<semaphore_mem>>)
      %dma_wait3A = arith.constant 0 : i32
      %dma_wait3A_82 = tpu.memref_slice %arg6[%add3A_76, %dma_wait3A] : memref<10240x128xf32, #tpu.memory_space<vmem_shared>> -> memref<128x128xf32, #tpu.memory_space<vmem_shared>>
      %dma_wait3A_83 = arith.constant 0 : i32
      %dma_wait3A_84 = tpu.memref_slice %arg6[%add3A_76, %dma_wait3A_83] : memref<10240x128xf32, #tpu.memory_space<vmem_shared>> -> memref<128x128xf32, #tpu.memory_space<vmem_shared>>
      tpu.wait_dma2 semaphore(%run_scoped3A : memref<!tpu.dma_semaphore, #tpu.memory_space<semaphore_mem>>) src(%dma_wait3A_84 : memref<128x128xf32, #tpu.memory_space<vmem_shared>>) dst(%arg7 : memref<128x128xf32, #tpu.memory_space<vmem>>)
      tpu.yield
    }) : () -> ()
    %add3A_77 = arith.constant 512 : i32
    %add3A_78 = arith.addi %mul3A_16, %add3A_77 : i32
    "tpu.region"() ({
      %run_scoped3A = tpu.sem_alloc : memref<!tpu.dma_semaphore, #tpu.memory_space<semaphore_mem>>
      %dma_start3A = arith.constant 0 : i32
      %dma_start3A_79 = arith.constant 0 : i32
      %dma_start3A_80 = tpu.memref_slice %arg5[%arg0, %dma_start3A, %dma_start3A_79] : memref<2x10240x128xf32, #tpu.memory_space<hbm>> -> memref<1x10240x128xf32, #tpu.memory_space<hbm>>
      %dma_start3A_81 = tpu.memref_squeeze %dma_start3A_80 : memref<1x10240x128xf32, #tpu.memory_space<hbm>> -> memref<10240x128xf32, #tpu.memory_space<hbm>>
      %dma_start3A_82 = arith.constant 0 : i32
      %dma_start3A_83 = tpu.memref_slice %dma_start3A_81[%add3A_78, %dma_start3A_82] : memref<10240x128xf32, #tpu.memory_space<hbm>> -> memref<128x128xf32, #tpu.memory_space<hbm>>
      %dma_start3A_84 = arith.constant 0 : i32
      %dma_start3A_85 = arith.constant 0 : i32
      %dma_start3A_86 = tpu.memref_slice %arg5[%arg0, %dma_start3A_84, %dma_start3A_85] : memref<2x10240x128xf32, #tpu.memory_space<hbm>> -> memref<1x10240x128xf32, #tpu.memory_space<hbm>>
      %dma_start3A_87 = tpu.memref_squeeze %dma_start3A_86 : memref<1x10240x128xf32, #tpu.memory_space<hbm>> -> memref<10240x128xf32, #tpu.memory_space<hbm>>
      %dma_start3A_88 = arith.constant 0 : i32
      %dma_start3A_89 = tpu.memref_slice %dma_start3A_87[%add3A_78, %dma_start3A_88] : memref<10240x128xf32, #tpu.memory_space<hbm>> -> memref<128x128xf32, #tpu.memory_space<hbm>>
      tpu.enqueue_dma source(%arg7 : memref<128x128xf32, #tpu.memory_space<vmem>>) target(%dma_start3A_89 : memref<128x128xf32, #tpu.memory_space<hbm>>) target_semaphore(%run_scoped3A : memref<!tpu.dma_semaphore, #tpu.memory_space<semaphore_mem>>)
      %dma_wait3A = arith.constant 0 : i32
      %dma_wait3A_90 = arith.constant 0 : i32
      %dma_wait3A_91 = tpu.memref_slice %arg5[%arg0, %dma_wait3A, %dma_wait3A_90] : memref<2x10240x128xf32, #tpu.memory_space<hbm>> -> memref<1x10240x128xf32, #tpu.memory_space<hbm>>
      %dma_wait3A_92 = tpu.memref_squeeze %dma_wait3A_91 : memref<1x10240x128xf32, #tpu.memory_space<hbm>> -> memref<10240x128xf32, #tpu.memory_space<hbm>>
      %dma_wait3A_93 = arith.constant 0 : i32
      %dma_wait3A_94 = tpu.memref_slice %dma_wait3A_92[%add3A_78, %dma_wait3A_93] : memref<10240x128xf32, #tpu.memory_space<hbm>> -> memref<128x128xf32, #tpu.memory_space<hbm>>
      %dma_wait3A_95 = arith.constant 0 : i32
      %dma_wait3A_96 = arith.constant 0 : i32
      %dma_wait3A_97 = tpu.memref_slice %arg5[%arg0, %dma_wait3A_95, %dma_wait3A_96] : memref<2x10240x128xf32, #tpu.memory_space<hbm>> -> memref<1x10240x128xf32, #tpu.memory_space<hbm>>
      %dma_wait3A_98 = tpu.memref_squeeze %dma_wait3A_97 : memref<1x10240x128xf32, #tpu.memory_space<hbm>> -> memref<10240x128xf32, #tpu.memory_space<hbm>>
      %dma_wait3A_99 = arith.constant 0 : i32
      %dma_wait3A_100 = tpu.memref_slice %dma_wait3A_98[%add3A_78, %dma_wait3A_99] : memref<10240x128xf32, #tpu.memory_space<hbm>> -> memref<128x128xf32, #tpu.memory_space<hbm>>
      tpu.wait_dma2 semaphore(%run_scoped3A : memref<!tpu.dma_semaphore, #tpu.memory_space<semaphore_mem>>) src(%arg7 : memref<128x128xf32, #tpu.memory_space<vmem>>) dst(%dma_wait3A_100 : memref<128x128xf32, #tpu.memory_space<hbm>>)
      tpu.yield
    }) : () -> ()
    return
  }
}

#map = affine_map<(d0, d1) -> (0, 0)>
#map1 = affine_map<(d0, d1) -> (0, 0, 0)>
module attributes {stable_mosaic.version = 14 : i64} {
  func.func @deg_kernel(%arg0: i32, %arg1: i32, %arg2: memref<2560x128xi32, #tpu.memory_space<hbm>>, %arg3: memref<2560x128xi32, #tpu.memory_space<hbm>>, %arg4: memref<2x10240x128xf32, #tpu.memory_space<hbm>>, %arg5: memref<10240x128xf32, #tpu.memory_space<vmem_shared>>, %arg6: memref<128x128xf32, #tpu.memory_space<vmem>>, %arg7: memref<8x128xi32, #tpu.memory_space<vmem>>, %arg8: memref<!tpu.dma_semaphore, #tpu.memory_space<semaphore_mem>>) attributes {dimension_semantics = [#tpu.dimension_semantics<core_parallel>, #tpu.dimension_semantics<subcore_parallel>], iteration_bounds = array<i64: 2, 16>, scalar_prefetch = 0 : i64, scratch_operands = 4 : i64, tpu.core_type = #tpu.core_type<sc_vector_subcore>, window_params = [{transform_indices = #map}, {transform_indices = #map}, {transform_indices = #map1}]} {
    %scan3A = arith.constant 0 : i32
    %scan3A_0 = arith.constant 0 : i32
    %scan3A_1 = arith.constant 128 : i32
    %scan3A_2 = arith.addi %scan3A_0, %scan3A_1 : i32
    %scan3A_3 = arith.constant 1 : i32
    %scan3A_4 = scf.for %scan3A_51 = %scan3A_0 to %scan3A_2 step %scan3A_3 iter_args(%scan3A_52 = %scan3A) -> (i32)  : i32 {
      %broadcast_in_dim3A = arith.constant 0.000000e+00 : f32
      %broadcast_in_dim3A_53 = vector.broadcast %broadcast_in_dim3A : f32 to vector<16xf32>
      %swap3A = arith.index_cast %scan3A_51 : i32 to index
      %swap3A_54 = arith.constant 0 : index
      %swap3A_55 = tpu.vector_load %arg6[%swap3A, %swap3A_54] {strides = array<i32>} : memref<128x128xf32, #tpu.memory_space<vmem>>, vector<1x16xf32>,
      %swap3A_56 = vector.shape_cast %swap3A_55 : vector<1x16xf32> to vector<16xf32>
      %swap3A_57 = vector.shape_cast %broadcast_in_dim3A_53 : vector<16xf32> to vector<1x16xf32>
      tpu.vector_store %arg6[%swap3A, %swap3A_54], %swap3A_57 {strides = array<i32>} : memref<128x128xf32, #tpu.memory_space<vmem>>, vector<1x16xf32>,
      %broadcast_in_dim3A_58 = arith.constant 0.000000e+00 : f32
      %broadcast_in_dim3A_59 = vector.broadcast %broadcast_in_dim3A_58 : f32 to vector<16xf32>
      %swap3A_60 = arith.index_cast %scan3A_51 : i32 to index
      %swap3A_61 = arith.constant 16 : index
      %swap3A_62 = tpu.vector_load %arg6[%swap3A_60, %swap3A_61] {strides = array<i32>} : memref<128x128xf32, #tpu.memory_space<vmem>>, vector<1x16xf32>,
      %swap3A_63 = vector.shape_cast %swap3A_62 : vector<1x16xf32> to vector<16xf32>
      %swap3A_64 = vector.shape_cast %broadcast_in_dim3A_59 : vector<16xf32> to vector<1x16xf32>
      tpu.vector_store %arg6[%swap3A_60, %swap3A_61], %swap3A_64 {strides = array<i32>} : memref<128x128xf32, #tpu.memory_space<vmem>>, vector<1x16xf32>,
      %broadcast_in_dim3A_65 = arith.constant 0.000000e+00 : f32
      %broadcast_in_dim3A_66 = vector.broadcast %broadcast_in_dim3A_65 : f32 to vector<16xf32>
      %swap3A_67 = arith.index_cast %scan3A_51 : i32 to index
      %swap3A_68 = arith.constant 32 : index
      %swap3A_69 = tpu.vector_load %arg6[%swap3A_67, %swap3A_68] {strides = array<i32>} : memref<128x128xf32, #tpu.memory_space<vmem>>, vector<1x16xf32>,
      %swap3A_70 = vector.shape_cast %swap3A_69 : vector<1x16xf32> to vector<16xf32>
      %swap3A_71 = vector.shape_cast %broadcast_in_dim3A_66 : vector<16xf32> to vector<1x16xf32>
      tpu.vector_store %arg6[%swap3A_67, %swap3A_68], %swap3A_71 {strides = array<i32>} : memref<128x128xf32, #tpu.memory_space<vmem>>, vector<1x16xf32>,
      %broadcast_in_dim3A_72 = arith.constant 0.000000e+00 : f32
      %broadcast_in_dim3A_73 = vector.broadcast %broadcast_in_dim3A_72 : f32 to vector<16xf32>
      %swap3A_74 = arith.index_cast %scan3A_51 : i32 to index
      %swap3A_75 = arith.constant 48 : index
      %swap3A_76 = tpu.vector_load %arg6[%swap3A_74, %swap3A_75] {strides = array<i32>} : memref<128x128xf32, #tpu.memory_space<vmem>>, vector<1x16xf32>,
      %swap3A_77 = vector.shape_cast %swap3A_76 : vector<1x16xf32> to vector<16xf32>
      %swap3A_78 = vector.shape_cast %broadcast_in_dim3A_73 : vector<16xf32> to vector<1x16xf32>
      tpu.vector_store %arg6[%swap3A_74, %swap3A_75], %swap3A_78 {strides = array<i32>} : memref<128x128xf32, #tpu.memory_space<vmem>>, vector<1x16xf32>,
      %broadcast_in_dim3A_79 = arith.constant 0.000000e+00 : f32
      %broadcast_in_dim3A_80 = vector.broadcast %broadcast_in_dim3A_79 : f32 to vector<16xf32>
      %swap3A_81 = arith.index_cast %scan3A_51 : i32 to index
      %swap3A_82 = arith.constant 64 : index
      %swap3A_83 = tpu.vector_load %arg6[%swap3A_81, %swap3A_82] {strides = array<i32>} : memref<128x128xf32, #tpu.memory_space<vmem>>, vector<1x16xf32>,
      %swap3A_84 = vector.shape_cast %swap3A_83 : vector<1x16xf32> to vector<16xf32>
      %swap3A_85 = vector.shape_cast %broadcast_in_dim3A_80 : vector<16xf32> to vector<1x16xf32>
      tpu.vector_store %arg6[%swap3A_81, %swap3A_82], %swap3A_85 {strides = array<i32>} : memref<128x128xf32, #tpu.memory_space<vmem>>, vector<1x16xf32>,
      %broadcast_in_dim3A_86 = arith.constant 0.000000e+00 : f32
      %broadcast_in_dim3A_87 = vector.broadcast %broadcast_in_dim3A_86 : f32 to vector<16xf32>
      %swap3A_88 = arith.index_cast %scan3A_51 : i32 to index
      %swap3A_89 = arith.constant 80 : index
      %swap3A_90 = tpu.vector_load %arg6[%swap3A_88, %swap3A_89] {strides = array<i32>} : memref<128x128xf32, #tpu.memory_space<vmem>>, vector<1x16xf32>,
      %swap3A_91 = vector.shape_cast %swap3A_90 : vector<1x16xf32> to vector<16xf32>
      %swap3A_92 = vector.shape_cast %broadcast_in_dim3A_87 : vector<16xf32> to vector<1x16xf32>
      tpu.vector_store %arg6[%swap3A_88, %swap3A_89], %swap3A_92 {strides = array<i32>} : memref<128x128xf32, #tpu.memory_space<vmem>>, vector<1x16xf32>,
      %broadcast_in_dim3A_93 = arith.constant 0.000000e+00 : f32
      %broadcast_in_dim3A_94 = vector.broadcast %broadcast_in_dim3A_93 : f32 to vector<16xf32>
      %swap3A_95 = arith.index_cast %scan3A_51 : i32 to index
      %swap3A_96 = arith.constant 96 : index
      %swap3A_97 = tpu.vector_load %arg6[%swap3A_95, %swap3A_96] {strides = array<i32>} : memref<128x128xf32, #tpu.memory_space<vmem>>, vector<1x16xf32>,
      %swap3A_98 = vector.shape_cast %swap3A_97 : vector<1x16xf32> to vector<16xf32>
      %swap3A_99 = vector.shape_cast %broadcast_in_dim3A_94 : vector<16xf32> to vector<1x16xf32>
      tpu.vector_store %arg6[%swap3A_95, %swap3A_96], %swap3A_99 {strides = array<i32>} : memref<128x128xf32, #tpu.memory_space<vmem>>, vector<1x16xf32>,
      %broadcast_in_dim3A_100 = arith.constant 0.000000e+00 : f32
      %broadcast_in_dim3A_101 = vector.broadcast %broadcast_in_dim3A_100 : f32 to vector<16xf32>
      %swap3A_102 = arith.index_cast %scan3A_51 : i32 to index
      %swap3A_103 = arith.constant 112 : index
      %swap3A_104 = tpu.vector_load %arg6[%swap3A_102, %swap3A_103] {strides = array<i32>} : memref<128x128xf32, #tpu.memory_space<vmem>>, vector<1x16xf32>,
      %swap3A_105 = vector.shape_cast %swap3A_104 : vector<1x16xf32> to vector<16xf32>
      %swap3A_106 = vector.shape_cast %broadcast_in_dim3A_101 : vector<16xf32> to vector<1x16xf32>
      tpu.vector_store %arg6[%swap3A_102, %swap3A_103], %swap3A_106 {strides = array<i32>} : memref<128x128xf32, #tpu.memory_space<vmem>>, vector<1x16xf32>,
      %scan3A_107 = arith.constant 0 : i32
      scf.yield %scan3A_107 : i32
    }
    %scan3A_5 = arith.constant 128 : i32
    %mul3A = arith.constant 640 : i32
    %mul3A_6 = arith.muli %arg1, %mul3A : i32
    %add3A = arith.constant 0 : i32
    %add3A_7 = arith.addi %mul3A_6, %add3A : i32
    "tpu.region"() ({
      %run_scoped3A = tpu.sem_alloc : memref<!tpu.dma_semaphore, #tpu.memory_space<semaphore_mem>>
      %dma_start3A = arith.constant 0 : i32
      %dma_start3A_51 = tpu.memref_slice %arg5[%add3A_7, %dma_start3A] : memref<10240x128xf32, #tpu.memory_space<vmem_shared>> -> memref<128x128xf32, #tpu.memory_space<vmem_shared>>
      %dma_start3A_52 = arith.constant 0 : i32
      %dma_start3A_53 = tpu.memref_slice %arg5[%add3A_7, %dma_start3A_52] : memref<10240x128xf32, #tpu.memory_space<vmem_shared>> -> memref<128x128xf32, #tpu.memory_space<vmem_shared>>
      tpu.enqueue_dma source(%arg6 : memref<128x128xf32, #tpu.memory_space<vmem>>) target(%dma_start3A_53 : memref<128x128xf32, #tpu.memory_space<vmem_shared>>) target_semaphore(%run_scoped3A : memref<!tpu.dma_semaphore, #tpu.memory_space<semaphore_mem>>)
      %dma_wait3A = arith.constant 0 : i32
      %dma_wait3A_54 = tpu.memref_slice %arg5[%add3A_7, %dma_wait3A] : memref<10240x128xf32, #tpu.memory_space<vmem_shared>> -> memref<128x128xf32, #tpu.memory_space<vmem_shared>>
      %dma_wait3A_55 = arith.constant 0 : i32
      %dma_wait3A_56 = tpu.memref_slice %arg5[%add3A_7, %dma_wait3A_55] : memref<10240x128xf32, #tpu.memory_space<vmem_shared>> -> memref<128x128xf32, #tpu.memory_space<vmem_shared>>
      tpu.wait_dma2 semaphore(%run_scoped3A : memref<!tpu.dma_semaphore, #tpu.memory_space<semaphore_mem>>) src(%arg6 : memref<128x128xf32, #tpu.memory_space<vmem>>) dst(%dma_wait3A_56 : memref<128x128xf32, #tpu.memory_space<vmem_shared>>)
      tpu.yield
    }) : () -> ()
    %add3A_8 = arith.constant 128 : i32
    %add3A_9 = arith.addi %mul3A_6, %add3A_8 : i32
    "tpu.region"() ({
      %run_scoped3A = tpu.sem_alloc : memref<!tpu.dma_semaphore, #tpu.memory_space<semaphore_mem>>
      %dma_start3A = arith.constant 0 : i32
      %dma_start3A_51 = tpu.memref_slice %arg5[%add3A_9, %dma_start3A] : memref<10240x128xf32, #tpu.memory_space<vmem_shared>> -> memref<128x128xf32, #tpu.memory_space<vmem_shared>>
      %dma_start3A_52 = arith.constant 0 : i32
      %dma_start3A_53 = tpu.memref_slice %arg5[%add3A_9, %dma_start3A_52] : memref<10240x128xf32, #tpu.memory_space<vmem_shared>> -> memref<128x128xf32, #tpu.memory_space<vmem_shared>>
      tpu.enqueue_dma source(%arg6 : memref<128x128xf32, #tpu.memory_space<vmem>>) target(%dma_start3A_53 : memref<128x128xf32, #tpu.memory_space<vmem_shared>>) target_semaphore(%run_scoped3A : memref<!tpu.dma_semaphore, #tpu.memory_space<semaphore_mem>>)
      %dma_wait3A = arith.constant 0 : i32
      %dma_wait3A_54 = tpu.memref_slice %arg5[%add3A_9, %dma_wait3A] : memref<10240x128xf32, #tpu.memory_space<vmem_shared>> -> memref<128x128xf32, #tpu.memory_space<vmem_shared>>
      %dma_wait3A_55 = arith.constant 0 : i32
      %dma_wait3A_56 = tpu.memref_slice %arg5[%add3A_9, %dma_wait3A_55] : memref<10240x128xf32, #tpu.memory_space<vmem_shared>> -> memref<128x128xf32, #tpu.memory_space<vmem_shared>>
      tpu.wait_dma2 semaphore(%run_scoped3A : memref<!tpu.dma_semaphore, #tpu.memory_space<semaphore_mem>>) src(%arg6 : memref<128x128xf32, #tpu.memory_space<vmem>>) dst(%dma_wait3A_56 : memref<128x128xf32, #tpu.memory_space<vmem_shared>>)
      tpu.yield
    }) : () -> ()
    %add3A_10 = arith.constant 256 : i32
    %add3A_11 = arith.addi %mul3A_6, %add3A_10 : i32
    "tpu.region"() ({
      %run_scoped3A = tpu.sem_alloc : memref<!tpu.dma_semaphore, #tpu.memory_space<semaphore_mem>>
      %dma_start3A = arith.constant 0 : i32
      %dma_start3A_51 = tpu.memref_slice %arg5[%add3A_11, %dma_start3A] : memref<10240x128xf32, #tpu.memory_space<vmem_shared>> -> memref<128x128xf32, #tpu.memory_space<vmem_shared>>
      %dma_start3A_52 = arith.constant 0 : i32
      %dma_start3A_53 = tpu.memref_slice %arg5[%add3A_11, %dma_start3A_52] : memref<10240x128xf32, #tpu.memory_space<vmem_shared>> -> memref<128x128xf32, #tpu.memory_space<vmem_shared>>
      tpu.enqueue_dma source(%arg6 : memref<128x128xf32, #tpu.memory_space<vmem>>) target(%dma_start3A_53 : memref<128x128xf32, #tpu.memory_space<vmem_shared>>) target_semaphore(%run_scoped3A : memref<!tpu.dma_semaphore, #tpu.memory_space<semaphore_mem>>)
      %dma_wait3A = arith.constant 0 : i32
      %dma_wait3A_54 = tpu.memref_slice %arg5[%add3A_11, %dma_wait3A] : memref<10240x128xf32, #tpu.memory_space<vmem_shared>> -> memref<128x128xf32, #tpu.memory_space<vmem_shared>>
      %dma_wait3A_55 = arith.constant 0 : i32
      %dma_wait3A_56 = tpu.memref_slice %arg5[%add3A_11, %dma_wait3A_55] : memref<10240x128xf32, #tpu.memory_space<vmem_shared>> -> memref<128x128xf32, #tpu.memory_space<vmem_shared>>
      tpu.wait_dma2 semaphore(%run_scoped3A : memref<!tpu.dma_semaphore, #tpu.memory_space<semaphore_mem>>) src(%arg6 : memref<128x128xf32, #tpu.memory_space<vmem>>) dst(%dma_wait3A_56 : memref<128x128xf32, #tpu.memory_space<vmem_shared>>)
      tpu.yield
    }) : () -> ()
    %add3A_12 = arith.constant 384 : i32
    %add3A_13 = arith.addi %mul3A_6, %add3A_12 : i32
    "tpu.region"() ({
      %run_scoped3A = tpu.sem_alloc : memref<!tpu.dma_semaphore, #tpu.memory_space<semaphore_mem>>
      %dma_start3A = arith.constant 0 : i32
      %dma_start3A_51 = tpu.memref_slice %arg5[%add3A_13, %dma_start3A] : memref<10240x128xf32, #tpu.memory_space<vmem_shared>> -> memref<128x128xf32, #tpu.memory_space<vmem_shared>>
      %dma_start3A_52 = arith.constant 0 : i32
      %dma_start3A_53 = tpu.memref_slice %arg5[%add3A_13, %dma_start3A_52] : memref<10240x128xf32, #tpu.memory_space<vmem_shared>> -> memref<128x128xf32, #tpu.memory_space<vmem_shared>>
      tpu.enqueue_dma source(%arg6 : memref<128x128xf32, #tpu.memory_space<vmem>>) target(%dma_start3A_53 : memref<128x128xf32, #tpu.memory_space<vmem_shared>>) target_semaphore(%run_scoped3A : memref<!tpu.dma_semaphore, #tpu.memory_space<semaphore_mem>>)
      %dma_wait3A = arith.constant 0 : i32
      %dma_wait3A_54 = tpu.memref_slice %arg5[%add3A_13, %dma_wait3A] : memref<10240x128xf32, #tpu.memory_space<vmem_shared>> -> memref<128x128xf32, #tpu.memory_space<vmem_shared>>
      %dma_wait3A_55 = arith.constant 0 : i32
      %dma_wait3A_56 = tpu.memref_slice %arg5[%add3A_13, %dma_wait3A_55] : memref<10240x128xf32, #tpu.memory_space<vmem_shared>> -> memref<128x128xf32, #tpu.memory_space<vmem_shared>>
      tpu.wait_dma2 semaphore(%run_scoped3A : memref<!tpu.dma_semaphore, #tpu.memory_space<semaphore_mem>>) src(%arg6 : memref<128x128xf32, #tpu.memory_space<vmem>>) dst(%dma_wait3A_56 : memref<128x128xf32, #tpu.memory_space<vmem_shared>>)
      tpu.yield
    }) : () -> ()
    %add3A_14 = arith.constant 512 : i32
    %add3A_15 = arith.addi %mul3A_6, %add3A_14 : i32
    "tpu.region"() ({
      %run_scoped3A = tpu.sem_alloc : memref<!tpu.dma_semaphore, #tpu.memory_space<semaphore_mem>>
      %dma_start3A = arith.constant 0 : i32
      %dma_start3A_51 = tpu.memref_slice %arg5[%add3A_15, %dma_start3A] : memref<10240x128xf32, #tpu.memory_space<vmem_shared>> -> memref<128x128xf32, #tpu.memory_space<vmem_shared>>
      %dma_start3A_52 = arith.constant 0 : i32
      %dma_start3A_53 = tpu.memref_slice %arg5[%add3A_15, %dma_start3A_52] : memref<10240x128xf32, #tpu.memory_space<vmem_shared>> -> memref<128x128xf32, #tpu.memory_space<vmem_shared>>
      tpu.enqueue_dma source(%arg6 : memref<128x128xf32, #tpu.memory_space<vmem>>) target(%dma_start3A_53 : memref<128x128xf32, #tpu.memory_space<vmem_shared>>) target_semaphore(%run_scoped3A : memref<!tpu.dma_semaphore, #tpu.memory_space<semaphore_mem>>)
      %dma_wait3A = arith.constant 0 : i32
      %dma_wait3A_54 = tpu.memref_slice %arg5[%add3A_15, %dma_wait3A] : memref<10240x128xf32, #tpu.memory_space<vmem_shared>> -> memref<128x128xf32, #tpu.memory_space<vmem_shared>>
      %dma_wait3A_55 = arith.constant 0 : i32
      %dma_wait3A_56 = tpu.memref_slice %arg5[%add3A_15, %dma_wait3A_55] : memref<10240x128xf32, #tpu.memory_space<vmem_shared>> -> memref<128x128xf32, #tpu.memory_space<vmem_shared>>
      tpu.wait_dma2 semaphore(%run_scoped3A : memref<!tpu.dma_semaphore, #tpu.memory_space<semaphore_mem>>) src(%arg6 : memref<128x128xf32, #tpu.memory_space<vmem>>) dst(%dma_wait3A_56 : memref<128x128xf32, #tpu.memory_space<vmem_shared>>)
      tpu.yield
    }) : () -> ()
    %scan3A_16 = arith.constant 0 : i32
    %scan3A_17 = arith.constant 0 : i32
    %scan3A_18 = arith.constant 128 : i32
    %scan3A_19 = arith.addi %scan3A_17, %scan3A_18 : i32
    %scan3A_20 = arith.constant 1 : i32
    %scan3A_21 = scf.for %scan3A_51 = %scan3A_17 to %scan3A_19 step %scan3A_20 iter_args(%scan3A_52 = %scan3A_16) -> (i32)  : i32 {
      %broadcast_in_dim3A = arith.constant 1.000000e+00 : f32
      %broadcast_in_dim3A_53 = vector.broadcast %broadcast_in_dim3A : f32 to vector<16xf32>
      %swap3A = arith.index_cast %scan3A_51 : i32 to index
      %swap3A_54 = arith.constant 0 : index
      %swap3A_55 = tpu.vector_load %arg6[%swap3A, %swap3A_54] {strides = array<i32>} : memref<128x128xf32, #tpu.memory_space<vmem>>, vector<1x16xf32>,
      %swap3A_56 = vector.shape_cast %swap3A_55 : vector<1x16xf32> to vector<16xf32>
      %swap3A_57 = vector.shape_cast %broadcast_in_dim3A_53 : vector<16xf32> to vector<1x16xf32>
      tpu.vector_store %arg6[%swap3A, %swap3A_54], %swap3A_57 {strides = array<i32>} : memref<128x128xf32, #tpu.memory_space<vmem>>, vector<1x16xf32>,
      %broadcast_in_dim3A_58 = arith.constant 1.000000e+00 : f32
      %broadcast_in_dim3A_59 = vector.broadcast %broadcast_in_dim3A_58 : f32 to vector<16xf32>
      %swap3A_60 = arith.index_cast %scan3A_51 : i32 to index
      %swap3A_61 = arith.constant 16 : index
      %swap3A_62 = tpu.vector_load %arg6[%swap3A_60, %swap3A_61] {strides = array<i32>} : memref<128x128xf32, #tpu.memory_space<vmem>>, vector<1x16xf32>,
      %swap3A_63 = vector.shape_cast %swap3A_62 : vector<1x16xf32> to vector<16xf32>
      %swap3A_64 = vector.shape_cast %broadcast_in_dim3A_59 : vector<16xf32> to vector<1x16xf32>
      tpu.vector_store %arg6[%swap3A_60, %swap3A_61], %swap3A_64 {strides = array<i32>} : memref<128x128xf32, #tpu.memory_space<vmem>>, vector<1x16xf32>,
      %broadcast_in_dim3A_65 = arith.constant 1.000000e+00 : f32
      %broadcast_in_dim3A_66 = vector.broadcast %broadcast_in_dim3A_65 : f32 to vector<16xf32>
      %swap3A_67 = arith.index_cast %scan3A_51 : i32 to index
      %swap3A_68 = arith.constant 32 : index
      %swap3A_69 = tpu.vector_load %arg6[%swap3A_67, %swap3A_68] {strides = array<i32>} : memref<128x128xf32, #tpu.memory_space<vmem>>, vector<1x16xf32>,
      %swap3A_70 = vector.shape_cast %swap3A_69 : vector<1x16xf32> to vector<16xf32>
      %swap3A_71 = vector.shape_cast %broadcast_in_dim3A_66 : vector<16xf32> to vector<1x16xf32>
      tpu.vector_store %arg6[%swap3A_67, %swap3A_68], %swap3A_71 {strides = array<i32>} : memref<128x128xf32, #tpu.memory_space<vmem>>, vector<1x16xf32>,
      %broadcast_in_dim3A_72 = arith.constant 1.000000e+00 : f32
      %broadcast_in_dim3A_73 = vector.broadcast %broadcast_in_dim3A_72 : f32 to vector<16xf32>
      %swap3A_74 = arith.index_cast %scan3A_51 : i32 to index
      %swap3A_75 = arith.constant 48 : index
      %swap3A_76 = tpu.vector_load %arg6[%swap3A_74, %swap3A_75] {strides = array<i32>} : memref<128x128xf32, #tpu.memory_space<vmem>>, vector<1x16xf32>,
      %swap3A_77 = vector.shape_cast %swap3A_76 : vector<1x16xf32> to vector<16xf32>
      %swap3A_78 = vector.shape_cast %broadcast_in_dim3A_73 : vector<16xf32> to vector<1x16xf32>
      tpu.vector_store %arg6[%swap3A_74, %swap3A_75], %swap3A_78 {strides = array<i32>} : memref<128x128xf32, #tpu.memory_space<vmem>>, vector<1x16xf32>,
      %broadcast_in_dim3A_79 = arith.constant 1.000000e+00 : f32
      %broadcast_in_dim3A_80 = vector.broadcast %broadcast_in_dim3A_79 : f32 to vector<16xf32>
      %swap3A_81 = arith.index_cast %scan3A_51 : i32 to index
      %swap3A_82 = arith.constant 64 : index
      %swap3A_83 = tpu.vector_load %arg6[%swap3A_81, %swap3A_82] {strides = array<i32>} : memref<128x128xf32, #tpu.memory_space<vmem>>, vector<1x16xf32>,
      %swap3A_84 = vector.shape_cast %swap3A_83 : vector<1x16xf32> to vector<16xf32>
      %swap3A_85 = vector.shape_cast %broadcast_in_dim3A_80 : vector<16xf32> to vector<1x16xf32>
      tpu.vector_store %arg6[%swap3A_81, %swap3A_82], %swap3A_85 {strides = array<i32>} : memref<128x128xf32, #tpu.memory_space<vmem>>, vector<1x16xf32>,
      %broadcast_in_dim3A_86 = arith.constant 1.000000e+00 : f32
      %broadcast_in_dim3A_87 = vector.broadcast %broadcast_in_dim3A_86 : f32 to vector<16xf32>
      %swap3A_88 = arith.index_cast %scan3A_51 : i32 to index
      %swap3A_89 = arith.constant 80 : index
      %swap3A_90 = tpu.vector_load %arg6[%swap3A_88, %swap3A_89] {strides = array<i32>} : memref<128x128xf32, #tpu.memory_space<vmem>>, vector<1x16xf32>,
      %swap3A_91 = vector.shape_cast %swap3A_90 : vector<1x16xf32> to vector<16xf32>
      %swap3A_92 = vector.shape_cast %broadcast_in_dim3A_87 : vector<16xf32> to vector<1x16xf32>
      tpu.vector_store %arg6[%swap3A_88, %swap3A_89], %swap3A_92 {strides = array<i32>} : memref<128x128xf32, #tpu.memory_space<vmem>>, vector<1x16xf32>,
      %broadcast_in_dim3A_93 = arith.constant 1.000000e+00 : f32
      %broadcast_in_dim3A_94 = vector.broadcast %broadcast_in_dim3A_93 : f32 to vector<16xf32>
      %swap3A_95 = arith.index_cast %scan3A_51 : i32 to index
      %swap3A_96 = arith.constant 96 : index
      %swap3A_97 = tpu.vector_load %arg6[%swap3A_95, %swap3A_96] {strides = array<i32>} : memref<128x128xf32, #tpu.memory_space<vmem>>, vector<1x16xf32>,
      %swap3A_98 = vector.shape_cast %swap3A_97 : vector<1x16xf32> to vector<16xf32>
      %swap3A_99 = vector.shape_cast %broadcast_in_dim3A_94 : vector<16xf32> to vector<1x16xf32>
      tpu.vector_store %arg6[%swap3A_95, %swap3A_96], %swap3A_99 {strides = array<i32>} : memref<128x128xf32, #tpu.memory_space<vmem>>, vector<1x16xf32>,
      %broadcast_in_dim3A_100 = arith.constant 1.000000e+00 : f32
      %broadcast_in_dim3A_101 = vector.broadcast %broadcast_in_dim3A_100 : f32 to vector<16xf32>
      %swap3A_102 = arith.index_cast %scan3A_51 : i32 to index
      %swap3A_103 = arith.constant 112 : index
      %swap3A_104 = tpu.vector_load %arg6[%swap3A_102, %swap3A_103] {strides = array<i32>} : memref<128x128xf32, #tpu.memory_space<vmem>>, vector<1x16xf32>,
      %swap3A_105 = vector.shape_cast %swap3A_104 : vector<1x16xf32> to vector<16xf32>
      %swap3A_106 = vector.shape_cast %broadcast_in_dim3A_101 : vector<16xf32> to vector<1x16xf32>
      tpu.vector_store %arg6[%swap3A_102, %swap3A_103], %swap3A_106 {strides = array<i32>} : memref<128x128xf32, #tpu.memory_space<vmem>>, vector<1x16xf32>,
      %scan3A_107 = arith.constant 0 : i32
      scf.yield %scan3A_107 : i32
    }
    %scan3A_22 = arith.constant 128 : i32
    %barrier3A = arith.constant 0 : index
    tpu.barrier barrier_id(%barrier3A)
    %eq3A = arith.constant 0 : i32
    %eq3A_23 = arith.cmpi eq, %arg0, %eq3A : i32
    %convert_element_type3A = arith.extui %eq3A_23 : i1 to i32
    %cond3A = arith.constant 0 : i32
    %cond3A_24 = arith.cmpi ne, %convert_element_type3A, %cond3A : i32
    scf.if %cond3A_24 {
      %scan3A_51 = arith.constant 0 : i32
      %scan3A_52 = arith.constant 0 : i32
      %scan3A_53 = arith.constant 20 : i32
      %scan3A_54 = arith.addi %scan3A_52, %scan3A_53 : i32
      %scan3A_55 = arith.constant 1 : i32
      %scan3A_56 = scf.for %scan3A_58 = %scan3A_52 to %scan3A_54 step %scan3A_55 iter_args(%scan3A_59 = %scan3A_51) -> (i32)  : i32 {
        %mul3A_60 = arith.constant 160 : i32
        %mul3A_61 = arith.muli %arg1, %mul3A_60 : i32
        %mul3A_62 = arith.constant 8 : i32
        %mul3A_63 = arith.muli %scan3A_58, %mul3A_62 : i32
        %add3A_64 = arith.addi %mul3A_61, %mul3A_63 : i32
        "tpu.region"() ({
          %run_scoped3A = tpu.sem_alloc : memref<!tpu.dma_semaphore, #tpu.memory_space<semaphore_mem>>
          %dma_start3A_176 = arith.constant 0 : i32
          %dma_start3A_177 = tpu.memref_slice %arg2[%add3A_64, %dma_start3A_176] : memref<2560x128xi32, #tpu.memory_space<hbm>> -> memref<8x128xi32, #tpu.memory_space<hbm>>
          %dma_start3A_178 = arith.constant 0 : i32
          %dma_start3A_179 = tpu.memref_slice %arg2[%add3A_64, %dma_start3A_178] : memref<2560x128xi32, #tpu.memory_space<hbm>> -> memref<8x128xi32, #tpu.memory_space<hbm>>
          tpu.enqueue_dma source(%dma_start3A_179 : memref<8x128xi32, #tpu.memory_space<hbm>>) target(%arg7 : memref<8x128xi32, #tpu.memory_space<vmem>>) target_semaphore(%run_scoped3A : memref<!tpu.dma_semaphore, #tpu.memory_space<semaphore_mem>>)
          %dma_wait3A_180 = arith.constant 0 : i32
          %dma_wait3A_181 = tpu.memref_slice %arg2[%add3A_64, %dma_wait3A_180] : memref<2560x128xi32, #tpu.memory_space<hbm>> -> memref<8x128xi32, #tpu.memory_space<hbm>>
          %dma_wait3A_182 = arith.constant 0 : i32
          %dma_wait3A_183 = tpu.memref_slice %arg2[%add3A_64, %dma_wait3A_182] : memref<2560x128xi32, #tpu.memory_space<hbm>> -> memref<8x128xi32, #tpu.memory_space<hbm>>
          tpu.wait_dma2 semaphore(%run_scoped3A : memref<!tpu.dma_semaphore, #tpu.memory_space<semaphore_mem>>) src(%dma_wait3A_183 : memref<8x128xi32, #tpu.memory_space<hbm>>) dst(%arg7 : memref<8x128xi32, #tpu.memory_space<vmem>>)
          tpu.yield
        }) : () -> ()
        %dma_start3A = arith.constant 0 : i32
        %dma_start3A_65 = arith.constant 0 : i32
        %dma_start3A_66 = tpu.memref_slice %arg7[%dma_start3A, %dma_start3A_65] : memref<8x128xi32, #tpu.memory_space<vmem>> -> memref<1x128xi32, #tpu.memory_space<vmem>>
        %dma_start3A_67 = tpu.memref_squeeze %dma_start3A_66 : memref<1x128xi32, #tpu.memory_space<vmem>> -> memref<128xi32, #tpu.memory_space<vmem>>
        %dma_start3A_68 = arith.constant 0 : i32
        %dma_start3A_69 = arith.constant 0 : i32
        %dma_start3A_70 = tpu.memref_slice %arg5[%dma_start3A_68, %dma_start3A_69] : memref<10240x128xf32, #tpu.memory_space<vmem_shared>> -> memref<10240x128xf32, #tpu.memory_space<vmem_shared>>
        tpu.enqueue_indirect_dma source(%arg6 : memref<128x128xf32, #tpu.memory_space<vmem>>) target(%dma_start3A_70 : memref<10240x128xf32, #tpu.memory_space<vmem_shared>>) offsets(%dma_start3A_67 : memref<128xi32, #tpu.memory_space<vmem>>) semaphore(%arg8 : memref<!tpu.dma_semaphore, #tpu.memory_space<semaphore_mem>>) {add = true}
        %dma_start3A_71 = arith.constant 1 : i32
        %dma_start3A_72 = arith.constant 0 : i32
        %dma_start3A_73 = tpu.memref_slice %arg7[%dma_start3A_71, %dma_start3A_72] : memref<8x128xi32, #tpu.memory_space<vmem>> -> memref<1x128xi32, #tpu.memory_space<vmem>>
        %dma_start3A_74 = tpu.memref_squeeze %dma_start3A_73 : memref<1x128xi32, #tpu.memory_space<vmem>> -> memref<128xi32, #tpu.memory_space<vmem>>
        %dma_start3A_75 = arith.constant 0 : i32
        %dma_start3A_76 = arith.constant 0 : i32
        %dma_start3A_77 = tpu.memref_slice %arg5[%dma_start3A_75, %dma_start3A_76] : memref<10240x128xf32, #tpu.memory_space<vmem_shared>> -> memref<10240x128xf32, #tpu.memory_space<vmem_shared>>
        tpu.enqueue_indirect_dma source(%arg6 : memref<128x128xf32, #tpu.memory_space<vmem>>) target(%dma_start3A_77 : memref<10240x128xf32, #tpu.memory_space<vmem_shared>>) offsets(%dma_start3A_74 : memref<128xi32, #tpu.memory_space<vmem>>) semaphore(%arg8 : memref<!tpu.dma_semaphore, #tpu.memory_space<semaphore_mem>>) {add = true}
        %dma_start3A_78 = arith.constant 2 : i32
        %dma_start3A_79 = arith.constant 0 : i32
        %dma_start3A_80 = tpu.memref_slice %arg7[%dma_start3A_78, %dma_start3A_79] : memref<8x128xi32, #tpu.memory_space<vmem>> -> memref<1x128xi32, #tpu.memory_space<vmem>>
        %dma_start3A_81 = tpu.memref_squeeze %dma_start3A_80 : memref<1x128xi32, #tpu.memory_space<vmem>> -> memref<128xi32, #tpu.memory_space<vmem>>
        %dma_start3A_82 = arith.constant 0 : i32
        %dma_start3A_83 = arith.constant 0 : i32
        %dma_start3A_84 = tpu.memref_slice %arg5[%dma_start3A_82, %dma_start3A_83] : memref<10240x128xf32, #tpu.memory_space<vmem_shared>> -> memref<10240x128xf32, #tpu.memory_space<vmem_shared>>
        tpu.enqueue_indirect_dma source(%arg6 : memref<128x128xf32, #tpu.memory_space<vmem>>) target(%dma_start3A_84 : memref<10240x128xf32, #tpu.memory_space<vmem_shared>>) offsets(%dma_start3A_81 : memref<128xi32, #tpu.memory_space<vmem>>) semaphore(%arg8 : memref<!tpu.dma_semaphore, #tpu.memory_space<semaphore_mem>>) {add = true}
        %dma_start3A_85 = arith.constant 3 : i32
        %dma_start3A_86 = arith.constant 0 : i32
        %dma_start3A_87 = tpu.memref_slice %arg7[%dma_start3A_85, %dma_start3A_86] : memref<8x128xi32, #tpu.memory_space<vmem>> -> memref<1x128xi32, #tpu.memory_space<vmem>>
        %dma_start3A_88 = tpu.memref_squeeze %dma_start3A_87 : memref<1x128xi32, #tpu.memory_space<vmem>> -> memref<128xi32, #tpu.memory_space<vmem>>
        %dma_start3A_89 = arith.constant 0 : i32
        %dma_start3A_90 = arith.constant 0 : i32
        %dma_start3A_91 = tpu.memref_slice %arg5[%dma_start3A_89, %dma_start3A_90] : memref<10240x128xf32, #tpu.memory_space<vmem_shared>> -> memref<10240x128xf32, #tpu.memory_space<vmem_shared>>
        tpu.enqueue_indirect_dma source(%arg6 : memref<128x128xf32, #tpu.memory_space<vmem>>) target(%dma_start3A_91 : memref<10240x128xf32, #tpu.memory_space<vmem_shared>>) offsets(%dma_start3A_88 : memref<128xi32, #tpu.memory_space<vmem>>) semaphore(%arg8 : memref<!tpu.dma_semaphore, #tpu.memory_space<semaphore_mem>>) {add = true}
        %dma_start3A_92 = arith.constant 4 : i32
        %dma_start3A_93 = arith.constant 0 : i32
        %dma_start3A_94 = tpu.memref_slice %arg7[%dma_start3A_92, %dma_start3A_93] : memref<8x128xi32, #tpu.memory_space<vmem>> -> memref<1x128xi32, #tpu.memory_space<vmem>>
        %dma_start3A_95 = tpu.memref_squeeze %dma_start3A_94 : memref<1x128xi32, #tpu.memory_space<vmem>> -> memref<128xi32, #tpu.memory_space<vmem>>
        %dma_start3A_96 = arith.constant 0 : i32
        %dma_start3A_97 = arith.constant 0 : i32
        %dma_start3A_98 = tpu.memref_slice %arg5[%dma_start3A_96, %dma_start3A_97] : memref<10240x128xf32, #tpu.memory_space<vmem_shared>> -> memref<10240x128xf32, #tpu.memory_space<vmem_shared>>
        tpu.enqueue_indirect_dma source(%arg6 : memref<128x128xf32, #tpu.memory_space<vmem>>) target(%dma_start3A_98 : memref<10240x128xf32, #tpu.memory_space<vmem_shared>>) offsets(%dma_start3A_95 : memref<128xi32, #tpu.memory_space<vmem>>) semaphore(%arg8 : memref<!tpu.dma_semaphore, #tpu.memory_space<semaphore_mem>>) {add = true}
        %dma_start3A_99 = arith.constant 5 : i32
        %dma_start3A_100 = arith.constant 0 : i32
        %dma_start3A_101 = tpu.memref_slice %arg7[%dma_start3A_99, %dma_start3A_100] : memref<8x128xi32, #tpu.memory_space<vmem>> -> memref<1x128xi32, #tpu.memory_space<vmem>>
        %dma_start3A_102 = tpu.memref_squeeze %dma_start3A_101 : memref<1x128xi32, #tpu.memory_space<vmem>> -> memref<128xi32, #tpu.memory_space<vmem>>
        %dma_start3A_103 = arith.constant 0 : i32
        %dma_start3A_104 = arith.constant 0 : i32
        %dma_start3A_105 = tpu.memref_slice %arg5[%dma_start3A_103, %dma_start3A_104] : memref<10240x128xf32, #tpu.memory_space<vmem_shared>> -> memref<10240x128xf32, #tpu.memory_space<vmem_shared>>
        tpu.enqueue_indirect_dma source(%arg6 : memref<128x128xf32, #tpu.memory_space<vmem>>) target(%dma_start3A_105 : memref<10240x128xf32, #tpu.memory_space<vmem_shared>>) offsets(%dma_start3A_102 : memref<128xi32, #tpu.memory_space<vmem>>) semaphore(%arg8 : memref<!tpu.dma_semaphore, #tpu.memory_space<semaphore_mem>>) {add = true}
        %dma_start3A_106 = arith.constant 6 : i32
        %dma_start3A_107 = arith.constant 0 : i32
        %dma_start3A_108 = tpu.memref_slice %arg7[%dma_start3A_106, %dma_start3A_107] : memref<8x128xi32, #tpu.memory_space<vmem>> -> memref<1x128xi32, #tpu.memory_space<vmem>>
        %dma_start3A_109 = tpu.memref_squeeze %dma_start3A_108 : memref<1x128xi32, #tpu.memory_space<vmem>> -> memref<128xi32, #tpu.memory_space<vmem>>
        %dma_start3A_110 = arith.constant 0 : i32
        %dma_start3A_111 = arith.constant 0 : i32
        %dma_start3A_112 = tpu.memref_slice %arg5[%dma_start3A_110, %dma_start3A_111] : memref<10240x128xf32, #tpu.memory_space<vmem_shared>> -> memref<10240x128xf32, #tpu.memory_space<vmem_shared>>
        tpu.enqueue_indirect_dma source(%arg6 : memref<128x128xf32, #tpu.memory_space<vmem>>) target(%dma_start3A_112 : memref<10240x128xf32, #tpu.memory_space<vmem_shared>>) offsets(%dma_start3A_109 : memref<128xi32, #tpu.memory_space<vmem>>) semaphore(%arg8 : memref<!tpu.dma_semaphore, #tpu.memory_space<semaphore_mem>>) {add = true}
        %dma_start3A_113 = arith.constant 7 : i32
        %dma_start3A_114 = arith.constant 0 : i32
        %dma_start3A_115 = tpu.memref_slice %arg7[%dma_start3A_113, %dma_start3A_114] : memref<8x128xi32, #tpu.memory_space<vmem>> -> memref<1x128xi32, #tpu.memory_space<vmem>>
        %dma_start3A_116 = tpu.memref_squeeze %dma_start3A_115 : memref<1x128xi32, #tpu.memory_space<vmem>> -> memref<128xi32, #tpu.memory_space<vmem>>
        %dma_start3A_117 = arith.constant 0 : i32
        %dma_start3A_118 = arith.constant 0 : i32
        %dma_start3A_119 = tpu.memref_slice %arg5[%dma_start3A_117, %dma_start3A_118] : memref<10240x128xf32, #tpu.memory_space<vmem_shared>> -> memref<10240x128xf32, #tpu.memory_space<vmem_shared>>
        tpu.enqueue_indirect_dma source(%arg6 : memref<128x128xf32, #tpu.memory_space<vmem>>) target(%dma_start3A_119 : memref<10240x128xf32, #tpu.memory_space<vmem_shared>>) offsets(%dma_start3A_116 : memref<128xi32, #tpu.memory_space<vmem>>) semaphore(%arg8 : memref<!tpu.dma_semaphore, #tpu.memory_space<semaphore_mem>>) {add = true}
        %dma_wait3A = arith.constant 0 : i32
        %dma_wait3A_120 = arith.constant 0 : i32
        %dma_wait3A_121 = tpu.memref_slice %arg7[%dma_wait3A, %dma_wait3A_120] : memref<8x128xi32, #tpu.memory_space<vmem>> -> memref<1x128xi32, #tpu.memory_space<vmem>>
        %dma_wait3A_122 = tpu.memref_squeeze %dma_wait3A_121 : memref<1x128xi32, #tpu.memory_space<vmem>> -> memref<128xi32, #tpu.memory_space<vmem>>
        %dma_wait3A_123 = arith.constant 0 : i32
        %dma_wait3A_124 = arith.constant 0 : i32
        %dma_wait3A_125 = tpu.memref_slice %arg5[%dma_wait3A_123, %dma_wait3A_124] : memref<10240x128xf32, #tpu.memory_space<vmem_shared>> -> memref<10240x128xf32, #tpu.memory_space<vmem_shared>>
        tpu.wait_indirect_dma semaphore(%arg8 : memref<!tpu.dma_semaphore, #tpu.memory_space<semaphore_mem>>) src(%arg6 : memref<128x128xf32, #tpu.memory_space<vmem>>) dst(%dma_wait3A_125 : memref<10240x128xf32, #tpu.memory_space<vmem_shared>>)
        %dma_wait3A_126 = arith.constant 1 : i32
        %dma_wait3A_127 = arith.constant 0 : i32
        %dma_wait3A_128 = tpu.memref_slice %arg7[%dma_wait3A_126, %dma_wait3A_127] : memref<8x128xi32, #tpu.memory_space<vmem>> -> memref<1x128xi32, #tpu.memory_space<vmem>>
        %dma_wait3A_129 = tpu.memref_squeeze %dma_wait3A_128 : memref<1x128xi32, #tpu.memory_space<vmem>> -> memref<128xi32, #tpu.memory_space<vmem>>
        %dma_wait3A_130 = arith.constant 0 : i32
        %dma_wait3A_131 = arith.constant 0 : i32
        %dma_wait3A_132 = tpu.memref_slice %arg5[%dma_wait3A_130, %dma_wait3A_131] : memref<10240x128xf32, #tpu.memory_space<vmem_shared>> -> memref<10240x128xf32, #tpu.memory_space<vmem_shared>>
        tpu.wait_indirect_dma semaphore(%arg8 : memref<!tpu.dma_semaphore, #tpu.memory_space<semaphore_mem>>) src(%arg6 : memref<128x128xf32, #tpu.memory_space<vmem>>) dst(%dma_wait3A_132 : memref<10240x128xf32, #tpu.memory_space<vmem_shared>>)
        %dma_wait3A_133 = arith.constant 2 : i32
        %dma_wait3A_134 = arith.constant 0 : i32
        %dma_wait3A_135 = tpu.memref_slice %arg7[%dma_wait3A_133, %dma_wait3A_134] : memref<8x128xi32, #tpu.memory_space<vmem>> -> memref<1x128xi32, #tpu.memory_space<vmem>>
        %dma_wait3A_136 = tpu.memref_squeeze %dma_wait3A_135 : memref<1x128xi32, #tpu.memory_space<vmem>> -> memref<128xi32, #tpu.memory_space<vmem>>
        %dma_wait3A_137 = arith.constant 0 : i32
        %dma_wait3A_138 = arith.constant 0 : i32
        %dma_wait3A_139 = tpu.memref_slice %arg5[%dma_wait3A_137, %dma_wait3A_138] : memref<10240x128xf32, #tpu.memory_space<vmem_shared>> -> memref<10240x128xf32, #tpu.memory_space<vmem_shared>>
        tpu.wait_indirect_dma semaphore(%arg8 : memref<!tpu.dma_semaphore, #tpu.memory_space<semaphore_mem>>) src(%arg6 : memref<128x128xf32, #tpu.memory_space<vmem>>) dst(%dma_wait3A_139 : memref<10240x128xf32, #tpu.memory_space<vmem_shared>>)
        %dma_wait3A_140 = arith.constant 3 : i32
        %dma_wait3A_141 = arith.constant 0 : i32
        %dma_wait3A_142 = tpu.memref_slice %arg7[%dma_wait3A_140, %dma_wait3A_141] : memref<8x128xi32, #tpu.memory_space<vmem>> -> memref<1x128xi32, #tpu.memory_space<vmem>>
        %dma_wait3A_143 = tpu.memref_squeeze %dma_wait3A_142 : memref<1x128xi32, #tpu.memory_space<vmem>> -> memref<128xi32, #tpu.memory_space<vmem>>
        %dma_wait3A_144 = arith.constant 0 : i32
        %dma_wait3A_145 = arith.constant 0 : i32
        %dma_wait3A_146 = tpu.memref_slice %arg5[%dma_wait3A_144, %dma_wait3A_145] : memref<10240x128xf32, #tpu.memory_space<vmem_shared>> -> memref<10240x128xf32, #tpu.memory_space<vmem_shared>>
        tpu.wait_indirect_dma semaphore(%arg8 : memref<!tpu.dma_semaphore, #tpu.memory_space<semaphore_mem>>) src(%arg6 : memref<128x128xf32, #tpu.memory_space<vmem>>) dst(%dma_wait3A_146 : memref<10240x128xf32, #tpu.memory_space<vmem_shared>>)
        %dma_wait3A_147 = arith.constant 4 : i32
        %dma_wait3A_148 = arith.constant 0 : i32
        %dma_wait3A_149 = tpu.memref_slice %arg7[%dma_wait3A_147, %dma_wait3A_148] : memref<8x128xi32, #tpu.memory_space<vmem>> -> memref<1x128xi32, #tpu.memory_space<vmem>>
        %dma_wait3A_150 = tpu.memref_squeeze %dma_wait3A_149 : memref<1x128xi32, #tpu.memory_space<vmem>> -> memref<128xi32, #tpu.memory_space<vmem>>
        %dma_wait3A_151 = arith.constant 0 : i32
        %dma_wait3A_152 = arith.constant 0 : i32
        %dma_wait3A_153 = tpu.memref_slice %arg5[%dma_wait3A_151, %dma_wait3A_152] : memref<10240x128xf32, #tpu.memory_space<vmem_shared>> -> memref<10240x128xf32, #tpu.memory_space<vmem_shared>>
        tpu.wait_indirect_dma semaphore(%arg8 : memref<!tpu.dma_semaphore, #tpu.memory_space<semaphore_mem>>) src(%arg6 : memref<128x128xf32, #tpu.memory_space<vmem>>) dst(%dma_wait3A_153 : memref<10240x128xf32, #tpu.memory_space<vmem_shared>>)
        %dma_wait3A_154 = arith.constant 5 : i32
        %dma_wait3A_155 = arith.constant 0 : i32
        %dma_wait3A_156 = tpu.memref_slice %arg7[%dma_wait3A_154, %dma_wait3A_155] : memref<8x128xi32, #tpu.memory_space<vmem>> -> memref<1x128xi32, #tpu.memory_space<vmem>>
        %dma_wait3A_157 = tpu.memref_squeeze %dma_wait3A_156 : memref<1x128xi32, #tpu.memory_space<vmem>> -> memref<128xi32, #tpu.memory_space<vmem>>
        %dma_wait3A_158 = arith.constant 0 : i32
        %dma_wait3A_159 = arith.constant 0 : i32
        %dma_wait3A_160 = tpu.memref_slice %arg5[%dma_wait3A_158, %dma_wait3A_159] : memref<10240x128xf32, #tpu.memory_space<vmem_shared>> -> memref<10240x128xf32, #tpu.memory_space<vmem_shared>>
        tpu.wait_indirect_dma semaphore(%arg8 : memref<!tpu.dma_semaphore, #tpu.memory_space<semaphore_mem>>) src(%arg6 : memref<128x128xf32, #tpu.memory_space<vmem>>) dst(%dma_wait3A_160 : memref<10240x128xf32, #tpu.memory_space<vmem_shared>>)
        %dma_wait3A_161 = arith.constant 6 : i32
        %dma_wait3A_162 = arith.constant 0 : i32
        %dma_wait3A_163 = tpu.memref_slice %arg7[%dma_wait3A_161, %dma_wait3A_162] : memref<8x128xi32, #tpu.memory_space<vmem>> -> memref<1x128xi32, #tpu.memory_space<vmem>>
        %dma_wait3A_164 = tpu.memref_squeeze %dma_wait3A_163 : memref<1x128xi32, #tpu.memory_space<vmem>> -> memref<128xi32, #tpu.memory_space<vmem>>
        %dma_wait3A_165 = arith.constant 0 : i32
        %dma_wait3A_166 = arith.constant 0 : i32
        %dma_wait3A_167 = tpu.memref_slice %arg5[%dma_wait3A_165, %dma_wait3A_166] : memref<10240x128xf32, #tpu.memory_space<vmem_shared>> -> memref<10240x128xf32, #tpu.memory_space<vmem_shared>>
        tpu.wait_indirect_dma semaphore(%arg8 : memref<!tpu.dma_semaphore, #tpu.memory_space<semaphore_mem>>) src(%arg6 : memref<128x128xf32, #tpu.memory_space<vmem>>) dst(%dma_wait3A_167 : memref<10240x128xf32, #tpu.memory_space<vmem_shared>>)
        %dma_wait3A_168 = arith.constant 7 : i32
        %dma_wait3A_169 = arith.constant 0 : i32
        %dma_wait3A_170 = tpu.memref_slice %arg7[%dma_wait3A_168, %dma_wait3A_169] : memref<8x128xi32, #tpu.memory_space<vmem>> -> memref<1x128xi32, #tpu.memory_space<vmem>>
        %dma_wait3A_171 = tpu.memref_squeeze %dma_wait3A_170 : memref<1x128xi32, #tpu.memory_space<vmem>> -> memref<128xi32, #tpu.memory_space<vmem>>
        %dma_wait3A_172 = arith.constant 0 : i32
        %dma_wait3A_173 = arith.constant 0 : i32
        %dma_wait3A_174 = tpu.memref_slice %arg5[%dma_wait3A_172, %dma_wait3A_173] : memref<10240x128xf32, #tpu.memory_space<vmem_shared>> -> memref<10240x128xf32, #tpu.memory_space<vmem_shared>>
        tpu.wait_indirect_dma semaphore(%arg8 : memref<!tpu.dma_semaphore, #tpu.memory_space<semaphore_mem>>) src(%arg6 : memref<128x128xf32, #tpu.memory_space<vmem>>) dst(%dma_wait3A_174 : memref<10240x128xf32, #tpu.memory_space<vmem_shared>>)
        %scan3A_175 = arith.constant 0 : i32
        scf.yield %scan3A_175 : i32
      }
      %scan3A_57 = arith.constant 20 : i32
    } else {
    }
    %eq3A_25 = arith.constant 1 : i32
    %eq3A_26 = arith.cmpi eq, %arg0, %eq3A_25 : i32
    %convert_element_type3A_27 = arith.extui %eq3A_26 : i1 to i32
    %cond3A_28 = arith.constant 0 : i32
    %cond3A_29 = arith.cmpi ne, %convert_element_type3A_27, %cond3A_28 : i32
    scf.if %cond3A_29 {
      %scan3A_51 = arith.constant 0 : i32
      %scan3A_52 = arith.constant 0 : i32
      %scan3A_53 = arith.constant 20 : i32
      %scan3A_54 = arith.addi %scan3A_52, %scan3A_53 : i32
      %scan3A_55 = arith.constant 1 : i32
      %scan3A_56 = scf.for %scan3A_58 = %scan3A_52 to %scan3A_54 step %scan3A_55 iter_args(%scan3A_59 = %scan3A_51) -> (i32)  : i32 {
        %mul3A_60 = arith.constant 160 : i32
        %mul3A_61 = arith.muli %arg1, %mul3A_60 : i32
        %mul3A_62 = arith.constant 8 : i32
        %mul3A_63 = arith.muli %scan3A_58, %mul3A_62 : i32
        %add3A_64 = arith.addi %mul3A_61, %mul3A_63 : i32
        "tpu.region"() ({
          %run_scoped3A = tpu.sem_alloc : memref<!tpu.dma_semaphore, #tpu.memory_space<semaphore_mem>>
          %dma_start3A_176 = arith.constant 0 : i32
          %dma_start3A_177 = tpu.memref_slice %arg3[%add3A_64, %dma_start3A_176] : memref<2560x128xi32, #tpu.memory_space<hbm>> -> memref<8x128xi32, #tpu.memory_space<hbm>>
          %dma_start3A_178 = arith.constant 0 : i32
          %dma_start3A_179 = tpu.memref_slice %arg3[%add3A_64, %dma_start3A_178] : memref<2560x128xi32, #tpu.memory_space<hbm>> -> memref<8x128xi32, #tpu.memory_space<hbm>>
          tpu.enqueue_dma source(%dma_start3A_179 : memref<8x128xi32, #tpu.memory_space<hbm>>) target(%arg7 : memref<8x128xi32, #tpu.memory_space<vmem>>) target_semaphore(%run_scoped3A : memref<!tpu.dma_semaphore, #tpu.memory_space<semaphore_mem>>)
          %dma_wait3A_180 = arith.constant 0 : i32
          %dma_wait3A_181 = tpu.memref_slice %arg3[%add3A_64, %dma_wait3A_180] : memref<2560x128xi32, #tpu.memory_space<hbm>> -> memref<8x128xi32, #tpu.memory_space<hbm>>
          %dma_wait3A_182 = arith.constant 0 : i32
          %dma_wait3A_183 = tpu.memref_slice %arg3[%add3A_64, %dma_wait3A_182] : memref<2560x128xi32, #tpu.memory_space<hbm>> -> memref<8x128xi32, #tpu.memory_space<hbm>>
          tpu.wait_dma2 semaphore(%run_scoped3A : memref<!tpu.dma_semaphore, #tpu.memory_space<semaphore_mem>>) src(%dma_wait3A_183 : memref<8x128xi32, #tpu.memory_space<hbm>>) dst(%arg7 : memref<8x128xi32, #tpu.memory_space<vmem>>)
          tpu.yield
        }) : () -> ()
        %dma_start3A = arith.constant 0 : i32
        %dma_start3A_65 = arith.constant 0 : i32
        %dma_start3A_66 = tpu.memref_slice %arg7[%dma_start3A, %dma_start3A_65] : memref<8x128xi32, #tpu.memory_space<vmem>> -> memref<1x128xi32, #tpu.memory_space<vmem>>
        %dma_start3A_67 = tpu.memref_squeeze %dma_start3A_66 : memref<1x128xi32, #tpu.memory_space<vmem>> -> memref<128xi32, #tpu.memory_space<vmem>>
        %dma_start3A_68 = arith.constant 0 : i32
        %dma_start3A_69 = arith.constant 0 : i32
        %dma_start3A_70 = tpu.memref_slice %arg5[%dma_start3A_68, %dma_start3A_69] : memref<10240x128xf32, #tpu.memory_space<vmem_shared>> -> memref<10240x128xf32, #tpu.memory_space<vmem_shared>>
        tpu.enqueue_indirect_dma source(%arg6 : memref<128x128xf32, #tpu.memory_space<vmem>>) target(%dma_start3A_70 : memref<10240x128xf32, #tpu.memory_space<vmem_shared>>) offsets(%dma_start3A_67 : memref<128xi32, #tpu.memory_space<vmem>>) semaphore(%arg8 : memref<!tpu.dma_semaphore, #tpu.memory_space<semaphore_mem>>) {add = true}
        %dma_start3A_71 = arith.constant 1 : i32
        %dma_start3A_72 = arith.constant 0 : i32
        %dma_start3A_73 = tpu.memref_slice %arg7[%dma_start3A_71, %dma_start3A_72] : memref<8x128xi32, #tpu.memory_space<vmem>> -> memref<1x128xi32, #tpu.memory_space<vmem>>
        %dma_start3A_74 = tpu.memref_squeeze %dma_start3A_73 : memref<1x128xi32, #tpu.memory_space<vmem>> -> memref<128xi32, #tpu.memory_space<vmem>>
        %dma_start3A_75 = arith.constant 0 : i32
        %dma_start3A_76 = arith.constant 0 : i32
        %dma_start3A_77 = tpu.memref_slice %arg5[%dma_start3A_75, %dma_start3A_76] : memref<10240x128xf32, #tpu.memory_space<vmem_shared>> -> memref<10240x128xf32, #tpu.memory_space<vmem_shared>>
        tpu.enqueue_indirect_dma source(%arg6 : memref<128x128xf32, #tpu.memory_space<vmem>>) target(%dma_start3A_77 : memref<10240x128xf32, #tpu.memory_space<vmem_shared>>) offsets(%dma_start3A_74 : memref<128xi32, #tpu.memory_space<vmem>>) semaphore(%arg8 : memref<!tpu.dma_semaphore, #tpu.memory_space<semaphore_mem>>) {add = true}
        %dma_start3A_78 = arith.constant 2 : i32
        %dma_start3A_79 = arith.constant 0 : i32
        %dma_start3A_80 = tpu.memref_slice %arg7[%dma_start3A_78, %dma_start3A_79] : memref<8x128xi32, #tpu.memory_space<vmem>> -> memref<1x128xi32, #tpu.memory_space<vmem>>
        %dma_start3A_81 = tpu.memref_squeeze %dma_start3A_80 : memref<1x128xi32, #tpu.memory_space<vmem>> -> memref<128xi32, #tpu.memory_space<vmem>>
        %dma_start3A_82 = arith.constant 0 : i32
        %dma_start3A_83 = arith.constant 0 : i32
        %dma_start3A_84 = tpu.memref_slice %arg5[%dma_start3A_82, %dma_start3A_83] : memref<10240x128xf32, #tpu.memory_space<vmem_shared>> -> memref<10240x128xf32, #tpu.memory_space<vmem_shared>>
        tpu.enqueue_indirect_dma source(%arg6 : memref<128x128xf32, #tpu.memory_space<vmem>>) target(%dma_start3A_84 : memref<10240x128xf32, #tpu.memory_space<vmem_shared>>) offsets(%dma_start3A_81 : memref<128xi32, #tpu.memory_space<vmem>>) semaphore(%arg8 : memref<!tpu.dma_semaphore, #tpu.memory_space<semaphore_mem>>) {add = true}
        %dma_start3A_85 = arith.constant 3 : i32
        %dma_start3A_86 = arith.constant 0 : i32
        %dma_start3A_87 = tpu.memref_slice %arg7[%dma_start3A_85, %dma_start3A_86] : memref<8x128xi32, #tpu.memory_space<vmem>> -> memref<1x128xi32, #tpu.memory_space<vmem>>
        %dma_start3A_88 = tpu.memref_squeeze %dma_start3A_87 : memref<1x128xi32, #tpu.memory_space<vmem>> -> memref<128xi32, #tpu.memory_space<vmem>>
        %dma_start3A_89 = arith.constant 0 : i32
        %dma_start3A_90 = arith.constant 0 : i32
        %dma_start3A_91 = tpu.memref_slice %arg5[%dma_start3A_89, %dma_start3A_90] : memref<10240x128xf32, #tpu.memory_space<vmem_shared>> -> memref<10240x128xf32, #tpu.memory_space<vmem_shared>>
        tpu.enqueue_indirect_dma source(%arg6 : memref<128x128xf32, #tpu.memory_space<vmem>>) target(%dma_start3A_91 : memref<10240x128xf32, #tpu.memory_space<vmem_shared>>) offsets(%dma_start3A_88 : memref<128xi32, #tpu.memory_space<vmem>>) semaphore(%arg8 : memref<!tpu.dma_semaphore, #tpu.memory_space<semaphore_mem>>) {add = true}
        %dma_start3A_92 = arith.constant 4 : i32
        %dma_start3A_93 = arith.constant 0 : i32
        %dma_start3A_94 = tpu.memref_slice %arg7[%dma_start3A_92, %dma_start3A_93] : memref<8x128xi32, #tpu.memory_space<vmem>> -> memref<1x128xi32, #tpu.memory_space<vmem>>
        %dma_start3A_95 = tpu.memref_squeeze %dma_start3A_94 : memref<1x128xi32, #tpu.memory_space<vmem>> -> memref<128xi32, #tpu.memory_space<vmem>>
        %dma_start3A_96 = arith.constant 0 : i32
        %dma_start3A_97 = arith.constant 0 : i32
        %dma_start3A_98 = tpu.memref_slice %arg5[%dma_start3A_96, %dma_start3A_97] : memref<10240x128xf32, #tpu.memory_space<vmem_shared>> -> memref<10240x128xf32, #tpu.memory_space<vmem_shared>>
        tpu.enqueue_indirect_dma source(%arg6 : memref<128x128xf32, #tpu.memory_space<vmem>>) target(%dma_start3A_98 : memref<10240x128xf32, #tpu.memory_space<vmem_shared>>) offsets(%dma_start3A_95 : memref<128xi32, #tpu.memory_space<vmem>>) semaphore(%arg8 : memref<!tpu.dma_semaphore, #tpu.memory_space<semaphore_mem>>) {add = true}
        %dma_start3A_99 = arith.constant 5 : i32
        %dma_start3A_100 = arith.constant 0 : i32
        %dma_start3A_101 = tpu.memref_slice %arg7[%dma_start3A_99, %dma_start3A_100] : memref<8x128xi32, #tpu.memory_space<vmem>> -> memref<1x128xi32, #tpu.memory_space<vmem>>
        %dma_start3A_102 = tpu.memref_squeeze %dma_start3A_101 : memref<1x128xi32, #tpu.memory_space<vmem>> -> memref<128xi32, #tpu.memory_space<vmem>>
        %dma_start3A_103 = arith.constant 0 : i32
        %dma_start3A_104 = arith.constant 0 : i32
        %dma_start3A_105 = tpu.memref_slice %arg5[%dma_start3A_103, %dma_start3A_104] : memref<10240x128xf32, #tpu.memory_space<vmem_shared>> -> memref<10240x128xf32, #tpu.memory_space<vmem_shared>>
        tpu.enqueue_indirect_dma source(%arg6 : memref<128x128xf32, #tpu.memory_space<vmem>>) target(%dma_start3A_105 : memref<10240x128xf32, #tpu.memory_space<vmem_shared>>) offsets(%dma_start3A_102 : memref<128xi32, #tpu.memory_space<vmem>>) semaphore(%arg8 : memref<!tpu.dma_semaphore, #tpu.memory_space<semaphore_mem>>) {add = true}
        %dma_start3A_106 = arith.constant 6 : i32
        %dma_start3A_107 = arith.constant 0 : i32
        %dma_start3A_108 = tpu.memref_slice %arg7[%dma_start3A_106, %dma_start3A_107] : memref<8x128xi32, #tpu.memory_space<vmem>> -> memref<1x128xi32, #tpu.memory_space<vmem>>
        %dma_start3A_109 = tpu.memref_squeeze %dma_start3A_108 : memref<1x128xi32, #tpu.memory_space<vmem>> -> memref<128xi32, #tpu.memory_space<vmem>>
        %dma_start3A_110 = arith.constant 0 : i32
        %dma_start3A_111 = arith.constant 0 : i32
        %dma_start3A_112 = tpu.memref_slice %arg5[%dma_start3A_110, %dma_start3A_111] : memref<10240x128xf32, #tpu.memory_space<vmem_shared>> -> memref<10240x128xf32, #tpu.memory_space<vmem_shared>>
        tpu.enqueue_indirect_dma source(%arg6 : memref<128x128xf32, #tpu.memory_space<vmem>>) target(%dma_start3A_112 : memref<10240x128xf32, #tpu.memory_space<vmem_shared>>) offsets(%dma_start3A_109 : memref<128xi32, #tpu.memory_space<vmem>>) semaphore(%arg8 : memref<!tpu.dma_semaphore, #tpu.memory_space<semaphore_mem>>) {add = true}
        %dma_start3A_113 = arith.constant 7 : i32
        %dma_start3A_114 = arith.constant 0 : i32
        %dma_start3A_115 = tpu.memref_slice %arg7[%dma_start3A_113, %dma_start3A_114] : memref<8x128xi32, #tpu.memory_space<vmem>> -> memref<1x128xi32, #tpu.memory_space<vmem>>
        %dma_start3A_116 = tpu.memref_squeeze %dma_start3A_115 : memref<1x128xi32, #tpu.memory_space<vmem>> -> memref<128xi32, #tpu.memory_space<vmem>>
        %dma_start3A_117 = arith.constant 0 : i32
        %dma_start3A_118 = arith.constant 0 : i32
        %dma_start3A_119 = tpu.memref_slice %arg5[%dma_start3A_117, %dma_start3A_118] : memref<10240x128xf32, #tpu.memory_space<vmem_shared>> -> memref<10240x128xf32, #tpu.memory_space<vmem_shared>>
        tpu.enqueue_indirect_dma source(%arg6 : memref<128x128xf32, #tpu.memory_space<vmem>>) target(%dma_start3A_119 : memref<10240x128xf32, #tpu.memory_space<vmem_shared>>) offsets(%dma_start3A_116 : memref<128xi32, #tpu.memory_space<vmem>>) semaphore(%arg8 : memref<!tpu.dma_semaphore, #tpu.memory_space<semaphore_mem>>) {add = true}
        %dma_wait3A = arith.constant 0 : i32
        %dma_wait3A_120 = arith.constant 0 : i32
        %dma_wait3A_121 = tpu.memref_slice %arg7[%dma_wait3A, %dma_wait3A_120] : memref<8x128xi32, #tpu.memory_space<vmem>> -> memref<1x128xi32, #tpu.memory_space<vmem>>
        %dma_wait3A_122 = tpu.memref_squeeze %dma_wait3A_121 : memref<1x128xi32, #tpu.memory_space<vmem>> -> memref<128xi32, #tpu.memory_space<vmem>>
        %dma_wait3A_123 = arith.constant 0 : i32
        %dma_wait3A_124 = arith.constant 0 : i32
        %dma_wait3A_125 = tpu.memref_slice %arg5[%dma_wait3A_123, %dma_wait3A_124] : memref<10240x128xf32, #tpu.memory_space<vmem_shared>> -> memref<10240x128xf32, #tpu.memory_space<vmem_shared>>
        tpu.wait_indirect_dma semaphore(%arg8 : memref<!tpu.dma_semaphore, #tpu.memory_space<semaphore_mem>>) src(%arg6 : memref<128x128xf32, #tpu.memory_space<vmem>>) dst(%dma_wait3A_125 : memref<10240x128xf32, #tpu.memory_space<vmem_shared>>)
        %dma_wait3A_126 = arith.constant 1 : i32
        %dma_wait3A_127 = arith.constant 0 : i32
        %dma_wait3A_128 = tpu.memref_slice %arg7[%dma_wait3A_126, %dma_wait3A_127] : memref<8x128xi32, #tpu.memory_space<vmem>> -> memref<1x128xi32, #tpu.memory_space<vmem>>
        %dma_wait3A_129 = tpu.memref_squeeze %dma_wait3A_128 : memref<1x128xi32, #tpu.memory_space<vmem>> -> memref<128xi32, #tpu.memory_space<vmem>>
        %dma_wait3A_130 = arith.constant 0 : i32
        %dma_wait3A_131 = arith.constant 0 : i32
        %dma_wait3A_132 = tpu.memref_slice %arg5[%dma_wait3A_130, %dma_wait3A_131] : memref<10240x128xf32, #tpu.memory_space<vmem_shared>> -> memref<10240x128xf32, #tpu.memory_space<vmem_shared>>
        tpu.wait_indirect_dma semaphore(%arg8 : memref<!tpu.dma_semaphore, #tpu.memory_space<semaphore_mem>>) src(%arg6 : memref<128x128xf32, #tpu.memory_space<vmem>>) dst(%dma_wait3A_132 : memref<10240x128xf32, #tpu.memory_space<vmem_shared>>)
        %dma_wait3A_133 = arith.constant 2 : i32
        %dma_wait3A_134 = arith.constant 0 : i32
        %dma_wait3A_135 = tpu.memref_slice %arg7[%dma_wait3A_133, %dma_wait3A_134] : memref<8x128xi32, #tpu.memory_space<vmem>> -> memref<1x128xi32, #tpu.memory_space<vmem>>
        %dma_wait3A_136 = tpu.memref_squeeze %dma_wait3A_135 : memref<1x128xi32, #tpu.memory_space<vmem>> -> memref<128xi32, #tpu.memory_space<vmem>>
        %dma_wait3A_137 = arith.constant 0 : i32
        %dma_wait3A_138 = arith.constant 0 : i32
        %dma_wait3A_139 = tpu.memref_slice %arg5[%dma_wait3A_137, %dma_wait3A_138] : memref<10240x128xf32, #tpu.memory_space<vmem_shared>> -> memref<10240x128xf32, #tpu.memory_space<vmem_shared>>
        tpu.wait_indirect_dma semaphore(%arg8 : memref<!tpu.dma_semaphore, #tpu.memory_space<semaphore_mem>>) src(%arg6 : memref<128x128xf32, #tpu.memory_space<vmem>>) dst(%dma_wait3A_139 : memref<10240x128xf32, #tpu.memory_space<vmem_shared>>)
        %dma_wait3A_140 = arith.constant 3 : i32
        %dma_wait3A_141 = arith.constant 0 : i32
        %dma_wait3A_142 = tpu.memref_slice %arg7[%dma_wait3A_140, %dma_wait3A_141] : memref<8x128xi32, #tpu.memory_space<vmem>> -> memref<1x128xi32, #tpu.memory_space<vmem>>
        %dma_wait3A_143 = tpu.memref_squeeze %dma_wait3A_142 : memref<1x128xi32, #tpu.memory_space<vmem>> -> memref<128xi32, #tpu.memory_space<vmem>>
        %dma_wait3A_144 = arith.constant 0 : i32
        %dma_wait3A_145 = arith.constant 0 : i32
        %dma_wait3A_146 = tpu.memref_slice %arg5[%dma_wait3A_144, %dma_wait3A_145] : memref<10240x128xf32, #tpu.memory_space<vmem_shared>> -> memref<10240x128xf32, #tpu.memory_space<vmem_shared>>
        tpu.wait_indirect_dma semaphore(%arg8 : memref<!tpu.dma_semaphore, #tpu.memory_space<semaphore_mem>>) src(%arg6 : memref<128x128xf32, #tpu.memory_space<vmem>>) dst(%dma_wait3A_146 : memref<10240x128xf32, #tpu.memory_space<vmem_shared>>)
        %dma_wait3A_147 = arith.constant 4 : i32
        %dma_wait3A_148 = arith.constant 0 : i32
        %dma_wait3A_149 = tpu.memref_slice %arg7[%dma_wait3A_147, %dma_wait3A_148] : memref<8x128xi32, #tpu.memory_space<vmem>> -> memref<1x128xi32, #tpu.memory_space<vmem>>
        %dma_wait3A_150 = tpu.memref_squeeze %dma_wait3A_149 : memref<1x128xi32, #tpu.memory_space<vmem>> -> memref<128xi32, #tpu.memory_space<vmem>>
        %dma_wait3A_151 = arith.constant 0 : i32
        %dma_wait3A_152 = arith.constant 0 : i32
        %dma_wait3A_153 = tpu.memref_slice %arg5[%dma_wait3A_151, %dma_wait3A_152] : memref<10240x128xf32, #tpu.memory_space<vmem_shared>> -> memref<10240x128xf32, #tpu.memory_space<vmem_shared>>
        tpu.wait_indirect_dma semaphore(%arg8 : memref<!tpu.dma_semaphore, #tpu.memory_space<semaphore_mem>>) src(%arg6 : memref<128x128xf32, #tpu.memory_space<vmem>>) dst(%dma_wait3A_153 : memref<10240x128xf32, #tpu.memory_space<vmem_shared>>)
        %dma_wait3A_154 = arith.constant 5 : i32
        %dma_wait3A_155 = arith.constant 0 : i32
        %dma_wait3A_156 = tpu.memref_slice %arg7[%dma_wait3A_154, %dma_wait3A_155] : memref<8x128xi32, #tpu.memory_space<vmem>> -> memref<1x128xi32, #tpu.memory_space<vmem>>
        %dma_wait3A_157 = tpu.memref_squeeze %dma_wait3A_156 : memref<1x128xi32, #tpu.memory_space<vmem>> -> memref<128xi32, #tpu.memory_space<vmem>>
        %dma_wait3A_158 = arith.constant 0 : i32
        %dma_wait3A_159 = arith.constant 0 : i32
        %dma_wait3A_160 = tpu.memref_slice %arg5[%dma_wait3A_158, %dma_wait3A_159] : memref<10240x128xf32, #tpu.memory_space<vmem_shared>> -> memref<10240x128xf32, #tpu.memory_space<vmem_shared>>
        tpu.wait_indirect_dma semaphore(%arg8 : memref<!tpu.dma_semaphore, #tpu.memory_space<semaphore_mem>>) src(%arg6 : memref<128x128xf32, #tpu.memory_space<vmem>>) dst(%dma_wait3A_160 : memref<10240x128xf32, #tpu.memory_space<vmem_shared>>)
        %dma_wait3A_161 = arith.constant 6 : i32
        %dma_wait3A_162 = arith.constant 0 : i32
        %dma_wait3A_163 = tpu.memref_slice %arg7[%dma_wait3A_161, %dma_wait3A_162] : memref<8x128xi32, #tpu.memory_space<vmem>> -> memref<1x128xi32, #tpu.memory_space<vmem>>
        %dma_wait3A_164 = tpu.memref_squeeze %dma_wait3A_163 : memref<1x128xi32, #tpu.memory_space<vmem>> -> memref<128xi32, #tpu.memory_space<vmem>>
        %dma_wait3A_165 = arith.constant 0 : i32
        %dma_wait3A_166 = arith.constant 0 : i32
        %dma_wait3A_167 = tpu.memref_slice %arg5[%dma_wait3A_165, %dma_wait3A_166] : memref<10240x128xf32, #tpu.memory_space<vmem_shared>> -> memref<10240x128xf32, #tpu.memory_space<vmem_shared>>
        tpu.wait_indirect_dma semaphore(%arg8 : memref<!tpu.dma_semaphore, #tpu.memory_space<semaphore_mem>>) src(%arg6 : memref<128x128xf32, #tpu.memory_space<vmem>>) dst(%dma_wait3A_167 : memref<10240x128xf32, #tpu.memory_space<vmem_shared>>)
        %dma_wait3A_168 = arith.constant 7 : i32
        %dma_wait3A_169 = arith.constant 0 : i32
        %dma_wait3A_170 = tpu.memref_slice %arg7[%dma_wait3A_168, %dma_wait3A_169] : memref<8x128xi32, #tpu.memory_space<vmem>> -> memref<1x128xi32, #tpu.memory_space<vmem>>
        %dma_wait3A_171 = tpu.memref_squeeze %dma_wait3A_170 : memref<1x128xi32, #tpu.memory_space<vmem>> -> memref<128xi32, #tpu.memory_space<vmem>>
        %dma_wait3A_172 = arith.constant 0 : i32
        %dma_wait3A_173 = arith.constant 0 : i32
        %dma_wait3A_174 = tpu.memref_slice %arg5[%dma_wait3A_172, %dma_wait3A_173] : memref<10240x128xf32, #tpu.memory_space<vmem_shared>> -> memref<10240x128xf32, #tpu.memory_space<vmem_shared>>
        tpu.wait_indirect_dma semaphore(%arg8 : memref<!tpu.dma_semaphore, #tpu.memory_space<semaphore_mem>>) src(%arg6 : memref<128x128xf32, #tpu.memory_space<vmem>>) dst(%dma_wait3A_174 : memref<10240x128xf32, #tpu.memory_space<vmem_shared>>)
        %scan3A_175 = arith.constant 0 : i32
        scf.yield %scan3A_175 : i32
      }
      %scan3A_57 = arith.constant 20 : i32
    } else {
    }
    %barrier3A_30 = arith.constant 0 : index
    tpu.barrier barrier_id(%barrier3A_30)
    %add3A_31 = arith.constant 0 : i32
    %add3A_32 = arith.addi %mul3A_6, %add3A_31 : i32
    "tpu.region"() ({
      %run_scoped3A = tpu.sem_alloc : memref<!tpu.dma_semaphore, #tpu.memory_space<semaphore_mem>>
      %dma_start3A = arith.constant 0 : i32
      %dma_start3A_51 = tpu.memref_slice %arg5[%add3A_32, %dma_start3A] : memref<10240x128xf32, #tpu.memory_space<vmem_shared>> -> memref<128x128xf32, #tpu.memory_space<vmem_shared>>
      %dma_start3A_52 = arith.constant 0 : i32
      %dma_start3A_53 = tpu.memref_slice %arg5[%add3A_32, %dma_start3A_52] : memref<10240x128xf32, #tpu.memory_space<vmem_shared>> -> memref<128x128xf32, #tpu.memory_space<vmem_shared>>
      tpu.enqueue_dma source(%dma_start3A_53 : memref<128x128xf32, #tpu.memory_space<vmem_shared>>) target(%arg6 : memref<128x128xf32, #tpu.memory_space<vmem>>) target_semaphore(%run_scoped3A : memref<!tpu.dma_semaphore, #tpu.memory_space<semaphore_mem>>)
      %dma_wait3A = arith.constant 0 : i32
      %dma_wait3A_54 = tpu.memref_slice %arg5[%add3A_32, %dma_wait3A] : memref<10240x128xf32, #tpu.memory_space<vmem_shared>> -> memref<128x128xf32, #tpu.memory_space<vmem_shared>>
      %dma_wait3A_55 = arith.constant 0 : i32
      %dma_wait3A_56 = tpu.memref_slice %arg5[%add3A_32, %dma_wait3A_55] : memref<10240x128xf32, #tpu.memory_space<vmem_shared>> -> memref<128x128xf32, #tpu.memory_space<vmem_shared>>
      tpu.wait_dma2 semaphore(%run_scoped3A : memref<!tpu.dma_semaphore, #tpu.memory_space<semaphore_mem>>) src(%dma_wait3A_56 : memref<128x128xf32, #tpu.memory_space<vmem_shared>>) dst(%arg6 : memref<128x128xf32, #tpu.memory_space<vmem>>)
      tpu.yield
    }) : () -> ()
    %add3A_33 = arith.constant 0 : i32
    %add3A_34 = arith.addi %mul3A_6, %add3A_33 : i32
    "tpu.region"() ({
      %run_scoped3A = tpu.sem_alloc : memref<!tpu.dma_semaphore, #tpu.memory_space<semaphore_mem>>
      %dma_start3A = arith.constant 0 : i32
      %dma_start3A_51 = arith.constant 0 : i32
      %dma_start3A_52 = tpu.memref_slice %arg4[%arg0, %dma_start3A, %dma_start3A_51] : memref<2x10240x128xf32, #tpu.memory_space<hbm>> -> memref<1x10240x128xf32, #tpu.memory_space<hbm>>
      %dma_start3A_53 = tpu.memref_squeeze %dma_start3A_52 : memref<1x10240x128xf32, #tpu.memory_space<hbm>> -> memref<10240x128xf32, #tpu.memory_space<hbm>>
      %dma_start3A_54 = arith.constant 0 : i32
      %dma_start3A_55 = tpu.memref_slice %dma_start3A_53[%add3A_34, %dma_start3A_54] : memref<10240x128xf32, #tpu.memory_space<hbm>> -> memref<128x128xf32, #tpu.memory_space<hbm>>
      %dma_start3A_56 = arith.constant 0 : i32
      %dma_start3A_57 = arith.constant 0 : i32
      %dma_start3A_58 = tpu.memref_slice %arg4[%arg0, %dma_start3A_56, %dma_start3A_57] : memref<2x10240x128xf32, #tpu.memory_space<hbm>> -> memref<1x10240x128xf32, #tpu.memory_space<hbm>>
      %dma_start3A_59 = tpu.memref_squeeze %dma_start3A_58 : memref<1x10240x128xf32, #tpu.memory_space<hbm>> -> memref<10240x128xf32, #tpu.memory_space<hbm>>
      %dma_start3A_60 = arith.constant 0 : i32
      %dma_start3A_61 = tpu.memref_slice %dma_start3A_59[%add3A_34, %dma_start3A_60] : memref<10240x128xf32, #tpu.memory_space<hbm>> -> memref<128x128xf32, #tpu.memory_space<hbm>>
      tpu.enqueue_dma source(%arg6 : memref<128x128xf32, #tpu.memory_space<vmem>>) target(%dma_start3A_61 : memref<128x128xf32, #tpu.memory_space<hbm>>) target_semaphore(%run_scoped3A : memref<!tpu.dma_semaphore, #tpu.memory_space<semaphore_mem>>)
      %dma_wait3A = arith.constant 0 : i32
      %dma_wait3A_62 = arith.constant 0 : i32
      %dma_wait3A_63 = tpu.memref_slice %arg4[%arg0, %dma_wait3A, %dma_wait3A_62] : memref<2x10240x128xf32, #tpu.memory_space<hbm>> -> memref<1x10240x128xf32, #tpu.memory_space<hbm>>
      %dma_wait3A_64 = tpu.memref_squeeze %dma_wait3A_63 : memref<1x10240x128xf32, #tpu.memory_space<hbm>> -> memref<10240x128xf32, #tpu.memory_space<hbm>>
      %dma_wait3A_65 = arith.constant 0 : i32
      %dma_wait3A_66 = tpu.memref_slice %dma_wait3A_64[%add3A_34, %dma_wait3A_65] : memref<10240x128xf32, #tpu.memory_space<hbm>> -> memref<128x128xf32, #tpu.memory_space<hbm>>
      %dma_wait3A_67 = arith.constant 0 : i32
      %dma_wait3A_68 = arith.constant 0 : i32
      %dma_wait3A_69 = tpu.memref_slice %arg4[%arg0, %dma_wait3A_67, %dma_wait3A_68] : memref<2x10240x128xf32, #tpu.memory_space<hbm>> -> memref<1x10240x128xf32, #tpu.memory_space<hbm>>
      %dma_wait3A_70 = tpu.memref_squeeze %dma_wait3A_69 : memref<1x10240x128xf32, #tpu.memory_space<hbm>> -> memref<10240x128xf32, #tpu.memory_space<hbm>>
      %dma_wait3A_71 = arith.constant 0 : i32
      %dma_wait3A_72 = tpu.memref_slice %dma_wait3A_70[%add3A_34, %dma_wait3A_71] : memref<10240x128xf32, #tpu.memory_space<hbm>> -> memref<128x128xf32, #tpu.memory_space<hbm>>
      tpu.wait_dma2 semaphore(%run_scoped3A : memref<!tpu.dma_semaphore, #tpu.memory_space<semaphore_mem>>) src(%arg6 : memref<128x128xf32, #tpu.memory_space<vmem>>) dst(%dma_wait3A_72 : memref<128x128xf32, #tpu.memory_space<hbm>>)
      tpu.yield
    }) : () -> ()
    %add3A_35 = arith.constant 128 : i32
    %add3A_36 = arith.addi %mul3A_6, %add3A_35 : i32
    "tpu.region"() ({
      %run_scoped3A = tpu.sem_alloc : memref<!tpu.dma_semaphore, #tpu.memory_space<semaphore_mem>>
      %dma_start3A = arith.constant 0 : i32
      %dma_start3A_51 = tpu.memref_slice %arg5[%add3A_36, %dma_start3A] : memref<10240x128xf32, #tpu.memory_space<vmem_shared>> -> memref<128x128xf32, #tpu.memory_space<vmem_shared>>
      %dma_start3A_52 = arith.constant 0 : i32
      %dma_start3A_53 = tpu.memref_slice %arg5[%add3A_36, %dma_start3A_52] : memref<10240x128xf32, #tpu.memory_space<vmem_shared>> -> memref<128x128xf32, #tpu.memory_space<vmem_shared>>
      tpu.enqueue_dma source(%dma_start3A_53 : memref<128x128xf32, #tpu.memory_space<vmem_shared>>) target(%arg6 : memref<128x128xf32, #tpu.memory_space<vmem>>) target_semaphore(%run_scoped3A : memref<!tpu.dma_semaphore, #tpu.memory_space<semaphore_mem>>)
      %dma_wait3A = arith.constant 0 : i32
      %dma_wait3A_54 = tpu.memref_slice %arg5[%add3A_36, %dma_wait3A] : memref<10240x128xf32, #tpu.memory_space<vmem_shared>> -> memref<128x128xf32, #tpu.memory_space<vmem_shared>>
      %dma_wait3A_55 = arith.constant 0 : i32
      %dma_wait3A_56 = tpu.memref_slice %arg5[%add3A_36, %dma_wait3A_55] : memref<10240x128xf32, #tpu.memory_space<vmem_shared>> -> memref<128x128xf32, #tpu.memory_space<vmem_shared>>
      tpu.wait_dma2 semaphore(%run_scoped3A : memref<!tpu.dma_semaphore, #tpu.memory_space<semaphore_mem>>) src(%dma_wait3A_56 : memref<128x128xf32, #tpu.memory_space<vmem_shared>>) dst(%arg6 : memref<128x128xf32, #tpu.memory_space<vmem>>)
      tpu.yield
    }) : () -> ()
    %add3A_37 = arith.constant 128 : i32
    %add3A_38 = arith.addi %mul3A_6, %add3A_37 : i32
    "tpu.region"() ({
      %run_scoped3A = tpu.sem_alloc : memref<!tpu.dma_semaphore, #tpu.memory_space<semaphore_mem>>
      %dma_start3A = arith.constant 0 : i32
      %dma_start3A_51 = arith.constant 0 : i32
      %dma_start3A_52 = tpu.memref_slice %arg4[%arg0, %dma_start3A, %dma_start3A_51] : memref<2x10240x128xf32, #tpu.memory_space<hbm>> -> memref<1x10240x128xf32, #tpu.memory_space<hbm>>
      %dma_start3A_53 = tpu.memref_squeeze %dma_start3A_52 : memref<1x10240x128xf32, #tpu.memory_space<hbm>> -> memref<10240x128xf32, #tpu.memory_space<hbm>>
      %dma_start3A_54 = arith.constant 0 : i32
      %dma_start3A_55 = tpu.memref_slice %dma_start3A_53[%add3A_38, %dma_start3A_54] : memref<10240x128xf32, #tpu.memory_space<hbm>> -> memref<128x128xf32, #tpu.memory_space<hbm>>
      %dma_start3A_56 = arith.constant 0 : i32
      %dma_start3A_57 = arith.constant 0 : i32
      %dma_start3A_58 = tpu.memref_slice %arg4[%arg0, %dma_start3A_56, %dma_start3A_57] : memref<2x10240x128xf32, #tpu.memory_space<hbm>> -> memref<1x10240x128xf32, #tpu.memory_space<hbm>>
      %dma_start3A_59 = tpu.memref_squeeze %dma_start3A_58 : memref<1x10240x128xf32, #tpu.memory_space<hbm>> -> memref<10240x128xf32, #tpu.memory_space<hbm>>
      %dma_start3A_60 = arith.constant 0 : i32
      %dma_start3A_61 = tpu.memref_slice %dma_start3A_59[%add3A_38, %dma_start3A_60] : memref<10240x128xf32, #tpu.memory_space<hbm>> -> memref<128x128xf32, #tpu.memory_space<hbm>>
      tpu.enqueue_dma source(%arg6 : memref<128x128xf32, #tpu.memory_space<vmem>>) target(%dma_start3A_61 : memref<128x128xf32, #tpu.memory_space<hbm>>) target_semaphore(%run_scoped3A : memref<!tpu.dma_semaphore, #tpu.memory_space<semaphore_mem>>)
      %dma_wait3A = arith.constant 0 : i32
      %dma_wait3A_62 = arith.constant 0 : i32
      %dma_wait3A_63 = tpu.memref_slice %arg4[%arg0, %dma_wait3A, %dma_wait3A_62] : memref<2x10240x128xf32, #tpu.memory_space<hbm>> -> memref<1x10240x128xf32, #tpu.memory_space<hbm>>
      %dma_wait3A_64 = tpu.memref_squeeze %dma_wait3A_63 : memref<1x10240x128xf32, #tpu.memory_space<hbm>> -> memref<10240x128xf32, #tpu.memory_space<hbm>>
      %dma_wait3A_65 = arith.constant 0 : i32
      %dma_wait3A_66 = tpu.memref_slice %dma_wait3A_64[%add3A_38, %dma_wait3A_65] : memref<10240x128xf32, #tpu.memory_space<hbm>> -> memref<128x128xf32, #tpu.memory_space<hbm>>
      %dma_wait3A_67 = arith.constant 0 : i32
      %dma_wait3A_68 = arith.constant 0 : i32
      %dma_wait3A_69 = tpu.memref_slice %arg4[%arg0, %dma_wait3A_67, %dma_wait3A_68] : memref<2x10240x128xf32, #tpu.memory_space<hbm>> -> memref<1x10240x128xf32, #tpu.memory_space<hbm>>
      %dma_wait3A_70 = tpu.memref_squeeze %dma_wait3A_69 : memref<1x10240x128xf32, #tpu.memory_space<hbm>> -> memref<10240x128xf32, #tpu.memory_space<hbm>>
      %dma_wait3A_71 = arith.constant 0 : i32
      %dma_wait3A_72 = tpu.memref_slice %dma_wait3A_70[%add3A_38, %dma_wait3A_71] : memref<10240x128xf32, #tpu.memory_space<hbm>> -> memref<128x128xf32, #tpu.memory_space<hbm>>
      tpu.wait_dma2 semaphore(%run_scoped3A : memref<!tpu.dma_semaphore, #tpu.memory_space<semaphore_mem>>) src(%arg6 : memref<128x128xf32, #tpu.memory_space<vmem>>) dst(%dma_wait3A_72 : memref<128x128xf32, #tpu.memory_space<hbm>>)
      tpu.yield
    }) : () -> ()
    %add3A_39 = arith.constant 256 : i32
    %add3A_40 = arith.addi %mul3A_6, %add3A_39 : i32
    "tpu.region"() ({
      %run_scoped3A = tpu.sem_alloc : memref<!tpu.dma_semaphore, #tpu.memory_space<semaphore_mem>>
      %dma_start3A = arith.constant 0 : i32
      %dma_start3A_51 = tpu.memref_slice %arg5[%add3A_40, %dma_start3A] : memref<10240x128xf32, #tpu.memory_space<vmem_shared>> -> memref<128x128xf32, #tpu.memory_space<vmem_shared>>
      %dma_start3A_52 = arith.constant 0 : i32
      %dma_start3A_53 = tpu.memref_slice %arg5[%add3A_40, %dma_start3A_52] : memref<10240x128xf32, #tpu.memory_space<vmem_shared>> -> memref<128x128xf32, #tpu.memory_space<vmem_shared>>
      tpu.enqueue_dma source(%dma_start3A_53 : memref<128x128xf32, #tpu.memory_space<vmem_shared>>) target(%arg6 : memref<128x128xf32, #tpu.memory_space<vmem>>) target_semaphore(%run_scoped3A : memref<!tpu.dma_semaphore, #tpu.memory_space<semaphore_mem>>)
      %dma_wait3A = arith.constant 0 : i32
      %dma_wait3A_54 = tpu.memref_slice %arg5[%add3A_40, %dma_wait3A] : memref<10240x128xf32, #tpu.memory_space<vmem_shared>> -> memref<128x128xf32, #tpu.memory_space<vmem_shared>>
      %dma_wait3A_55 = arith.constant 0 : i32
      %dma_wait3A_56 = tpu.memref_slice %arg5[%add3A_40, %dma_wait3A_55] : memref<10240x128xf32, #tpu.memory_space<vmem_shared>> -> memref<128x128xf32, #tpu.memory_space<vmem_shared>>
      tpu.wait_dma2 semaphore(%run_scoped3A : memref<!tpu.dma_semaphore, #tpu.memory_space<semaphore_mem>>) src(%dma_wait3A_56 : memref<128x128xf32, #tpu.memory_space<vmem_shared>>) dst(%arg6 : memref<128x128xf32, #tpu.memory_space<vmem>>)
      tpu.yield
    }) : () -> ()
    %add3A_41 = arith.constant 256 : i32
    %add3A_42 = arith.addi %mul3A_6, %add3A_41 : i32
    "tpu.region"() ({
      %run_scoped3A = tpu.sem_alloc : memref<!tpu.dma_semaphore, #tpu.memory_space<semaphore_mem>>
      %dma_start3A = arith.constant 0 : i32
      %dma_start3A_51 = arith.constant 0 : i32
      %dma_start3A_52 = tpu.memref_slice %arg4[%arg0, %dma_start3A, %dma_start3A_51] : memref<2x10240x128xf32, #tpu.memory_space<hbm>> -> memref<1x10240x128xf32, #tpu.memory_space<hbm>>
      %dma_start3A_53 = tpu.memref_squeeze %dma_start3A_52 : memref<1x10240x128xf32, #tpu.memory_space<hbm>> -> memref<10240x128xf32, #tpu.memory_space<hbm>>
      %dma_start3A_54 = arith.constant 0 : i32
      %dma_start3A_55 = tpu.memref_slice %dma_start3A_53[%add3A_42, %dma_start3A_54] : memref<10240x128xf32, #tpu.memory_space<hbm>> -> memref<128x128xf32, #tpu.memory_space<hbm>>
      %dma_start3A_56 = arith.constant 0 : i32
      %dma_start3A_57 = arith.constant 0 : i32
      %dma_start3A_58 = tpu.memref_slice %arg4[%arg0, %dma_start3A_56, %dma_start3A_57] : memref<2x10240x128xf32, #tpu.memory_space<hbm>> -> memref<1x10240x128xf32, #tpu.memory_space<hbm>>
      %dma_start3A_59 = tpu.memref_squeeze %dma_start3A_58 : memref<1x10240x128xf32, #tpu.memory_space<hbm>> -> memref<10240x128xf32, #tpu.memory_space<hbm>>
      %dma_start3A_60 = arith.constant 0 : i32
      %dma_start3A_61 = tpu.memref_slice %dma_start3A_59[%add3A_42, %dma_start3A_60] : memref<10240x128xf32, #tpu.memory_space<hbm>> -> memref<128x128xf32, #tpu.memory_space<hbm>>
      tpu.enqueue_dma source(%arg6 : memref<128x128xf32, #tpu.memory_space<vmem>>) target(%dma_start3A_61 : memref<128x128xf32, #tpu.memory_space<hbm>>) target_semaphore(%run_scoped3A : memref<!tpu.dma_semaphore, #tpu.memory_space<semaphore_mem>>)
      %dma_wait3A = arith.constant 0 : i32
      %dma_wait3A_62 = arith.constant 0 : i32
      %dma_wait3A_63 = tpu.memref_slice %arg4[%arg0, %dma_wait3A, %dma_wait3A_62] : memref<2x10240x128xf32, #tpu.memory_space<hbm>> -> memref<1x10240x128xf32, #tpu.memory_space<hbm>>
      %dma_wait3A_64 = tpu.memref_squeeze %dma_wait3A_63 : memref<1x10240x128xf32, #tpu.memory_space<hbm>> -> memref<10240x128xf32, #tpu.memory_space<hbm>>
      %dma_wait3A_65 = arith.constant 0 : i32
      %dma_wait3A_66 = tpu.memref_slice %dma_wait3A_64[%add3A_42, %dma_wait3A_65] : memref<10240x128xf32, #tpu.memory_space<hbm>> -> memref<128x128xf32, #tpu.memory_space<hbm>>
      %dma_wait3A_67 = arith.constant 0 : i32
      %dma_wait3A_68 = arith.constant 0 : i32
      %dma_wait3A_69 = tpu.memref_slice %arg4[%arg0, %dma_wait3A_67, %dma_wait3A_68] : memref<2x10240x128xf32, #tpu.memory_space<hbm>> -> memref<1x10240x128xf32, #tpu.memory_space<hbm>>
      %dma_wait3A_70 = tpu.memref_squeeze %dma_wait3A_69 : memref<1x10240x128xf32, #tpu.memory_space<hbm>> -> memref<10240x128xf32, #tpu.memory_space<hbm>>
      %dma_wait3A_71 = arith.constant 0 : i32
      %dma_wait3A_72 = tpu.memref_slice %dma_wait3A_70[%add3A_42, %dma_wait3A_71] : memref<10240x128xf32, #tpu.memory_space<hbm>> -> memref<128x128xf32, #tpu.memory_space<hbm>>
      tpu.wait_dma2 semaphore(%run_scoped3A : memref<!tpu.dma_semaphore, #tpu.memory_space<semaphore_mem>>) src(%arg6 : memref<128x128xf32, #tpu.memory_space<vmem>>) dst(%dma_wait3A_72 : memref<128x128xf32, #tpu.memory_space<hbm>>)
      tpu.yield
    }) : () -> ()
    %add3A_43 = arith.constant 384 : i32
    %add3A_44 = arith.addi %mul3A_6, %add3A_43 : i32
    "tpu.region"() ({
      %run_scoped3A = tpu.sem_alloc : memref<!tpu.dma_semaphore, #tpu.memory_space<semaphore_mem>>
      %dma_start3A = arith.constant 0 : i32
      %dma_start3A_51 = tpu.memref_slice %arg5[%add3A_44, %dma_start3A] : memref<10240x128xf32, #tpu.memory_space<vmem_shared>> -> memref<128x128xf32, #tpu.memory_space<vmem_shared>>
      %dma_start3A_52 = arith.constant 0 : i32
      %dma_start3A_53 = tpu.memref_slice %arg5[%add3A_44, %dma_start3A_52] : memref<10240x128xf32, #tpu.memory_space<vmem_shared>> -> memref<128x128xf32, #tpu.memory_space<vmem_shared>>
      tpu.enqueue_dma source(%dma_start3A_53 : memref<128x128xf32, #tpu.memory_space<vmem_shared>>) target(%arg6 : memref<128x128xf32, #tpu.memory_space<vmem>>) target_semaphore(%run_scoped3A : memref<!tpu.dma_semaphore, #tpu.memory_space<semaphore_mem>>)
      %dma_wait3A = arith.constant 0 : i32
      %dma_wait3A_54 = tpu.memref_slice %arg5[%add3A_44, %dma_wait3A] : memref<10240x128xf32, #tpu.memory_space<vmem_shared>> -> memref<128x128xf32, #tpu.memory_space<vmem_shared>>
      %dma_wait3A_55 = arith.constant 0 : i32
      %dma_wait3A_56 = tpu.memref_slice %arg5[%add3A_44, %dma_wait3A_55] : memref<10240x128xf32, #tpu.memory_space<vmem_shared>> -> memref<128x128xf32, #tpu.memory_space<vmem_shared>>
      tpu.wait_dma2 semaphore(%run_scoped3A : memref<!tpu.dma_semaphore, #tpu.memory_space<semaphore_mem>>) src(%dma_wait3A_56 : memref<128x128xf32, #tpu.memory_space<vmem_shared>>) dst(%arg6 : memref<128x128xf32, #tpu.memory_space<vmem>>)
      tpu.yield
    }) : () -> ()
    %add3A_45 = arith.constant 384 : i32
    %add3A_46 = arith.addi %mul3A_6, %add3A_45 : i32
    "tpu.region"() ({
      %run_scoped3A = tpu.sem_alloc : memref<!tpu.dma_semaphore, #tpu.memory_space<semaphore_mem>>
      %dma_start3A = arith.constant 0 : i32
      %dma_start3A_51 = arith.constant 0 : i32
      %dma_start3A_52 = tpu.memref_slice %arg4[%arg0, %dma_start3A, %dma_start3A_51] : memref<2x10240x128xf32, #tpu.memory_space<hbm>> -> memref<1x10240x128xf32, #tpu.memory_space<hbm>>
      %dma_start3A_53 = tpu.memref_squeeze %dma_start3A_52 : memref<1x10240x128xf32, #tpu.memory_space<hbm>> -> memref<10240x128xf32, #tpu.memory_space<hbm>>
      %dma_start3A_54 = arith.constant 0 : i32
      %dma_start3A_55 = tpu.memref_slice %dma_start3A_53[%add3A_46, %dma_start3A_54] : memref<10240x128xf32, #tpu.memory_space<hbm>> -> memref<128x128xf32, #tpu.memory_space<hbm>>
      %dma_start3A_56 = arith.constant 0 : i32
      %dma_start3A_57 = arith.constant 0 : i32
      %dma_start3A_58 = tpu.memref_slice %arg4[%arg0, %dma_start3A_56, %dma_start3A_57] : memref<2x10240x128xf32, #tpu.memory_space<hbm>> -> memref<1x10240x128xf32, #tpu.memory_space<hbm>>
      %dma_start3A_59 = tpu.memref_squeeze %dma_start3A_58 : memref<1x10240x128xf32, #tpu.memory_space<hbm>> -> memref<10240x128xf32, #tpu.memory_space<hbm>>
      %dma_start3A_60 = arith.constant 0 : i32
      %dma_start3A_61 = tpu.memref_slice %dma_start3A_59[%add3A_46, %dma_start3A_60] : memref<10240x128xf32, #tpu.memory_space<hbm>> -> memref<128x128xf32, #tpu.memory_space<hbm>>
      tpu.enqueue_dma source(%arg6 : memref<128x128xf32, #tpu.memory_space<vmem>>) target(%dma_start3A_61 : memref<128x128xf32, #tpu.memory_space<hbm>>) target_semaphore(%run_scoped3A : memref<!tpu.dma_semaphore, #tpu.memory_space<semaphore_mem>>)
      %dma_wait3A = arith.constant 0 : i32
      %dma_wait3A_62 = arith.constant 0 : i32
      %dma_wait3A_63 = tpu.memref_slice %arg4[%arg0, %dma_wait3A, %dma_wait3A_62] : memref<2x10240x128xf32, #tpu.memory_space<hbm>> -> memref<1x10240x128xf32, #tpu.memory_space<hbm>>
      %dma_wait3A_64 = tpu.memref_squeeze %dma_wait3A_63 : memref<1x10240x128xf32, #tpu.memory_space<hbm>> -> memref<10240x128xf32, #tpu.memory_space<hbm>>
      %dma_wait3A_65 = arith.constant 0 : i32
      %dma_wait3A_66 = tpu.memref_slice %dma_wait3A_64[%add3A_46, %dma_wait3A_65] : memref<10240x128xf32, #tpu.memory_space<hbm>> -> memref<128x128xf32, #tpu.memory_space<hbm>>
      %dma_wait3A_67 = arith.constant 0 : i32
      %dma_wait3A_68 = arith.constant 0 : i32
      %dma_wait3A_69 = tpu.memref_slice %arg4[%arg0, %dma_wait3A_67, %dma_wait3A_68] : memref<2x10240x128xf32, #tpu.memory_space<hbm>> -> memref<1x10240x128xf32, #tpu.memory_space<hbm>>
      %dma_wait3A_70 = tpu.memref_squeeze %dma_wait3A_69 : memref<1x10240x128xf32, #tpu.memory_space<hbm>> -> memref<10240x128xf32, #tpu.memory_space<hbm>>
      %dma_wait3A_71 = arith.constant 0 : i32
      %dma_wait3A_72 = tpu.memref_slice %dma_wait3A_70[%add3A_46, %dma_wait3A_71] : memref<10240x128xf32, #tpu.memory_space<hbm>> -> memref<128x128xf32, #tpu.memory_space<hbm>>
      tpu.wait_dma2 semaphore(%run_scoped3A : memref<!tpu.dma_semaphore, #tpu.memory_space<semaphore_mem>>) src(%arg6 : memref<128x128xf32, #tpu.memory_space<vmem>>) dst(%dma_wait3A_72 : memref<128x128xf32, #tpu.memory_space<hbm>>)
      tpu.yield
    }) : () -> ()
    %add3A_47 = arith.constant 512 : i32
    %add3A_48 = arith.addi %mul3A_6, %add3A_47 : i32
    "tpu.region"() ({
      %run_scoped3A = tpu.sem_alloc : memref<!tpu.dma_semaphore, #tpu.memory_space<semaphore_mem>>
      %dma_start3A = arith.constant 0 : i32
      %dma_start3A_51 = tpu.memref_slice %arg5[%add3A_48, %dma_start3A] : memref<10240x128xf32, #tpu.memory_space<vmem_shared>> -> memref<128x128xf32, #tpu.memory_space<vmem_shared>>
      %dma_start3A_52 = arith.constant 0 : i32
      %dma_start3A_53 = tpu.memref_slice %arg5[%add3A_48, %dma_start3A_52] : memref<10240x128xf32, #tpu.memory_space<vmem_shared>> -> memref<128x128xf32, #tpu.memory_space<vmem_shared>>
      tpu.enqueue_dma source(%dma_start3A_53 : memref<128x128xf32, #tpu.memory_space<vmem_shared>>) target(%arg6 : memref<128x128xf32, #tpu.memory_space<vmem>>) target_semaphore(%run_scoped3A : memref<!tpu.dma_semaphore, #tpu.memory_space<semaphore_mem>>)
      %dma_wait3A = arith.constant 0 : i32
      %dma_wait3A_54 = tpu.memref_slice %arg5[%add3A_48, %dma_wait3A] : memref<10240x128xf32, #tpu.memory_space<vmem_shared>> -> memref<128x128xf32, #tpu.memory_space<vmem_shared>>
      %dma_wait3A_55 = arith.constant 0 : i32
      %dma_wait3A_56 = tpu.memref_slice %arg5[%add3A_48, %dma_wait3A_55] : memref<10240x128xf32, #tpu.memory_space<vmem_shared>> -> memref<128x128xf32, #tpu.memory_space<vmem_shared>>
      tpu.wait_dma2 semaphore(%run_scoped3A : memref<!tpu.dma_semaphore, #tpu.memory_space<semaphore_mem>>) src(%dma_wait3A_56 : memref<128x128xf32, #tpu.memory_space<vmem_shared>>) dst(%arg6 : memref<128x128xf32, #tpu.memory_space<vmem>>)
      tpu.yield
    }) : () -> ()
    %add3A_49 = arith.constant 512 : i32
    %add3A_50 = arith.addi %mul3A_6, %add3A_49 : i32
    "tpu.region"() ({
      %run_scoped3A = tpu.sem_alloc : memref<!tpu.dma_semaphore, #tpu.memory_space<semaphore_mem>>
      %dma_start3A = arith.constant 0 : i32
      %dma_start3A_51 = arith.constant 0 : i32
      %dma_start3A_52 = tpu.memref_slice %arg4[%arg0, %dma_start3A, %dma_start3A_51] : memref<2x10240x128xf32, #tpu.memory_space<hbm>> -> memref<1x10240x128xf32, #tpu.memory_space<hbm>>
      %dma_start3A_53 = tpu.memref_squeeze %dma_start3A_52 : memref<1x10240x128xf32, #tpu.memory_space<hbm>> -> memref<10240x128xf32, #tpu.memory_space<hbm>>
      %dma_start3A_54 = arith.constant 0 : i32
      %dma_start3A_55 = tpu.memref_slice %dma_start3A_53[%add3A_50, %dma_start3A_54] : memref<10240x128xf32, #tpu.memory_space<hbm>> -> memref<128x128xf32, #tpu.memory_space<hbm>>
      %dma_start3A_56 = arith.constant 0 : i32
      %dma_start3A_57 = arith.constant 0 : i32
      %dma_start3A_58 = tpu.memref_slice %arg4[%arg0, %dma_start3A_56, %dma_start3A_57] : memref<2x10240x128xf32, #tpu.memory_space<hbm>> -> memref<1x10240x128xf32, #tpu.memory_space<hbm>>
      %dma_start3A_59 = tpu.memref_squeeze %dma_start3A_58 : memref<1x10240x128xf32, #tpu.memory_space<hbm>> -> memref<10240x128xf32, #tpu.memory_space<hbm>>
      %dma_start3A_60 = arith.constant 0 : i32
      %dma_start3A_61 = tpu.memref_slice %dma_start3A_59[%add3A_50, %dma_start3A_60] : memref<10240x128xf32, #tpu.memory_space<hbm>> -> memref<128x128xf32, #tpu.memory_space<hbm>>
      tpu.enqueue_dma source(%arg6 : memref<128x128xf32, #tpu.memory_space<vmem>>) target(%dma_start3A_61 : memref<128x128xf32, #tpu.memory_space<hbm>>) target_semaphore(%run_scoped3A : memref<!tpu.dma_semaphore, #tpu.memory_space<semaphore_mem>>)
      %dma_wait3A = arith.constant 0 : i32
      %dma_wait3A_62 = arith.constant 0 : i32
      %dma_wait3A_63 = tpu.memref_slice %arg4[%arg0, %dma_wait3A, %dma_wait3A_62] : memref<2x10240x128xf32, #tpu.memory_space<hbm>> -> memref<1x10240x128xf32, #tpu.memory_space<hbm>>
      %dma_wait3A_64 = tpu.memref_squeeze %dma_wait3A_63 : memref<1x10240x128xf32, #tpu.memory_space<hbm>> -> memref<10240x128xf32, #tpu.memory_space<hbm>>
      %dma_wait3A_65 = arith.constant 0 : i32
      %dma_wait3A_66 = tpu.memref_slice %dma_wait3A_64[%add3A_50, %dma_wait3A_65] : memref<10240x128xf32, #tpu.memory_space<hbm>> -> memref<128x128xf32, #tpu.memory_space<hbm>>
      %dma_wait3A_67 = arith.constant 0 : i32
      %dma_wait3A_68 = arith.constant 0 : i32
      %dma_wait3A_69 = tpu.memref_slice %arg4[%arg0, %dma_wait3A_67, %dma_wait3A_68] : memref<2x10240x128xf32, #tpu.memory_space<hbm>> -> memref<1x10240x128xf32, #tpu.memory_space<hbm>>
      %dma_wait3A_70 = tpu.memref_squeeze %dma_wait3A_69 : memref<1x10240x128xf32, #tpu.memory_space<hbm>> -> memref<10240x128xf32, #tpu.memory_space<hbm>>
      %dma_wait3A_71 = arith.constant 0 : i32
      %dma_wait3A_72 = tpu.memref_slice %dma_wait3A_70[%add3A_50, %dma_wait3A_71] : memref<10240x128xf32, #tpu.memory_space<hbm>> -> memref<128x128xf32, #tpu.memory_space<hbm>>
      tpu.wait_dma2 semaphore(%run_scoped3A : memref<!tpu.dma_semaphore, #tpu.memory_space<semaphore_mem>>) src(%arg6 : memref<128x128xf32, #tpu.memory_space<vmem>>) dst(%dma_wait3A_72 : memref<128x128xf32, #tpu.memory_space<hbm>>)
      tpu.yield
    }) : () -> ()
    return
  }
}

#map = affine_map<(d0, d1) -> (0, 0)>
#map1 = affine_map<(d0, d1) -> (0, 0, 0)>
module attributes {stable_mosaic.version = 14 : i64} {
  func.func @agg_kernel(%arg0: i32, %arg1: i32, %arg2: memref<10240x128xf32, #tpu.memory_space<hbm>>, %arg3: memref<2560x128xi32, #tpu.memory_space<hbm>>, %arg4: memref<2560x128xi32, #tpu.memory_space<hbm>>, %arg5: memref<2x10240x128xf32, #tpu.memory_space<hbm>>, %arg6: memref<10240x128xf32, #tpu.memory_space<vmem_shared>>, %arg7: memref<128x128xf32, #tpu.memory_space<vmem>>, %arg8: memref<128x128xf32, #tpu.memory_space<vmem>>, %arg9: memref<8x128xi32, #tpu.memory_space<vmem>>, %arg10: memref<8x128xi32, #tpu.memory_space<vmem>>, %arg11: memref<!tpu.dma_semaphore, #tpu.memory_space<semaphore_mem>>, %arg12: memref<!tpu.dma_semaphore, #tpu.memory_space<semaphore_mem>>, %arg13: memref<!tpu.dma_semaphore, #tpu.memory_space<semaphore_mem>>, %arg14: memref<!tpu.dma_semaphore, #tpu.memory_space<semaphore_mem>>) attributes {dimension_semantics = [#tpu.dimension_semantics<core_parallel>, #tpu.dimension_semantics<subcore_parallel>], iteration_bounds = array<i64: 2, 16>, scalar_prefetch = 0 : i64, scratch_operands = 9 : i64, tpu.core_type = #tpu.core_type<sc_vector_subcore>, window_params = [{transform_indices = #map}, {transform_indices = #map}, {transform_indices = #map}, {transform_indices = #map1}]} {
    %eq3A = arith.constant 1 : i32
    %eq3A_0 = arith.cmpi eq, %arg0, %eq3A : i32
    %jit3A = arith.constant 152 : i32
    %jit3A_1 = arith.constant 8 : i32
    %select_n3A = arith.select %eq3A_0, %jit3A, %jit3A_1 : i32
    %eq3A_2 = arith.constant 1 : i32
    %eq3A_3 = arith.cmpi eq, %arg0, %eq3A_2 : i32
    %mul3A = arith.constant 152 : i32
    %mul3A_4 = arith.muli %arg1, %mul3A : i32
    %mul3A_5 = arith.constant 8 : i32
    %mul3A_6 = arith.muli %arg1, %mul3A_5 : i32
    %add3A = arith.constant 2432 : i32
    %add3A_7 = arith.addi %add3A, %mul3A_6 : i32
    %select_n3A_8 = arith.select %eq3A_3, %mul3A_4, %add3A_7 : i32
    %scan3A = arith.constant 0 : i32
    %scan3A_9 = arith.constant 0 : i32
    %scan3A_10 = arith.constant 128 : i32
    %scan3A_11 = arith.addi %scan3A_9, %scan3A_10 : i32
    %scan3A_12 = arith.constant 1 : i32
    %scan3A_13 = scf.for %scan3A_79 = %scan3A_9 to %scan3A_11 step %scan3A_12 iter_args(%scan3A_80 = %scan3A) -> (i32)  : i32 {
      %broadcast_in_dim3A = arith.constant 0.000000e+00 : f32
      %broadcast_in_dim3A_81 = vector.broadcast %broadcast_in_dim3A : f32 to vector<16xf32>
      %swap3A = arith.index_cast %scan3A_79 : i32 to index
      %swap3A_82 = arith.constant 0 : index
      %swap3A_83 = tpu.vector_load %arg7[%swap3A, %swap3A_82] {strides = array<i32>} : memref<128x128xf32, #tpu.memory_space<vmem>>, vector<1x16xf32>,
      %swap3A_84 = vector.shape_cast %swap3A_83 : vector<1x16xf32> to vector<16xf32>
      %swap3A_85 = vector.shape_cast %broadcast_in_dim3A_81 : vector<16xf32> to vector<1x16xf32>
      tpu.vector_store %arg7[%swap3A, %swap3A_82], %swap3A_85 {strides = array<i32>} : memref<128x128xf32, #tpu.memory_space<vmem>>, vector<1x16xf32>,
      %broadcast_in_dim3A_86 = arith.constant 0.000000e+00 : f32
      %broadcast_in_dim3A_87 = vector.broadcast %broadcast_in_dim3A_86 : f32 to vector<16xf32>
      %swap3A_88 = arith.index_cast %scan3A_79 : i32 to index
      %swap3A_89 = arith.constant 16 : index
      %swap3A_90 = tpu.vector_load %arg7[%swap3A_88, %swap3A_89] {strides = array<i32>} : memref<128x128xf32, #tpu.memory_space<vmem>>, vector<1x16xf32>,
      %swap3A_91 = vector.shape_cast %swap3A_90 : vector<1x16xf32> to vector<16xf32>
      %swap3A_92 = vector.shape_cast %broadcast_in_dim3A_87 : vector<16xf32> to vector<1x16xf32>
      tpu.vector_store %arg7[%swap3A_88, %swap3A_89], %swap3A_92 {strides = array<i32>} : memref<128x128xf32, #tpu.memory_space<vmem>>, vector<1x16xf32>,
      %broadcast_in_dim3A_93 = arith.constant 0.000000e+00 : f32
      %broadcast_in_dim3A_94 = vector.broadcast %broadcast_in_dim3A_93 : f32 to vector<16xf32>
      %swap3A_95 = arith.index_cast %scan3A_79 : i32 to index
      %swap3A_96 = arith.constant 32 : index
      %swap3A_97 = tpu.vector_load %arg7[%swap3A_95, %swap3A_96] {strides = array<i32>} : memref<128x128xf32, #tpu.memory_space<vmem>>, vector<1x16xf32>,
      %swap3A_98 = vector.shape_cast %swap3A_97 : vector<1x16xf32> to vector<16xf32>
      %swap3A_99 = vector.shape_cast %broadcast_in_dim3A_94 : vector<16xf32> to vector<1x16xf32>
      tpu.vector_store %arg7[%swap3A_95, %swap3A_96], %swap3A_99 {strides = array<i32>} : memref<128x128xf32, #tpu.memory_space<vmem>>, vector<1x16xf32>,
      %broadcast_in_dim3A_100 = arith.constant 0.000000e+00 : f32
      %broadcast_in_dim3A_101 = vector.broadcast %broadcast_in_dim3A_100 : f32 to vector<16xf32>
      %swap3A_102 = arith.index_cast %scan3A_79 : i32 to index
      %swap3A_103 = arith.constant 48 : index
      %swap3A_104 = tpu.vector_load %arg7[%swap3A_102, %swap3A_103] {strides = array<i32>} : memref<128x128xf32, #tpu.memory_space<vmem>>, vector<1x16xf32>,
      %swap3A_105 = vector.shape_cast %swap3A_104 : vector<1x16xf32> to vector<16xf32>
      %swap3A_106 = vector.shape_cast %broadcast_in_dim3A_101 : vector<16xf32> to vector<1x16xf32>
      tpu.vector_store %arg7[%swap3A_102, %swap3A_103], %swap3A_106 {strides = array<i32>} : memref<128x128xf32, #tpu.memory_space<vmem>>, vector<1x16xf32>,
      %broadcast_in_dim3A_107 = arith.constant 0.000000e+00 : f32
      %broadcast_in_dim3A_108 = vector.broadcast %broadcast_in_dim3A_107 : f32 to vector<16xf32>
      %swap3A_109 = arith.index_cast %scan3A_79 : i32 to index
      %swap3A_110 = arith.constant 64 : index
      %swap3A_111 = tpu.vector_load %arg7[%swap3A_109, %swap3A_110] {strides = array<i32>} : memref<128x128xf32, #tpu.memory_space<vmem>>, vector<1x16xf32>,
      %swap3A_112 = vector.shape_cast %swap3A_111 : vector<1x16xf32> to vector<16xf32>
      %swap3A_113 = vector.shape_cast %broadcast_in_dim3A_108 : vector<16xf32> to vector<1x16xf32>
      tpu.vector_store %arg7[%swap3A_109, %swap3A_110], %swap3A_113 {strides = array<i32>} : memref<128x128xf32, #tpu.memory_space<vmem>>, vector<1x16xf32>,
      %broadcast_in_dim3A_114 = arith.constant 0.000000e+00 : f32
      %broadcast_in_dim3A_115 = vector.broadcast %broadcast_in_dim3A_114 : f32 to vector<16xf32>
      %swap3A_116 = arith.index_cast %scan3A_79 : i32 to index
      %swap3A_117 = arith.constant 80 : index
      %swap3A_118 = tpu.vector_load %arg7[%swap3A_116, %swap3A_117] {strides = array<i32>} : memref<128x128xf32, #tpu.memory_space<vmem>>, vector<1x16xf32>,
      %swap3A_119 = vector.shape_cast %swap3A_118 : vector<1x16xf32> to vector<16xf32>
      %swap3A_120 = vector.shape_cast %broadcast_in_dim3A_115 : vector<16xf32> to vector<1x16xf32>
      tpu.vector_store %arg7[%swap3A_116, %swap3A_117], %swap3A_120 {strides = array<i32>} : memref<128x128xf32, #tpu.memory_space<vmem>>, vector<1x16xf32>,
      %broadcast_in_dim3A_121 = arith.constant 0.000000e+00 : f32
      %broadcast_in_dim3A_122 = vector.broadcast %broadcast_in_dim3A_121 : f32 to vector<16xf32>
      %swap3A_123 = arith.index_cast %scan3A_79 : i32 to index
      %swap3A_124 = arith.constant 96 : index
      %swap3A_125 = tpu.vector_load %arg7[%swap3A_123, %swap3A_124] {strides = array<i32>} : memref<128x128xf32, #tpu.memory_space<vmem>>, vector<1x16xf32>,
      %swap3A_126 = vector.shape_cast %swap3A_125 : vector<1x16xf32> to vector<16xf32>
      %swap3A_127 = vector.shape_cast %broadcast_in_dim3A_122 : vector<16xf32> to vector<1x16xf32>
      tpu.vector_store %arg7[%swap3A_123, %swap3A_124], %swap3A_127 {strides = array<i32>} : memref<128x128xf32, #tpu.memory_space<vmem>>, vector<1x16xf32>,
      %broadcast_in_dim3A_128 = arith.constant 0.000000e+00 : f32
      %broadcast_in_dim3A_129 = vector.broadcast %broadcast_in_dim3A_128 : f32 to vector<16xf32>
      %swap3A_130 = arith.index_cast %scan3A_79 : i32 to index
      %swap3A_131 = arith.constant 112 : index
      %swap3A_132 = tpu.vector_load %arg7[%swap3A_130, %swap3A_131] {strides = array<i32>} : memref<128x128xf32, #tpu.memory_space<vmem>>, vector<1x16xf32>,
      %swap3A_133 = vector.shape_cast %swap3A_132 : vector<1x16xf32> to vector<16xf32>
      %swap3A_134 = vector.shape_cast %broadcast_in_dim3A_129 : vector<16xf32> to vector<1x16xf32>
      tpu.vector_store %arg7[%swap3A_130, %swap3A_131], %swap3A_134 {strides = array<i32>} : memref<128x128xf32, #tpu.memory_space<vmem>>, vector<1x16xf32>,
      %scan3A_135 = arith.constant 0 : i32
      scf.yield %scan3A_135 : i32
    }
    %scan3A_14 = arith.constant 128 : i32
    %mul3A_15 = arith.constant 640 : i32
    %mul3A_16 = arith.muli %arg1, %mul3A_15 : i32
    %add3A_17 = arith.constant 0 : i32
    %add3A_18 = arith.addi %mul3A_16, %add3A_17 : i32
    "tpu.region"() ({
      %run_scoped3A = tpu.sem_alloc : memref<!tpu.dma_semaphore, #tpu.memory_space<semaphore_mem>>
      %dma_start3A = arith.constant 0 : i32
      %dma_start3A_79 = tpu.memref_slice %arg6[%add3A_18, %dma_start3A] : memref<10240x128xf32, #tpu.memory_space<vmem_shared>> -> memref<128x128xf32, #tpu.memory_space<vmem_shared>>
      %dma_start3A_80 = arith.constant 0 : i32
      %dma_start3A_81 = tpu.memref_slice %arg6[%add3A_18, %dma_start3A_80] : memref<10240x128xf32, #tpu.memory_space<vmem_shared>> -> memref<128x128xf32, #tpu.memory_space<vmem_shared>>
      tpu.enqueue_dma source(%arg7 : memref<128x128xf32, #tpu.memory_space<vmem>>) target(%dma_start3A_81 : memref<128x128xf32, #tpu.memory_space<vmem_shared>>) target_semaphore(%run_scoped3A : memref<!tpu.dma_semaphore, #tpu.memory_space<semaphore_mem>>)
      %dma_wait3A = arith.constant 0 : i32
      %dma_wait3A_82 = tpu.memref_slice %arg6[%add3A_18, %dma_wait3A] : memref<10240x128xf32, #tpu.memory_space<vmem_shared>> -> memref<128x128xf32, #tpu.memory_space<vmem_shared>>
      %dma_wait3A_83 = arith.constant 0 : i32
      %dma_wait3A_84 = tpu.memref_slice %arg6[%add3A_18, %dma_wait3A_83] : memref<10240x128xf32, #tpu.memory_space<vmem_shared>> -> memref<128x128xf32, #tpu.memory_space<vmem_shared>>
      tpu.wait_dma2 semaphore(%run_scoped3A : memref<!tpu.dma_semaphore, #tpu.memory_space<semaphore_mem>>) src(%arg7 : memref<128x128xf32, #tpu.memory_space<vmem>>) dst(%dma_wait3A_84 : memref<128x128xf32, #tpu.memory_space<vmem_shared>>)
      tpu.yield
    }) : () -> ()
    %add3A_19 = arith.constant 128 : i32
    %add3A_20 = arith.addi %mul3A_16, %add3A_19 : i32
    "tpu.region"() ({
      %run_scoped3A = tpu.sem_alloc : memref<!tpu.dma_semaphore, #tpu.memory_space<semaphore_mem>>
      %dma_start3A = arith.constant 0 : i32
      %dma_start3A_79 = tpu.memref_slice %arg6[%add3A_20, %dma_start3A] : memref<10240x128xf32, #tpu.memory_space<vmem_shared>> -> memref<128x128xf32, #tpu.memory_space<vmem_shared>>
      %dma_start3A_80 = arith.constant 0 : i32
      %dma_start3A_81 = tpu.memref_slice %arg6[%add3A_20, %dma_start3A_80] : memref<10240x128xf32, #tpu.memory_space<vmem_shared>> -> memref<128x128xf32, #tpu.memory_space<vmem_shared>>
      tpu.enqueue_dma source(%arg7 : memref<128x128xf32, #tpu.memory_space<vmem>>) target(%dma_start3A_81 : memref<128x128xf32, #tpu.memory_space<vmem_shared>>) target_semaphore(%run_scoped3A : memref<!tpu.dma_semaphore, #tpu.memory_space<semaphore_mem>>)
      %dma_wait3A = arith.constant 0 : i32
      %dma_wait3A_82 = tpu.memref_slice %arg6[%add3A_20, %dma_wait3A] : memref<10240x128xf32, #tpu.memory_space<vmem_shared>> -> memref<128x128xf32, #tpu.memory_space<vmem_shared>>
      %dma_wait3A_83 = arith.constant 0 : i32
      %dma_wait3A_84 = tpu.memref_slice %arg6[%add3A_20, %dma_wait3A_83] : memref<10240x128xf32, #tpu.memory_space<vmem_shared>> -> memref<128x128xf32, #tpu.memory_space<vmem_shared>>
      tpu.wait_dma2 semaphore(%run_scoped3A : memref<!tpu.dma_semaphore, #tpu.memory_space<semaphore_mem>>) src(%arg7 : memref<128x128xf32, #tpu.memory_space<vmem>>) dst(%dma_wait3A_84 : memref<128x128xf32, #tpu.memory_space<vmem_shared>>)
      tpu.yield
    }) : () -> ()
    %add3A_21 = arith.constant 256 : i32
    %add3A_22 = arith.addi %mul3A_16, %add3A_21 : i32
    "tpu.region"() ({
      %run_scoped3A = tpu.sem_alloc : memref<!tpu.dma_semaphore, #tpu.memory_space<semaphore_mem>>
      %dma_start3A = arith.constant 0 : i32
      %dma_start3A_79 = tpu.memref_slice %arg6[%add3A_22, %dma_start3A] : memref<10240x128xf32, #tpu.memory_space<vmem_shared>> -> memref<128x128xf32, #tpu.memory_space<vmem_shared>>
      %dma_start3A_80 = arith.constant 0 : i32
      %dma_start3A_81 = tpu.memref_slice %arg6[%add3A_22, %dma_start3A_80] : memref<10240x128xf32, #tpu.memory_space<vmem_shared>> -> memref<128x128xf32, #tpu.memory_space<vmem_shared>>
      tpu.enqueue_dma source(%arg7 : memref<128x128xf32, #tpu.memory_space<vmem>>) target(%dma_start3A_81 : memref<128x128xf32, #tpu.memory_space<vmem_shared>>) target_semaphore(%run_scoped3A : memref<!tpu.dma_semaphore, #tpu.memory_space<semaphore_mem>>)
      %dma_wait3A = arith.constant 0 : i32
      %dma_wait3A_82 = tpu.memref_slice %arg6[%add3A_22, %dma_wait3A] : memref<10240x128xf32, #tpu.memory_space<vmem_shared>> -> memref<128x128xf32, #tpu.memory_space<vmem_shared>>
      %dma_wait3A_83 = arith.constant 0 : i32
      %dma_wait3A_84 = tpu.memref_slice %arg6[%add3A_22, %dma_wait3A_83] : memref<10240x128xf32, #tpu.memory_space<vmem_shared>> -> memref<128x128xf32, #tpu.memory_space<vmem_shared>>
      tpu.wait_dma2 semaphore(%run_scoped3A : memref<!tpu.dma_semaphore, #tpu.memory_space<semaphore_mem>>) src(%arg7 : memref<128x128xf32, #tpu.memory_space<vmem>>) dst(%dma_wait3A_84 : memref<128x128xf32, #tpu.memory_space<vmem_shared>>)
      tpu.yield
    }) : () -> ()
    %add3A_23 = arith.constant 384 : i32
    %add3A_24 = arith.addi %mul3A_16, %add3A_23 : i32
    "tpu.region"() ({
      %run_scoped3A = tpu.sem_alloc : memref<!tpu.dma_semaphore, #tpu.memory_space<semaphore_mem>>
      %dma_start3A = arith.constant 0 : i32
      %dma_start3A_79 = tpu.memref_slice %arg6[%add3A_24, %dma_start3A] : memref<10240x128xf32, #tpu.memory_space<vmem_shared>> -> memref<128x128xf32, #tpu.memory_space<vmem_shared>>
      %dma_start3A_80 = arith.constant 0 : i32
      %dma_start3A_81 = tpu.memref_slice %arg6[%add3A_24, %dma_start3A_80] : memref<10240x128xf32, #tpu.memory_space<vmem_shared>> -> memref<128x128xf32, #tpu.memory_space<vmem_shared>>
      tpu.enqueue_dma source(%arg7 : memref<128x128xf32, #tpu.memory_space<vmem>>) target(%dma_start3A_81 : memref<128x128xf32, #tpu.memory_space<vmem_shared>>) target_semaphore(%run_scoped3A : memref<!tpu.dma_semaphore, #tpu.memory_space<semaphore_mem>>)
      %dma_wait3A = arith.constant 0 : i32
      %dma_wait3A_82 = tpu.memref_slice %arg6[%add3A_24, %dma_wait3A] : memref<10240x128xf32, #tpu.memory_space<vmem_shared>> -> memref<128x128xf32, #tpu.memory_space<vmem_shared>>
      %dma_wait3A_83 = arith.constant 0 : i32
      %dma_wait3A_84 = tpu.memref_slice %arg6[%add3A_24, %dma_wait3A_83] : memref<10240x128xf32, #tpu.memory_space<vmem_shared>> -> memref<128x128xf32, #tpu.memory_space<vmem_shared>>
      tpu.wait_dma2 semaphore(%run_scoped3A : memref<!tpu.dma_semaphore, #tpu.memory_space<semaphore_mem>>) src(%arg7 : memref<128x128xf32, #tpu.memory_space<vmem>>) dst(%dma_wait3A_84 : memref<128x128xf32, #tpu.memory_space<vmem_shared>>)
      tpu.yield
    }) : () -> ()
    %add3A_25 = arith.constant 512 : i32
    %add3A_26 = arith.addi %mul3A_16, %add3A_25 : i32
    "tpu.region"() ({
      %run_scoped3A = tpu.sem_alloc : memref<!tpu.dma_semaphore, #tpu.memory_space<semaphore_mem>>
      %dma_start3A = arith.constant 0 : i32
      %dma_start3A_79 = tpu.memref_slice %arg6[%add3A_26, %dma_start3A] : memref<10240x128xf32, #tpu.memory_space<vmem_shared>> -> memref<128x128xf32, #tpu.memory_space<vmem_shared>>
      %dma_start3A_80 = arith.constant 0 : i32
      %dma_start3A_81 = tpu.memref_slice %arg6[%add3A_26, %dma_start3A_80] : memref<10240x128xf32, #tpu.memory_space<vmem_shared>> -> memref<128x128xf32, #tpu.memory_space<vmem_shared>>
      tpu.enqueue_dma source(%arg7 : memref<128x128xf32, #tpu.memory_space<vmem>>) target(%dma_start3A_81 : memref<128x128xf32, #tpu.memory_space<vmem_shared>>) target_semaphore(%run_scoped3A : memref<!tpu.dma_semaphore, #tpu.memory_space<semaphore_mem>>)
      %dma_wait3A = arith.constant 0 : i32
      %dma_wait3A_82 = tpu.memref_slice %arg6[%add3A_26, %dma_wait3A] : memref<10240x128xf32, #tpu.memory_space<vmem_shared>> -> memref<128x128xf32, #tpu.memory_space<vmem_shared>>
      %dma_wait3A_83 = arith.constant 0 : i32
      %dma_wait3A_84 = tpu.memref_slice %arg6[%add3A_26, %dma_wait3A_83] : memref<10240x128xf32, #tpu.memory_space<vmem_shared>> -> memref<128x128xf32, #tpu.memory_space<vmem_shared>>
      tpu.wait_dma2 semaphore(%run_scoped3A : memref<!tpu.dma_semaphore, #tpu.memory_space<semaphore_mem>>) src(%arg7 : memref<128x128xf32, #tpu.memory_space<vmem>>) dst(%dma_wait3A_84 : memref<128x128xf32, #tpu.memory_space<vmem_shared>>)
      tpu.yield
    }) : () -> ()
    %barrier3A = arith.constant 0 : index
    tpu.barrier barrier_id(%barrier3A)
    %jit3A_27 = arith.constant 8 : i32
    %div3A = arith.divsi %select_n3A, %jit3A_27 : i32
    %sign3A = arith.constant 0 : i32
    %sign3A_28 = arith.cmpi sgt, %select_n3A, %sign3A : i32
    %sign3A_29 = arith.extui %sign3A_28 : i1 to i32
    %sign3A_30 = arith.constant 0 : i32
    %sign3A_31 = arith.cmpi slt, %select_n3A, %sign3A_30 : i32
    %sign3A_32 = arith.extui %sign3A_31 : i1 to i32
    %sign3A_33 = arith.subi %sign3A_29, %sign3A_32 : i32
    %sign3A_34 = arith.constant 0 : i32
    %sign3A_35 = arith.cmpi sgt, %jit3A_27, %sign3A_34 : i32
    %sign3A_36 = arith.extui %sign3A_35 : i1 to i32
    %sign3A_37 = arith.constant 0 : i32
    %sign3A_38 = arith.cmpi slt, %jit3A_27, %sign3A_37 : i32
    %sign3A_39 = arith.extui %sign3A_38 : i1 to i32
    %sign3A_40 = arith.subi %sign3A_36, %sign3A_39 : i32
    %ne3A = arith.cmpi ne, %sign3A_33, %sign3A_40 : i32
    %rem3A = arith.remsi %select_n3A, %jit3A_27 : i32
    %ne3A_41 = arith.constant 0 : i32
    %ne3A_42 = arith.cmpi ne, %rem3A, %ne3A_41 : i32
    %and3A = arith.andi %ne3A, %ne3A_42 : i1
    %sub3A = arith.constant 1 : i32
    %sub3A_43 = arith.subi %div3A, %sub3A : i32
    %select_n3A_44 = arith.select %and3A, %sub3A_43, %div3A : i32
    %while3A = arith.constant 0 : i32
    %while3A_45 = arith.constant 0 : i32
    %while3A_46 = arith.subi %select_n3A_44, %while3A : i32
    %while3A_47 = arith.addi %while3A, %while3A_46 : i32
    %while3A_48 = arith.constant 1 : i32
    %while3A_49 = arith.divsi %while3A_46, %while3A_48 : i32
    %while3A_50 = arith.muli %while3A_49, %while3A_48 : i32
    %while3A_51 = arith.addi %while3A, %while3A_50 : i32
    %while3A_52 = arith.constant 1 : i32
    %while3A_53 = scf.for %while3A_79 = %while3A to %while3A_51 step %while3A_52 iter_args(%while3A_80 = %while3A_45) -> (i32)  : i32 {
      %gt3A_81 = arith.constant 0 : i32
      %gt3A_82 = arith.cmpi sgt, %while3A_79, %gt3A_81 : i32
      %convert_element_type3A_83 = arith.extui %gt3A_82 : i1 to i32
      %cond3A_84 = arith.constant 0 : i32
      %cond3A_85 = arith.cmpi ne, %convert_element_type3A_83, %cond3A_84 : i32
      scf.if %cond3A_85 {
        %dma_wait3A_298 = arith.constant 0 : i32
        %dma_wait3A_299 = arith.constant 0 : i32
        %dma_wait3A_300 = tpu.memref_slice %arg9[%dma_wait3A_298, %dma_wait3A_299] : memref<8x128xi32, #tpu.memory_space<vmem>> -> memref<1x128xi32, #tpu.memory_space<vmem>>
        %dma_wait3A_301 = tpu.memref_squeeze %dma_wait3A_300 : memref<1x128xi32, #tpu.memory_space<vmem>> -> memref<128xi32, #tpu.memory_space<vmem>>
        %dma_wait3A_302 = arith.constant 0 : i32
        %dma_wait3A_303 = arith.constant 0 : i32
        %dma_wait3A_304 = tpu.memref_slice %arg2[%dma_wait3A_302, %dma_wait3A_303] : memref<10240x128xf32, #tpu.memory_space<hbm>> -> memref<10240x128xf32, #tpu.memory_space<hbm>>
        tpu.wait_indirect_dma semaphore(%arg13 : memref<!tpu.dma_semaphore, #tpu.memory_space<semaphore_mem>>) src(%dma_wait3A_304 : memref<10240x128xf32, #tpu.memory_space<hbm>>) dst(%arg7 : memref<128x128xf32, #tpu.memory_space<vmem>>)
        %dma_wait3A_305 = arith.constant 0 : i32
        %dma_wait3A_306 = arith.constant 0 : i32
        %dma_wait3A_307 = tpu.memref_slice %arg9[%dma_wait3A_305, %dma_wait3A_306] : memref<8x128xi32, #tpu.memory_space<vmem>> -> memref<1x128xi32, #tpu.memory_space<vmem>>
        %dma_wait3A_308 = tpu.memref_squeeze %dma_wait3A_307 : memref<1x128xi32, #tpu.memory_space<vmem>> -> memref<128xi32, #tpu.memory_space<vmem>>
        %dma_wait3A_309 = arith.constant 0 : i32
        %dma_wait3A_310 = arith.constant 0 : i32
        %dma_wait3A_311 = tpu.memref_slice %arg2[%dma_wait3A_309, %dma_wait3A_310] : memref<10240x128xf32, #tpu.memory_space<hbm>> -> memref<10240x128xf32, #tpu.memory_space<hbm>>
        tpu.wait_indirect_dma semaphore(%arg14 : memref<!tpu.dma_semaphore, #tpu.memory_space<semaphore_mem>>) src(%dma_wait3A_311 : memref<10240x128xf32, #tpu.memory_space<hbm>>) dst(%arg8 : memref<128x128xf32, #tpu.memory_space<vmem>>)
      } else {
      }
      %mul3A_86 = arith.constant 8 : i32
      %mul3A_87 = arith.muli %while3A_79, %mul3A_86 : i32
      %add3A_88 = arith.addi %select_n3A_8, %mul3A_87 : i32
      "tpu.region"() ({
        %run_scoped3A = tpu.sem_alloc : memref<!tpu.dma_semaphore, #tpu.memory_space<semaphore_mem>>
        %dma_start3A_298 = arith.constant 0 : i32
        %dma_start3A_299 = tpu.memref_slice %arg3[%add3A_88, %dma_start3A_298] : memref<2560x128xi32, #tpu.memory_space<hbm>> -> memref<8x128xi32, #tpu.memory_space<hbm>>
        %dma_start3A_300 = arith.constant 0 : i32
        %dma_start3A_301 = tpu.memref_slice %arg3[%add3A_88, %dma_start3A_300] : memref<2560x128xi32, #tpu.memory_space<hbm>> -> memref<8x128xi32, #tpu.memory_space<hbm>>
        tpu.enqueue_dma source(%dma_start3A_301 : memref<8x128xi32, #tpu.memory_space<hbm>>) target(%arg9 : memref<8x128xi32, #tpu.memory_space<vmem>>) target_semaphore(%run_scoped3A : memref<!tpu.dma_semaphore, #tpu.memory_space<semaphore_mem>>)
        %dma_wait3A_302 = arith.constant 0 : i32
        %dma_wait3A_303 = tpu.memref_slice %arg3[%add3A_88, %dma_wait3A_302] : memref<2560x128xi32, #tpu.memory_space<hbm>> -> memref<8x128xi32, #tpu.memory_space<hbm>>
        %dma_wait3A_304 = arith.constant 0 : i32
        %dma_wait3A_305 = tpu.memref_slice %arg3[%add3A_88, %dma_wait3A_304] : memref<2560x128xi32, #tpu.memory_space<hbm>> -> memref<8x128xi32, #tpu.memory_space<hbm>>
        tpu.wait_dma2 semaphore(%run_scoped3A : memref<!tpu.dma_semaphore, #tpu.memory_space<semaphore_mem>>) src(%dma_wait3A_305 : memref<8x128xi32, #tpu.memory_space<hbm>>) dst(%arg9 : memref<8x128xi32, #tpu.memory_space<vmem>>)
        tpu.yield
      }) : () -> ()
      "tpu.region"() ({
        %run_scoped3A = tpu.sem_alloc : memref<!tpu.dma_semaphore, #tpu.memory_space<semaphore_mem>>
        %dma_start3A_298 = arith.constant 0 : i32
        %dma_start3A_299 = tpu.memref_slice %arg4[%add3A_88, %dma_start3A_298] : memref<2560x128xi32, #tpu.memory_space<hbm>> -> memref<8x128xi32, #tpu.memory_space<hbm>>
        %dma_start3A_300 = arith.constant 0 : i32
        %dma_start3A_301 = tpu.memref_slice %arg4[%add3A_88, %dma_start3A_300] : memref<2560x128xi32, #tpu.memory_space<hbm>> -> memref<8x128xi32, #tpu.memory_space<hbm>>
        tpu.enqueue_dma source(%dma_start3A_301 : memref<8x128xi32, #tpu.memory_space<hbm>>) target(%arg10 : memref<8x128xi32, #tpu.memory_space<vmem>>) target_semaphore(%run_scoped3A : memref<!tpu.dma_semaphore, #tpu.memory_space<semaphore_mem>>)
        %dma_wait3A_302 = arith.constant 0 : i32
        %dma_wait3A_303 = tpu.memref_slice %arg4[%add3A_88, %dma_wait3A_302] : memref<2560x128xi32, #tpu.memory_space<hbm>> -> memref<8x128xi32, #tpu.memory_space<hbm>>
        %dma_wait3A_304 = arith.constant 0 : i32
        %dma_wait3A_305 = tpu.memref_slice %arg4[%add3A_88, %dma_wait3A_304] : memref<2560x128xi32, #tpu.memory_space<hbm>> -> memref<8x128xi32, #tpu.memory_space<hbm>>
        tpu.wait_dma2 semaphore(%run_scoped3A : memref<!tpu.dma_semaphore, #tpu.memory_space<semaphore_mem>>) src(%dma_wait3A_305 : memref<8x128xi32, #tpu.memory_space<hbm>>) dst(%arg10 : memref<8x128xi32, #tpu.memory_space<vmem>>)
        tpu.yield
      }) : () -> ()
      %dma_start3A = arith.constant 0 : i32
      %dma_start3A_89 = arith.constant 0 : i32
      %dma_start3A_90 = tpu.memref_slice %arg9[%dma_start3A, %dma_start3A_89] : memref<8x128xi32, #tpu.memory_space<vmem>> -> memref<1x128xi32, #tpu.memory_space<vmem>>
      %dma_start3A_91 = tpu.memref_squeeze %dma_start3A_90 : memref<1x128xi32, #tpu.memory_space<vmem>> -> memref<128xi32, #tpu.memory_space<vmem>>
      %dma_start3A_92 = arith.constant 0 : i32
      %dma_start3A_93 = arith.constant 0 : i32
      %dma_start3A_94 = tpu.memref_slice %arg2[%dma_start3A_92, %dma_start3A_93] : memref<10240x128xf32, #tpu.memory_space<hbm>> -> memref<10240x128xf32, #tpu.memory_space<hbm>>
      tpu.enqueue_indirect_dma source(%dma_start3A_94 : memref<10240x128xf32, #tpu.memory_space<hbm>>) target(%arg7 : memref<128x128xf32, #tpu.memory_space<vmem>>) offsets(%dma_start3A_91 : memref<128xi32, #tpu.memory_space<vmem>>) semaphore(%arg11 : memref<!tpu.dma_semaphore, #tpu.memory_space<semaphore_mem>>)
      %dma_start3A_95 = arith.constant 1 : i32
      %dma_start3A_96 = arith.constant 0 : i32
      %dma_start3A_97 = tpu.memref_slice %arg9[%dma_start3A_95, %dma_start3A_96] : memref<8x128xi32, #tpu.memory_space<vmem>> -> memref<1x128xi32, #tpu.memory_space<vmem>>
      %dma_start3A_98 = tpu.memref_squeeze %dma_start3A_97 : memref<1x128xi32, #tpu.memory_space<vmem>> -> memref<128xi32, #tpu.memory_space<vmem>>
      %dma_start3A_99 = arith.constant 0 : i32
      %dma_start3A_100 = arith.constant 0 : i32
      %dma_start3A_101 = tpu.memref_slice %arg2[%dma_start3A_99, %dma_start3A_100] : memref<10240x128xf32, #tpu.memory_space<hbm>> -> memref<10240x128xf32, #tpu.memory_space<hbm>>
      tpu.enqueue_indirect_dma source(%dma_start3A_101 : memref<10240x128xf32, #tpu.memory_space<hbm>>) target(%arg8 : memref<128x128xf32, #tpu.memory_space<vmem>>) offsets(%dma_start3A_98 : memref<128xi32, #tpu.memory_space<vmem>>) semaphore(%arg12 : memref<!tpu.dma_semaphore, #tpu.memory_space<semaphore_mem>>)
      %dma_wait3A = arith.constant 0 : i32
      %dma_wait3A_102 = arith.constant 0 : i32
      %dma_wait3A_103 = tpu.memref_slice %arg9[%dma_wait3A, %dma_wait3A_102] : memref<8x128xi32, #tpu.memory_space<vmem>> -> memref<1x128xi32, #tpu.memory_space<vmem>>
      %dma_wait3A_104 = tpu.memref_squeeze %dma_wait3A_103 : memref<1x128xi32, #tpu.memory_space<vmem>> -> memref<128xi32, #tpu.memory_space<vmem>>
      %dma_wait3A_105 = arith.constant 0 : i32
      %dma_wait3A_106 = arith.constant 0 : i32
      %dma_wait3A_107 = tpu.memref_slice %arg2[%dma_wait3A_105, %dma_wait3A_106] : memref<10240x128xf32, #tpu.memory_space<hbm>> -> memref<10240x128xf32, #tpu.memory_space<hbm>>
      tpu.wait_indirect_dma semaphore(%arg11 : memref<!tpu.dma_semaphore, #tpu.memory_space<semaphore_mem>>) src(%dma_wait3A_107 : memref<10240x128xf32, #tpu.memory_space<hbm>>) dst(%arg7 : memref<128x128xf32, #tpu.memory_space<vmem>>)
      %dma_start3A_108 = arith.constant 0 : i32
      %dma_start3A_109 = arith.constant 0 : i32
      %dma_start3A_110 = tpu.memref_slice %arg10[%dma_start3A_108, %dma_start3A_109] : memref<8x128xi32, #tpu.memory_space<vmem>> -> memref<1x128xi32, #tpu.memory_space<vmem>>
      %dma_start3A_111 = tpu.memref_squeeze %dma_start3A_110 : memref<1x128xi32, #tpu.memory_space<vmem>> -> memref<128xi32, #tpu.memory_space<vmem>>
      %dma_start3A_112 = arith.constant 0 : i32
      %dma_start3A_113 = arith.constant 0 : i32
      %dma_start3A_114 = tpu.memref_slice %arg6[%dma_start3A_112, %dma_start3A_113] : memref<10240x128xf32, #tpu.memory_space<vmem_shared>> -> memref<10240x128xf32, #tpu.memory_space<vmem_shared>>
      tpu.enqueue_indirect_dma source(%arg7 : memref<128x128xf32, #tpu.memory_space<vmem>>) target(%dma_start3A_114 : memref<10240x128xf32, #tpu.memory_space<vmem_shared>>) offsets(%dma_start3A_111 : memref<128xi32, #tpu.memory_space<vmem>>) semaphore(%arg13 : memref<!tpu.dma_semaphore, #tpu.memory_space<semaphore_mem>>) {add = true}
      %dma_wait3A_115 = arith.constant 1 : i32
      %dma_wait3A_116 = arith.constant 0 : i32
      %dma_wait3A_117 = tpu.memref_slice %arg9[%dma_wait3A_115, %dma_wait3A_116] : memref<8x128xi32, #tpu.memory_space<vmem>> -> memref<1x128xi32, #tpu.memory_space<vmem>>
      %dma_wait3A_118 = tpu.memref_squeeze %dma_wait3A_117 : memref<1x128xi32, #tpu.memory_space<vmem>> -> memref<128xi32, #tpu.memory_space<vmem>>
      %dma_wait3A_119 = arith.constant 0 : i32
      %dma_wait3A_120 = arith.constant 0 : i32
      %dma_wait3A_121 = tpu.memref_slice %arg2[%dma_wait3A_119, %dma_wait3A_120] : memref<10240x128xf32, #tpu.memory_space<hbm>> -> memref<10240x128xf32, #tpu.memory_space<hbm>>
      tpu.wait_indirect_dma semaphore(%arg12 : memref<!tpu.dma_semaphore, #tpu.memory_space<semaphore_mem>>) src(%dma_wait3A_121 : memref<10240x128xf32, #tpu.memory_space<hbm>>) dst(%arg8 : memref<128x128xf32, #tpu.memory_space<vmem>>)
      %dma_start3A_122 = arith.constant 1 : i32
      %dma_start3A_123 = arith.constant 0 : i32
      %dma_start3A_124 = tpu.memref_slice %arg10[%dma_start3A_122, %dma_start3A_123] : memref<8x128xi32, #tpu.memory_space<vmem>> -> memref<1x128xi32, #tpu.memory_space<vmem>>
      %dma_start3A_125 = tpu.memref_squeeze %dma_start3A_124 : memref<1x128xi32, #tpu.memory_space<vmem>> -> memref<128xi32, #tpu.memory_space<vmem>>
      %dma_start3A_126 = arith.constant 0 : i32
      %dma_start3A_127 = arith.constant 0 : i32
      %dma_start3A_128 = tpu.memref_slice %arg6[%dma_start3A_126, %dma_start3A_127] : memref<10240x128xf32, #tpu.memory_space<vmem_shared>> -> memref<10240x128xf32, #tpu.memory_space<vmem_shared>>
      tpu.enqueue_indirect_dma source(%arg8 : memref<128x128xf32, #tpu.memory_space<vmem>>) target(%dma_start3A_128 : memref<10240x128xf32, #tpu.memory_space<vmem_shared>>) offsets(%dma_start3A_125 : memref<128xi32, #tpu.memory_space<vmem>>) semaphore(%arg14 : memref<!tpu.dma_semaphore, #tpu.memory_space<semaphore_mem>>) {add = true}
      %dma_wait3A_129 = arith.constant 2 : i32
      %dma_wait3A_130 = arith.constant 0 : i32
      %dma_wait3A_131 = tpu.memref_slice %arg9[%dma_wait3A_129, %dma_wait3A_130] : memref<8x128xi32, #tpu.memory_space<vmem>> -> memref<1x128xi32, #tpu.memory_space<vmem>>
      %dma_wait3A_132 = tpu.memref_squeeze %dma_wait3A_131 : memref<1x128xi32, #tpu.memory_space<vmem>> -> memref<128xi32, #tpu.memory_space<vmem>>
      %dma_wait3A_133 = arith.constant 0 : i32
      %dma_wait3A_134 = arith.constant 0 : i32
      %dma_wait3A_135 = tpu.memref_slice %arg2[%dma_wait3A_133, %dma_wait3A_134] : memref<10240x128xf32, #tpu.memory_space<hbm>> -> memref<10240x128xf32, #tpu.memory_space<hbm>>
      tpu.wait_indirect_dma semaphore(%arg13 : memref<!tpu.dma_semaphore, #tpu.memory_space<semaphore_mem>>) src(%dma_wait3A_135 : memref<10240x128xf32, #tpu.memory_space<hbm>>) dst(%arg7 : memref<128x128xf32, #tpu.memory_space<vmem>>)
      %dma_wait3A_136 = arith.constant 3 : i32
      %dma_wait3A_137 = arith.constant 0 : i32
      %dma_wait3A_138 = tpu.memref_slice %arg9[%dma_wait3A_136, %dma_wait3A_137] : memref<8x128xi32, #tpu.memory_space<vmem>> -> memref<1x128xi32, #tpu.memory_space<vmem>>
      %dma_wait3A_139 = tpu.memref_squeeze %dma_wait3A_138 : memref<1x128xi32, #tpu.memory_space<vmem>> -> memref<128xi32, #tpu.memory_space<vmem>>
      %dma_wait3A_140 = arith.constant 0 : i32
      %dma_wait3A_141 = arith.constant 0 : i32
      %dma_wait3A_142 = tpu.memref_slice %arg2[%dma_wait3A_140, %dma_wait3A_141] : memref<10240x128xf32, #tpu.memory_space<hbm>> -> memref<10240x128xf32, #tpu.memory_space<hbm>>
      tpu.wait_indirect_dma semaphore(%arg14 : memref<!tpu.dma_semaphore, #tpu.memory_space<semaphore_mem>>) src(%dma_wait3A_142 : memref<10240x128xf32, #tpu.memory_space<hbm>>) dst(%arg8 : memref<128x128xf32, #tpu.memory_space<vmem>>)
      %dma_start3A_143 = arith.constant 2 : i32
      %dma_start3A_144 = arith.constant 0 : i32
      %dma_start3A_145 = tpu.memref_slice %arg9[%dma_start3A_143, %dma_start3A_144] : memref<8x128xi32, #tpu.memory_space<vmem>> -> memref<1x128xi32, #tpu.memory_space<vmem>>
      %dma_start3A_146 = tpu.memref_squeeze %dma_start3A_145 : memref<1x128xi32, #tpu.memory_space<vmem>> -> memref<128xi32, #tpu.memory_space<vmem>>
      %dma_start3A_147 = arith.constant 0 : i32
      %dma_start3A_148 = arith.constant 0 : i32
      %dma_start3A_149 = tpu.memref_slice %arg2[%dma_start3A_147, %dma_start3A_148] : memref<10240x128xf32, #tpu.memory_space<hbm>> -> memref<10240x128xf32, #tpu.memory_space<hbm>>
      tpu.enqueue_indirect_dma source(%dma_start3A_149 : memref<10240x128xf32, #tpu.memory_space<hbm>>) target(%arg7 : memref<128x128xf32, #tpu.memory_space<vmem>>) offsets(%dma_start3A_146 : memref<128xi32, #tpu.memory_space<vmem>>) semaphore(%arg11 : memref<!tpu.dma_semaphore, #tpu.memory_space<semaphore_mem>>)
      %dma_start3A_150 = arith.constant 3 : i32
      %dma_start3A_151 = arith.constant 0 : i32
      %dma_start3A_152 = tpu.memref_slice %arg9[%dma_start3A_150, %dma_start3A_151] : memref<8x128xi32, #tpu.memory_space<vmem>> -> memref<1x128xi32, #tpu.memory_space<vmem>>
      %dma_start3A_153 = tpu.memref_squeeze %dma_start3A_152 : memref<1x128xi32, #tpu.memory_space<vmem>> -> memref<128xi32, #tpu.memory_space<vmem>>
      %dma_start3A_154 = arith.constant 0 : i32
      %dma_start3A_155 = arith.constant 0 : i32
      %dma_start3A_156 = tpu.memref_slice %arg2[%dma_start3A_154, %dma_start3A_155] : memref<10240x128xf32, #tpu.memory_space<hbm>> -> memref<10240x128xf32, #tpu.memory_space<hbm>>
      tpu.enqueue_indirect_dma source(%dma_start3A_156 : memref<10240x128xf32, #tpu.memory_space<hbm>>) target(%arg8 : memref<128x128xf32, #tpu.memory_space<vmem>>) offsets(%dma_start3A_153 : memref<128xi32, #tpu.memory_space<vmem>>) semaphore(%arg12 : memref<!tpu.dma_semaphore, #tpu.memory_space<semaphore_mem>>)
      %dma_wait3A_157 = arith.constant 2 : i32
      %dma_wait3A_158 = arith.constant 0 : i32
      %dma_wait3A_159 = tpu.memref_slice %arg9[%dma_wait3A_157, %dma_wait3A_158] : memref<8x128xi32, #tpu.memory_space<vmem>> -> memref<1x128xi32, #tpu.memory_space<vmem>>
      %dma_wait3A_160 = tpu.memref_squeeze %dma_wait3A_159 : memref<1x128xi32, #tpu.memory_space<vmem>> -> memref<128xi32, #tpu.memory_space<vmem>>
      %dma_wait3A_161 = arith.constant 0 : i32
      %dma_wait3A_162 = arith.constant 0 : i32
      %dma_wait3A_163 = tpu.memref_slice %arg2[%dma_wait3A_161, %dma_wait3A_162] : memref<10240x128xf32, #tpu.memory_space<hbm>> -> memref<10240x128xf32, #tpu.memory_space<hbm>>
      tpu.wait_indirect_dma semaphore(%arg11 : memref<!tpu.dma_semaphore, #tpu.memory_space<semaphore_mem>>) src(%dma_wait3A_163 : memref<10240x128xf32, #tpu.memory_space<hbm>>) dst(%arg7 : memref<128x128xf32, #tpu.memory_space<vmem>>)
      %dma_start3A_164 = arith.constant 2 : i32
      %dma_start3A_165 = arith.constant 0 : i32
      %dma_start3A_166 = tpu.memref_slice %arg10[%dma_start3A_164, %dma_start3A_165] : memref<8x128xi32, #tpu.memory_space<vmem>> -> memref<1x128xi32, #tpu.memory_space<vmem>>
      %dma_start3A_167 = tpu.memref_squeeze %dma_start3A_166 : memref<1x128xi32, #tpu.memory_space<vmem>> -> memref<128xi32, #tpu.memory_space<vmem>>
      %dma_start3A_168 = arith.constant 0 : i32
      %dma_start3A_169 = arith.constant 0 : i32
      %dma_start3A_170 = tpu.memref_slice %arg6[%dma_start3A_168, %dma_start3A_169] : memref<10240x128xf32, #tpu.memory_space<vmem_shared>> -> memref<10240x128xf32, #tpu.memory_space<vmem_shared>>
      tpu.enqueue_indirect_dma source(%arg7 : memref<128x128xf32, #tpu.memory_space<vmem>>) target(%dma_start3A_170 : memref<10240x128xf32, #tpu.memory_space<vmem_shared>>) offsets(%dma_start3A_167 : memref<128xi32, #tpu.memory_space<vmem>>) semaphore(%arg13 : memref<!tpu.dma_semaphore, #tpu.memory_space<semaphore_mem>>) {add = true}
      %dma_wait3A_171 = arith.constant 3 : i32
      %dma_wait3A_172 = arith.constant 0 : i32
      %dma_wait3A_173 = tpu.memref_slice %arg9[%dma_wait3A_171, %dma_wait3A_172] : memref<8x128xi32, #tpu.memory_space<vmem>> -> memref<1x128xi32, #tpu.memory_space<vmem>>
      %dma_wait3A_174 = tpu.memref_squeeze %dma_wait3A_173 : memref<1x128xi32, #tpu.memory_space<vmem>> -> memref<128xi32, #tpu.memory_space<vmem>>
      %dma_wait3A_175 = arith.constant 0 : i32
      %dma_wait3A_176 = arith.constant 0 : i32
      %dma_wait3A_177 = tpu.memref_slice %arg2[%dma_wait3A_175, %dma_wait3A_176] : memref<10240x128xf32, #tpu.memory_space<hbm>> -> memref<10240x128xf32, #tpu.memory_space<hbm>>
      tpu.wait_indirect_dma semaphore(%arg12 : memref<!tpu.dma_semaphore, #tpu.memory_space<semaphore_mem>>) src(%dma_wait3A_177 : memref<10240x128xf32, #tpu.memory_space<hbm>>) dst(%arg8 : memref<128x128xf32, #tpu.memory_space<vmem>>)
      %dma_start3A_178 = arith.constant 3 : i32
      %dma_start3A_179 = arith.constant 0 : i32
      %dma_start3A_180 = tpu.memref_slice %arg10[%dma_start3A_178, %dma_start3A_179] : memref<8x128xi32, #tpu.memory_space<vmem>> -> memref<1x128xi32, #tpu.memory_space<vmem>>
      %dma_start3A_181 = tpu.memref_squeeze %dma_start3A_180 : memref<1x128xi32, #tpu.memory_space<vmem>> -> memref<128xi32, #tpu.memory_space<vmem>>
      %dma_start3A_182 = arith.constant 0 : i32
      %dma_start3A_183 = arith.constant 0 : i32
      %dma_start3A_184 = tpu.memref_slice %arg6[%dma_start3A_182, %dma_start3A_183] : memref<10240x128xf32, #tpu.memory_space<vmem_shared>> -> memref<10240x128xf32, #tpu.memory_space<vmem_shared>>
      tpu.enqueue_indirect_dma source(%arg8 : memref<128x128xf32, #tpu.memory_space<vmem>>) target(%dma_start3A_184 : memref<10240x128xf32, #tpu.memory_space<vmem_shared>>) offsets(%dma_start3A_181 : memref<128xi32, #tpu.memory_space<vmem>>) semaphore(%arg14 : memref<!tpu.dma_semaphore, #tpu.memory_space<semaphore_mem>>) {add = true}
      %dma_wait3A_185 = arith.constant 4 : i32
      %dma_wait3A_186 = arith.constant 0 : i32
      %dma_wait3A_187 = tpu.memref_slice %arg9[%dma_wait3A_185, %dma_wait3A_186] : memref<8x128xi32, #tpu.memory_space<vmem>> -> memref<1x128xi32, #tpu.memory_space<vmem>>
      %dma_wait3A_188 = tpu.memref_squeeze %dma_wait3A_187 : memref<1x128xi32, #tpu.memory_space<vmem>> -> memref<128xi32, #tpu.memory_space<vmem>>
      %dma_wait3A_189 = arith.constant 0 : i32
      %dma_wait3A_190 = arith.constant 0 : i32
      %dma_wait3A_191 = tpu.memref_slice %arg2[%dma_wait3A_189, %dma_wait3A_190] : memref<10240x128xf32, #tpu.memory_space<hbm>> -> memref<10240x128xf32, #tpu.memory_space<hbm>>
      tpu.wait_indirect_dma semaphore(%arg13 : memref<!tpu.dma_semaphore, #tpu.memory_space<semaphore_mem>>) src(%dma_wait3A_191 : memref<10240x128xf32, #tpu.memory_space<hbm>>) dst(%arg7 : memref<128x128xf32, #tpu.memory_space<vmem>>)
      %dma_wait3A_192 = arith.constant 5 : i32
      %dma_wait3A_193 = arith.constant 0 : i32
      %dma_wait3A_194 = tpu.memref_slice %arg9[%dma_wait3A_192, %dma_wait3A_193] : memref<8x128xi32, #tpu.memory_space<vmem>> -> memref<1x128xi32, #tpu.memory_space<vmem>>
      %dma_wait3A_195 = tpu.memref_squeeze %dma_wait3A_194 : memref<1x128xi32, #tpu.memory_space<vmem>> -> memref<128xi32, #tpu.memory_space<vmem>>
      %dma_wait3A_196 = arith.constant 0 : i32
      %dma_wait3A_197 = arith.constant 0 : i32
      %dma_wait3A_198 = tpu.memref_slice %arg2[%dma_wait3A_196, %dma_wait3A_197] : memref<10240x128xf32, #tpu.memory_space<hbm>> -> memref<10240x128xf32, #tpu.memory_space<hbm>>
      tpu.wait_indirect_dma semaphore(%arg14 : memref<!tpu.dma_semaphore, #tpu.memory_space<semaphore_mem>>) src(%dma_wait3A_198 : memref<10240x128xf32, #tpu.memory_space<hbm>>) dst(%arg8 : memref<128x128xf32, #tpu.memory_space<vmem>>)
      %dma_start3A_199 = arith.constant 4 : i32
      %dma_start3A_200 = arith.constant 0 : i32
      %dma_start3A_201 = tpu.memref_slice %arg9[%dma_start3A_199, %dma_start3A_200] : memref<8x128xi32, #tpu.memory_space<vmem>> -> memref<1x128xi32, #tpu.memory_space<vmem>>
      %dma_start3A_202 = tpu.memref_squeeze %dma_start3A_201 : memref<1x128xi32, #tpu.memory_space<vmem>> -> memref<128xi32, #tpu.memory_space<vmem>>
      %dma_start3A_203 = arith.constant 0 : i32
      %dma_start3A_204 = arith.constant 0 : i32
      %dma_start3A_205 = tpu.memref_slice %arg2[%dma_start3A_203, %dma_start3A_204] : memref<10240x128xf32, #tpu.memory_space<hbm>> -> memref<10240x128xf32, #tpu.memory_space<hbm>>
      tpu.enqueue_indirect_dma source(%dma_start3A_205 : memref<10240x128xf32, #tpu.memory_space<hbm>>) target(%arg7 : memref<128x128xf32, #tpu.memory_space<vmem>>) offsets(%dma_start3A_202 : memref<128xi32, #tpu.memory_space<vmem>>) semaphore(%arg11 : memref<!tpu.dma_semaphore, #tpu.memory_space<semaphore_mem>>)
      %dma_start3A_206 = arith.constant 5 : i32
      %dma_start3A_207 = arith.constant 0 : i32
      %dma_start3A_208 = tpu.memref_slice %arg9[%dma_start3A_206, %dma_start3A_207] : memref<8x128xi32, #tpu.memory_space<vmem>> -> memref<1x128xi32, #tpu.memory_space<vmem>>
      %dma_start3A_209 = tpu.memref_squeeze %dma_start3A_208 : memref<1x128xi32, #tpu.memory_space<vmem>> -> memref<128xi32, #tpu.memory_space<vmem>>
      %dma_start3A_210 = arith.constant 0 : i32
      %dma_start3A_211 = arith.constant 0 : i32
      %dma_start3A_212 = tpu.memref_slice %arg2[%dma_start3A_210, %dma_start3A_211] : memref<10240x128xf32, #tpu.memory_space<hbm>> -> memref<10240x128xf32, #tpu.memory_space<hbm>>
      tpu.enqueue_indirect_dma source(%dma_start3A_212 : memref<10240x128xf32, #tpu.memory_space<hbm>>) target(%arg8 : memref<128x128xf32, #tpu.memory_space<vmem>>) offsets(%dma_start3A_209 : memref<128xi32, #tpu.memory_space<vmem>>) semaphore(%arg12 : memref<!tpu.dma_semaphore, #tpu.memory_space<semaphore_mem>>)
      %dma_wait3A_213 = arith.constant 4 : i32
      %dma_wait3A_214 = arith.constant 0 : i32
      %dma_wait3A_215 = tpu.memref_slice %arg9[%dma_wait3A_213, %dma_wait3A_214] : memref<8x128xi32, #tpu.memory_space<vmem>> -> memref<1x128xi32, #tpu.memory_space<vmem>>
      %dma_wait3A_216 = tpu.memref_squeeze %dma_wait3A_215 : memref<1x128xi32, #tpu.memory_space<vmem>> -> memref<128xi32, #tpu.memory_space<vmem>>
      %dma_wait3A_217 = arith.constant 0 : i32
      %dma_wait3A_218 = arith.constant 0 : i32
      %dma_wait3A_219 = tpu.memref_slice %arg2[%dma_wait3A_217, %dma_wait3A_218] : memref<10240x128xf32, #tpu.memory_space<hbm>> -> memref<10240x128xf32, #tpu.memory_space<hbm>>
      tpu.wait_indirect_dma semaphore(%arg11 : memref<!tpu.dma_semaphore, #tpu.memory_space<semaphore_mem>>) src(%dma_wait3A_219 : memref<10240x128xf32, #tpu.memory_space<hbm>>) dst(%arg7 : memref<128x128xf32, #tpu.memory_space<vmem>>)
      %dma_start3A_220 = arith.constant 4 : i32
      %dma_start3A_221 = arith.constant 0 : i32
      %dma_start3A_222 = tpu.memref_slice %arg10[%dma_start3A_220, %dma_start3A_221] : memref<8x128xi32, #tpu.memory_space<vmem>> -> memref<1x128xi32, #tpu.memory_space<vmem>>
      %dma_start3A_223 = tpu.memref_squeeze %dma_start3A_222 : memref<1x128xi32, #tpu.memory_space<vmem>> -> memref<128xi32, #tpu.memory_space<vmem>>
      %dma_start3A_224 = arith.constant 0 : i32
      %dma_start3A_225 = arith.constant 0 : i32
      %dma_start3A_226 = tpu.memref_slice %arg6[%dma_start3A_224, %dma_start3A_225] : memref<10240x128xf32, #tpu.memory_space<vmem_shared>> -> memref<10240x128xf32, #tpu.memory_space<vmem_shared>>
      tpu.enqueue_indirect_dma source(%arg7 : memref<128x128xf32, #tpu.memory_space<vmem>>) target(%dma_start3A_226 : memref<10240x128xf32, #tpu.memory_space<vmem_shared>>) offsets(%dma_start3A_223 : memref<128xi32, #tpu.memory_space<vmem>>) semaphore(%arg13 : memref<!tpu.dma_semaphore, #tpu.memory_space<semaphore_mem>>) {add = true}
      %dma_wait3A_227 = arith.constant 5 : i32
      %dma_wait3A_228 = arith.constant 0 : i32
      %dma_wait3A_229 = tpu.memref_slice %arg9[%dma_wait3A_227, %dma_wait3A_228] : memref<8x128xi32, #tpu.memory_space<vmem>> -> memref<1x128xi32, #tpu.memory_space<vmem>>
      %dma_wait3A_230 = tpu.memref_squeeze %dma_wait3A_229 : memref<1x128xi32, #tpu.memory_space<vmem>> -> memref<128xi32, #tpu.memory_space<vmem>>
      %dma_wait3A_231 = arith.constant 0 : i32
      %dma_wait3A_232 = arith.constant 0 : i32
      %dma_wait3A_233 = tpu.memref_slice %arg2[%dma_wait3A_231, %dma_wait3A_232] : memref<10240x128xf32, #tpu.memory_space<hbm>> -> memref<10240x128xf32, #tpu.memory_space<hbm>>
      tpu.wait_indirect_dma semaphore(%arg12 : memref<!tpu.dma_semaphore, #tpu.memory_space<semaphore_mem>>) src(%dma_wait3A_233 : memref<10240x128xf32, #tpu.memory_space<hbm>>) dst(%arg8 : memref<128x128xf32, #tpu.memory_space<vmem>>)
      %dma_start3A_234 = arith.constant 5 : i32
      %dma_start3A_235 = arith.constant 0 : i32
      %dma_start3A_236 = tpu.memref_slice %arg10[%dma_start3A_234, %dma_start3A_235] : memref<8x128xi32, #tpu.memory_space<vmem>> -> memref<1x128xi32, #tpu.memory_space<vmem>>
      %dma_start3A_237 = tpu.memref_squeeze %dma_start3A_236 : memref<1x128xi32, #tpu.memory_space<vmem>> -> memref<128xi32, #tpu.memory_space<vmem>>
      %dma_start3A_238 = arith.constant 0 : i32
      %dma_start3A_239 = arith.constant 0 : i32
      %dma_start3A_240 = tpu.memref_slice %arg6[%dma_start3A_238, %dma_start3A_239] : memref<10240x128xf32, #tpu.memory_space<vmem_shared>> -> memref<10240x128xf32, #tpu.memory_space<vmem_shared>>
      tpu.enqueue_indirect_dma source(%arg8 : memref<128x128xf32, #tpu.memory_space<vmem>>) target(%dma_start3A_240 : memref<10240x128xf32, #tpu.memory_space<vmem_shared>>) offsets(%dma_start3A_237 : memref<128xi32, #tpu.memory_space<vmem>>) semaphore(%arg14 : memref<!tpu.dma_semaphore, #tpu.memory_space<semaphore_mem>>) {add = true}
      %dma_wait3A_241 = arith.constant 6 : i32
      %dma_wait3A_242 = arith.constant 0 : i32
      %dma_wait3A_243 = tpu.memref_slice %arg9[%dma_wait3A_241, %dma_wait3A_242] : memref<8x128xi32, #tpu.memory_space<vmem>> -> memref<1x128xi32, #tpu.memory_space<vmem>>
      %dma_wait3A_244 = tpu.memref_squeeze %dma_wait3A_243 : memref<1x128xi32, #tpu.memory_space<vmem>> -> memref<128xi32, #tpu.memory_space<vmem>>
      %dma_wait3A_245 = arith.constant 0 : i32
      %dma_wait3A_246 = arith.constant 0 : i32
      %dma_wait3A_247 = tpu.memref_slice %arg2[%dma_wait3A_245, %dma_wait3A_246] : memref<10240x128xf32, #tpu.memory_space<hbm>> -> memref<10240x128xf32, #tpu.memory_space<hbm>>
      tpu.wait_indirect_dma semaphore(%arg13 : memref<!tpu.dma_semaphore, #tpu.memory_space<semaphore_mem>>) src(%dma_wait3A_247 : memref<10240x128xf32, #tpu.memory_space<hbm>>) dst(%arg7 : memref<128x128xf32, #tpu.memory_space<vmem>>)
      %dma_wait3A_248 = arith.constant 7 : i32
      %dma_wait3A_249 = arith.constant 0 : i32
      %dma_wait3A_250 = tpu.memref_slice %arg9[%dma_wait3A_248, %dma_wait3A_249] : memref<8x128xi32, #tpu.memory_space<vmem>> -> memref<1x128xi32, #tpu.memory_space<vmem>>
      %dma_wait3A_251 = tpu.memref_squeeze %dma_wait3A_250 : memref<1x128xi32, #tpu.memory_space<vmem>> -> memref<128xi32, #tpu.memory_space<vmem>>
      %dma_wait3A_252 = arith.constant 0 : i32
      %dma_wait3A_253 = arith.constant 0 : i32
      %dma_wait3A_254 = tpu.memref_slice %arg2[%dma_wait3A_252, %dma_wait3A_253] : memref<10240x128xf32, #tpu.memory_space<hbm>> -> memref<10240x128xf32, #tpu.memory_space<hbm>>
      tpu.wait_indirect_dma semaphore(%arg14 : memref<!tpu.dma_semaphore, #tpu.memory_space<semaphore_mem>>) src(%dma_wait3A_254 : memref<10240x128xf32, #tpu.memory_space<hbm>>) dst(%arg8 : memref<128x128xf32, #tpu.memory_space<vmem>>)
      %dma_start3A_255 = arith.constant 6 : i32
      %dma_start3A_256 = arith.constant 0 : i32
      %dma_start3A_257 = tpu.memref_slice %arg9[%dma_start3A_255, %dma_start3A_256] : memref<8x128xi32, #tpu.memory_space<vmem>> -> memref<1x128xi32, #tpu.memory_space<vmem>>
      %dma_start3A_258 = tpu.memref_squeeze %dma_start3A_257 : memref<1x128xi32, #tpu.memory_space<vmem>> -> memref<128xi32, #tpu.memory_space<vmem>>
      %dma_start3A_259 = arith.constant 0 : i32
      %dma_start3A_260 = arith.constant 0 : i32
      %dma_start3A_261 = tpu.memref_slice %arg2[%dma_start3A_259, %dma_start3A_260] : memref<10240x128xf32, #tpu.memory_space<hbm>> -> memref<10240x128xf32, #tpu.memory_space<hbm>>
      tpu.enqueue_indirect_dma source(%dma_start3A_261 : memref<10240x128xf32, #tpu.memory_space<hbm>>) target(%arg7 : memref<128x128xf32, #tpu.memory_space<vmem>>) offsets(%dma_start3A_258 : memref<128xi32, #tpu.memory_space<vmem>>) semaphore(%arg11 : memref<!tpu.dma_semaphore, #tpu.memory_space<semaphore_mem>>)
      %dma_start3A_262 = arith.constant 7 : i32
      %dma_start3A_263 = arith.constant 0 : i32
      %dma_start3A_264 = tpu.memref_slice %arg9[%dma_start3A_262, %dma_start3A_263] : memref<8x128xi32, #tpu.memory_space<vmem>> -> memref<1x128xi32, #tpu.memory_space<vmem>>
      %dma_start3A_265 = tpu.memref_squeeze %dma_start3A_264 : memref<1x128xi32, #tpu.memory_space<vmem>> -> memref<128xi32, #tpu.memory_space<vmem>>
      %dma_start3A_266 = arith.constant 0 : i32
      %dma_start3A_267 = arith.constant 0 : i32
      %dma_start3A_268 = tpu.memref_slice %arg2[%dma_start3A_266, %dma_start3A_267] : memref<10240x128xf32, #tpu.memory_space<hbm>> -> memref<10240x128xf32, #tpu.memory_space<hbm>>
      tpu.enqueue_indirect_dma source(%dma_start3A_268 : memref<10240x128xf32, #tpu.memory_space<hbm>>) target(%arg8 : memref<128x128xf32, #tpu.memory_space<vmem>>) offsets(%dma_start3A_265 : memref<128xi32, #tpu.memory_space<vmem>>) semaphore(%arg12 : memref<!tpu.dma_semaphore, #tpu.memory_space<semaphore_mem>>)
      %dma_wait3A_269 = arith.constant 6 : i32
      %dma_wait3A_270 = arith.constant 0 : i32
      %dma_wait3A_271 = tpu.memref_slice %arg9[%dma_wait3A_269, %dma_wait3A_270] : memref<8x128xi32, #tpu.memory_space<vmem>> -> memref<1x128xi32, #tpu.memory_space<vmem>>
      %dma_wait3A_272 = tpu.memref_squeeze %dma_wait3A_271 : memref<1x128xi32, #tpu.memory_space<vmem>> -> memref<128xi32, #tpu.memory_space<vmem>>
      %dma_wait3A_273 = arith.constant 0 : i32
      %dma_wait3A_274 = arith.constant 0 : i32
      %dma_wait3A_275 = tpu.memref_slice %arg2[%dma_wait3A_273, %dma_wait3A_274] : memref<10240x128xf32, #tpu.memory_space<hbm>> -> memref<10240x128xf32, #tpu.memory_space<hbm>>
      tpu.wait_indirect_dma semaphore(%arg11 : memref<!tpu.dma_semaphore, #tpu.memory_space<semaphore_mem>>) src(%dma_wait3A_275 : memref<10240x128xf32, #tpu.memory_space<hbm>>) dst(%arg7 : memref<128x128xf32, #tpu.memory_space<vmem>>)
      %dma_start3A_276 = arith.constant 6 : i32
      %dma_start3A_277 = arith.constant 0 : i32
      %dma_start3A_278 = tpu.memref_slice %arg10[%dma_start3A_276, %dma_start3A_277] : memref<8x128xi32, #tpu.memory_space<vmem>> -> memref<1x128xi32, #tpu.memory_space<vmem>>
      %dma_start3A_279 = tpu.memref_squeeze %dma_start3A_278 : memref<1x128xi32, #tpu.memory_space<vmem>> -> memref<128xi32, #tpu.memory_space<vmem>>
      %dma_start3A_280 = arith.constant 0 : i32
      %dma_start3A_281 = arith.constant 0 : i32
      %dma_start3A_282 = tpu.memref_slice %arg6[%dma_start3A_280, %dma_start3A_281] : memref<10240x128xf32, #tpu.memory_space<vmem_shared>> -> memref<10240x128xf32, #tpu.memory_space<vmem_shared>>
      tpu.enqueue_indirect_dma source(%arg7 : memref<128x128xf32, #tpu.memory_space<vmem>>) target(%dma_start3A_282 : memref<10240x128xf32, #tpu.memory_space<vmem_shared>>) offsets(%dma_start3A_279 : memref<128xi32, #tpu.memory_space<vmem>>) semaphore(%arg13 : memref<!tpu.dma_semaphore, #tpu.memory_space<semaphore_mem>>) {add = true}
      %dma_wait3A_283 = arith.constant 7 : i32
      %dma_wait3A_284 = arith.constant 0 : i32
      %dma_wait3A_285 = tpu.memref_slice %arg9[%dma_wait3A_283, %dma_wait3A_284] : memref<8x128xi32, #tpu.memory_space<vmem>> -> memref<1x128xi32, #tpu.memory_space<vmem>>
      %dma_wait3A_286 = tpu.memref_squeeze %dma_wait3A_285 : memref<1x128xi32, #tpu.memory_space<vmem>> -> memref<128xi32, #tpu.memory_space<vmem>>
      %dma_wait3A_287 = arith.constant 0 : i32
      %dma_wait3A_288 = arith.constant 0 : i32
      %dma_wait3A_289 = tpu.memref_slice %arg2[%dma_wait3A_287, %dma_wait3A_288] : memref<10240x128xf32, #tpu.memory_space<hbm>> -> memref<10240x128xf32, #tpu.memory_space<hbm>>
      tpu.wait_indirect_dma semaphore(%arg12 : memref<!tpu.dma_semaphore, #tpu.memory_space<semaphore_mem>>) src(%dma_wait3A_289 : memref<10240x128xf32, #tpu.memory_space<hbm>>) dst(%arg8 : memref<128x128xf32, #tpu.memory_space<vmem>>)
      %dma_start3A_290 = arith.constant 7 : i32
      %dma_start3A_291 = arith.constant 0 : i32
      %dma_start3A_292 = tpu.memref_slice %arg10[%dma_start3A_290, %dma_start3A_291] : memref<8x128xi32, #tpu.memory_space<vmem>> -> memref<1x128xi32, #tpu.memory_space<vmem>>
      %dma_start3A_293 = tpu.memref_squeeze %dma_start3A_292 : memref<1x128xi32, #tpu.memory_space<vmem>> -> memref<128xi32, #tpu.memory_space<vmem>>
      %dma_start3A_294 = arith.constant 0 : i32
      %dma_start3A_295 = arith.constant 0 : i32
      %dma_start3A_296 = tpu.memref_slice %arg6[%dma_start3A_294, %dma_start3A_295] : memref<10240x128xf32, #tpu.memory_space<vmem_shared>> -> memref<10240x128xf32, #tpu.memory_space<vmem_shared>>
      tpu.enqueue_indirect_dma source(%arg8 : memref<128x128xf32, #tpu.memory_space<vmem>>) target(%dma_start3A_296 : memref<10240x128xf32, #tpu.memory_space<vmem_shared>>) offsets(%dma_start3A_293 : memref<128xi32, #tpu.memory_space<vmem>>) semaphore(%arg14 : memref<!tpu.dma_semaphore, #tpu.memory_space<semaphore_mem>>) {add = true}
      %while3A_297 = arith.constant 0 : i32
      scf.yield %while3A_297 : i32
    }
    %while3A_54 = arith.constant 1 : i32
    %while3A_55 = scf.for %while3A_79 = %while3A_51 to %while3A_47 step %while3A_54 iter_args(%while3A_80 = %while3A_53) -> (i32)  : i32 {
      %gt3A_81 = arith.constant 0 : i32
      %gt3A_82 = arith.cmpi sgt, %while3A_79, %gt3A_81 : i32
      %convert_element_type3A_83 = arith.extui %gt3A_82 : i1 to i32
      %cond3A_84 = arith.constant 0 : i32
      %cond3A_85 = arith.cmpi ne, %convert_element_type3A_83, %cond3A_84 : i32
      scf.if %cond3A_85 {
        %dma_wait3A_298 = arith.constant 0 : i32
        %dma_wait3A_299 = arith.constant 0 : i32
        %dma_wait3A_300 = tpu.memref_slice %arg9[%dma_wait3A_298, %dma_wait3A_299] : memref<8x128xi32, #tpu.memory_space<vmem>> -> memref<1x128xi32, #tpu.memory_space<vmem>>
        %dma_wait3A_301 = tpu.memref_squeeze %dma_wait3A_300 : memref<1x128xi32, #tpu.memory_space<vmem>> -> memref<128xi32, #tpu.memory_space<vmem>>
        %dma_wait3A_302 = arith.constant 0 : i32
        %dma_wait3A_303 = arith.constant 0 : i32
        %dma_wait3A_304 = tpu.memref_slice %arg2[%dma_wait3A_302, %dma_wait3A_303] : memref<10240x128xf32, #tpu.memory_space<hbm>> -> memref<10240x128xf32, #tpu.memory_space<hbm>>
        tpu.wait_indirect_dma semaphore(%arg13 : memref<!tpu.dma_semaphore, #tpu.memory_space<semaphore_mem>>) src(%dma_wait3A_304 : memref<10240x128xf32, #tpu.memory_space<hbm>>) dst(%arg7 : memref<128x128xf32, #tpu.memory_space<vmem>>)
        %dma_wait3A_305 = arith.constant 0 : i32
        %dma_wait3A_306 = arith.constant 0 : i32
        %dma_wait3A_307 = tpu.memref_slice %arg9[%dma_wait3A_305, %dma_wait3A_306] : memref<8x128xi32, #tpu.memory_space<vmem>> -> memref<1x128xi32, #tpu.memory_space<vmem>>
        %dma_wait3A_308 = tpu.memref_squeeze %dma_wait3A_307 : memref<1x128xi32, #tpu.memory_space<vmem>> -> memref<128xi32, #tpu.memory_space<vmem>>
        %dma_wait3A_309 = arith.constant 0 : i32
        %dma_wait3A_310 = arith.constant 0 : i32
        %dma_wait3A_311 = tpu.memref_slice %arg2[%dma_wait3A_309, %dma_wait3A_310] : memref<10240x128xf32, #tpu.memory_space<hbm>> -> memref<10240x128xf32, #tpu.memory_space<hbm>>
        tpu.wait_indirect_dma semaphore(%arg14 : memref<!tpu.dma_semaphore, #tpu.memory_space<semaphore_mem>>) src(%dma_wait3A_311 : memref<10240x128xf32, #tpu.memory_space<hbm>>) dst(%arg8 : memref<128x128xf32, #tpu.memory_space<vmem>>)
      } else {
      }
      %mul3A_86 = arith.constant 8 : i32
      %mul3A_87 = arith.muli %while3A_79, %mul3A_86 : i32
      %add3A_88 = arith.addi %select_n3A_8, %mul3A_87 : i32
      "tpu.region"() ({
        %run_scoped3A = tpu.sem_alloc : memref<!tpu.dma_semaphore, #tpu.memory_space<semaphore_mem>>
        %dma_start3A_298 = arith.constant 0 : i32
        %dma_start3A_299 = tpu.memref_slice %arg3[%add3A_88, %dma_start3A_298] : memref<2560x128xi32, #tpu.memory_space<hbm>> -> memref<8x128xi32, #tpu.memory_space<hbm>>
        %dma_start3A_300 = arith.constant 0 : i32
        %dma_start3A_301 = tpu.memref_slice %arg3[%add3A_88, %dma_start3A_300] : memref<2560x128xi32, #tpu.memory_space<hbm>> -> memref<8x128xi32, #tpu.memory_space<hbm>>
        tpu.enqueue_dma source(%dma_start3A_301 : memref<8x128xi32, #tpu.memory_space<hbm>>) target(%arg9 : memref<8x128xi32, #tpu.memory_space<vmem>>) target_semaphore(%run_scoped3A : memref<!tpu.dma_semaphore, #tpu.memory_space<semaphore_mem>>)
        %dma_wait3A_302 = arith.constant 0 : i32
        %dma_wait3A_303 = tpu.memref_slice %arg3[%add3A_88, %dma_wait3A_302] : memref<2560x128xi32, #tpu.memory_space<hbm>> -> memref<8x128xi32, #tpu.memory_space<hbm>>
        %dma_wait3A_304 = arith.constant 0 : i32
        %dma_wait3A_305 = tpu.memref_slice %arg3[%add3A_88, %dma_wait3A_304] : memref<2560x128xi32, #tpu.memory_space<hbm>> -> memref<8x128xi32, #tpu.memory_space<hbm>>
        tpu.wait_dma2 semaphore(%run_scoped3A : memref<!tpu.dma_semaphore, #tpu.memory_space<semaphore_mem>>) src(%dma_wait3A_305 : memref<8x128xi32, #tpu.memory_space<hbm>>) dst(%arg9 : memref<8x128xi32, #tpu.memory_space<vmem>>)
        tpu.yield
      }) : () -> ()
      "tpu.region"() ({
        %run_scoped3A = tpu.sem_alloc : memref<!tpu.dma_semaphore, #tpu.memory_space<semaphore_mem>>
        %dma_start3A_298 = arith.constant 0 : i32
        %dma_start3A_299 = tpu.memref_slice %arg4[%add3A_88, %dma_start3A_298] : memref<2560x128xi32, #tpu.memory_space<hbm>> -> memref<8x128xi32, #tpu.memory_space<hbm>>
        %dma_start3A_300 = arith.constant 0 : i32
        %dma_start3A_301 = tpu.memref_slice %arg4[%add3A_88, %dma_start3A_300] : memref<2560x128xi32, #tpu.memory_space<hbm>> -> memref<8x128xi32, #tpu.memory_space<hbm>>
        tpu.enqueue_dma source(%dma_start3A_301 : memref<8x128xi32, #tpu.memory_space<hbm>>) target(%arg10 : memref<8x128xi32, #tpu.memory_space<vmem>>) target_semaphore(%run_scoped3A : memref<!tpu.dma_semaphore, #tpu.memory_space<semaphore_mem>>)
        %dma_wait3A_302 = arith.constant 0 : i32
        %dma_wait3A_303 = tpu.memref_slice %arg4[%add3A_88, %dma_wait3A_302] : memref<2560x128xi32, #tpu.memory_space<hbm>> -> memref<8x128xi32, #tpu.memory_space<hbm>>
        %dma_wait3A_304 = arith.constant 0 : i32
        %dma_wait3A_305 = tpu.memref_slice %arg4[%add3A_88, %dma_wait3A_304] : memref<2560x128xi32, #tpu.memory_space<hbm>> -> memref<8x128xi32, #tpu.memory_space<hbm>>
        tpu.wait_dma2 semaphore(%run_scoped3A : memref<!tpu.dma_semaphore, #tpu.memory_space<semaphore_mem>>) src(%dma_wait3A_305 : memref<8x128xi32, #tpu.memory_space<hbm>>) dst(%arg10 : memref<8x128xi32, #tpu.memory_space<vmem>>)
        tpu.yield
      }) : () -> ()
      %dma_start3A = arith.constant 0 : i32
      %dma_start3A_89 = arith.constant 0 : i32
      %dma_start3A_90 = tpu.memref_slice %arg9[%dma_start3A, %dma_start3A_89] : memref<8x128xi32, #tpu.memory_space<vmem>> -> memref<1x128xi32, #tpu.memory_space<vmem>>
      %dma_start3A_91 = tpu.memref_squeeze %dma_start3A_90 : memref<1x128xi32, #tpu.memory_space<vmem>> -> memref<128xi32, #tpu.memory_space<vmem>>
      %dma_start3A_92 = arith.constant 0 : i32
      %dma_start3A_93 = arith.constant 0 : i32
      %dma_start3A_94 = tpu.memref_slice %arg2[%dma_start3A_92, %dma_start3A_93] : memref<10240x128xf32, #tpu.memory_space<hbm>> -> memref<10240x128xf32, #tpu.memory_space<hbm>>
      tpu.enqueue_indirect_dma source(%dma_start3A_94 : memref<10240x128xf32, #tpu.memory_space<hbm>>) target(%arg7 : memref<128x128xf32, #tpu.memory_space<vmem>>) offsets(%dma_start3A_91 : memref<128xi32, #tpu.memory_space<vmem>>) semaphore(%arg11 : memref<!tpu.dma_semaphore, #tpu.memory_space<semaphore_mem>>)
      %dma_start3A_95 = arith.constant 1 : i32
      %dma_start3A_96 = arith.constant 0 : i32
      %dma_start3A_97 = tpu.memref_slice %arg9[%dma_start3A_95, %dma_start3A_96] : memref<8x128xi32, #tpu.memory_space<vmem>> -> memref<1x128xi32, #tpu.memory_space<vmem>>
      %dma_start3A_98 = tpu.memref_squeeze %dma_start3A_97 : memref<1x128xi32, #tpu.memory_space<vmem>> -> memref<128xi32, #tpu.memory_space<vmem>>
      %dma_start3A_99 = arith.constant 0 : i32
      %dma_start3A_100 = arith.constant 0 : i32
      %dma_start3A_101 = tpu.memref_slice %arg2[%dma_start3A_99, %dma_start3A_100] : memref<10240x128xf32, #tpu.memory_space<hbm>> -> memref<10240x128xf32, #tpu.memory_space<hbm>>
      tpu.enqueue_indirect_dma source(%dma_start3A_101 : memref<10240x128xf32, #tpu.memory_space<hbm>>) target(%arg8 : memref<128x128xf32, #tpu.memory_space<vmem>>) offsets(%dma_start3A_98 : memref<128xi32, #tpu.memory_space<vmem>>) semaphore(%arg12 : memref<!tpu.dma_semaphore, #tpu.memory_space<semaphore_mem>>)
      %dma_wait3A = arith.constant 0 : i32
      %dma_wait3A_102 = arith.constant 0 : i32
      %dma_wait3A_103 = tpu.memref_slice %arg9[%dma_wait3A, %dma_wait3A_102] : memref<8x128xi32, #tpu.memory_space<vmem>> -> memref<1x128xi32, #tpu.memory_space<vmem>>
      %dma_wait3A_104 = tpu.memref_squeeze %dma_wait3A_103 : memref<1x128xi32, #tpu.memory_space<vmem>> -> memref<128xi32, #tpu.memory_space<vmem>>
      %dma_wait3A_105 = arith.constant 0 : i32
      %dma_wait3A_106 = arith.constant 0 : i32
      %dma_wait3A_107 = tpu.memref_slice %arg2[%dma_wait3A_105, %dma_wait3A_106] : memref<10240x128xf32, #tpu.memory_space<hbm>> -> memref<10240x128xf32, #tpu.memory_space<hbm>>
      tpu.wait_indirect_dma semaphore(%arg11 : memref<!tpu.dma_semaphore, #tpu.memory_space<semaphore_mem>>) src(%dma_wait3A_107 : memref<10240x128xf32, #tpu.memory_space<hbm>>) dst(%arg7 : memref<128x128xf32, #tpu.memory_space<vmem>>)
      %dma_start3A_108 = arith.constant 0 : i32
      %dma_start3A_109 = arith.constant 0 : i32
      %dma_start3A_110 = tpu.memref_slice %arg10[%dma_start3A_108, %dma_start3A_109] : memref<8x128xi32, #tpu.memory_space<vmem>> -> memref<1x128xi32, #tpu.memory_space<vmem>>
      %dma_start3A_111 = tpu.memref_squeeze %dma_start3A_110 : memref<1x128xi32, #tpu.memory_space<vmem>> -> memref<128xi32, #tpu.memory_space<vmem>>
      %dma_start3A_112 = arith.constant 0 : i32
      %dma_start3A_113 = arith.constant 0 : i32
      %dma_start3A_114 = tpu.memref_slice %arg6[%dma_start3A_112, %dma_start3A_113] : memref<10240x128xf32, #tpu.memory_space<vmem_shared>> -> memref<10240x128xf32, #tpu.memory_space<vmem_shared>>
      tpu.enqueue_indirect_dma source(%arg7 : memref<128x128xf32, #tpu.memory_space<vmem>>) target(%dma_start3A_114 : memref<10240x128xf32, #tpu.memory_space<vmem_shared>>) offsets(%dma_start3A_111 : memref<128xi32, #tpu.memory_space<vmem>>) semaphore(%arg13 : memref<!tpu.dma_semaphore, #tpu.memory_space<semaphore_mem>>) {add = true}
      %dma_wait3A_115 = arith.constant 1 : i32
      %dma_wait3A_116 = arith.constant 0 : i32
      %dma_wait3A_117 = tpu.memref_slice %arg9[%dma_wait3A_115, %dma_wait3A_116] : memref<8x128xi32, #tpu.memory_space<vmem>> -> memref<1x128xi32, #tpu.memory_space<vmem>>
      %dma_wait3A_118 = tpu.memref_squeeze %dma_wait3A_117 : memref<1x128xi32, #tpu.memory_space<vmem>> -> memref<128xi32, #tpu.memory_space<vmem>>
      %dma_wait3A_119 = arith.constant 0 : i32
      %dma_wait3A_120 = arith.constant 0 : i32
      %dma_wait3A_121 = tpu.memref_slice %arg2[%dma_wait3A_119, %dma_wait3A_120] : memref<10240x128xf32, #tpu.memory_space<hbm>> -> memref<10240x128xf32, #tpu.memory_space<hbm>>
      tpu.wait_indirect_dma semaphore(%arg12 : memref<!tpu.dma_semaphore, #tpu.memory_space<semaphore_mem>>) src(%dma_wait3A_121 : memref<10240x128xf32, #tpu.memory_space<hbm>>) dst(%arg8 : memref<128x128xf32, #tpu.memory_space<vmem>>)
      %dma_start3A_122 = arith.constant 1 : i32
      %dma_start3A_123 = arith.constant 0 : i32
      %dma_start3A_124 = tpu.memref_slice %arg10[%dma_start3A_122, %dma_start3A_123] : memref<8x128xi32, #tpu.memory_space<vmem>> -> memref<1x128xi32, #tpu.memory_space<vmem>>
      %dma_start3A_125 = tpu.memref_squeeze %dma_start3A_124 : memref<1x128xi32, #tpu.memory_space<vmem>> -> memref<128xi32, #tpu.memory_space<vmem>>
      %dma_start3A_126 = arith.constant 0 : i32
      %dma_start3A_127 = arith.constant 0 : i32
      %dma_start3A_128 = tpu.memref_slice %arg6[%dma_start3A_126, %dma_start3A_127] : memref<10240x128xf32, #tpu.memory_space<vmem_shared>> -> memref<10240x128xf32, #tpu.memory_space<vmem_shared>>
      tpu.enqueue_indirect_dma source(%arg8 : memref<128x128xf32, #tpu.memory_space<vmem>>) target(%dma_start3A_128 : memref<10240x128xf32, #tpu.memory_space<vmem_shared>>) offsets(%dma_start3A_125 : memref<128xi32, #tpu.memory_space<vmem>>) semaphore(%arg14 : memref<!tpu.dma_semaphore, #tpu.memory_space<semaphore_mem>>) {add = true}
      %dma_wait3A_129 = arith.constant 2 : i32
      %dma_wait3A_130 = arith.constant 0 : i32
      %dma_wait3A_131 = tpu.memref_slice %arg9[%dma_wait3A_129, %dma_wait3A_130] : memref<8x128xi32, #tpu.memory_space<vmem>> -> memref<1x128xi32, #tpu.memory_space<vmem>>
      %dma_wait3A_132 = tpu.memref_squeeze %dma_wait3A_131 : memref<1x128xi32, #tpu.memory_space<vmem>> -> memref<128xi32, #tpu.memory_space<vmem>>
      %dma_wait3A_133 = arith.constant 0 : i32
      %dma_wait3A_134 = arith.constant 0 : i32
      %dma_wait3A_135 = tpu.memref_slice %arg2[%dma_wait3A_133, %dma_wait3A_134] : memref<10240x128xf32, #tpu.memory_space<hbm>> -> memref<10240x128xf32, #tpu.memory_space<hbm>>
      tpu.wait_indirect_dma semaphore(%arg13 : memref<!tpu.dma_semaphore, #tpu.memory_space<semaphore_mem>>) src(%dma_wait3A_135 : memref<10240x128xf32, #tpu.memory_space<hbm>>) dst(%arg7 : memref<128x128xf32, #tpu.memory_space<vmem>>)
      %dma_wait3A_136 = arith.constant 3 : i32
      %dma_wait3A_137 = arith.constant 0 : i32
      %dma_wait3A_138 = tpu.memref_slice %arg9[%dma_wait3A_136, %dma_wait3A_137] : memref<8x128xi32, #tpu.memory_space<vmem>> -> memref<1x128xi32, #tpu.memory_space<vmem>>
      %dma_wait3A_139 = tpu.memref_squeeze %dma_wait3A_138 : memref<1x128xi32, #tpu.memory_space<vmem>> -> memref<128xi32, #tpu.memory_space<vmem>>
      %dma_wait3A_140 = arith.constant 0 : i32
      %dma_wait3A_141 = arith.constant 0 : i32
      %dma_wait3A_142 = tpu.memref_slice %arg2[%dma_wait3A_140, %dma_wait3A_141] : memref<10240x128xf32, #tpu.memory_space<hbm>> -> memref<10240x128xf32, #tpu.memory_space<hbm>>
      tpu.wait_indirect_dma semaphore(%arg14 : memref<!tpu.dma_semaphore, #tpu.memory_space<semaphore_mem>>) src(%dma_wait3A_142 : memref<10240x128xf32, #tpu.memory_space<hbm>>) dst(%arg8 : memref<128x128xf32, #tpu.memory_space<vmem>>)
      %dma_start3A_143 = arith.constant 2 : i32
      %dma_start3A_144 = arith.constant 0 : i32
      %dma_start3A_145 = tpu.memref_slice %arg9[%dma_start3A_143, %dma_start3A_144] : memref<8x128xi32, #tpu.memory_space<vmem>> -> memref<1x128xi32, #tpu.memory_space<vmem>>
      %dma_start3A_146 = tpu.memref_squeeze %dma_start3A_145 : memref<1x128xi32, #tpu.memory_space<vmem>> -> memref<128xi32, #tpu.memory_space<vmem>>
      %dma_start3A_147 = arith.constant 0 : i32
      %dma_start3A_148 = arith.constant 0 : i32
      %dma_start3A_149 = tpu.memref_slice %arg2[%dma_start3A_147, %dma_start3A_148] : memref<10240x128xf32, #tpu.memory_space<hbm>> -> memref<10240x128xf32, #tpu.memory_space<hbm>>
      tpu.enqueue_indirect_dma source(%dma_start3A_149 : memref<10240x128xf32, #tpu.memory_space<hbm>>) target(%arg7 : memref<128x128xf32, #tpu.memory_space<vmem>>) offsets(%dma_start3A_146 : memref<128xi32, #tpu.memory_space<vmem>>) semaphore(%arg11 : memref<!tpu.dma_semaphore, #tpu.memory_space<semaphore_mem>>)
      %dma_start3A_150 = arith.constant 3 : i32
      %dma_start3A_151 = arith.constant 0 : i32
      %dma_start3A_152 = tpu.memref_slice %arg9[%dma_start3A_150, %dma_start3A_151] : memref<8x128xi32, #tpu.memory_space<vmem>> -> memref<1x128xi32, #tpu.memory_space<vmem>>
      %dma_start3A_153 = tpu.memref_squeeze %dma_start3A_152 : memref<1x128xi32, #tpu.memory_space<vmem>> -> memref<128xi32, #tpu.memory_space<vmem>>
      %dma_start3A_154 = arith.constant 0 : i32
      %dma_start3A_155 = arith.constant 0 : i32
      %dma_start3A_156 = tpu.memref_slice %arg2[%dma_start3A_154, %dma_start3A_155] : memref<10240x128xf32, #tpu.memory_space<hbm>> -> memref<10240x128xf32, #tpu.memory_space<hbm>>
      tpu.enqueue_indirect_dma source(%dma_start3A_156 : memref<10240x128xf32, #tpu.memory_space<hbm>>) target(%arg8 : memref<128x128xf32, #tpu.memory_space<vmem>>) offsets(%dma_start3A_153 : memref<128xi32, #tpu.memory_space<vmem>>) semaphore(%arg12 : memref<!tpu.dma_semaphore, #tpu.memory_space<semaphore_mem>>)
      %dma_wait3A_157 = arith.constant 2 : i32
      %dma_wait3A_158 = arith.constant 0 : i32
      %dma_wait3A_159 = tpu.memref_slice %arg9[%dma_wait3A_157, %dma_wait3A_158] : memref<8x128xi32, #tpu.memory_space<vmem>> -> memref<1x128xi32, #tpu.memory_space<vmem>>
      %dma_wait3A_160 = tpu.memref_squeeze %dma_wait3A_159 : memref<1x128xi32, #tpu.memory_space<vmem>> -> memref<128xi32, #tpu.memory_space<vmem>>
      %dma_wait3A_161 = arith.constant 0 : i32
      %dma_wait3A_162 = arith.constant 0 : i32
      %dma_wait3A_163 = tpu.memref_slice %arg2[%dma_wait3A_161, %dma_wait3A_162] : memref<10240x128xf32, #tpu.memory_space<hbm>> -> memref<10240x128xf32, #tpu.memory_space<hbm>>
      tpu.wait_indirect_dma semaphore(%arg11 : memref<!tpu.dma_semaphore, #tpu.memory_space<semaphore_mem>>) src(%dma_wait3A_163 : memref<10240x128xf32, #tpu.memory_space<hbm>>) dst(%arg7 : memref<128x128xf32, #tpu.memory_space<vmem>>)
      %dma_start3A_164 = arith.constant 2 : i32
      %dma_start3A_165 = arith.constant 0 : i32
      %dma_start3A_166 = tpu.memref_slice %arg10[%dma_start3A_164, %dma_start3A_165] : memref<8x128xi32, #tpu.memory_space<vmem>> -> memref<1x128xi32, #tpu.memory_space<vmem>>
      %dma_start3A_167 = tpu.memref_squeeze %dma_start3A_166 : memref<1x128xi32, #tpu.memory_space<vmem>> -> memref<128xi32, #tpu.memory_space<vmem>>
      %dma_start3A_168 = arith.constant 0 : i32
      %dma_start3A_169 = arith.constant 0 : i32
      %dma_start3A_170 = tpu.memref_slice %arg6[%dma_start3A_168, %dma_start3A_169] : memref<10240x128xf32, #tpu.memory_space<vmem_shared>> -> memref<10240x128xf32, #tpu.memory_space<vmem_shared>>
      tpu.enqueue_indirect_dma source(%arg7 : memref<128x128xf32, #tpu.memory_space<vmem>>) target(%dma_start3A_170 : memref<10240x128xf32, #tpu.memory_space<vmem_shared>>) offsets(%dma_start3A_167 : memref<128xi32, #tpu.memory_space<vmem>>) semaphore(%arg13 : memref<!tpu.dma_semaphore, #tpu.memory_space<semaphore_mem>>) {add = true}
      %dma_wait3A_171 = arith.constant 3 : i32
      %dma_wait3A_172 = arith.constant 0 : i32
      %dma_wait3A_173 = tpu.memref_slice %arg9[%dma_wait3A_171, %dma_wait3A_172] : memref<8x128xi32, #tpu.memory_space<vmem>> -> memref<1x128xi32, #tpu.memory_space<vmem>>
      %dma_wait3A_174 = tpu.memref_squeeze %dma_wait3A_173 : memref<1x128xi32, #tpu.memory_space<vmem>> -> memref<128xi32, #tpu.memory_space<vmem>>
      %dma_wait3A_175 = arith.constant 0 : i32
      %dma_wait3A_176 = arith.constant 0 : i32
      %dma_wait3A_177 = tpu.memref_slice %arg2[%dma_wait3A_175, %dma_wait3A_176] : memref<10240x128xf32, #tpu.memory_space<hbm>> -> memref<10240x128xf32, #tpu.memory_space<hbm>>
      tpu.wait_indirect_dma semaphore(%arg12 : memref<!tpu.dma_semaphore, #tpu.memory_space<semaphore_mem>>) src(%dma_wait3A_177 : memref<10240x128xf32, #tpu.memory_space<hbm>>) dst(%arg8 : memref<128x128xf32, #tpu.memory_space<vmem>>)
      %dma_start3A_178 = arith.constant 3 : i32
      %dma_start3A_179 = arith.constant 0 : i32
      %dma_start3A_180 = tpu.memref_slice %arg10[%dma_start3A_178, %dma_start3A_179] : memref<8x128xi32, #tpu.memory_space<vmem>> -> memref<1x128xi32, #tpu.memory_space<vmem>>
      %dma_start3A_181 = tpu.memref_squeeze %dma_start3A_180 : memref<1x128xi32, #tpu.memory_space<vmem>> -> memref<128xi32, #tpu.memory_space<vmem>>
      %dma_start3A_182 = arith.constant 0 : i32
      %dma_start3A_183 = arith.constant 0 : i32
      %dma_start3A_184 = tpu.memref_slice %arg6[%dma_start3A_182, %dma_start3A_183] : memref<10240x128xf32, #tpu.memory_space<vmem_shared>> -> memref<10240x128xf32, #tpu.memory_space<vmem_shared>>
      tpu.enqueue_indirect_dma source(%arg8 : memref<128x128xf32, #tpu.memory_space<vmem>>) target(%dma_start3A_184 : memref<10240x128xf32, #tpu.memory_space<vmem_shared>>) offsets(%dma_start3A_181 : memref<128xi32, #tpu.memory_space<vmem>>) semaphore(%arg14 : memref<!tpu.dma_semaphore, #tpu.memory_space<semaphore_mem>>) {add = true}
      %dma_wait3A_185 = arith.constant 4 : i32
      %dma_wait3A_186 = arith.constant 0 : i32
      %dma_wait3A_187 = tpu.memref_slice %arg9[%dma_wait3A_185, %dma_wait3A_186] : memref<8x128xi32, #tpu.memory_space<vmem>> -> memref<1x128xi32, #tpu.memory_space<vmem>>
      %dma_wait3A_188 = tpu.memref_squeeze %dma_wait3A_187 : memref<1x128xi32, #tpu.memory_space<vmem>> -> memref<128xi32, #tpu.memory_space<vmem>>
      %dma_wait3A_189 = arith.constant 0 : i32
      %dma_wait3A_190 = arith.constant 0 : i32
      %dma_wait3A_191 = tpu.memref_slice %arg2[%dma_wait3A_189, %dma_wait3A_190] : memref<10240x128xf32, #tpu.memory_space<hbm>> -> memref<10240x128xf32, #tpu.memory_space<hbm>>
      tpu.wait_indirect_dma semaphore(%arg13 : memref<!tpu.dma_semaphore, #tpu.memory_space<semaphore_mem>>) src(%dma_wait3A_191 : memref<10240x128xf32, #tpu.memory_space<hbm>>) dst(%arg7 : memref<128x128xf32, #tpu.memory_space<vmem>>)
      %dma_wait3A_192 = arith.constant 5 : i32
      %dma_wait3A_193 = arith.constant 0 : i32
      %dma_wait3A_194 = tpu.memref_slice %arg9[%dma_wait3A_192, %dma_wait3A_193] : memref<8x128xi32, #tpu.memory_space<vmem>> -> memref<1x128xi32, #tpu.memory_space<vmem>>
      %dma_wait3A_195 = tpu.memref_squeeze %dma_wait3A_194 : memref<1x128xi32, #tpu.memory_space<vmem>> -> memref<128xi32, #tpu.memory_space<vmem>>
      %dma_wait3A_196 = arith.constant 0 : i32
      %dma_wait3A_197 = arith.constant 0 : i32
      %dma_wait3A_198 = tpu.memref_slice %arg2[%dma_wait3A_196, %dma_wait3A_197] : memref<10240x128xf32, #tpu.memory_space<hbm>> -> memref<10240x128xf32, #tpu.memory_space<hbm>>
      tpu.wait_indirect_dma semaphore(%arg14 : memref<!tpu.dma_semaphore, #tpu.memory_space<semaphore_mem>>) src(%dma_wait3A_198 : memref<10240x128xf32, #tpu.memory_space<hbm>>) dst(%arg8 : memref<128x128xf32, #tpu.memory_space<vmem>>)
      %dma_start3A_199 = arith.constant 4 : i32
      %dma_start3A_200 = arith.constant 0 : i32
      %dma_start3A_201 = tpu.memref_slice %arg9[%dma_start3A_199, %dma_start3A_200] : memref<8x128xi32, #tpu.memory_space<vmem>> -> memref<1x128xi32, #tpu.memory_space<vmem>>
      %dma_start3A_202 = tpu.memref_squeeze %dma_start3A_201 : memref<1x128xi32, #tpu.memory_space<vmem>> -> memref<128xi32, #tpu.memory_space<vmem>>
      %dma_start3A_203 = arith.constant 0 : i32
      %dma_start3A_204 = arith.constant 0 : i32
      %dma_start3A_205 = tpu.memref_slice %arg2[%dma_start3A_203, %dma_start3A_204] : memref<10240x128xf32, #tpu.memory_space<hbm>> -> memref<10240x128xf32, #tpu.memory_space<hbm>>
      tpu.enqueue_indirect_dma source(%dma_start3A_205 : memref<10240x128xf32, #tpu.memory_space<hbm>>) target(%arg7 : memref<128x128xf32, #tpu.memory_space<vmem>>) offsets(%dma_start3A_202 : memref<128xi32, #tpu.memory_space<vmem>>) semaphore(%arg11 : memref<!tpu.dma_semaphore, #tpu.memory_space<semaphore_mem>>)
      %dma_start3A_206 = arith.constant 5 : i32
      %dma_start3A_207 = arith.constant 0 : i32
      %dma_start3A_208 = tpu.memref_slice %arg9[%dma_start3A_206, %dma_start3A_207] : memref<8x128xi32, #tpu.memory_space<vmem>> -> memref<1x128xi32, #tpu.memory_space<vmem>>
      %dma_start3A_209 = tpu.memref_squeeze %dma_start3A_208 : memref<1x128xi32, #tpu.memory_space<vmem>> -> memref<128xi32, #tpu.memory_space<vmem>>
      %dma_start3A_210 = arith.constant 0 : i32
      %dma_start3A_211 = arith.constant 0 : i32
      %dma_start3A_212 = tpu.memref_slice %arg2[%dma_start3A_210, %dma_start3A_211] : memref<10240x128xf32, #tpu.memory_space<hbm>> -> memref<10240x128xf32, #tpu.memory_space<hbm>>
      tpu.enqueue_indirect_dma source(%dma_start3A_212 : memref<10240x128xf32, #tpu.memory_space<hbm>>) target(%arg8 : memref<128x128xf32, #tpu.memory_space<vmem>>) offsets(%dma_start3A_209 : memref<128xi32, #tpu.memory_space<vmem>>) semaphore(%arg12 : memref<!tpu.dma_semaphore, #tpu.memory_space<semaphore_mem>>)
      %dma_wait3A_213 = arith.constant 4 : i32
      %dma_wait3A_214 = arith.constant 0 : i32
      %dma_wait3A_215 = tpu.memref_slice %arg9[%dma_wait3A_213, %dma_wait3A_214] : memref<8x128xi32, #tpu.memory_space<vmem>> -> memref<1x128xi32, #tpu.memory_space<vmem>>
      %dma_wait3A_216 = tpu.memref_squeeze %dma_wait3A_215 : memref<1x128xi32, #tpu.memory_space<vmem>> -> memref<128xi32, #tpu.memory_space<vmem>>
      %dma_wait3A_217 = arith.constant 0 : i32
      %dma_wait3A_218 = arith.constant 0 : i32
      %dma_wait3A_219 = tpu.memref_slice %arg2[%dma_wait3A_217, %dma_wait3A_218] : memref<10240x128xf32, #tpu.memory_space<hbm>> -> memref<10240x128xf32, #tpu.memory_space<hbm>>
      tpu.wait_indirect_dma semaphore(%arg11 : memref<!tpu.dma_semaphore, #tpu.memory_space<semaphore_mem>>) src(%dma_wait3A_219 : memref<10240x128xf32, #tpu.memory_space<hbm>>) dst(%arg7 : memref<128x128xf32, #tpu.memory_space<vmem>>)
      %dma_start3A_220 = arith.constant 4 : i32
      %dma_start3A_221 = arith.constant 0 : i32
      %dma_start3A_222 = tpu.memref_slice %arg10[%dma_start3A_220, %dma_start3A_221] : memref<8x128xi32, #tpu.memory_space<vmem>> -> memref<1x128xi32, #tpu.memory_space<vmem>>
      %dma_start3A_223 = tpu.memref_squeeze %dma_start3A_222 : memref<1x128xi32, #tpu.memory_space<vmem>> -> memref<128xi32, #tpu.memory_space<vmem>>
      %dma_start3A_224 = arith.constant 0 : i32
      %dma_start3A_225 = arith.constant 0 : i32
      %dma_start3A_226 = tpu.memref_slice %arg6[%dma_start3A_224, %dma_start3A_225] : memref<10240x128xf32, #tpu.memory_space<vmem_shared>> -> memref<10240x128xf32, #tpu.memory_space<vmem_shared>>
      tpu.enqueue_indirect_dma source(%arg7 : memref<128x128xf32, #tpu.memory_space<vmem>>) target(%dma_start3A_226 : memref<10240x128xf32, #tpu.memory_space<vmem_shared>>) offsets(%dma_start3A_223 : memref<128xi32, #tpu.memory_space<vmem>>) semaphore(%arg13 : memref<!tpu.dma_semaphore, #tpu.memory_space<semaphore_mem>>) {add = true}
      %dma_wait3A_227 = arith.constant 5 : i32
      %dma_wait3A_228 = arith.constant 0 : i32
      %dma_wait3A_229 = tpu.memref_slice %arg9[%dma_wait3A_227, %dma_wait3A_228] : memref<8x128xi32, #tpu.memory_space<vmem>> -> memref<1x128xi32, #tpu.memory_space<vmem>>
      %dma_wait3A_230 = tpu.memref_squeeze %dma_wait3A_229 : memref<1x128xi32, #tpu.memory_space<vmem>> -> memref<128xi32, #tpu.memory_space<vmem>>
      %dma_wait3A_231 = arith.constant 0 : i32
      %dma_wait3A_232 = arith.constant 0 : i32
      %dma_wait3A_233 = tpu.memref_slice %arg2[%dma_wait3A_231, %dma_wait3A_232] : memref<10240x128xf32, #tpu.memory_space<hbm>> -> memref<10240x128xf32, #tpu.memory_space<hbm>>
      tpu.wait_indirect_dma semaphore(%arg12 : memref<!tpu.dma_semaphore, #tpu.memory_space<semaphore_mem>>) src(%dma_wait3A_233 : memref<10240x128xf32, #tpu.memory_space<hbm>>) dst(%arg8 : memref<128x128xf32, #tpu.memory_space<vmem>>)
      %dma_start3A_234 = arith.constant 5 : i32
      %dma_start3A_235 = arith.constant 0 : i32
      %dma_start3A_236 = tpu.memref_slice %arg10[%dma_start3A_234, %dma_start3A_235] : memref<8x128xi32, #tpu.memory_space<vmem>> -> memref<1x128xi32, #tpu.memory_space<vmem>>
      %dma_start3A_237 = tpu.memref_squeeze %dma_start3A_236 : memref<1x128xi32, #tpu.memory_space<vmem>> -> memref<128xi32, #tpu.memory_space<vmem>>
      %dma_start3A_238 = arith.constant 0 : i32
      %dma_start3A_239 = arith.constant 0 : i32
      %dma_start3A_240 = tpu.memref_slice %arg6[%dma_start3A_238, %dma_start3A_239] : memref<10240x128xf32, #tpu.memory_space<vmem_shared>> -> memref<10240x128xf32, #tpu.memory_space<vmem_shared>>
      tpu.enqueue_indirect_dma source(%arg8 : memref<128x128xf32, #tpu.memory_space<vmem>>) target(%dma_start3A_240 : memref<10240x128xf32, #tpu.memory_space<vmem_shared>>) offsets(%dma_start3A_237 : memref<128xi32, #tpu.memory_space<vmem>>) semaphore(%arg14 : memref<!tpu.dma_semaphore, #tpu.memory_space<semaphore_mem>>) {add = true}
      %dma_wait3A_241 = arith.constant 6 : i32
      %dma_wait3A_242 = arith.constant 0 : i32
      %dma_wait3A_243 = tpu.memref_slice %arg9[%dma_wait3A_241, %dma_wait3A_242] : memref<8x128xi32, #tpu.memory_space<vmem>> -> memref<1x128xi32, #tpu.memory_space<vmem>>
      %dma_wait3A_244 = tpu.memref_squeeze %dma_wait3A_243 : memref<1x128xi32, #tpu.memory_space<vmem>> -> memref<128xi32, #tpu.memory_space<vmem>>
      %dma_wait3A_245 = arith.constant 0 : i32
      %dma_wait3A_246 = arith.constant 0 : i32
      %dma_wait3A_247 = tpu.memref_slice %arg2[%dma_wait3A_245, %dma_wait3A_246] : memref<10240x128xf32, #tpu.memory_space<hbm>> -> memref<10240x128xf32, #tpu.memory_space<hbm>>
      tpu.wait_indirect_dma semaphore(%arg13 : memref<!tpu.dma_semaphore, #tpu.memory_space<semaphore_mem>>) src(%dma_wait3A_247 : memref<10240x128xf32, #tpu.memory_space<hbm>>) dst(%arg7 : memref<128x128xf32, #tpu.memory_space<vmem>>)
      %dma_wait3A_248 = arith.constant 7 : i32
      %dma_wait3A_249 = arith.constant 0 : i32
      %dma_wait3A_250 = tpu.memref_slice %arg9[%dma_wait3A_248, %dma_wait3A_249] : memref<8x128xi32, #tpu.memory_space<vmem>> -> memref<1x128xi32, #tpu.memory_space<vmem>>
      %dma_wait3A_251 = tpu.memref_squeeze %dma_wait3A_250 : memref<1x128xi32, #tpu.memory_space<vmem>> -> memref<128xi32, #tpu.memory_space<vmem>>
      %dma_wait3A_252 = arith.constant 0 : i32
      %dma_wait3A_253 = arith.constant 0 : i32
      %dma_wait3A_254 = tpu.memref_slice %arg2[%dma_wait3A_252, %dma_wait3A_253] : memref<10240x128xf32, #tpu.memory_space<hbm>> -> memref<10240x128xf32, #tpu.memory_space<hbm>>
      tpu.wait_indirect_dma semaphore(%arg14 : memref<!tpu.dma_semaphore, #tpu.memory_space<semaphore_mem>>) src(%dma_wait3A_254 : memref<10240x128xf32, #tpu.memory_space<hbm>>) dst(%arg8 : memref<128x128xf32, #tpu.memory_space<vmem>>)
      %dma_start3A_255 = arith.constant 6 : i32
      %dma_start3A_256 = arith.constant 0 : i32
      %dma_start3A_257 = tpu.memref_slice %arg9[%dma_start3A_255, %dma_start3A_256] : memref<8x128xi32, #tpu.memory_space<vmem>> -> memref<1x128xi32, #tpu.memory_space<vmem>>
      %dma_start3A_258 = tpu.memref_squeeze %dma_start3A_257 : memref<1x128xi32, #tpu.memory_space<vmem>> -> memref<128xi32, #tpu.memory_space<vmem>>
      %dma_start3A_259 = arith.constant 0 : i32
      %dma_start3A_260 = arith.constant 0 : i32
      %dma_start3A_261 = tpu.memref_slice %arg2[%dma_start3A_259, %dma_start3A_260] : memref<10240x128xf32, #tpu.memory_space<hbm>> -> memref<10240x128xf32, #tpu.memory_space<hbm>>
      tpu.enqueue_indirect_dma source(%dma_start3A_261 : memref<10240x128xf32, #tpu.memory_space<hbm>>) target(%arg7 : memref<128x128xf32, #tpu.memory_space<vmem>>) offsets(%dma_start3A_258 : memref<128xi32, #tpu.memory_space<vmem>>) semaphore(%arg11 : memref<!tpu.dma_semaphore, #tpu.memory_space<semaphore_mem>>)
      %dma_start3A_262 = arith.constant 7 : i32
      %dma_start3A_263 = arith.constant 0 : i32
      %dma_start3A_264 = tpu.memref_slice %arg9[%dma_start3A_262, %dma_start3A_263] : memref<8x128xi32, #tpu.memory_space<vmem>> -> memref<1x128xi32, #tpu.memory_space<vmem>>
      %dma_start3A_265 = tpu.memref_squeeze %dma_start3A_264 : memref<1x128xi32, #tpu.memory_space<vmem>> -> memref<128xi32, #tpu.memory_space<vmem>>
      %dma_start3A_266 = arith.constant 0 : i32
      %dma_start3A_267 = arith.constant 0 : i32
      %dma_start3A_268 = tpu.memref_slice %arg2[%dma_start3A_266, %dma_start3A_267] : memref<10240x128xf32, #tpu.memory_space<hbm>> -> memref<10240x128xf32, #tpu.memory_space<hbm>>
      tpu.enqueue_indirect_dma source(%dma_start3A_268 : memref<10240x128xf32, #tpu.memory_space<hbm>>) target(%arg8 : memref<128x128xf32, #tpu.memory_space<vmem>>) offsets(%dma_start3A_265 : memref<128xi32, #tpu.memory_space<vmem>>) semaphore(%arg12 : memref<!tpu.dma_semaphore, #tpu.memory_space<semaphore_mem>>)
      %dma_wait3A_269 = arith.constant 6 : i32
      %dma_wait3A_270 = arith.constant 0 : i32
      %dma_wait3A_271 = tpu.memref_slice %arg9[%dma_wait3A_269, %dma_wait3A_270] : memref<8x128xi32, #tpu.memory_space<vmem>> -> memref<1x128xi32, #tpu.memory_space<vmem>>
      %dma_wait3A_272 = tpu.memref_squeeze %dma_wait3A_271 : memref<1x128xi32, #tpu.memory_space<vmem>> -> memref<128xi32, #tpu.memory_space<vmem>>
      %dma_wait3A_273 = arith.constant 0 : i32
      %dma_wait3A_274 = arith.constant 0 : i32
      %dma_wait3A_275 = tpu.memref_slice %arg2[%dma_wait3A_273, %dma_wait3A_274] : memref<10240x128xf32, #tpu.memory_space<hbm>> -> memref<10240x128xf32, #tpu.memory_space<hbm>>
      tpu.wait_indirect_dma semaphore(%arg11 : memref<!tpu.dma_semaphore, #tpu.memory_space<semaphore_mem>>) src(%dma_wait3A_275 : memref<10240x128xf32, #tpu.memory_space<hbm>>) dst(%arg7 : memref<128x128xf32, #tpu.memory_space<vmem>>)
      %dma_start3A_276 = arith.constant 6 : i32
      %dma_start3A_277 = arith.constant 0 : i32
      %dma_start3A_278 = tpu.memref_slice %arg10[%dma_start3A_276, %dma_start3A_277] : memref<8x128xi32, #tpu.memory_space<vmem>> -> memref<1x128xi32, #tpu.memory_space<vmem>>
      %dma_start3A_279 = tpu.memref_squeeze %dma_start3A_278 : memref<1x128xi32, #tpu.memory_space<vmem>> -> memref<128xi32, #tpu.memory_space<vmem>>
      %dma_start3A_280 = arith.constant 0 : i32
      %dma_start3A_281 = arith.constant 0 : i32
      %dma_start3A_282 = tpu.memref_slice %arg6[%dma_start3A_280, %dma_start3A_281] : memref<10240x128xf32, #tpu.memory_space<vmem_shared>> -> memref<10240x128xf32, #tpu.memory_space<vmem_shared>>
      tpu.enqueue_indirect_dma source(%arg7 : memref<128x128xf32, #tpu.memory_space<vmem>>) target(%dma_start3A_282 : memref<10240x128xf32, #tpu.memory_space<vmem_shared>>) offsets(%dma_start3A_279 : memref<128xi32, #tpu.memory_space<vmem>>) semaphore(%arg13 : memref<!tpu.dma_semaphore, #tpu.memory_space<semaphore_mem>>) {add = true}
      %dma_wait3A_283 = arith.constant 7 : i32
      %dma_wait3A_284 = arith.constant 0 : i32
      %dma_wait3A_285 = tpu.memref_slice %arg9[%dma_wait3A_283, %dma_wait3A_284] : memref<8x128xi32, #tpu.memory_space<vmem>> -> memref<1x128xi32, #tpu.memory_space<vmem>>
      %dma_wait3A_286 = tpu.memref_squeeze %dma_wait3A_285 : memref<1x128xi32, #tpu.memory_space<vmem>> -> memref<128xi32, #tpu.memory_space<vmem>>
      %dma_wait3A_287 = arith.constant 0 : i32
      %dma_wait3A_288 = arith.constant 0 : i32
      %dma_wait3A_289 = tpu.memref_slice %arg2[%dma_wait3A_287, %dma_wait3A_288] : memref<10240x128xf32, #tpu.memory_space<hbm>> -> memref<10240x128xf32, #tpu.memory_space<hbm>>
      tpu.wait_indirect_dma semaphore(%arg12 : memref<!tpu.dma_semaphore, #tpu.memory_space<semaphore_mem>>) src(%dma_wait3A_289 : memref<10240x128xf32, #tpu.memory_space<hbm>>) dst(%arg8 : memref<128x128xf32, #tpu.memory_space<vmem>>)
      %dma_start3A_290 = arith.constant 7 : i32
      %dma_start3A_291 = arith.constant 0 : i32
      %dma_start3A_292 = tpu.memref_slice %arg10[%dma_start3A_290, %dma_start3A_291] : memref<8x128xi32, #tpu.memory_space<vmem>> -> memref<1x128xi32, #tpu.memory_space<vmem>>
      %dma_start3A_293 = tpu.memref_squeeze %dma_start3A_292 : memref<1x128xi32, #tpu.memory_space<vmem>> -> memref<128xi32, #tpu.memory_space<vmem>>
      %dma_start3A_294 = arith.constant 0 : i32
      %dma_start3A_295 = arith.constant 0 : i32
      %dma_start3A_296 = tpu.memref_slice %arg6[%dma_start3A_294, %dma_start3A_295] : memref<10240x128xf32, #tpu.memory_space<vmem_shared>> -> memref<10240x128xf32, #tpu.memory_space<vmem_shared>>
      tpu.enqueue_indirect_dma source(%arg8 : memref<128x128xf32, #tpu.memory_space<vmem>>) target(%dma_start3A_296 : memref<10240x128xf32, #tpu.memory_space<vmem_shared>>) offsets(%dma_start3A_293 : memref<128xi32, #tpu.memory_space<vmem>>) semaphore(%arg14 : memref<!tpu.dma_semaphore, #tpu.memory_space<semaphore_mem>>) {add = true}
      %while3A_297 = arith.constant 0 : i32
      scf.yield %while3A_297 : i32
    }
    %gt3A = arith.constant 0 : i32
    %gt3A_56 = arith.cmpi sgt, %select_n3A, %gt3A : i32
    %convert_element_type3A = arith.extui %gt3A_56 : i1 to i32
    %cond3A = arith.constant 0 : i32
    %cond3A_57 = arith.cmpi ne, %convert_element_type3A, %cond3A : i32
    scf.if %cond3A_57 {
      %dma_wait3A = arith.constant 0 : i32
      %dma_wait3A_79 = arith.constant 0 : i32
      %dma_wait3A_80 = tpu.memref_slice %arg9[%dma_wait3A, %dma_wait3A_79] : memref<8x128xi32, #tpu.memory_space<vmem>> -> memref<1x128xi32, #tpu.memory_space<vmem>>
      %dma_wait3A_81 = tpu.memref_squeeze %dma_wait3A_80 : memref<1x128xi32, #tpu.memory_space<vmem>> -> memref<128xi32, #tpu.memory_space<vmem>>
      %dma_wait3A_82 = arith.constant 0 : i32
      %dma_wait3A_83 = arith.constant 0 : i32
      %dma_wait3A_84 = tpu.memref_slice %arg2[%dma_wait3A_82, %dma_wait3A_83] : memref<10240x128xf32, #tpu.memory_space<hbm>> -> memref<10240x128xf32, #tpu.memory_space<hbm>>
      tpu.wait_indirect_dma semaphore(%arg13 : memref<!tpu.dma_semaphore, #tpu.memory_space<semaphore_mem>>) src(%dma_wait3A_84 : memref<10240x128xf32, #tpu.memory_space<hbm>>) dst(%arg7 : memref<128x128xf32, #tpu.memory_space<vmem>>)
      %dma_wait3A_85 = arith.constant 0 : i32
      %dma_wait3A_86 = arith.constant 0 : i32
      %dma_wait3A_87 = tpu.memref_slice %arg9[%dma_wait3A_85, %dma_wait3A_86] : memref<8x128xi32, #tpu.memory_space<vmem>> -> memref<1x128xi32, #tpu.memory_space<vmem>>
      %dma_wait3A_88 = tpu.memref_squeeze %dma_wait3A_87 : memref<1x128xi32, #tpu.memory_space<vmem>> -> memref<128xi32, #tpu.memory_space<vmem>>
      %dma_wait3A_89 = arith.constant 0 : i32
      %dma_wait3A_90 = arith.constant 0 : i32
      %dma_wait3A_91 = tpu.memref_slice %arg2[%dma_wait3A_89, %dma_wait3A_90] : memref<10240x128xf32, #tpu.memory_space<hbm>> -> memref<10240x128xf32, #tpu.memory_space<hbm>>
      tpu.wait_indirect_dma semaphore(%arg14 : memref<!tpu.dma_semaphore, #tpu.memory_space<semaphore_mem>>) src(%dma_wait3A_91 : memref<10240x128xf32, #tpu.memory_space<hbm>>) dst(%arg8 : memref<128x128xf32, #tpu.memory_space<vmem>>)
    } else {
    }
    %barrier3A_58 = arith.constant 0 : index
    tpu.barrier barrier_id(%barrier3A_58)
    %add3A_59 = arith.constant 0 : i32
    %add3A_60 = arith.addi %mul3A_16, %add3A_59 : i32
    "tpu.region"() ({
      %run_scoped3A = tpu.sem_alloc : memref<!tpu.dma_semaphore, #tpu.memory_space<semaphore_mem>>
      %dma_start3A = arith.constant 0 : i32
      %dma_start3A_79 = tpu.memref_slice %arg6[%add3A_60, %dma_start3A] : memref<10240x128xf32, #tpu.memory_space<vmem_shared>> -> memref<128x128xf32, #tpu.memory_space<vmem_shared>>
      %dma_start3A_80 = arith.constant 0 : i32
      %dma_start3A_81 = tpu.memref_slice %arg6[%add3A_60, %dma_start3A_80] : memref<10240x128xf32, #tpu.memory_space<vmem_shared>> -> memref<128x128xf32, #tpu.memory_space<vmem_shared>>
      tpu.enqueue_dma source(%dma_start3A_81 : memref<128x128xf32, #tpu.memory_space<vmem_shared>>) target(%arg7 : memref<128x128xf32, #tpu.memory_space<vmem>>) target_semaphore(%run_scoped3A : memref<!tpu.dma_semaphore, #tpu.memory_space<semaphore_mem>>)
      %dma_wait3A = arith.constant 0 : i32
      %dma_wait3A_82 = tpu.memref_slice %arg6[%add3A_60, %dma_wait3A] : memref<10240x128xf32, #tpu.memory_space<vmem_shared>> -> memref<128x128xf32, #tpu.memory_space<vmem_shared>>
      %dma_wait3A_83 = arith.constant 0 : i32
      %dma_wait3A_84 = tpu.memref_slice %arg6[%add3A_60, %dma_wait3A_83] : memref<10240x128xf32, #tpu.memory_space<vmem_shared>> -> memref<128x128xf32, #tpu.memory_space<vmem_shared>>
      tpu.wait_dma2 semaphore(%run_scoped3A : memref<!tpu.dma_semaphore, #tpu.memory_space<semaphore_mem>>) src(%dma_wait3A_84 : memref<128x128xf32, #tpu.memory_space<vmem_shared>>) dst(%arg7 : memref<128x128xf32, #tpu.memory_space<vmem>>)
      tpu.yield
    }) : () -> ()
    %add3A_61 = arith.constant 0 : i32
    %add3A_62 = arith.addi %mul3A_16, %add3A_61 : i32
    "tpu.region"() ({
      %run_scoped3A = tpu.sem_alloc : memref<!tpu.dma_semaphore, #tpu.memory_space<semaphore_mem>>
      %dma_start3A = arith.constant 0 : i32
      %dma_start3A_79 = arith.constant 0 : i32
      %dma_start3A_80 = tpu.memref_slice %arg5[%arg0, %dma_start3A, %dma_start3A_79] : memref<2x10240x128xf32, #tpu.memory_space<hbm>> -> memref<1x10240x128xf32, #tpu.memory_space<hbm>>
      %dma_start3A_81 = tpu.memref_squeeze %dma_start3A_80 : memref<1x10240x128xf32, #tpu.memory_space<hbm>> -> memref<10240x128xf32, #tpu.memory_space<hbm>>
      %dma_start3A_82 = arith.constant 0 : i32
      %dma_start3A_83 = tpu.memref_slice %dma_start3A_81[%add3A_62, %dma_start3A_82] : memref<10240x128xf32, #tpu.memory_space<hbm>> -> memref<128x128xf32, #tpu.memory_space<hbm>>
      %dma_start3A_84 = arith.constant 0 : i32
      %dma_start3A_85 = arith.constant 0 : i32
      %dma_start3A_86 = tpu.memref_slice %arg5[%arg0, %dma_start3A_84, %dma_start3A_85] : memref<2x10240x128xf32, #tpu.memory_space<hbm>> -> memref<1x10240x128xf32, #tpu.memory_space<hbm>>
      %dma_start3A_87 = tpu.memref_squeeze %dma_start3A_86 : memref<1x10240x128xf32, #tpu.memory_space<hbm>> -> memref<10240x128xf32, #tpu.memory_space<hbm>>
      %dma_start3A_88 = arith.constant 0 : i32
      %dma_start3A_89 = tpu.memref_slice %dma_start3A_87[%add3A_62, %dma_start3A_88] : memref<10240x128xf32, #tpu.memory_space<hbm>> -> memref<128x128xf32, #tpu.memory_space<hbm>>
      tpu.enqueue_dma source(%arg7 : memref<128x128xf32, #tpu.memory_space<vmem>>) target(%dma_start3A_89 : memref<128x128xf32, #tpu.memory_space<hbm>>) target_semaphore(%run_scoped3A : memref<!tpu.dma_semaphore, #tpu.memory_space<semaphore_mem>>)
      %dma_wait3A = arith.constant 0 : i32
      %dma_wait3A_90 = arith.constant 0 : i32
      %dma_wait3A_91 = tpu.memref_slice %arg5[%arg0, %dma_wait3A, %dma_wait3A_90] : memref<2x10240x128xf32, #tpu.memory_space<hbm>> -> memref<1x10240x128xf32, #tpu.memory_space<hbm>>
      %dma_wait3A_92 = tpu.memref_squeeze %dma_wait3A_91 : memref<1x10240x128xf32, #tpu.memory_space<hbm>> -> memref<10240x128xf32, #tpu.memory_space<hbm>>
      %dma_wait3A_93 = arith.constant 0 : i32
      %dma_wait3A_94 = tpu.memref_slice %dma_wait3A_92[%add3A_62, %dma_wait3A_93] : memref<10240x128xf32, #tpu.memory_space<hbm>> -> memref<128x128xf32, #tpu.memory_space<hbm>>
      %dma_wait3A_95 = arith.constant 0 : i32
      %dma_wait3A_96 = arith.constant 0 : i32
      %dma_wait3A_97 = tpu.memref_slice %arg5[%arg0, %dma_wait3A_95, %dma_wait3A_96] : memref<2x10240x128xf32, #tpu.memory_space<hbm>> -> memref<1x10240x128xf32, #tpu.memory_space<hbm>>
      %dma_wait3A_98 = tpu.memref_squeeze %dma_wait3A_97 : memref<1x10240x128xf32, #tpu.memory_space<hbm>> -> memref<10240x128xf32, #tpu.memory_space<hbm>>
      %dma_wait3A_99 = arith.constant 0 : i32
      %dma_wait3A_100 = tpu.memref_slice %dma_wait3A_98[%add3A_62, %dma_wait3A_99] : memref<10240x128xf32, #tpu.memory_space<hbm>> -> memref<128x128xf32, #tpu.memory_space<hbm>>
      tpu.wait_dma2 semaphore(%run_scoped3A : memref<!tpu.dma_semaphore, #tpu.memory_space<semaphore_mem>>) src(%arg7 : memref<128x128xf32, #tpu.memory_space<vmem>>) dst(%dma_wait3A_100 : memref<128x128xf32, #tpu.memory_space<hbm>>)
      tpu.yield
    }) : () -> ()
    %add3A_63 = arith.constant 128 : i32
    %add3A_64 = arith.addi %mul3A_16, %add3A_63 : i32
    "tpu.region"() ({
      %run_scoped3A = tpu.sem_alloc : memref<!tpu.dma_semaphore, #tpu.memory_space<semaphore_mem>>
      %dma_start3A = arith.constant 0 : i32
      %dma_start3A_79 = tpu.memref_slice %arg6[%add3A_64, %dma_start3A] : memref<10240x128xf32, #tpu.memory_space<vmem_shared>> -> memref<128x128xf32, #tpu.memory_space<vmem_shared>>
      %dma_start3A_80 = arith.constant 0 : i32
      %dma_start3A_81 = tpu.memref_slice %arg6[%add3A_64, %dma_start3A_80] : memref<10240x128xf32, #tpu.memory_space<vmem_shared>> -> memref<128x128xf32, #tpu.memory_space<vmem_shared>>
      tpu.enqueue_dma source(%dma_start3A_81 : memref<128x128xf32, #tpu.memory_space<vmem_shared>>) target(%arg7 : memref<128x128xf32, #tpu.memory_space<vmem>>) target_semaphore(%run_scoped3A : memref<!tpu.dma_semaphore, #tpu.memory_space<semaphore_mem>>)
      %dma_wait3A = arith.constant 0 : i32
      %dma_wait3A_82 = tpu.memref_slice %arg6[%add3A_64, %dma_wait3A] : memref<10240x128xf32, #tpu.memory_space<vmem_shared>> -> memref<128x128xf32, #tpu.memory_space<vmem_shared>>
      %dma_wait3A_83 = arith.constant 0 : i32
      %dma_wait3A_84 = tpu.memref_slice %arg6[%add3A_64, %dma_wait3A_83] : memref<10240x128xf32, #tpu.memory_space<vmem_shared>> -> memref<128x128xf32, #tpu.memory_space<vmem_shared>>
      tpu.wait_dma2 semaphore(%run_scoped3A : memref<!tpu.dma_semaphore, #tpu.memory_space<semaphore_mem>>) src(%dma_wait3A_84 : memref<128x128xf32, #tpu.memory_space<vmem_shared>>) dst(%arg7 : memref<128x128xf32, #tpu.memory_space<vmem>>)
      tpu.yield
    }) : () -> ()
    %add3A_65 = arith.constant 128 : i32
    %add3A_66 = arith.addi %mul3A_16, %add3A_65 : i32
    "tpu.region"() ({
      %run_scoped3A = tpu.sem_alloc : memref<!tpu.dma_semaphore, #tpu.memory_space<semaphore_mem>>
      %dma_start3A = arith.constant 0 : i32
      %dma_start3A_79 = arith.constant 0 : i32
      %dma_start3A_80 = tpu.memref_slice %arg5[%arg0, %dma_start3A, %dma_start3A_79] : memref<2x10240x128xf32, #tpu.memory_space<hbm>> -> memref<1x10240x128xf32, #tpu.memory_space<hbm>>
      %dma_start3A_81 = tpu.memref_squeeze %dma_start3A_80 : memref<1x10240x128xf32, #tpu.memory_space<hbm>> -> memref<10240x128xf32, #tpu.memory_space<hbm>>
      %dma_start3A_82 = arith.constant 0 : i32
      %dma_start3A_83 = tpu.memref_slice %dma_start3A_81[%add3A_66, %dma_start3A_82] : memref<10240x128xf32, #tpu.memory_space<hbm>> -> memref<128x128xf32, #tpu.memory_space<hbm>>
      %dma_start3A_84 = arith.constant 0 : i32
      %dma_start3A_85 = arith.constant 0 : i32
      %dma_start3A_86 = tpu.memref_slice %arg5[%arg0, %dma_start3A_84, %dma_start3A_85] : memref<2x10240x128xf32, #tpu.memory_space<hbm>> -> memref<1x10240x128xf32, #tpu.memory_space<hbm>>
      %dma_start3A_87 = tpu.memref_squeeze %dma_start3A_86 : memref<1x10240x128xf32, #tpu.memory_space<hbm>> -> memref<10240x128xf32, #tpu.memory_space<hbm>>
      %dma_start3A_88 = arith.constant 0 : i32
      %dma_start3A_89 = tpu.memref_slice %dma_start3A_87[%add3A_66, %dma_start3A_88] : memref<10240x128xf32, #tpu.memory_space<hbm>> -> memref<128x128xf32, #tpu.memory_space<hbm>>
      tpu.enqueue_dma source(%arg7 : memref<128x128xf32, #tpu.memory_space<vmem>>) target(%dma_start3A_89 : memref<128x128xf32, #tpu.memory_space<hbm>>) target_semaphore(%run_scoped3A : memref<!tpu.dma_semaphore, #tpu.memory_space<semaphore_mem>>)
      %dma_wait3A = arith.constant 0 : i32
      %dma_wait3A_90 = arith.constant 0 : i32
      %dma_wait3A_91 = tpu.memref_slice %arg5[%arg0, %dma_wait3A, %dma_wait3A_90] : memref<2x10240x128xf32, #tpu.memory_space<hbm>> -> memref<1x10240x128xf32, #tpu.memory_space<hbm>>
      %dma_wait3A_92 = tpu.memref_squeeze %dma_wait3A_91 : memref<1x10240x128xf32, #tpu.memory_space<hbm>> -> memref<10240x128xf32, #tpu.memory_space<hbm>>
      %dma_wait3A_93 = arith.constant 0 : i32
      %dma_wait3A_94 = tpu.memref_slice %dma_wait3A_92[%add3A_66, %dma_wait3A_93] : memref<10240x128xf32, #tpu.memory_space<hbm>> -> memref<128x128xf32, #tpu.memory_space<hbm>>
      %dma_wait3A_95 = arith.constant 0 : i32
      %dma_wait3A_96 = arith.constant 0 : i32
      %dma_wait3A_97 = tpu.memref_slice %arg5[%arg0, %dma_wait3A_95, %dma_wait3A_96] : memref<2x10240x128xf32, #tpu.memory_space<hbm>> -> memref<1x10240x128xf32, #tpu.memory_space<hbm>>
      %dma_wait3A_98 = tpu.memref_squeeze %dma_wait3A_97 : memref<1x10240x128xf32, #tpu.memory_space<hbm>> -> memref<10240x128xf32, #tpu.memory_space<hbm>>
      %dma_wait3A_99 = arith.constant 0 : i32
      %dma_wait3A_100 = tpu.memref_slice %dma_wait3A_98[%add3A_66, %dma_wait3A_99] : memref<10240x128xf32, #tpu.memory_space<hbm>> -> memref<128x128xf32, #tpu.memory_space<hbm>>
      tpu.wait_dma2 semaphore(%run_scoped3A : memref<!tpu.dma_semaphore, #tpu.memory_space<semaphore_mem>>) src(%arg7 : memref<128x128xf32, #tpu.memory_space<vmem>>) dst(%dma_wait3A_100 : memref<128x128xf32, #tpu.memory_space<hbm>>)
      tpu.yield
    }) : () -> ()
    %add3A_67 = arith.constant 256 : i32
    %add3A_68 = arith.addi %mul3A_16, %add3A_67 : i32
    "tpu.region"() ({
      %run_scoped3A = tpu.sem_alloc : memref<!tpu.dma_semaphore, #tpu.memory_space<semaphore_mem>>
      %dma_start3A = arith.constant 0 : i32
      %dma_start3A_79 = tpu.memref_slice %arg6[%add3A_68, %dma_start3A] : memref<10240x128xf32, #tpu.memory_space<vmem_shared>> -> memref<128x128xf32, #tpu.memory_space<vmem_shared>>
      %dma_start3A_80 = arith.constant 0 : i32
      %dma_start3A_81 = tpu.memref_slice %arg6[%add3A_68, %dma_start3A_80] : memref<10240x128xf32, #tpu.memory_space<vmem_shared>> -> memref<128x128xf32, #tpu.memory_space<vmem_shared>>
      tpu.enqueue_dma source(%dma_start3A_81 : memref<128x128xf32, #tpu.memory_space<vmem_shared>>) target(%arg7 : memref<128x128xf32, #tpu.memory_space<vmem>>) target_semaphore(%run_scoped3A : memref<!tpu.dma_semaphore, #tpu.memory_space<semaphore_mem>>)
      %dma_wait3A = arith.constant 0 : i32
      %dma_wait3A_82 = tpu.memref_slice %arg6[%add3A_68, %dma_wait3A] : memref<10240x128xf32, #tpu.memory_space<vmem_shared>> -> memref<128x128xf32, #tpu.memory_space<vmem_shared>>
      %dma_wait3A_83 = arith.constant 0 : i32
      %dma_wait3A_84 = tpu.memref_slice %arg6[%add3A_68, %dma_wait3A_83] : memref<10240x128xf32, #tpu.memory_space<vmem_shared>> -> memref<128x128xf32, #tpu.memory_space<vmem_shared>>
      tpu.wait_dma2 semaphore(%run_scoped3A : memref<!tpu.dma_semaphore, #tpu.memory_space<semaphore_mem>>) src(%dma_wait3A_84 : memref<128x128xf32, #tpu.memory_space<vmem_shared>>) dst(%arg7 : memref<128x128xf32, #tpu.memory_space<vmem>>)
      tpu.yield
    }) : () -> ()
    %add3A_69 = arith.constant 256 : i32
    %add3A_70 = arith.addi %mul3A_16, %add3A_69 : i32
    "tpu.region"() ({
      %run_scoped3A = tpu.sem_alloc : memref<!tpu.dma_semaphore, #tpu.memory_space<semaphore_mem>>
      %dma_start3A = arith.constant 0 : i32
      %dma_start3A_79 = arith.constant 0 : i32
      %dma_start3A_80 = tpu.memref_slice %arg5[%arg0, %dma_start3A, %dma_start3A_79] : memref<2x10240x128xf32, #tpu.memory_space<hbm>> -> memref<1x10240x128xf32, #tpu.memory_space<hbm>>
      %dma_start3A_81 = tpu.memref_squeeze %dma_start3A_80 : memref<1x10240x128xf32, #tpu.memory_space<hbm>> -> memref<10240x128xf32, #tpu.memory_space<hbm>>
      %dma_start3A_82 = arith.constant 0 : i32
      %dma_start3A_83 = tpu.memref_slice %dma_start3A_81[%add3A_70, %dma_start3A_82] : memref<10240x128xf32, #tpu.memory_space<hbm>> -> memref<128x128xf32, #tpu.memory_space<hbm>>
      %dma_start3A_84 = arith.constant 0 : i32
      %dma_start3A_85 = arith.constant 0 : i32
      %dma_start3A_86 = tpu.memref_slice %arg5[%arg0, %dma_start3A_84, %dma_start3A_85] : memref<2x10240x128xf32, #tpu.memory_space<hbm>> -> memref<1x10240x128xf32, #tpu.memory_space<hbm>>
      %dma_start3A_87 = tpu.memref_squeeze %dma_start3A_86 : memref<1x10240x128xf32, #tpu.memory_space<hbm>> -> memref<10240x128xf32, #tpu.memory_space<hbm>>
      %dma_start3A_88 = arith.constant 0 : i32
      %dma_start3A_89 = tpu.memref_slice %dma_start3A_87[%add3A_70, %dma_start3A_88] : memref<10240x128xf32, #tpu.memory_space<hbm>> -> memref<128x128xf32, #tpu.memory_space<hbm>>
      tpu.enqueue_dma source(%arg7 : memref<128x128xf32, #tpu.memory_space<vmem>>) target(%dma_start3A_89 : memref<128x128xf32, #tpu.memory_space<hbm>>) target_semaphore(%run_scoped3A : memref<!tpu.dma_semaphore, #tpu.memory_space<semaphore_mem>>)
      %dma_wait3A = arith.constant 0 : i32
      %dma_wait3A_90 = arith.constant 0 : i32
      %dma_wait3A_91 = tpu.memref_slice %arg5[%arg0, %dma_wait3A, %dma_wait3A_90] : memref<2x10240x128xf32, #tpu.memory_space<hbm>> -> memref<1x10240x128xf32, #tpu.memory_space<hbm>>
      %dma_wait3A_92 = tpu.memref_squeeze %dma_wait3A_91 : memref<1x10240x128xf32, #tpu.memory_space<hbm>> -> memref<10240x128xf32, #tpu.memory_space<hbm>>
      %dma_wait3A_93 = arith.constant 0 : i32
      %dma_wait3A_94 = tpu.memref_slice %dma_wait3A_92[%add3A_70, %dma_wait3A_93] : memref<10240x128xf32, #tpu.memory_space<hbm>> -> memref<128x128xf32, #tpu.memory_space<hbm>>
      %dma_wait3A_95 = arith.constant 0 : i32
      %dma_wait3A_96 = arith.constant 0 : i32
      %dma_wait3A_97 = tpu.memref_slice %arg5[%arg0, %dma_wait3A_95, %dma_wait3A_96] : memref<2x10240x128xf32, #tpu.memory_space<hbm>> -> memref<1x10240x128xf32, #tpu.memory_space<hbm>>
      %dma_wait3A_98 = tpu.memref_squeeze %dma_wait3A_97 : memref<1x10240x128xf32, #tpu.memory_space<hbm>> -> memref<10240x128xf32, #tpu.memory_space<hbm>>
      %dma_wait3A_99 = arith.constant 0 : i32
      %dma_wait3A_100 = tpu.memref_slice %dma_wait3A_98[%add3A_70, %dma_wait3A_99] : memref<10240x128xf32, #tpu.memory_space<hbm>> -> memref<128x128xf32, #tpu.memory_space<hbm>>
      tpu.wait_dma2 semaphore(%run_scoped3A : memref<!tpu.dma_semaphore, #tpu.memory_space<semaphore_mem>>) src(%arg7 : memref<128x128xf32, #tpu.memory_space<vmem>>) dst(%dma_wait3A_100 : memref<128x128xf32, #tpu.memory_space<hbm>>)
      tpu.yield
    }) : () -> ()
    %add3A_71 = arith.constant 384 : i32
    %add3A_72 = arith.addi %mul3A_16, %add3A_71 : i32
    "tpu.region"() ({
      %run_scoped3A = tpu.sem_alloc : memref<!tpu.dma_semaphore, #tpu.memory_space<semaphore_mem>>
      %dma_start3A = arith.constant 0 : i32
      %dma_start3A_79 = tpu.memref_slice %arg6[%add3A_72, %dma_start3A] : memref<10240x128xf32, #tpu.memory_space<vmem_shared>> -> memref<128x128xf32, #tpu.memory_space<vmem_shared>>
      %dma_start3A_80 = arith.constant 0 : i32
      %dma_start3A_81 = tpu.memref_slice %arg6[%add3A_72, %dma_start3A_80] : memref<10240x128xf32, #tpu.memory_space<vmem_shared>> -> memref<128x128xf32, #tpu.memory_space<vmem_shared>>
      tpu.enqueue_dma source(%dma_start3A_81 : memref<128x128xf32, #tpu.memory_space<vmem_shared>>) target(%arg7 : memref<128x128xf32, #tpu.memory_space<vmem>>) target_semaphore(%run_scoped3A : memref<!tpu.dma_semaphore, #tpu.memory_space<semaphore_mem>>)
      %dma_wait3A = arith.constant 0 : i32
      %dma_wait3A_82 = tpu.memref_slice %arg6[%add3A_72, %dma_wait3A] : memref<10240x128xf32, #tpu.memory_space<vmem_shared>> -> memref<128x128xf32, #tpu.memory_space<vmem_shared>>
      %dma_wait3A_83 = arith.constant 0 : i32
      %dma_wait3A_84 = tpu.memref_slice %arg6[%add3A_72, %dma_wait3A_83] : memref<10240x128xf32, #tpu.memory_space<vmem_shared>> -> memref<128x128xf32, #tpu.memory_space<vmem_shared>>
      tpu.wait_dma2 semaphore(%run_scoped3A : memref<!tpu.dma_semaphore, #tpu.memory_space<semaphore_mem>>) src(%dma_wait3A_84 : memref<128x128xf32, #tpu.memory_space<vmem_shared>>) dst(%arg7 : memref<128x128xf32, #tpu.memory_space<vmem>>)
      tpu.yield
    }) : () -> ()
    %add3A_73 = arith.constant 384 : i32
    %add3A_74 = arith.addi %mul3A_16, %add3A_73 : i32
    "tpu.region"() ({
      %run_scoped3A = tpu.sem_alloc : memref<!tpu.dma_semaphore, #tpu.memory_space<semaphore_mem>>
      %dma_start3A = arith.constant 0 : i32
      %dma_start3A_79 = arith.constant 0 : i32
      %dma_start3A_80 = tpu.memref_slice %arg5[%arg0, %dma_start3A, %dma_start3A_79] : memref<2x10240x128xf32, #tpu.memory_space<hbm>> -> memref<1x10240x128xf32, #tpu.memory_space<hbm>>
      %dma_start3A_81 = tpu.memref_squeeze %dma_start3A_80 : memref<1x10240x128xf32, #tpu.memory_space<hbm>> -> memref<10240x128xf32, #tpu.memory_space<hbm>>
      %dma_start3A_82 = arith.constant 0 : i32
      %dma_start3A_83 = tpu.memref_slice %dma_start3A_81[%add3A_74, %dma_start3A_82] : memref<10240x128xf32, #tpu.memory_space<hbm>> -> memref<128x128xf32, #tpu.memory_space<hbm>>
      %dma_start3A_84 = arith.constant 0 : i32
      %dma_start3A_85 = arith.constant 0 : i32
      %dma_start3A_86 = tpu.memref_slice %arg5[%arg0, %dma_start3A_84, %dma_start3A_85] : memref<2x10240x128xf32, #tpu.memory_space<hbm>> -> memref<1x10240x128xf32, #tpu.memory_space<hbm>>
      %dma_start3A_87 = tpu.memref_squeeze %dma_start3A_86 : memref<1x10240x128xf32, #tpu.memory_space<hbm>> -> memref<10240x128xf32, #tpu.memory_space<hbm>>
      %dma_start3A_88 = arith.constant 0 : i32
      %dma_start3A_89 = tpu.memref_slice %dma_start3A_87[%add3A_74, %dma_start3A_88] : memref<10240x128xf32, #tpu.memory_space<hbm>> -> memref<128x128xf32, #tpu.memory_space<hbm>>
      tpu.enqueue_dma source(%arg7 : memref<128x128xf32, #tpu.memory_space<vmem>>) target(%dma_start3A_89 : memref<128x128xf32, #tpu.memory_space<hbm>>) target_semaphore(%run_scoped3A : memref<!tpu.dma_semaphore, #tpu.memory_space<semaphore_mem>>)
      %dma_wait3A = arith.constant 0 : i32
      %dma_wait3A_90 = arith.constant 0 : i32
      %dma_wait3A_91 = tpu.memref_slice %arg5[%arg0, %dma_wait3A, %dma_wait3A_90] : memref<2x10240x128xf32, #tpu.memory_space<hbm>> -> memref<1x10240x128xf32, #tpu.memory_space<hbm>>
      %dma_wait3A_92 = tpu.memref_squeeze %dma_wait3A_91 : memref<1x10240x128xf32, #tpu.memory_space<hbm>> -> memref<10240x128xf32, #tpu.memory_space<hbm>>
      %dma_wait3A_93 = arith.constant 0 : i32
      %dma_wait3A_94 = tpu.memref_slice %dma_wait3A_92[%add3A_74, %dma_wait3A_93] : memref<10240x128xf32, #tpu.memory_space<hbm>> -> memref<128x128xf32, #tpu.memory_space<hbm>>
      %dma_wait3A_95 = arith.constant 0 : i32
      %dma_wait3A_96 = arith.constant 0 : i32
      %dma_wait3A_97 = tpu.memref_slice %arg5[%arg0, %dma_wait3A_95, %dma_wait3A_96] : memref<2x10240x128xf32, #tpu.memory_space<hbm>> -> memref<1x10240x128xf32, #tpu.memory_space<hbm>>
      %dma_wait3A_98 = tpu.memref_squeeze %dma_wait3A_97 : memref<1x10240x128xf32, #tpu.memory_space<hbm>> -> memref<10240x128xf32, #tpu.memory_space<hbm>>
      %dma_wait3A_99 = arith.constant 0 : i32
      %dma_wait3A_100 = tpu.memref_slice %dma_wait3A_98[%add3A_74, %dma_wait3A_99] : memref<10240x128xf32, #tpu.memory_space<hbm>> -> memref<128x128xf32, #tpu.memory_space<hbm>>
      tpu.wait_dma2 semaphore(%run_scoped3A : memref<!tpu.dma_semaphore, #tpu.memory_space<semaphore_mem>>) src(%arg7 : memref<128x128xf32, #tpu.memory_space<vmem>>) dst(%dma_wait3A_100 : memref<128x128xf32, #tpu.memory_space<hbm>>)
      tpu.yield
    }) : () -> ()
    %add3A_75 = arith.constant 512 : i32
    %add3A_76 = arith.addi %mul3A_16, %add3A_75 : i32
    "tpu.region"() ({
      %run_scoped3A = tpu.sem_alloc : memref<!tpu.dma_semaphore, #tpu.memory_space<semaphore_mem>>
      %dma_start3A = arith.constant 0 : i32
      %dma_start3A_79 = tpu.memref_slice %arg6[%add3A_76, %dma_start3A] : memref<10240x128xf32, #tpu.memory_space<vmem_shared>> -> memref<128x128xf32, #tpu.memory_space<vmem_shared>>
      %dma_start3A_80 = arith.constant 0 : i32
      %dma_start3A_81 = tpu.memref_slice %arg6[%add3A_76, %dma_start3A_80] : memref<10240x128xf32, #tpu.memory_space<vmem_shared>> -> memref<128x128xf32, #tpu.memory_space<vmem_shared>>
      tpu.enqueue_dma source(%dma_start3A_81 : memref<128x128xf32, #tpu.memory_space<vmem_shared>>) target(%arg7 : memref<128x128xf32, #tpu.memory_space<vmem>>) target_semaphore(%run_scoped3A : memref<!tpu.dma_semaphore, #tpu.memory_space<semaphore_mem>>)
      %dma_wait3A = arith.constant 0 : i32
      %dma_wait3A_82 = tpu.memref_slice %arg6[%add3A_76, %dma_wait3A] : memref<10240x128xf32, #tpu.memory_space<vmem_shared>> -> memref<128x128xf32, #tpu.memory_space<vmem_shared>>
      %dma_wait3A_83 = arith.constant 0 : i32
      %dma_wait3A_84 = tpu.memref_slice %arg6[%add3A_76, %dma_wait3A_83] : memref<10240x128xf32, #tpu.memory_space<vmem_shared>> -> memref<128x128xf32, #tpu.memory_space<vmem_shared>>
      tpu.wait_dma2 semaphore(%run_scoped3A : memref<!tpu.dma_semaphore, #tpu.memory_space<semaphore_mem>>) src(%dma_wait3A_84 : memref<128x128xf32, #tpu.memory_space<vmem_shared>>) dst(%arg7 : memref<128x128xf32, #tpu.memory_space<vmem>>)
      tpu.yield
    }) : () -> ()
    %add3A_77 = arith.constant 512 : i32
    %add3A_78 = arith.addi %mul3A_16, %add3A_77 : i32
    "tpu.region"() ({
      %run_scoped3A = tpu.sem_alloc : memref<!tpu.dma_semaphore, #tpu.memory_space<semaphore_mem>>
      %dma_start3A = arith.constant 0 : i32
      %dma_start3A_79 = arith.constant 0 : i32
      %dma_start3A_80 = tpu.memref_slice %arg5[%arg0, %dma_start3A, %dma_start3A_79] : memref<2x10240x128xf32, #tpu.memory_space<hbm>> -> memref<1x10240x128xf32, #tpu.memory_space<hbm>>
      %dma_start3A_81 = tpu.memref_squeeze %dma_start3A_80 : memref<1x10240x128xf32, #tpu.memory_space<hbm>> -> memref<10240x128xf32, #tpu.memory_space<hbm>>
      %dma_start3A_82 = arith.constant 0 : i32
      %dma_start3A_83 = tpu.memref_slice %dma_start3A_81[%add3A_78, %dma_start3A_82] : memref<10240x128xf32, #tpu.memory_space<hbm>> -> memref<128x128xf32, #tpu.memory_space<hbm>>
      %dma_start3A_84 = arith.constant 0 : i32
      %dma_start3A_85 = arith.constant 0 : i32
      %dma_start3A_86 = tpu.memref_slice %arg5[%arg0, %dma_start3A_84, %dma_start3A_85] : memref<2x10240x128xf32, #tpu.memory_space<hbm>> -> memref<1x10240x128xf32, #tpu.memory_space<hbm>>
      %dma_start3A_87 = tpu.memref_squeeze %dma_start3A_86 : memref<1x10240x128xf32, #tpu.memory_space<hbm>> -> memref<10240x128xf32, #tpu.memory_space<hbm>>
      %dma_start3A_88 = arith.constant 0 : i32
      %dma_start3A_89 = tpu.memref_slice %dma_start3A_87[%add3A_78, %dma_start3A_88] : memref<10240x128xf32, #tpu.memory_space<hbm>> -> memref<128x128xf32, #tpu.memory_space<hbm>>
      tpu.enqueue_dma source(%arg7 : memref<128x128xf32, #tpu.memory_space<vmem>>) target(%dma_start3A_89 : memref<128x128xf32, #tpu.memory_space<hbm>>) target_semaphore(%run_scoped3A : memref<!tpu.dma_semaphore, #tpu.memory_space<semaphore_mem>>)
      %dma_wait3A = arith.constant 0 : i32
      %dma_wait3A_90 = arith.constant 0 : i32
      %dma_wait3A_91 = tpu.memref_slice %arg5[%arg0, %dma_wait3A, %dma_wait3A_90] : memref<2x10240x128xf32, #tpu.memory_space<hbm>> -> memref<1x10240x128xf32, #tpu.memory_space<hbm>>
      %dma_wait3A_92 = tpu.memref_squeeze %dma_wait3A_91 : memref<1x10240x128xf32, #tpu.memory_space<hbm>> -> memref<10240x128xf32, #tpu.memory_space<hbm>>
      %dma_wait3A_93 = arith.constant 0 : i32
      %dma_wait3A_94 = tpu.memref_slice %dma_wait3A_92[%add3A_78, %dma_wait3A_93] : memref<10240x128xf32, #tpu.memory_space<hbm>> -> memref<128x128xf32, #tpu.memory_space<hbm>>
      %dma_wait3A_95 = arith.constant 0 : i32
      %dma_wait3A_96 = arith.constant 0 : i32
      %dma_wait3A_97 = tpu.memref_slice %arg5[%arg0, %dma_wait3A_95, %dma_wait3A_96] : memref<2x10240x128xf32, #tpu.memory_space<hbm>> -> memref<1x10240x128xf32, #tpu.memory_space<hbm>>
      %dma_wait3A_98 = tpu.memref_squeeze %dma_wait3A_97 : memref<1x10240x128xf32, #tpu.memory_space<hbm>> -> memref<10240x128xf32, #tpu.memory_space<hbm>>
      %dma_wait3A_99 = arith.constant 0 : i32
      %dma_wait3A_100 = tpu.memref_slice %dma_wait3A_98[%add3A_78, %dma_wait3A_99] : memref<10240x128xf32, #tpu.memory_space<hbm>> -> memref<128x128xf32, #tpu.memory_space<hbm>>
      tpu.wait_dma2 semaphore(%run_scoped3A : memref<!tpu.dma_semaphore, #tpu.memory_space<semaphore_mem>>) src(%arg7 : memref<128x128xf32, #tpu.memory_space<vmem>>) dst(%dma_wait3A_100 : memref<128x128xf32, #tpu.memory_space<hbm>>)
      tpu.yield
    }) : () -> ()
    return
  }
}

module attributes {stable_mosaic.version = 14 : i64} {
  func.func @body(%arg0: i32, %arg1: memref<2x512x128xf32, #tpu.memory_space<vmem>>, %arg2: memref<512x128xf32, #tpu.memory_space<vmem>>, %arg3: memref<512x128xf32, #tpu.memory_space<vmem>>, %arg4: memref<512x128xf32, #tpu.memory_space<vmem>>, %arg5: memref<512x128xf32, #tpu.memory_space<vmem>>) attributes {dimension_semantics = [#tpu.dimension_semantics<arbitrary>], iteration_bounds = array<i64: 20>, scalar_prefetch = 0 : i64, scratch_operands = 0 : i64, tpu.core_type = #tpu.core_type<tc>, window_params = [{transform_indices = @transform_0, window_bounds = array<i64: 2, 512, 128>}, {transform_indices = @transform_1, window_bounds = array<i64: 512, 128>}, {transform_indices = @transform_2, window_bounds = array<i64: 512, 128>}, {transform_indices = @transform_3, window_bounds = array<i64: 512, 128>}, {transform_indices = @transform_4, window_bounds = array<i64: 512, 128>}]} {
    %get3A = arith.constant 0 : index
    %get3A_0 = arith.constant 0 : index
    %get3A_1 = arith.constant 0 : index
    %get3A_2 = vector.load %arg1[%get3A, %get3A_0, %get3A_1] : memref<2x512x128xf32, #tpu.memory_space<vmem>>, vector<1x512x128xf32>
    %get3A_3 = vector.shape_cast %get3A_2 : vector<1x512x128xf32> to vector<512x128xf32>
    %max3A = arith.constant 1.000000e+00 : f32
    %max3A_4 = vector.broadcast %max3A : f32 to vector<512x128xf32>
    %max3A_5 = arith.maximumf %get3A_3, %max3A_4 : vector<512x128xf32>
    %rsqrt3A = math.rsqrt %max3A_5 : vector<512x128xf32>
    %get3A_6 = arith.constant 1 : index
    %get3A_7 = arith.constant 0 : index
    %get3A_8 = arith.constant 0 : index
    %get3A_9 = vector.load %arg1[%get3A_6, %get3A_7, %get3A_8] : memref<2x512x128xf32, #tpu.memory_space<vmem>>, vector<1x512x128xf32>
    %get3A_10 = vector.shape_cast %get3A_9 : vector<1x512x128xf32> to vector<512x128xf32>
    %max3A_11 = arith.constant 1.000000e+00 : f32
    %max3A_12 = vector.broadcast %max3A_11 : f32 to vector<512x128xf32>
    %max3A_13 = arith.maximumf %get3A_10, %max3A_12 : vector<512x128xf32>
    %rsqrt3A_14 = math.rsqrt %max3A_13 : vector<512x128xf32>
    %get3A_15 = arith.constant 0 : index
    %get3A_16 = arith.constant 0 : index
    %get3A_17 = vector.load %arg2[%get3A_15, %get3A_16] : memref<512x128xf32, #tpu.memory_space<vmem>>, vector<512x128xf32>
    %mul3A = arith.mulf %get3A_17, %rsqrt3A : vector<512x128xf32>
    %swap3A = arith.constant 0 : index
    %swap3A_18 = arith.constant 0 : index
    %swap3A_19 = vector.load %arg3[%swap3A, %swap3A_18] : memref<512x128xf32, #tpu.memory_space<vmem>>, vector<512x128xf32>
    tpu.vector_store %arg3[%swap3A, %swap3A_18], %mul3A {strides = array<i32>} : memref<512x128xf32, #tpu.memory_space<vmem>>, vector<512x128xf32>,
    %swap3A_20 = arith.constant 0 : index
    %swap3A_21 = arith.constant 0 : index
    %swap3A_22 = vector.load %arg4[%swap3A_20, %swap3A_21] : memref<512x128xf32, #tpu.memory_space<vmem>>, vector<512x128xf32>
    tpu.vector_store %arg4[%swap3A_20, %swap3A_21], %rsqrt3A {strides = array<i32>} : memref<512x128xf32, #tpu.memory_space<vmem>>, vector<512x128xf32>,
    %swap3A_23 = arith.constant 0 : index
    %swap3A_24 = arith.constant 0 : index
    %swap3A_25 = vector.load %arg5[%swap3A_23, %swap3A_24] : memref<512x128xf32, #tpu.memory_space<vmem>>, vector<512x128xf32>
    tpu.vector_store %arg5[%swap3A_23, %swap3A_24], %rsqrt3A_14 {strides = array<i32>} : memref<512x128xf32, #tpu.memory_space<vmem>>, vector<512x128xf32>,
    return
  }
  func.func @transform_0(%arg0: i32) -> (i32, i32, i32) {
    %c0_i32 = arith.constant 0 : i32
    %c0_i32_0 = arith.constant 0 : i32
    %c0_i32_1 = arith.constant 0 : i32
    return %c0_i32, %arg0, %c0_i32_0 : i32, i32, i32
  }
  func.func @transform_1(%arg0: i32) -> (i32, i32) {
    %c0_i32 = arith.constant 0 : i32
    %c0_i32_0 = arith.constant 0 : i32
    return %arg0, %c0_i32 : i32, i32
  }
  func.func @transform_2(%arg0: i32) -> (i32, i32) {
    %c0_i32 = arith.constant 0 : i32
    %c0_i32_0 = arith.constant 0 : i32
    return %arg0, %c0_i32 : i32, i32
  }
  func.func @transform_3(%arg0: i32) -> (i32, i32) {
    %c0_i32 = arith.constant 0 : i32
    %c0_i32_0 = arith.constant 0 : i32
    return %arg0, %c0_i32 : i32, i32
  }
  func.func @transform_4(%arg0: i32) -> (i32, i32) {
    %c0_i32 = arith.constant 0 : i32
    %c0_i32_0 = arith.constant 0 : i32
    return %arg0, %c0_i32 : i32, i32
  }
}

module attributes {stable_mosaic.version = 14 : i64} {
  func.func @body(%arg0: i32, %arg1: memref<2x512x128xf32, #tpu.memory_space<vmem>>, %arg2: memref<512x128xf32, #tpu.memory_space<vmem>>, %arg3: memref<512x128xf32, #tpu.memory_space<vmem>>, %arg4: memref<128x256xf32, #tpu.memory_space<vmem>>, %arg5: memref<1x256xf32, #tpu.memory_space<vmem>>, %arg6: memref<256x128xf32, #tpu.memory_space<vmem>>, %arg7: memref<512x128xf32, #tpu.memory_space<vmem>>) attributes {dimension_semantics = [#tpu.dimension_semantics<arbitrary>], iteration_bounds = array<i64: 20>, scalar_prefetch = 0 : i64, scratch_operands = 0 : i64, tpu.core_type = #tpu.core_type<tc>, window_params = [{transform_indices = @transform_0, window_bounds = array<i64: 2, 512, 128>}, {transform_indices = @transform_1, window_bounds = array<i64: 512, 128>}, {transform_indices = @transform_2, window_bounds = array<i64: 512, 128>}, {pipeline_mode = #tpu.pipeline_mode<synchronous>, transform_indices = @transform_3, window_bounds = array<i64: 128, 256>}, {pipeline_mode = #tpu.pipeline_mode<synchronous>, transform_indices = @transform_4, window_bounds = array<i64: 1, 256>}, {pipeline_mode = #tpu.pipeline_mode<synchronous>, transform_indices = @transform_5, window_bounds = array<i64: 256, 128>}, {transform_indices = @transform_6, window_bounds = array<i64: 512, 128>}]} {
    %get3A = arith.constant 0 : index
    %get3A_0 = arith.constant 0 : index
    %get3A_1 = arith.constant 0 : index
    %get3A_2 = vector.load %arg1[%get3A, %get3A_0, %get3A_1] : memref<2x512x128xf32, #tpu.memory_space<vmem>>, vector<1x512x128xf32>
    %get3A_3 = vector.shape_cast %get3A_2 : vector<1x512x128xf32> to vector<512x128xf32>
    %get3A_4 = arith.constant 1 : index
    %get3A_5 = arith.constant 0 : index
    %get3A_6 = arith.constant 0 : index
    %get3A_7 = vector.load %arg1[%get3A_4, %get3A_5, %get3A_6] : memref<2x512x128xf32, #tpu.memory_space<vmem>>, vector<1x512x128xf32>
    %get3A_8 = vector.shape_cast %get3A_7 : vector<1x512x128xf32> to vector<512x128xf32>
    %add3A = arith.addf %get3A_3, %get3A_8 : vector<512x128xf32>
    %get3A_9 = arith.constant 0 : index
    %get3A_10 = arith.constant 0 : index
    %get3A_11 = vector.load %arg2[%get3A_9, %get3A_10] : memref<512x128xf32, #tpu.memory_space<vmem>>, vector<512x128xf32>
    %mul3A = arith.mulf %add3A, %get3A_11 : vector<512x128xf32>
    %get3A_12 = arith.constant 0 : index
    %get3A_13 = arith.constant 0 : index
    %get3A_14 = vector.load %arg4[%get3A_12, %get3A_13] : memref<128x256xf32, #tpu.memory_space<vmem>>, vector<128x256xf32>
    %dot_general3A = arith.constant dense<0.000000e+00> : vector<512x256xf32>
    %dot_general3A_15 = tpu.matmul %mul3A, %get3A_14, %dot_general3A {dimension_numbers = #tpu.dot_dimension_numbers<[1], [0], [0], [1], [0, 0, 1, 1], [], []>, precision = #tpu.contract_precision<fp32>, transpose_lhs_hint = false} : vector<512x128xf32>, vector<128x256xf32>, vector<512x256xf32> -> vector<512x256xf32>
    %get3A_16 = arith.constant 0 : index
    %get3A_17 = arith.constant 0 : index
    %get3A_18 = vector.load %arg5[%get3A_16, %get3A_17] : memref<1x256xf32, #tpu.memory_space<vmem>>, vector<1x256xf32>
    %add3A_19 = vector.broadcast %get3A_18 : vector<1x256xf32> to vector<512x256xf32>
    %add3A_20 = arith.addf %dot_general3A_15, %add3A_19 : vector<512x256xf32>
    %max3A = arith.constant 0.000000e+00 : f32
    %max3A_21 = vector.broadcast %max3A : f32 to vector<512x256xf32>
    %max3A_22 = arith.maximumf %add3A_20, %max3A_21 : vector<512x256xf32>
    %get3A_23 = arith.constant 0 : index
    %get3A_24 = arith.constant 0 : index
    %get3A_25 = vector.load %arg3[%get3A_23, %get3A_24] : memref<512x128xf32, #tpu.memory_space<vmem>>, vector<512x1xf32>
    %broadcast_in_dim3A = vector.shape_cast %get3A_25 : vector<512x1xf32> to vector<512x1xf32>
    %broadcast_in_dim3A_26 = vector.broadcast %broadcast_in_dim3A : vector<512x1xf32> to vector<512x256xf32>
    %mul3A_27 = arith.mulf %max3A_22, %broadcast_in_dim3A_26 : vector<512x256xf32>
    %get3A_28 = arith.constant 0 : index
    %get3A_29 = arith.constant 0 : index
    %get3A_30 = vector.load %arg6[%get3A_28, %get3A_29] : memref<256x128xf32, #tpu.memory_space<vmem>>, vector<256x128xf32>
    %dot_general3A_31 = arith.constant dense<0.000000e+00> : vector<512x128xf32>
    %dot_general3A_32 = tpu.matmul %mul3A_27, %get3A_30, %dot_general3A_31 {dimension_numbers = #tpu.dot_dimension_numbers<[1], [0], [0], [1], [0, 0, 1, 1], [], []>, precision = #tpu.contract_precision<fp32>, transpose_lhs_hint = false} : vector<512x256xf32>, vector<256x128xf32>, vector<512x128xf32> -> vector<512x128xf32>
    %swap3A = arith.constant 0 : index
    %swap3A_33 = arith.constant 0 : index
    %swap3A_34 = vector.load %arg7[%swap3A, %swap3A_33] : memref<512x128xf32, #tpu.memory_space<vmem>>, vector<512x128xf32>
    tpu.vector_store %arg7[%swap3A, %swap3A_33], %dot_general3A_32 {strides = array<i32>} : memref<512x128xf32, #tpu.memory_space<vmem>>, vector<512x128xf32>,
    return
  }
  func.func @transform_0(%arg0: i32) -> (i32, i32, i32) {
    %c0_i32 = arith.constant 0 : i32
    %c0_i32_0 = arith.constant 0 : i32
    %c0_i32_1 = arith.constant 0 : i32
    return %c0_i32, %arg0, %c0_i32_0 : i32, i32, i32
  }
  func.func @transform_1(%arg0: i32) -> (i32, i32) {
    %c0_i32 = arith.constant 0 : i32
    %c0_i32_0 = arith.constant 0 : i32
    return %arg0, %c0_i32 : i32, i32
  }
  func.func @transform_2(%arg0: i32) -> (i32, i32) {
    %c0_i32 = arith.constant 0 : i32
    %c0_i32_0 = arith.constant 0 : i32
    return %arg0, %c0_i32 : i32, i32
  }
  func.func @transform_3(%arg0: i32) -> (i32, i32) {
    %c0_i32 = arith.constant 0 : i32
    %c0_i32_0 = arith.constant 0 : i32
    %c0_i32_1 = arith.constant 0 : i32
    return %c0_i32, %c0_i32_0 : i32, i32
  }
  func.func @transform_4(%arg0: i32) -> (i32, i32) {
    %c0_i32 = arith.constant 0 : i32
    %c0_i32_0 = arith.constant 0 : i32
    %c0_i32_1 = arith.constant 0 : i32
    return %c0_i32, %c0_i32_0 : i32, i32
  }
  func.func @transform_5(%arg0: i32) -> (i32, i32) {
    %c0_i32 = arith.constant 0 : i32
    %c0_i32_0 = arith.constant 0 : i32
    %c0_i32_1 = arith.constant 0 : i32
    return %c0_i32, %c0_i32_0 : i32, i32
  }
  func.func @transform_6(%arg0: i32) -> (i32, i32) {
    %c0_i32 = arith.constant 0 : i32
    %c0_i32_0 = arith.constant 0 : i32
    return %arg0, %c0_i32 : i32, i32
  }
}

module attributes {stable_mosaic.version = 14 : i64} {
  func.func @body(%arg0: i32, %arg1: memref<2x512x128xf32, #tpu.memory_space<vmem>>, %arg2: memref<512x128xf32, #tpu.memory_space<vmem>>, %arg3: memref<1x128xf32, #tpu.memory_space<vmem>>, %arg4: memref<512x128xf32, #tpu.memory_space<vmem>>) attributes {dimension_semantics = [#tpu.dimension_semantics<arbitrary>], iteration_bounds = array<i64: 20>, scalar_prefetch = 0 : i64, scratch_operands = 0 : i64, tpu.core_type = #tpu.core_type<tc>, window_params = [{transform_indices = @transform_0, window_bounds = array<i64: 2, 512, 128>}, {transform_indices = @transform_1, window_bounds = array<i64: 512, 128>}, {pipeline_mode = #tpu.pipeline_mode<synchronous>, transform_indices = @transform_2, window_bounds = array<i64: 1, 128>}, {transform_indices = @transform_3, window_bounds = array<i64: 512, 128>}]} {
    %get3A = arith.constant 0 : index
    %get3A_0 = arith.constant 0 : index
    %get3A_1 = arith.constant 0 : index
    %get3A_2 = vector.load %arg1[%get3A, %get3A_0, %get3A_1] : memref<2x512x128xf32, #tpu.memory_space<vmem>>, vector<1x512x128xf32>
    %get3A_3 = vector.shape_cast %get3A_2 : vector<1x512x128xf32> to vector<512x128xf32>
    %get3A_4 = arith.constant 1 : index
    %get3A_5 = arith.constant 0 : index
    %get3A_6 = arith.constant 0 : index
    %get3A_7 = vector.load %arg1[%get3A_4, %get3A_5, %get3A_6] : memref<2x512x128xf32, #tpu.memory_space<vmem>>, vector<1x512x128xf32>
    %get3A_8 = vector.shape_cast %get3A_7 : vector<1x512x128xf32> to vector<512x128xf32>
    %add3A = arith.addf %get3A_3, %get3A_8 : vector<512x128xf32>
    %get3A_9 = arith.constant 0 : index
    %get3A_10 = arith.constant 0 : index
    %get3A_11 = vector.load %arg2[%get3A_9, %get3A_10] : memref<512x128xf32, #tpu.memory_space<vmem>>, vector<512x128xf32>
    %mul3A = arith.mulf %add3A, %get3A_11 : vector<512x128xf32>
    %get3A_12 = arith.constant 0 : index
    %get3A_13 = arith.constant 0 : index
    %get3A_14 = vector.load %arg3[%get3A_12, %get3A_13] : memref<1x128xf32, #tpu.memory_space<vmem>>, vector<1x128xf32>
    %add3A_15 = vector.broadcast %get3A_14 : vector<1x128xf32> to vector<512x128xf32>
    %add3A_16 = arith.addf %mul3A, %add3A_15 : vector<512x128xf32>
    %max3A = arith.constant 0.000000e+00 : f32
    %max3A_17 = vector.broadcast %max3A : f32 to vector<512x128xf32>
    %max3A_18 = arith.maximumf %add3A_16, %max3A_17 : vector<512x128xf32>
    %swap3A = arith.constant 0 : index
    %swap3A_19 = arith.constant 0 : index
    %swap3A_20 = vector.load %arg4[%swap3A, %swap3A_19] : memref<512x128xf32, #tpu.memory_space<vmem>>, vector<512x128xf32>
    tpu.vector_store %arg4[%swap3A, %swap3A_19], %max3A_18 {strides = array<i32>} : memref<512x128xf32, #tpu.memory_space<vmem>>, vector<512x128xf32>,
    return
  }
  func.func @transform_0(%arg0: i32) -> (i32, i32, i32) {
    %c0_i32 = arith.constant 0 : i32
    %c0_i32_0 = arith.constant 0 : i32
    %c0_i32_1 = arith.constant 0 : i32
    return %c0_i32, %arg0, %c0_i32_0 : i32, i32, i32
  }
  func.func @transform_1(%arg0: i32) -> (i32, i32) {
    %c0_i32 = arith.constant 0 : i32
    %c0_i32_0 = arith.constant 0 : i32
    return %arg0, %c0_i32 : i32, i32
  }
  func.func @transform_2(%arg0: i32) -> (i32, i32) {
    %c0_i32 = arith.constant 0 : i32
    %c0_i32_0 = arith.constant 0 : i32
    %c0_i32_1 = arith.constant 0 : i32
    return %c0_i32, %c0_i32_0 : i32, i32
  }
  func.func @transform_3(%arg0: i32) -> (i32, i32) {
    %c0_i32 = arith.constant 0 : i32
    %c0_i32_0 = arith.constant 0 : i32
    return %arg0, %c0_i32 : i32, i32
  }
}

</mosaic_0001>

<sc_bundles>
// kernel: kernel.11.cloned.1.call-start
scs
__scs_entry_jumppad:
0x0: {  	(pc) =	sbr.rel $0x88, $3  }
0x1: {  	(tag) =	ssettag $0x0;
	lr =	simm.s32 $0x1  }
0x2: {  	[smem:$0x3F9B] =	sst lr;
	_ =	strace $0xD0000000  }
0x3: {  	_ = 	snop  }
0x4: {  	_ = 	snop  }
0x5: {  	_ = 	snop  }
0x6: {  	_ = 	snop  }
0x7: {  	_ = 	snop  }
__scs_overlays_trampoline_lowered:
0x8: {  	[smem:$0x3FAA] =	sst s0  }
0x9: {  	[smem:$0x3FAB] =	sst s1  }
0xa: {  	[smem:$0x3FAC] =	sst s2  }
0xb: {  	[smem:$0x3FAD] =	sst s3  }
0xc: {  	[smem:$0x3FAE] =	sst s4  }
0xd: {  	[smem:$0x3FAF] =	sst s5  }
0xe: {  	[smem:$0x3FB0] =	sst s6  }
0xf: {  	[smem:$0x3FB1] =	sst s7  }
0x10: {  	[smem:$0x3FB2] =	sst s8  }
0x11: {  	[smem:$0x3FB3] =	sst s9;
	s0 =	simm.s32 @!p0 $0x0  }
0x12: {  	s1 =	sld [smem:$0x3F99];
	s0 =	simm.s32 @p0 $0x1  }
0x13: {  	[smem:$0x3FB4] =	sst s0;
	s0 =	simm.s32 @!p1 $0x0  }
0x14: {  	s2 =	sld [smem:$0x3F98];
	s0 =	simm.s32 @p1 $0x1  }
0x15: {  	[smem:$0x3FB5] =	sst s0;
	s0 =	simm.s32 @!p2 $0x0  }
0x16: {  	s3 =	sld [smem:$0x3FDB];
	s0 =	simm.s32 @p2 $0x1  }
0x17: {  	s4 =	simm.s32 $0x1BF5;
	[smem:$0x3FB7] =	sst s0  }
0x18: {  	s0 =	sld [smem:$0x3F9A];
	_ =	swait.ge [sflag:s4], $0x0  }
0x19: {  	s7 =	sld [smem:$0x3F9B]  }
0x1a: {  	s8 =	sadd.s32 $0xFFFFE003, lr  }
0x1b: {  	s9 =	sadd.s32 $0xFFFFFEF7, lr;
	s5 =	simm.s32 $0xFFFFFFFF;
	p2 =	slt.u32 s8, $0xFFFFF086  }
0x1c: {  	p1 =	slt.u32 s9, $0xF7A;
	s5 =	simm.s32 @!p2 $0x0  }
0x1d: {  	s5 =	simm.s32 @p1 $0x1;
	p0 =	seq.s32 s7, s2  }
0x1e: {  	s7 =	smul.u32 @!p0 $0xF7A, s2;
	p2 =	seq.s32 @!p0 s5, $0x0  }
0x1f: {  	s9 =	smul.u32 $0xF7A, s1;
	s8 =	simm.s32 @!p0 $0x1BF5;
	p2 =	por !p2, p0  }
0x20: {  	[sflag:s8] =	ssyncset.s32 @!p0 $0xFFFFF086;
	s6 =	sadd.s32 @!p0 s3, s7;
	s7 =	simm.s32 @!p0 $0x108  }
0x21: {  	s3 =	sadd.s32 s3, s9;
	s6 =	sadd.s32 @!p0 $0x88, s6;
	s7 =	simm.s32 @p2 $0x1082  }
0x22: {  	[simem:s7], [sflag:s8] =	dma.local @!p0 [hbm:s6], $0xF7A  }
0x23: {  	s9 =	sor.u32 $0xD0000000, s2;
	s6 =	simm.s32 $0x108;
	_ =	swait.ge @!p0 [sflag:s8], $0x0  }
0x24: {  	s3 =	sadd.s32 $0x88, s3;
	s6 =	simm.s32 @!p1 $0x1082;
	[sflag:s4] =	ssyncset.s32 $0xFFFFF086  }
0x25: {  	[simem:s6], [sflag:s4] =	dma.local [hbm:s3], $0xF7A  }
0x26: {  	[smem:$0x3F9B] =	sst s1;
	(tag) =	ssettag s2;
	_ =	strace s9  }
0x27: {  	s1 =	sld [smem:$0x3FAB]  }
0x28: {  	s2 =	sld [smem:$0x3FAC]  }
0x29: {  	s4 =	sld [smem:$0x3FAE]  }
0x2a: {  	p0 =	seq.s32 s5, $0x0;
	s5 =	sld [smem:$0x3FAF]  }
0x2b: {  	s6 =	sld [smem:$0x3FB0]  }
0x2c: {  	s7 =	sld [smem:$0x3FB1]  }
0x2d: {  	s3 =	simm.s32 $0x108;
	s8 =	sld [smem:$0x3FB2]  }
0x2e: {  	s3 =	simm.s32 @!p0 $0x1082;
	s9 =	sld [smem:$0x3FB3]  }
0x2f: {  	lr =	sadd.s32 s0, s3;
	s0 =	sld [smem:$0x3FAA]  }
0x30: {  	s3 =	sld [smem:$0x3FAD]  }
0x31: {  	[smem:$0x3FB6] =	sst s10  }
0x32: {  	s10 =	sld [smem:$0x3FB4];
	_ =	sdelay $0x3  }
0x33: {  	p0 =	seq.s32 s10, $0x1;
	s10 =	sld [smem:$0x3FB6];
	_ =	sdelay $0x3  }
0x34: {  	[smem:$0x3FB6] =	sst s10  }
0x35: {  	s10 =	sld [smem:$0x3FB5];
	_ =	sdelay $0x3  }
0x36: {  	p1 =	seq.s32 s10, $0x1;
	s10 =	sld [smem:$0x3FB6];
	_ =	sdelay $0x3  }
0x37: {  	[smem:$0x3FB6] =	sst s10  }
0x38: {  	s10 =	sld [smem:$0x3FB7]  }
0x39: {  	_ = 	snop;
	(pc) =	sbr.ind lr, $3  }
0x3a: {  	_ = 	snop  }
0x3b: {  	_ = 	snop  }
0x3c: {  	p2 =	seq.s32 s10, $0x1;
	s10 =	sld [smem:$0x3FB6]  }
0x3d: {  	_ =	shalt  }
0x3e: {  	_ =	shalt  }
0x3f: {  	_ =	shalt  }
0x40: {  	_ =	shalt  }
0x41: {  	_ =	shalt  }
0x42: {  	_ =	shalt  }
0x43: {  	_ =	shalt  }
0x44: {  	_ =	shalt  }
0x45: {  	_ =	shalt  }
0x46: {  	_ =	shalt  }
0x47: {  	_ =	shalt  }
0x48: {  	_ =	shalt  }
0x49: {  	_ =	shalt  }
0x4a: {  	_ =	shalt  }
0x4b: {  	_ =	shalt  }
0x4c: {  	_ =	shalt  }
0x4d: {  	_ =	shalt  }
0x4e: {  	_ =	shalt  }
0x4f: {  	_ =	shalt  }
0x50: {  	_ =	shalt  }
0x51: {  	_ =	shalt  }
0x52: {  	_ =	shalt  }
0x53: {  	_ =	shalt  }
0x54: {  	_ =	shalt  }
0x55: {  	_ =	shalt  }
0x56: {  	_ =	shalt  }
0x57: {  	_ =	shalt  }
0x58: {  	_ =	shalt  }
0x59: {  	_ =	shalt  }
0x5a: {  	_ =	shalt  }
0x5b: {  	_ =	shalt  }
0x5c: {  	_ =	shalt  }
0x5d: {  	_ =	shalt  }
0x5e: {  	_ =	shalt  }
0x5f: {  	_ =	shalt  }
0x60: {  	_ =	shalt  }
0x61: {  	_ =	shalt  }
0x62: {  	_ =	shalt  }
0x63: {  	_ =	shalt  }
0x64: {  	_ =	shalt  }
0x65: {  	_ =	shalt  }
0x66: {  	_ =	shalt  }
0x67: {  	_ =	shalt  }
0x68: {  	_ =	shalt  }
0x69: {  	_ =	shalt  }
0x6a: {  	_ =	shalt  }
0x6b: {  	_ =	shalt  }
0x6c: {  	_ =	shalt  }
0x6d: {  	_ =	shalt  }
0x6e: {  	_ =	shalt  }
0x6f: {  	_ =	shalt  }
0x70: {  	_ =	shalt  }
0x71: {  	_ =	shalt  }
0x72: {  	_ =	shalt  }
0x73: {  	_ =	shalt  }
0x74: {  	_ =	shalt  }
0x75: {  	_ =	shalt  }
0x76: {  	_ =	shalt  }
0x77: {  	_ =	shalt  }
0x78: {  	_ =	shalt  }
0x79: {  	_ =	shalt  }
0x7a: {  	_ =	shalt  }
0x7b: {  	_ =	shalt  }
0x7c: {  	_ =	shalt  }
0x7d: {  	_ =	shalt  }
0x7e: {  	_ =	shalt  }
0x7f: {  	_ =	shalt  }
0x80: {  	_ =	shalt  }
0x81: {  	_ =	shalt  }
0x82: {  	_ =	shalt  }
0x83: {  	_ =	shalt  }
0x84: {  	_ =	shalt  }
0x85: {  	_ =	shalt  }
0x86: {  	_ =	shalt  }
0x87: {  	_ =	shalt  }
.Lfunc_end0:
.L_simem_size_0:
called_computation.1_lowered:
.L_overlay_start_0:
0x88: {  	s2 =	sld [smem:$0x3FD9]  }
0x89: {  	s3 =	sld [smem:$0x3FFE];
	_ =	sdelay $0x1  }
0x8a: {  	s1 =	srdreg.scid  }
0x8b: {  	s0 =	sand.u32 $0x1, s1  }
0x8c: {  	s17 =	sshll.u32 s0, $0xA;
	s2 =	sadd.s32 s3, s2  }
0x8d: {  	s2 =	sadd.s32 s2, s17  }
0x8e: {  	[smem:$0x3FC2] =	sst s2  }
0x8f: {  	_ = 	snop  }
0x90: {  	s2 =	sld [smem:$0x3FD0];
	(tm) =	ssettm $0x1  }
0x91: {  	s18 =	sld [smem:$0x3FFB];
	_ =	sdelay $0x3  }
0x92: {  	_ =	strace s18  }
0x93: {  	s3 =	sld [smem:$0x3FFC];
	_ =	sdelay $0x3  }
0x94: {  	_ =	strace s3  }
0x95: {  	s3 =	sld [smem:$0x3FFD];
	_ =	sdelay $0x3  }
0x96: {  	_ =	strace s3  }
0x97: {  	_ =	strace $0x8FFFFFFF  }
0x98: {  	s19 =	sld [smem:$0x3FDB];
	_ =	sdelay $0x1  }
0x99: {  	s4 =	simm.s32 $_scs_section_size  }
0x9a: {  	s5 =	simm.s32 $_size__tile_overlayer_lowered;
	s6 =	simm.s32 $_tile_overlayer_lowered  }
0x9b: {  	s22 =	simm.s32 $0x1BFF;
	s21 =	sshll.u32 s6, $0x1;
	s3 =	sadd.s32 s4, s19  }
0x9c: {  	s7 =	simm.s32 $0x0;
	s20 =	sshll.u32 s5, $0x1;
	s5 =	sadd.s32 s21, s3  }
0x9d: {  	[timem:s7], [sflag:s22] =	dma.local [hbm:s5], s20  }
0x9e: {  	_ =	swait.ge [sflag:s22], s20  }
0x9f: {  	s4 =	ssub.s32 $0x0, s20;
	[sflag:s22] =	ssyncset.done $0x0  }
0xa0: {  	[sflag:s22] =	ssyncadd.s32 s4;
	_ =	sdelay $0x1  }
0xa1: {  	s23 =	simm.s32 $0x1B8B  }
0xa2: {  	_ =	swait.ge [sflag:s23], $0x1  }
0xa3: {  	[sflag:s23] =	ssyncset.done $0x0  }
0xa4: {  	s25 =	simm.s32 $0x1B8E;
	s24 =	sld [smem:$0x3FFE];
	[sflag:s23] =	ssyncadd.s32 $0xFFFFFFFF  }
0xa5: {  	s26 =	simm.s32 $execute0_lowered;
	[smem:$0x3FD2] =	sst s25  }
0xa6: {  	s5 =	sshll.u32 s26, $0x1;
	_ =	strace $0x80000049;
	[dreg:$0x1] =	wrdreg $0xFFFFFFFF  }
0xa7: {  	s28 =	simm.s32 $_size_execute0_lowered;
	s3 =	sadd.s32 s3, s5;
	[dreg:$0x0] =	wrdreg $0x0  }
0xa8: {  	s5 =	sshll.u32 s28, $0x1;
	[dreg:$0x2] =	wrdreg s3  }
0xa9: {  	[dreg:$0x3] =	wrdreg s5  }
0xaa: {  	[dreg:$0x4] =	wrdreg $0xC0  }
0xab: {  	_ =	task [dreg:s7], $0x5FFFF  }
0xac: {  	[dreg:$0x1] =	wrdreg $0xFFFFFFFF  }
0xad: {  	[dreg:$0x0] =	wrdreg $0x60  }
0xae: {  	[dreg:$0x2] =	wrdreg s24  }
0xaf: {  	[dreg:$0x3] =	wrdreg s2  }
0xb0: {  	[dreg:$0x4] =	wrdreg $0x0  }
0xb1: {  	[dreg:$0x5] =	wrdreg $0x9  }
0xb2: {  	_ =	task.clear_ibuf [dreg:s7], $0x6FFFF;
	_ =	strace $0x90000049  }
0xb3: {  	s29 =	simm.s32 $0x9;
	_ =	strace $0x8000004B  }
0xb4: {  	_ =	swait.ge [sflag:s29], $0x1  }
0xb5: {  	[sflag:s29] =	ssyncadd.s32 $0xFFFFFFFF  }
0xb6: {  	_ =	strace $0x9000004B  }
0xb7: {  	_ =	sfence  }
0xb8: {  	s30 =	sld [smem:$0x0];
	_ =	sdelay $0x2  }
0xb9: {  	s31 =	sshll.u32 s1, $0xD;
	s1 =	sshrl.u32 s1, $0x2  }
0xba: {  	s3 =	sand.u32 $0x4000, s31;
	s1 =	sadd.s32 s1, s30  }
0xbb: {  	s0 =	sor.u32 s3, s0;
	s1 =	sshll.u32 s1, $0x11  }
0xbc: {  	s0 =	sor.u32 s1, s0  }
0xbd: {  	s0 =	sadd.s32 $0x8F2B, s0  }
0xbe: {  	[sflag:s0] =	ssyncadd.remote.s32 $0x1  }
0xbf: {  	_ =	sfence.sel $0xFFFF  }
0xc0: {  	[dreg:$0x0] =	wrdreg $0xFFFFFFFF;
	(pc) =	sbr.abs _section_cstart, $3  }
0xc1: {  	[dreg:$0x1] =	wrdreg $0xFFFFFFFF  }
0xc2: {  	_ =	task.clear_ibuf [dreg:s7], $0x2FFFF;
	_ =	strace $0x9FFFFFFF  }
0xc3: {  	(tm) =	ssettm $0x7FFFFFFF  }
tec
execute0_lowered:
.L_overlay_start_1:
0x0: {  	(tag) =	ssettag $0x1  }
0x1: {  	s0 =	rddreg [dreg:$0x0]  }
0x2: {  	s1 =	rddreg [dreg:$0x1]  }
0x3: {  	s2 =	rddreg [dreg:$0x2]  }
0x4: {  	s3 =	simm.s32 $0x0;
	s4 =	srdreg.scid;
	s15 =	stileid.u32  }
0x5: {  	s28 =	simm.s32 $0x1C480;
	s5 =	sand.u32 $0x1, s4;
	s4 =	smul.u32 $0x98, s15  }
0x6: {  	s29 =	simm.s32 $0x3;
	s30 =	simm.s32 $0x4;
	s8 =	smul.u32 $0x280, s15  }
0x7: {  	s31 =	simm.s32 $0x1C100;
	s6 =	sshll.u32 s15, $0x3;
	s10 =	smul.u32 $0x50000, s15  }
0x8: {  	[smem:$0x7FF] =	sst s3;
	s21 =	smul.u32 $0x2800, s15;
	s15 =	simm.s32 $0x1C000  }
0x9: {  	p0 =	seq.s32 s5, $0x1;
	s6 =	sor.u32 $0x980, s6;
	s7 =	smul.u32 $0x28000, s5  }
0xa: {  	_ =	strace $0x8000004A;
	s5 =	ssub.s32 $0x2, s5;
	s6 =	smov.u32 @p0 s4  }
0xb: {  	s4 =	sadd.s32 $0xBE00, s0;
	s26 =	sadd.s32 $0x80, s8;
	s11 =	sshrl.u32 s5, $0x1  }
0xc: {  	s10 =	sshrl.u32 s10, $0x2;
	s16 =	sadd.s32 $0x100, s8;
	s17 =	sadd.s32 $0x180, s8  }
0xd: {  	s8 =	sadd.s32 $0x200, s8;
	s6 =	sshll.u32 s6, $0x4;
	s12 =	sshll.u32 s26, $0x7  }
0xe: {  	s5 =	ssub.s32 s5, s11;
	s10 =	sadd.s32 s10, s2;
	s18 =	sshll.u32 s16, $0x7  }
0xf: {  	s13 =	sshll.u32 s17, $0x7;
	s11 =	sshll.u32 s17, $0x4;
	s17 =	simm.s32 $0x80  }
0x10: {  	s9 =	sadd.s32 s6, s0;
	s0 =	sadd.s32 s7, s0;
	[dreg:$0x4] =	wrdreg s10  }
0x11: {  	s14 =	sadd.s32 s12, s2;
	s12 =	sadd.s32 s18, s2;
	s19 =	sadd.s32 s13, s2  }
0x12: {  	s7 =	sshll.u32 s26, $0x4;
	s10 =	sshll.u32 s16, $0x4;
	[dreg:$0x5] =	wrdreg s14  }
0x13: {  	s5 =	smax.u32 s5, $0x1;
	s1 =	sadd.s32 s6, s1;
	[dreg:$0x6] =	wrdreg s12  }
0x14: {  	s13 =	simm.s32 $0x14000;
	s16 =	simm.s32 $0x1C400;
	[dreg:$0x7] =	wrdreg s19  }
0x15: {  	s18 =	simm.s32 $0x1C080;
	s14 =	sshll.u32 s8, $0x7;
	[dreg:$0x9] =	wrdreg s5  }
0x16: {  	s0 =	sadd.s32 $0x33E00, s0;
	s8 =	sshll.u32 s8, $0x4;
	[dreg:$0xa] =	wrdreg s1  }
0x17: {  	s22 =	sadd.s32 $0x1E00, s9;
	s19 =	simm.s32 $0x18000;
	s1 =	simm.s32 $0x1C500  }
0x18: {  	s12 =	simm.s32 $0x1C280;
	s20 =	sadd.s32 s14, s2;
	[dreg:$0xb] =	wrdreg s22  }
0x19: {  	s5 =	simm.s32 $0x1C780;
	s23 =	sadd.s32 s21, s0;
	[dreg:$0x8] =	wrdreg s20  }
0x1a: {  	s14 =	simm.s32 $0x5;
	s24 =	sadd.s32 s7, s0;
	[dreg:$0xc] =	wrdreg s23  }
0x1b: {  	s25 =	sadd.s32 s10, s0;
	s26 =	sadd.s32 s11, s0;
	[dreg:$0xd] =	wrdreg s24  }
0x1c: {  	s0 =	sadd.s32 s8, s0;
	s10 =	simm.s32 $0x1C580;
	[dreg:$0xe] =	wrdreg s25  }
0x1d: {  	s11 =	simm.s32 $0x1C200;
	s21 =	simm.s32 $0x1C680;
	[dreg:$0xf] =	wrdreg s26  }
0x1e: {  	s22 =	simm.s32 $0x1C300;
	s7 =	simm.s32 $0x0;
	[dreg:$0x10] =	wrdreg s0  }
0x1f: {  	s25 =	simm.s32 $0x1;
	s26 =	simm.s32 $0x2;
	s0 =	simm.s32 $0x1C180  }
0x20: {  	v0 =	vimm.f32 $0.0e+00;
	s20 =	simm.s32 $0x1C600;
	s23 =	simm.s32 $0x1C380;
	s24 =	simm.s32 $0x1C700  }
.LBB2_1:
0x21: {  	[dreg:$0x11] =	wrdreg s7;
	s7 =	simm.s32 $0x0;
	s8 =	simm.s32 $0x200  }
.LBB2_2:
0x22: {  	p1 =	sne.s32 s8, $0xFE00;
	[tilespmem:s7+$0x14070] =	vst v0  }
0x23: {  	[tilespmem:s7+$0x14000] =	vst v0  }
0x24: {  	[tilespmem:s7+$0x14010] =	vst v0  }
.Ltmp0:
0x25: {  	[tilespmem:s7+$0x14020] =	vst v0;
	(pc) =	sbr.rel @p1 .LBB2_2-.Ltmp0, $4  }
0x26: {  	[tilespmem:s7+$0x14030] =	vst v0  }
0x27: {  	[tilespmem:s7+$0x14040] =	vst v0  }
0x28: {  	[tilespmem:s7+$0x14050] =	vst v0  }
0x29: {  	[tilespmem:s7+$0x14060] =	vst v0;
	s7 =	sshra.s32 s8, $0x2;
	s8 =	sadd.s32 $0x200, s8  }
0x2a: {  	[tilespmem:s7+$0x14070] =	vst v0  }
0x2b: {  	[tilespmem:s7+$0x14000] =	vst v0  }
0x2c: {  	[tilespmem:s7+$0x14010] =	vst v0  }
0x2d: {  	[tilespmem:s7+$0x14020] =	vst v0  }
0x2e: {  	[tilespmem:s7+$0x14030] =	vst v0  }
0x2f: {  	[tilespmem:s7+$0x14040] =	vst v0  }
0x30: {  	[tilespmem:s7+$0x14050] =	vst v0  }
0x31: {  	[tilespmem:s7+$0x14060] =	vst v0;
	s6 =	rddreg [dreg:$0x4]  }
0x32: {  	[spmem:s6] =	stream.linear.scatter [tilespmem:s13], [sflag:$0x5], $0x4000, $0x38;
	[tilespmem:$0x1C800] =	vst v63  }
0x33: {  	_ =	swait.ge [sflag:s14], $0x4000  }
0x34: {  	[sflag:s14] =	ssyncset.done $0x0  }
0x35: {  	s9 =	rddreg [dreg:$0x5];
	[sflag:s14] =	ssyncadd.s32 $0xFFFFC000  }
0x36: {  	[spmem:s9] =	stream.linear.scatter [tilespmem:s13], [sflag:$0x5], $0x4000, $0x38;
	[tilespmem:$0x1C800] =	vst v63  }
0x37: {  	_ =	swait.ge [sflag:s14], $0x4000  }
0x38: {  	[sflag:s14] =	ssyncset.done $0x0  }
0x39: {  	s7 =	rddreg [dreg:$0x6];
	[sflag:s14] =	ssyncadd.s32 $0xFFFFC000  }
0x3a: {  	[spmem:s7] =	stream.linear.scatter [tilespmem:s13], [sflag:$0x5], $0x4000, $0x38;
	[tilespmem:$0x1C800] =	vst v63  }
0x3b: {  	_ =	swait.ge [sflag:s14], $0x4000  }
0x3c: {  	[sflag:s14] =	ssyncset.done $0x0  }
0x3d: {  	s8 =	rddreg [dreg:$0x7];
	[sflag:s14] =	ssyncadd.s32 $0xFFFFC000  }
0x3e: {  	[spmem:s8] =	stream.linear.scatter [tilespmem:s13], [sflag:$0x5], $0x4000, $0x38;
	[tilespmem:$0x1C800] =	vst v63  }
0x3f: {  	_ =	swait.ge [sflag:s14], $0x4000  }
0x40: {  	[sflag:s14] =	ssyncset.done $0x0  }
0x41: {  	s9 =	rddreg [dreg:$0x8];
	[sflag:s14] =	ssyncadd.s32 $0xFFFFC000  }
0x42: {  	[spmem:s9] =	stream.linear.scatter [tilespmem:s13], [sflag:$0x5], $0x4000, $0x38;
	[tilespmem:$0x1C800] =	vst v63  }
0x43: {  	_ =	swait.ge [sflag:s14], $0x4000  }
0x44: {  	[sflag:s14] =	ssyncset.done $0x0  }
0x45: {  	[sflag:s14] =	ssyncadd.s32 $0xFFFFC000  }
0x46: {  	[bflag:$0x0] =	sbarrier.arrive $0xFFFF  }
0x47: {  	s7 =	rddreg [dreg:$0xb]  }
0x48: {  	s9 =	simm.s32 $0x0;
	s8 =	rddreg [dreg:$0xa]  }
.LBB2_4:
0x49: {  	p1 =	seq.s32 s9, $0x0  }
0x4a: {  	s6 =	simm.s32 @!p1 $0x3  }
0x4b: {  	_ =	swait.ge @!p1 [sflag:s6], $0x4000  }
0x4c: {  	[sflag:s6] =	ssyncset.done @!p1 $0x0  }
0x4d: {  	[sflag:s6] =	ssyncadd.s32 @!p1 $0xFFFFC000;
	s6 =	simm.s32 @!p1 $0x4  }
0x4e: {  	_ =	swait.ge @!p1 [sflag:s6], $0x4000  }
0x4f: {  	[sflag:s6] =	ssyncset.done @!p1 $0x0  }
0x50: {  	[sflag:s6] =	ssyncadd.s32 @!p1 $0xFFFFC000  }
0x51: {  	[tilespmem:s15], [sflag:$0x5] =	stream.linear.gather [hbm4b:s7+s3], $0x400, $0x38;
	[tilespmem:$0x1C800] =	vst v63  }
0x52: {  	_ =	swait.ge [sflag:s14], $0x400  }
0x53: {  	[sflag:s14] =	ssyncset.done $0x0  }
0x54: {  	[sflag:s14] =	ssyncadd.s32 $0xFFFFFC00  }
0x55: {  	[tilespmem:s16], [sflag:$0x5] =	stream.linear.gather [hbm4b:s8+s3], $0x400, $0x38;
	[tilespmem:$0x1C800] =	vst v63  }
0x56: {  	_ =	swait.ge [sflag:s14], $0x400  }
0x57: {  	[sflag:s14] =	ssyncset.done $0x0  }
0x58: {  	[sflag:s14] =	ssyncadd.s32 $0xFFFFFC00  }
0x59: {  	[tilespmem:s13], [sflag:$0x1] =	stream.indirect.gather [hbm4b:s4+s17], $0x80, s15, s17, $0xb8;
	[tilespmem:$0x1C800] =	vst v63  }
0x5a: {  	_ = 	snop  }
0x5b: {  	[tilespmem:s19], [sflag:$0x2] =	stream.indirect.gather [hbm4b:s4+s17], $0x80, s18, s17, $0xb8;
	[tilespmem:$0x1C800] =	vst v63  }
0x5c: {  	_ =	swait.ge [sflag:s25], $0x4000  }
0x5d: {  	[sflag:s25] =	ssyncset.done $0x0  }
0x5e: {  	[sflag:s25] =	ssyncadd.s32 $0xFFFFC000  }
0x5f: {  	[spmem:s2] =	stream.indirect.scatter.add.f32 [tilespmem:s13], [sflag:$0x3], $0x80, s16, s17, $0xb8;
	[tilespmem:$0x1C800] =	vst v63  }
0x60: {  	_ =	swait.ge [sflag:s26], $0x4000  }
0x61: {  	[sflag:s26] =	ssyncset.done $0x0  }
0x62: {  	[sflag:s26] =	ssyncadd.s32 $0xFFFFC000  }
0x63: {  	[spmem:s2] =	stream.indirect.scatter.add.f32 [tilespmem:s19], [sflag:$0x4], $0x80, s28, s17, $0xb8;
	[tilespmem:$0x1C800] =	vst v63  }
0x64: {  	_ =	swait.ge [sflag:s29], $0x4000  }
0x65: {  	[sflag:s29] =	ssyncset.done $0x0  }
0x66: {  	[sflag:s29] =	ssyncadd.s32 $0xFFFFC000  }
0x67: {  	_ =	swait.ge [sflag:s30], $0x4000  }
0x68: {  	[sflag:s30] =	ssyncset.done $0x0  }
0x69: {  	[sflag:s30] =	ssyncadd.s32 $0xFFFFC000  }
0x6a: {  	[tilespmem:s13], [sflag:$0x1] =	stream.indirect.gather [hbm4b:s4+s17], $0x80, s31, s17, $0xb8;
	[tilespmem:$0x1C800] =	vst v63  }
0x6b: {  	_ = 	snop  }
0x6c: {  	[tilespmem:s19], [sflag:$0x2] =	stream.indirect.gather [hbm4b:s4+s17], $0x80, s0, s17, $0xb8;
	[tilespmem:$0x1C800] =	vst v63  }
0x6d: {  	_ =	swait.ge [sflag:s25], $0x4000  }
0x6e: {  	[sflag:s25] =	ssyncset.done $0x0  }
0x6f: {  	[sflag:s25] =	ssyncadd.s32 $0xFFFFC000  }
0x70: {  	[spmem:s2] =	stream.indirect.scatter.add.f32 [tilespmem:s13], [sflag:$0x3], $0x80, s1, s17, $0xb8;
	[tilespmem:$0x1C800] =	vst v63  }
0x71: {  	_ =	swait.ge [sflag:s26], $0x4000  }
0x72: {  	[sflag:s26] =	ssyncset.done $0x0  }
0x73: {  	[sflag:s26] =	ssyncadd.s32 $0xFFFFC000  }
0x74: {  	[spmem:s2] =	stream.indirect.scatter.add.f32 [tilespmem:s19], [sflag:$0x4], $0x80, s10, s17, $0xb8;
	[tilespmem:$0x1C800] =	vst v63  }
0x75: {  	_ =	swait.ge [sflag:s29], $0x4000  }
0x76: {  	[sflag:s29] =	ssyncset.done $0x0  }
0x77: {  	[sflag:s29] =	ssyncadd.s32 $0xFFFFC000  }
0x78: {  	_ =	swait.ge [sflag:s30], $0x4000  }
0x79: {  	[sflag:s30] =	ssyncset.done $0x0  }
0x7a: {  	[sflag:s30] =	ssyncadd.s32 $0xFFFFC000  }
0x7b: {  	[tilespmem:s13], [sflag:$0x1] =	stream.indirect.gather [hbm4b:s4+s17], $0x80, s11, s17, $0xb8;
	[tilespmem:$0x1C800] =	vst v63  }
0x7c: {  	_ = 	snop  }
0x7d: {  	[tilespmem:s19], [sflag:$0x2] =	stream.indirect.gather [hbm4b:s4+s17], $0x80, s12, s17, $0xb8;
	[tilespmem:$0x1C800] =	vst v63  }
0x7e: {  	_ =	swait.ge [sflag:s25], $0x4000  }
0x7f: {  	[sflag:s25] =	ssyncset.done $0x0  }
0x80: {  	[sflag:s25] =	ssyncadd.s32 $0xFFFFC000  }
0x81: {  	[spmem:s2] =	stream.indirect.scatter.add.f32 [tilespmem:s13], [sflag:$0x3], $0x80, s20, s17, $0xb8;
	[tilespmem:$0x1C800] =	vst v63  }
0x82: {  	_ =	swait.ge [sflag:s26], $0x4000  }
0x83: {  	[sflag:s26] =	ssyncset.done $0x0  }
0x84: {  	[sflag:s26] =	ssyncadd.s32 $0xFFFFC000  }
0x85: {  	[spmem:s2] =	stream.indirect.scatter.add.f32 [tilespmem:s19], [sflag:$0x4], $0x80, s21, s17, $0xb8;
	[tilespmem:$0x1C800] =	vst v63  }
0x86: {  	_ =	swait.ge [sflag:s29], $0x4000  }
0x87: {  	[sflag:s29] =	ssyncset.done $0x0  }
0x88: {  	[sflag:s29] =	ssyncadd.s32 $0xFFFFC000  }
0x89: {  	_ =	swait.ge [sflag:s30], $0x4000  }
0x8a: {  	[sflag:s30] =	ssyncset.done $0x0  }
0x8b: {  	[sflag:s30] =	ssyncadd.s32 $0xFFFFC000  }
0x8c: {  	[tilespmem:s13], [sflag:$0x1] =	stream.indirect.gather [hbm4b:s4+s17], $0x80, s22, s17, $0xb8;
	[tilespmem:$0x1C800] =	vst v63  }
0x8d: {  	_ = 	snop  }
0x8e: {  	[tilespmem:s19], [sflag:$0x2] =	stream.indirect.gather [hbm4b:s4+s17], $0x80, s23, s17, $0xb8;
	[tilespmem:$0x1C800] =	vst v63  }
0x8f: {  	p6 =	slt.u32 s9, $0x12;
	_ =	swait.ge [sflag:s25], $0x4000  }
0x90: {  	p1 =	por !p0, !p6;
	[sflag:s25] =	ssyncset.done $0x0  }
0x91: {  	p1 =	por !p1, !p1;
	[sflag:s25] =	ssyncadd.s32 $0xFFFFC000  }
0x92: {  	[spmem:s2] =	stream.indirect.scatter.add.f32 [tilespmem:s13], [sflag:$0x3], $0x80, s24, s17, $0xb8;
	[tilespmem:$0x1C800] =	vst v63  }
.Ltmp1:
0x93: {  	_ = 	snop;
	(pc) =	sbr.rel @p1 .LBB2_4-.Ltmp1, $4  }
0x94: {  	_ =	swait.ge [sflag:s26], $0x4000  }
0x95: {  	s9 =	sadd.s32 $0x1, s9;
	[sflag:s26] =	ssyncset.done $0x0  }
0x96: {  	s7 =	sadd.s32 $0x80, s7;
	s8 =	sadd.s32 $0x80, s8;
	[sflag:s26] =	ssyncadd.s32 $0xFFFFC000  }
0x97: {  	[spmem:s2] =	stream.indirect.scatter.add.f32 [tilespmem:s19], [sflag:$0x4], $0x80, s5, s17, $0xb8;
	[tilespmem:$0x1C800] =	vst v63  }
0x98: {  	_ =	swait.ge [sflag:s29], $0x4000  }
0x99: {  	[sflag:s29] =	ssyncset.done $0x0  }
0x9a: {  	[sflag:s29] =	ssyncadd.s32 $0xFFFFC000  }
0x9b: {  	_ =	swait.ge [sflag:s30], $0x4000  }
0x9c: {  	[sflag:s30] =	ssyncset.done $0x0  }
0x9d: {  	[sflag:s30] =	ssyncadd.s32 $0xFFFFC000  }
0x9e: {  	[bflag:$0x0] =	sbarrier.arrive $0xFFFF  }
0x9f: {  	s6 =	rddreg [dreg:$0x4]  }
0xa0: {  	[tilespmem:s13], [sflag:$0x5] =	stream.linear.gather [spmem:s6], $0x4000, $0x38;
	[tilespmem:$0x1C800] =	vst v63  }
0xa1: {  	_ =	swait.ge [sflag:s14], $0x4000  }
0xa2: {  	[sflag:s14] =	ssyncset.done $0x0  }
0xa3: {  	s9 =	rddreg [dreg:$0xc];
	[sflag:s14] =	ssyncadd.s32 $0xFFFFC000  }
0xa4: {  	[hbm4b:s9+s3] =	stream.linear.scatter [tilespmem:s13], [sflag:$0x5], $0x4000, $0x38;
	[tilespmem:$0x1C800] =	vst v63  }
0xa5: {  	_ =	swait.ge [sflag:s14], $0x4000  }
0xa6: {  	[sflag:s14] =	ssyncset.done $0x0  }
0xa7: {  	s7 =	rddreg [dreg:$0x5];
	[sflag:s14] =	ssyncadd.s32 $0xFFFFC000  }
0xa8: {  	[tilespmem:s13], [sflag:$0x5] =	stream.linear.gather [spmem:s7], $0x4000, $0x38;
	[tilespmem:$0x1C800] =	vst v63  }
0xa9: {  	_ =	swait.ge [sflag:s14], $0x4000  }
0xaa: {  	[sflag:s14] =	ssyncset.done $0x0  }
0xab: {  	s8 =	rddreg [dreg:$0xd];
	[sflag:s14] =	ssyncadd.s32 $0xFFFFC000  }
0xac: {  	[hbm4b:s8+s3] =	stream.linear.scatter [tilespmem:s13], [sflag:$0x5], $0x4000, $0x38;
	[tilespmem:$0x1C800] =	vst v63  }
0xad: {  	_ =	swait.ge [sflag:s14], $0x4000  }
0xae: {  	[sflag:s14] =	ssyncset.done $0x0  }
0xaf: {  	s9 =	rddreg [dreg:$0x6];
	[sflag:s14] =	ssyncadd.s32 $0xFFFFC000  }
0xb0: {  	[tilespmem:s13], [sflag:$0x5] =	stream.linear.gather [spmem:s9], $0x4000, $0x38;
	[tilespmem:$0x1C800] =	vst v63  }
0xb1: {  	_ =	swait.ge [sflag:s14], $0x4000  }
0xb2: {  	[sflag:s14] =	ssyncset.done $0x0  }
0xb3: {  	s7 =	rddreg [dreg:$0xe];
	[sflag:s14] =	ssyncadd.s32 $0xFFFFC000  }
0xb4: {  	[hbm4b:s7+s3] =	stream.linear.scatter [tilespmem:s13], [sflag:$0x5], $0x4000, $0x38;
	[tilespmem:$0x1C800] =	vst v63  }
0xb5: {  	_ =	swait.ge [sflag:s14], $0x4000  }
0xb6: {  	[sflag:s14] =	ssyncset.done $0x0  }
0xb7: {  	s8 =	rddreg [dreg:$0x7];
	[sflag:s14] =	ssyncadd.s32 $0xFFFFC000  }
0xb8: {  	[tilespmem:s13], [sflag:$0x5] =	stream.linear.gather [spmem:s8], $0x4000, $0x38;
	[tilespmem:$0x1C800] =	vst v63  }
0xb9: {  	_ =	swait.ge [sflag:s14], $0x4000  }
0xba: {  	[sflag:s14] =	ssyncset.done $0x0  }
0xbb: {  	s9 =	rddreg [dreg:$0xf];
	[sflag:s14] =	ssyncadd.s32 $0xFFFFC000  }
0xbc: {  	[hbm4b:s9+s3] =	stream.linear.scatter [tilespmem:s13], [sflag:$0x5], $0x4000, $0x38;
	[tilespmem:$0x1C800] =	vst v63  }
0xbd: {  	_ =	swait.ge [sflag:s14], $0x4000  }
0xbe: {  	[sflag:s14] =	ssyncset.done $0x0  }
0xbf: {  	s7 =	rddreg [dreg:$0x8];
	[sflag:s14] =	ssyncadd.s32 $0xFFFFC000  }
0xc0: {  	[tilespmem:s13], [sflag:$0x5] =	stream.linear.gather [spmem:s7], $0x4000, $0x38;
	[tilespmem:$0x1C800] =	vst v63  }
0xc1: {  	_ =	swait.ge [sflag:s14], $0x4000  }
0xc2: {  	[sflag:s14] =	ssyncset.done $0x0  }
0xc3: {  	s8 =	rddreg [dreg:$0x10];
	[sflag:s14] =	ssyncadd.s32 $0xFFFFC000  }
0xc4: {  	[hbm4b:s8+s3] =	stream.linear.scatter [tilespmem:s13], [sflag:$0x5], $0x4000, $0x38;
	[tilespmem:$0x1C800] =	vst v63  }
0xc5: {  	_ =	swait.ge [sflag:s14], $0x4000  }
0xc6: {  	s7 =	rddreg [dreg:$0x11]  }
0xc7: {  	s9 =	rddreg [dreg:$0x9];
	s7 =	sadd.s32 $0x1, s7  }
0xc8: {  	p1 =	sne.s32 s7, s9  }
.Ltmp2:
0xc9: {  	_ = 	snop;
	(pc) =	sbr.rel @p1 .LBB2_1-.Ltmp2, $3  }
0xca: {  	_ =	sdelay $0x1  }
0xcb: {  	[sflag:s14] =	ssyncset.done $0x0  }
0xcc: {  	[sflag:s14] =	ssyncadd.s32 $0xFFFFC000  }
0xcd: {  	_ =	sfence.sel $0x180000  }
0xce: {  	[bflag:$0x0] =	sbarrier.arrive $0xFFFF  }
0xcf: {  	_ =	strace $0x9000004A  }
0xd0: {  	s0 =	stileid.u32;
	[bflag:$0x2] =	sbarrier.arrive $0xFFFF  }
0xd1: {  	p0 =	sne.s32 s0, $0x0;
	s0 =	rddreg [dreg:$0x3]  }
0xd2: {  	s0 =	sadd.s32 @!p0 $0x100000, s0  }
0xd3: {  	[sflag:s0] =	ssyncadd.tile.s32 @!p0 $0x1;
	_ =	shalt  }
.Lfunc_end2:
_tile_overlayer_lowered:
.L_overlay_start_2:
0xd4: {  	(tag) =	ssettag $0x2  }
0xd5: {  	s0 =	rddreg [dreg:$0x0];
	s2 =	stileid.u32  }
0xd6: {  	s1 =	rddreg [dreg:$0x1];
	p0 =	sne.s32 s2, $0x0  }
0xd7: {  	s3 =	rddreg [dreg:$0x2];
	[bflag:$0x3] =	sbarrier.arrive $0xFFFF;
	s2 =	simm.s32 @!p0 $0x1C05  }
0xd8: {  	[timem:s3], [sflag:s2] =	dma.local @!p0 [hbm:s0], s1  }
0xd9: {  	s0 =	simm.s32 @!p0 $0x5  }
0xda: {  	_ =	swait.ge @!p0 [sflag:s0], s1  }
0xdb: {  	s1 =	ssub.s32 @!p0 $0x0, s1;
	[sflag:s0] =	ssyncset.done @!p0 $0x0  }
0xdc: {  	[sflag:s0] =	ssyncadd.s32 @!p0 s1  }
0xdd: {  	[bflag:$0x3] =	sbarrier.arrive $0xFFFF  }
0xde: {  	_ =	shalt  }

// kernel: kernel.14.cloned.1.call-start
scs
__scs_entry_jumppad:
0x0: {  	(pc) =	sbr.rel $0x88, $3  }
0x1: {  	(tag) =	ssettag $0x0;
	lr =	simm.s32 $0x1  }
0x2: {  	[smem:$0x3F9B] =	sst lr;
	_ =	strace $0xD0000000  }
0x3: {  	_ = 	snop  }
0x4: {  	_ = 	snop  }
0x5: {  	_ = 	snop  }
0x6: {  	_ = 	snop  }
0x7: {  	_ = 	snop  }
__scs_overlays_trampoline_lowered:
0x8: {  	[smem:$0x3FAA] =	sst s0  }
0x9: {  	[smem:$0x3FAB] =	sst s1  }
0xa: {  	[smem:$0x3FAC] =	sst s2  }
0xb: {  	[smem:$0x3FAD] =	sst s3  }
0xc: {  	[smem:$0x3FAE] =	sst s4  }
0xd: {  	[smem:$0x3FAF] =	sst s5  }
0xe: {  	[smem:$0x3FB0] =	sst s6  }
0xf: {  	[smem:$0x3FB1] =	sst s7  }
0x10: {  	[smem:$0x3FB2] =	sst s8  }
0x11: {  	[smem:$0x3FB3] =	sst s9;
	s0 =	simm.s32 @!p0 $0x0  }
0x12: {  	s1 =	sld [smem:$0x3F99];
	s0 =	simm.s32 @p0 $0x1  }
0x13: {  	[smem:$0x3FB4] =	sst s0;
	s0 =	simm.s32 @!p1 $0x0  }
0x14: {  	s2 =	sld [smem:$0x3F98];
	s0 =	simm.s32 @p1 $0x1  }
0x15: {  	[smem:$0x3FB5] =	sst s0;
	s0 =	simm.s32 @!p2 $0x0  }
0x16: {  	s3 =	sld [smem:$0x3FDB];
	s0 =	simm.s32 @p2 $0x1  }
0x17: {  	s4 =	simm.s32 $0x1BF5;
	[smem:$0x3FB7] =	sst s0  }
0x18: {  	s0 =	sld [smem:$0x3F9A];
	_ =	swait.ge [sflag:s4], $0x0  }
0x19: {  	s7 =	sld [smem:$0x3F9B]  }
0x1a: {  	s8 =	sadd.s32 $0xFFFFE003, lr  }
0x1b: {  	s9 =	sadd.s32 $0xFFFFFEF7, lr;
	s5 =	simm.s32 $0xFFFFFFFF;
	p2 =	slt.u32 s8, $0xFFFFF086  }
0x1c: {  	p1 =	slt.u32 s9, $0xF7A;
	s5 =	simm.s32 @!p2 $0x0  }
0x1d: {  	s5 =	simm.s32 @p1 $0x1;
	p0 =	seq.s32 s7, s2  }
0x1e: {  	s7 =	smul.u32 @!p0 $0xF7A, s2;
	p2 =	seq.s32 @!p0 s5, $0x0  }
0x1f: {  	s9 =	smul.u32 $0xF7A, s1;
	s8 =	simm.s32 @!p0 $0x1BF5;
	p2 =	por !p2, p0  }
0x20: {  	[sflag:s8] =	ssyncset.s32 @!p0 $0xFFFFF086;
	s6 =	sadd.s32 @!p0 s3, s7;
	s7 =	simm.s32 @!p0 $0x108  }
0x21: {  	s3 =	sadd.s32 s3, s9;
	s6 =	sadd.s32 @!p0 $0x88, s6;
	s7 =	simm.s32 @p2 $0x1082  }
0x22: {  	[simem:s7], [sflag:s8] =	dma.local @!p0 [hbm:s6], $0xF7A  }
0x23: {  	s9 =	sor.u32 $0xD0000000, s2;
	s6 =	simm.s32 $0x108;
	_ =	swait.ge @!p0 [sflag:s8], $0x0  }
0x24: {  	s3 =	sadd.s32 $0x88, s3;
	s6 =	simm.s32 @!p1 $0x1082;
	[sflag:s4] =	ssyncset.s32 $0xFFFFF086  }
0x25: {  	[simem:s6], [sflag:s4] =	dma.local [hbm:s3], $0xF7A  }
0x26: {  	[smem:$0x3F9B] =	sst s1;
	(tag) =	ssettag s2;
	_ =	strace s9  }
0x27: {  	s1 =	sld [smem:$0x3FAB]  }
0x28: {  	s2 =	sld [smem:$0x3FAC]  }
0x29: {  	s4 =	sld [smem:$0x3FAE]  }
0x2a: {  	p0 =	seq.s32 s5, $0x0;
	s5 =	sld [smem:$0x3FAF]  }
0x2b: {  	s6 =	sld [smem:$0x3FB0]  }
0x2c: {  	s7 =	sld [smem:$0x3FB1]  }
0x2d: {  	s3 =	simm.s32 $0x108;
	s8 =	sld [smem:$0x3FB2]  }
0x2e: {  	s3 =	simm.s32 @!p0 $0x1082;
	s9 =	sld [smem:$0x3FB3]  }
0x2f: {  	lr =	sadd.s32 s0, s3;
	s0 =	sld [smem:$0x3FAA]  }
0x30: {  	s3 =	sld [smem:$0x3FAD]  }
0x31: {  	[smem:$0x3FB6] =	sst s10  }
0x32: {  	s10 =	sld [smem:$0x3FB4];
	_ =	sdelay $0x3  }
0x33: {  	p0 =	seq.s32 s10, $0x1;
	s10 =	sld [smem:$0x3FB6];
	_ =	sdelay $0x3  }
0x34: {  	[smem:$0x3FB6] =	sst s10  }
0x35: {  	s10 =	sld [smem:$0x3FB5];
	_ =	sdelay $0x3  }
0x36: {  	p1 =	seq.s32 s10, $0x1;
	s10 =	sld [smem:$0x3FB6];
	_ =	sdelay $0x3  }
0x37: {  	[smem:$0x3FB6] =	sst s10  }
0x38: {  	s10 =	sld [smem:$0x3FB7]  }
0x39: {  	_ = 	snop;
	(pc) =	sbr.ind lr, $3  }
0x3a: {  	_ = 	snop  }
0x3b: {  	_ = 	snop  }
0x3c: {  	p2 =	seq.s32 s10, $0x1;
	s10 =	sld [smem:$0x3FB6]  }
0x3d: {  	_ =	shalt  }
0x3e: {  	_ =	shalt  }
0x3f: {  	_ =	shalt  }
0x40: {  	_ =	shalt  }
0x41: {  	_ =	shalt  }
0x42: {  	_ =	shalt  }
0x43: {  	_ =	shalt  }
0x44: {  	_ =	shalt  }
0x45: {  	_ =	shalt  }
0x46: {  	_ =	shalt  }
0x47: {  	_ =	shalt  }
0x48: {  	_ =	shalt  }
0x49: {  	_ =	shalt  }
0x4a: {  	_ =	shalt  }
0x4b: {  	_ =	shalt  }
0x4c: {  	_ =	shalt  }
0x4d: {  	_ =	shalt  }
0x4e: {  	_ =	shalt  }
0x4f: {  	_ =	shalt  }
0x50: {  	_ =	shalt  }
0x51: {  	_ =	shalt  }
0x52: {  	_ =	shalt  }
0x53: {  	_ =	shalt  }
0x54: {  	_ =	shalt  }
0x55: {  	_ =	shalt  }
0x56: {  	_ =	shalt  }
0x57: {  	_ =	shalt  }
0x58: {  	_ =	shalt  }
0x59: {  	_ =	shalt  }
0x5a: {  	_ =	shalt  }
0x5b: {  	_ =	shalt  }
0x5c: {  	_ =	shalt  }
0x5d: {  	_ =	shalt  }
0x5e: {  	_ =	shalt  }
0x5f: {  	_ =	shalt  }
0x60: {  	_ =	shalt  }
0x61: {  	_ =	shalt  }
0x62: {  	_ =	shalt  }
0x63: {  	_ =	shalt  }
0x64: {  	_ =	shalt  }
0x65: {  	_ =	shalt  }
0x66: {  	_ =	shalt  }
0x67: {  	_ =	shalt  }
0x68: {  	_ =	shalt  }
0x69: {  	_ =	shalt  }
0x6a: {  	_ =	shalt  }
0x6b: {  	_ =	shalt  }
0x6c: {  	_ =	shalt  }
0x6d: {  	_ =	shalt  }
0x6e: {  	_ =	shalt  }
0x6f: {  	_ =	shalt  }
0x70: {  	_ =	shalt  }
0x71: {  	_ =	shalt  }
0x72: {  	_ =	shalt  }
0x73: {  	_ =	shalt  }
0x74: {  	_ =	shalt  }
0x75: {  	_ =	shalt  }
0x76: {  	_ =	shalt  }
0x77: {  	_ =	shalt  }
0x78: {  	_ =	shalt  }
0x79: {  	_ =	shalt  }
0x7a: {  	_ =	shalt  }
0x7b: {  	_ =	shalt  }
0x7c: {  	_ =	shalt  }
0x7d: {  	_ =	shalt  }
0x7e: {  	_ =	shalt  }
0x7f: {  	_ =	shalt  }
0x80: {  	_ =	shalt  }
0x81: {  	_ =	shalt  }
0x82: {  	_ =	shalt  }
0x83: {  	_ =	shalt  }
0x84: {  	_ =	shalt  }
0x85: {  	_ =	shalt  }
0x86: {  	_ =	shalt  }
0x87: {  	_ =	shalt  }
.Lfunc_end0:
.L_simem_size_0:
called_computation.2_lowered:
.L_overlay_start_0:
0x88: {  	s2 =	sld [smem:$0x3FD9]  }
0x89: {  	s3 =	sld [smem:$0x3FFE];
	_ =	sdelay $0x1  }
0x8a: {  	s1 =	srdreg.scid  }
0x8b: {  	s0 =	sand.u32 $0x1, s1  }
0x8c: {  	s17 =	sshll.u32 s0, $0xA;
	s2 =	sadd.s32 s3, s2  }
0x8d: {  	s2 =	sadd.s32 s2, s17  }
0x8e: {  	[smem:$0x3FC2] =	sst s2  }
0x8f: {  	_ = 	snop  }
0x90: {  	s2 =	sld [smem:$0x3FD0];
	(tm) =	ssettm $0x1  }
0x91: {  	s18 =	sld [smem:$0x3FFB];
	_ =	sdelay $0x3  }
0x92: {  	_ =	strace s18  }
0x93: {  	s3 =	sld [smem:$0x3FFC];
	_ =	sdelay $0x3  }
0x94: {  	_ =	strace s3  }
0x95: {  	s3 =	sld [smem:$0x3FFD];
	_ =	sdelay $0x3  }
0x96: {  	_ =	strace s3  }
0x97: {  	_ =	strace $0x8FFFFFFF  }
0x98: {  	s19 =	sld [smem:$0x3FDB];
	_ =	sdelay $0x1  }
0x99: {  	s4 =	simm.s32 $_scs_section_size  }
0x9a: {  	s5 =	simm.s32 $_size__tile_overlayer_lowered;
	s6 =	simm.s32 $_tile_overlayer_lowered  }
0x9b: {  	s22 =	simm.s32 $0x1BFF;
	s21 =	sshll.u32 s6, $0x1;
	s3 =	sadd.s32 s4, s19  }
0x9c: {  	s7 =	simm.s32 $0x0;
	s20 =	sshll.u32 s5, $0x1;
	s5 =	sadd.s32 s21, s3  }
0x9d: {  	[timem:s7], [sflag:s22] =	dma.local [hbm:s5], s20  }
0x9e: {  	_ =	swait.ge [sflag:s22], s20  }
0x9f: {  	s4 =	ssub.s32 $0x0, s20;
	[sflag:s22] =	ssyncset.done $0x0  }
0xa0: {  	[sflag:s22] =	ssyncadd.s32 s4;
	_ =	sdelay $0x1  }
0xa1: {  	s23 =	simm.s32 $0x1B8B  }
0xa2: {  	_ =	swait.ge [sflag:s23], $0x1  }
0xa3: {  	[sflag:s23] =	ssyncset.done $0x0  }
0xa4: {  	s25 =	simm.s32 $0x1B8E;
	s24 =	sld [smem:$0x3FFE];
	[sflag:s23] =	ssyncadd.s32 $0xFFFFFFFF  }
0xa5: {  	s26 =	simm.s32 $execute0_lowered;
	[smem:$0x3FD2] =	sst s25  }
0xa6: {  	s5 =	sshll.u32 s26, $0x1;
	_ =	strace $0x8000004C;
	[dreg:$0x1] =	wrdreg $0xFFFFFFFF  }
0xa7: {  	s28 =	simm.s32 $_size_execute0_lowered;
	s3 =	sadd.s32 s3, s5;
	[dreg:$0x0] =	wrdreg $0x0  }
0xa8: {  	s5 =	sshll.u32 s28, $0x1;
	[dreg:$0x2] =	wrdreg s3  }
0xa9: {  	[dreg:$0x3] =	wrdreg s5  }
0xaa: {  	[dreg:$0x4] =	wrdreg $0xC0  }
0xab: {  	_ =	task [dreg:s7], $0x5FFFF  }
0xac: {  	[dreg:$0x1] =	wrdreg $0xFFFFFFFF  }
0xad: {  	[dreg:$0x0] =	wrdreg $0x60  }
0xae: {  	[dreg:$0x2] =	wrdreg s24  }
0xaf: {  	[dreg:$0x3] =	wrdreg s2  }
0xb0: {  	[dreg:$0x4] =	wrdreg $0x0  }
0xb1: {  	[dreg:$0x5] =	wrdreg $0x9  }
0xb2: {  	_ =	task.clear_ibuf [dreg:s7], $0x6FFFF;
	_ =	strace $0x9000004C  }
0xb3: {  	s29 =	simm.s32 $0x9;
	_ =	strace $0x8000004E  }
0xb4: {  	_ =	swait.ge [sflag:s29], $0x1  }
0xb5: {  	[sflag:s29] =	ssyncadd.s32 $0xFFFFFFFF  }
0xb6: {  	_ =	strace $0x9000004E  }
0xb7: {  	_ =	sfence  }
0xb8: {  	s30 =	sld [smem:$0x0];
	_ =	sdelay $0x2  }
0xb9: {  	s31 =	sshll.u32 s1, $0xD;
	s1 =	sshrl.u32 s1, $0x2  }
0xba: {  	s3 =	sand.u32 $0x4000, s31;
	s1 =	sadd.s32 s1, s30  }
0xbb: {  	s0 =	sor.u32 s3, s0;
	s1 =	sshll.u32 s1, $0x11  }
0xbc: {  	s0 =	sor.u32 s1, s0  }
0xbd: {  	s0 =	sadd.s32 $0x8F2B, s0  }
0xbe: {  	[sflag:s0] =	ssyncadd.remote.s32 $0x1  }
0xbf: {  	_ =	sfence.sel $0xFFFF  }
0xc0: {  	[dreg:$0x0] =	wrdreg $0xFFFFFFFF;
	(pc) =	sbr.abs _section_cstart, $3  }
0xc1: {  	[dreg:$0x1] =	wrdreg $0xFFFFFFFF  }
0xc2: {  	_ =	task.clear_ibuf [dreg:s7], $0x2FFFF;
	_ =	strace $0x9FFFFFFF  }
0xc3: {  	(tm) =	ssettm $0x7FFFFFFF  }
tec
execute0_lowered:
.L_overlay_start_1:
0x0: {  	(tag) =	ssettag $0x1  }
0x1: {  	s0 =	rddreg [dreg:$0x0]  }
0x2: {  	s1 =	rddreg [dreg:$0x1]  }
0x3: {  	s2 =	rddreg [dreg:$0x2]  }
0x4: {  	s3 =	simm.s32 $0x0;
	s4 =	srdreg.scid;
	s15 =	stileid.u32  }
0x5: {  	s28 =	simm.s32 $0x1C480;
	s5 =	sand.u32 $0x1, s4;
	s4 =	smul.u32 $0x98, s15  }
0x6: {  	s29 =	simm.s32 $0x3;
	s30 =	simm.s32 $0x4;
	s8 =	smul.u32 $0x280, s15  }
0x7: {  	s31 =	simm.s32 $0x1C100;
	s6 =	sshll.u32 s15, $0x3;
	s10 =	smul.u32 $0x50000, s15  }
0x8: {  	[smem:$0x7FF] =	sst s3;
	s21 =	smul.u32 $0x2800, s15;
	s15 =	simm.s32 $0x1C000  }
0x9: {  	p0 =	seq.s32 s5, $0x1;
	s6 =	sor.u32 $0x980, s6;
	s7 =	smul.u32 $0x28000, s5  }
0xa: {  	_ =	strace $0x8000004D;
	s5 =	ssub.s32 $0x2, s5;
	s6 =	smov.u32 @p0 s4  }
0xb: {  	s4 =	sadd.s32 $0xBE00, s0;
	s26 =	sadd.s32 $0x80, s8;
	s11 =	sshrl.u32 s5, $0x1  }
0xc: {  	s10 =	sshrl.u32 s10, $0x2;
	s16 =	sadd.s32 $0x100, s8;
	s17 =	sadd.s32 $0x180, s8  }
0xd: {  	s8 =	sadd.s32 $0x200, s8;
	s6 =	sshll.u32 s6, $0x4;
	s12 =	sshll.u32 s26, $0x7  }
0xe: {  	s5 =	ssub.s32 s5, s11;
	s10 =	sadd.s32 s10, s2;
	s18 =	sshll.u32 s16, $0x7  }
0xf: {  	s13 =	sshll.u32 s17, $0x7;
	s11 =	sshll.u32 s17, $0x4;
	s17 =	simm.s32 $0x80  }
0x10: {  	s9 =	sadd.s32 s6, s0;
	s0 =	sadd.s32 s7, s0;
	[dreg:$0x4] =	wrdreg s10  }
0x11: {  	s14 =	sadd.s32 s12, s2;
	s12 =	sadd.s32 s18, s2;
	s19 =	sadd.s32 s13, s2  }
0x12: {  	s7 =	sshll.u32 s26, $0x4;
	s10 =	sshll.u32 s16, $0x4;
	[dreg:$0x5] =	wrdreg s14  }
0x13: {  	s5 =	smax.u32 s5, $0x1;
	s1 =	sadd.s32 s6, s1;
	[dreg:$0x6] =	wrdreg s12  }
0x14: {  	s13 =	simm.s32 $0x14000;
	s16 =	simm.s32 $0x1C400;
	[dreg:$0x7] =	wrdreg s19  }
0x15: {  	s18 =	simm.s32 $0x1C080;
	s14 =	sshll.u32 s8, $0x7;
	[dreg:$0x9] =	wrdreg s5  }
0x16: {  	s0 =	sadd.s32 $0x33E00, s0;
	s8 =	sshll.u32 s8, $0x4;
	[dreg:$0xa] =	wrdreg s1  }
0x17: {  	s22 =	sadd.s32 $0x1E00, s9;
	s19 =	simm.s32 $0x18000;
	s1 =	simm.s32 $0x1C500  }
0x18: {  	s12 =	simm.s32 $0x1C280;
	s20 =	sadd.s32 s14, s2;
	[dreg:$0xb] =	wrdreg s22  }
0x19: {  	s5 =	simm.s32 $0x1C780;
	s23 =	sadd.s32 s21, s0;
	[dreg:$0x8] =	wrdreg s20  }
0x1a: {  	s14 =	simm.s32 $0x5;
	s24 =	sadd.s32 s7, s0;
	[dreg:$0xc] =	wrdreg s23  }
0x1b: {  	s25 =	sadd.s32 s10, s0;
	s26 =	sadd.s32 s11, s0;
	[dreg:$0xd] =	wrdreg s24  }
0x1c: {  	s0 =	sadd.s32 s8, s0;
	s10 =	simm.s32 $0x1C580;
	[dreg:$0xe] =	wrdreg s25  }
0x1d: {  	s11 =	simm.s32 $0x1C200;
	s21 =	simm.s32 $0x1C680;
	[dreg:$0xf] =	wrdreg s26  }
0x1e: {  	s22 =	simm.s32 $0x1C300;
	s7 =	simm.s32 $0x0;
	[dreg:$0x10] =	wrdreg s0  }
0x1f: {  	s25 =	simm.s32 $0x1;
	s26 =	simm.s32 $0x2;
	s0 =	simm.s32 $0x1C180  }
0x20: {  	v0 =	vimm.f32 $0.0e+00;
	s20 =	simm.s32 $0x1C600;
	s23 =	simm.s32 $0x1C380;
	s24 =	simm.s32 $0x1C700  }
.LBB2_1:
0x21: {  	[dreg:$0x11] =	wrdreg s7;
	s7 =	simm.s32 $0x0;
	s8 =	simm.s32 $0x200  }
.LBB2_2:
0x22: {  	p1 =	sne.s32 s8, $0xFE00;
	[tilespmem:s7+$0x14070] =	vst v0  }
0x23: {  	[tilespmem:s7+$0x14000] =	vst v0  }
0x24: {  	[tilespmem:s7+$0x14010] =	vst v0  }
.Ltmp0:
0x25: {  	[tilespmem:s7+$0x14020] =	vst v0;
	(pc) =	sbr.rel @p1 .LBB2_2-.Ltmp0, $4  }
0x26: {  	[tilespmem:s7+$0x14030] =	vst v0  }
0x27: {  	[tilespmem:s7+$0x14040] =	vst v0  }
0x28: {  	[tilespmem:s7+$0x14050] =	vst v0  }
0x29: {  	[tilespmem:s7+$0x14060] =	vst v0;
	s7 =	sshra.s32 s8, $0x2;
	s8 =	sadd.s32 $0x200, s8  }
0x2a: {  	[tilespmem:s7+$0x14070] =	vst v0  }
0x2b: {  	[tilespmem:s7+$0x14000] =	vst v0  }
0x2c: {  	[tilespmem:s7+$0x14010] =	vst v0  }
0x2d: {  	[tilespmem:s7+$0x14020] =	vst v0  }
0x2e: {  	[tilespmem:s7+$0x14030] =	vst v0  }
0x2f: {  	[tilespmem:s7+$0x14040] =	vst v0  }
0x30: {  	[tilespmem:s7+$0x14050] =	vst v0  }
0x31: {  	[tilespmem:s7+$0x14060] =	vst v0;
	s6 =	rddreg [dreg:$0x4]  }
0x32: {  	[spmem:s6] =	stream.linear.scatter [tilespmem:s13], [sflag:$0x5], $0x4000, $0x38;
	[tilespmem:$0x1C800] =	vst v63  }
0x33: {  	_ =	swait.ge [sflag:s14], $0x4000  }
0x34: {  	[sflag:s14] =	ssyncset.done $0x0  }
0x35: {  	s9 =	rddreg [dreg:$0x5];
	[sflag:s14] =	ssyncadd.s32 $0xFFFFC000  }
0x36: {  	[spmem:s9] =	stream.linear.scatter [tilespmem:s13], [sflag:$0x5], $0x4000, $0x38;
	[tilespmem:$0x1C800] =	vst v63  }
0x37: {  	_ =	swait.ge [sflag:s14], $0x4000  }
0x38: {  	[sflag:s14] =	ssyncset.done $0x0  }
0x39: {  	s7 =	rddreg [dreg:$0x6];
	[sflag:s14] =	ssyncadd.s32 $0xFFFFC000  }
0x3a: {  	[spmem:s7] =	stream.linear.scatter [tilespmem:s13], [sflag:$0x5], $0x4000, $0x38;
	[tilespmem:$0x1C800] =	vst v63  }
0x3b: {  	_ =	swait.ge [sflag:s14], $0x4000  }
0x3c: {  	[sflag:s14] =	ssyncset.done $0x0  }
0x3d: {  	s8 =	rddreg [dreg:$0x7];
	[sflag:s14] =	ssyncadd.s32 $0xFFFFC000  }
0x3e: {  	[spmem:s8] =	stream.linear.scatter [tilespmem:s13], [sflag:$0x5], $0x4000, $0x38;
	[tilespmem:$0x1C800] =	vst v63  }
0x3f: {  	_ =	swait.ge [sflag:s14], $0x4000  }
0x40: {  	[sflag:s14] =	ssyncset.done $0x0  }
0x41: {  	s9 =	rddreg [dreg:$0x8];
	[sflag:s14] =	ssyncadd.s32 $0xFFFFC000  }
0x42: {  	[spmem:s9] =	stream.linear.scatter [tilespmem:s13], [sflag:$0x5], $0x4000, $0x38;
	[tilespmem:$0x1C800] =	vst v63  }
0x43: {  	_ =	swait.ge [sflag:s14], $0x4000  }
0x44: {  	[sflag:s14] =	ssyncset.done $0x0  }
0x45: {  	[sflag:s14] =	ssyncadd.s32 $0xFFFFC000  }
0x46: {  	[bflag:$0x0] =	sbarrier.arrive $0xFFFF  }
0x47: {  	s7 =	rddreg [dreg:$0xb]  }
0x48: {  	s9 =	simm.s32 $0x0;
	s8 =	rddreg [dreg:$0xa]  }
.LBB2_4:
0x49: {  	p1 =	seq.s32 s9, $0x0  }
0x4a: {  	s6 =	simm.s32 @!p1 $0x3  }
0x4b: {  	_ =	swait.ge @!p1 [sflag:s6], $0x4000  }
0x4c: {  	[sflag:s6] =	ssyncset.done @!p1 $0x0  }
0x4d: {  	[sflag:s6] =	ssyncadd.s32 @!p1 $0xFFFFC000;
	s6 =	simm.s32 @!p1 $0x4  }
0x4e: {  	_ =	swait.ge @!p1 [sflag:s6], $0x4000  }
0x4f: {  	[sflag:s6] =	ssyncset.done @!p1 $0x0  }
0x50: {  	[sflag:s6] =	ssyncadd.s32 @!p1 $0xFFFFC000  }
0x51: {  	[tilespmem:s15], [sflag:$0x5] =	stream.linear.gather [hbm4b:s7+s3], $0x400, $0x38;
	[tilespmem:$0x1C800] =	vst v63  }
0x52: {  	_ =	swait.ge [sflag:s14], $0x400  }
0x53: {  	[sflag:s14] =	ssyncset.done $0x0  }
0x54: {  	[sflag:s14] =	ssyncadd.s32 $0xFFFFFC00  }
0x55: {  	[tilespmem:s16], [sflag:$0x5] =	stream.linear.gather [hbm4b:s8+s3], $0x400, $0x38;
	[tilespmem:$0x1C800] =	vst v63  }
0x56: {  	_ =	swait.ge [sflag:s14], $0x400  }
0x57: {  	[sflag:s14] =	ssyncset.done $0x0  }
0x58: {  	[sflag:s14] =	ssyncadd.s32 $0xFFFFFC00  }
0x59: {  	[tilespmem:s13], [sflag:$0x1] =	stream.indirect.gather [hbm4b:s4+s17], $0x80, s15, s17, $0xb8;
	[tilespmem:$0x1C800] =	vst v63  }
0x5a: {  	_ = 	snop  }
0x5b: {  	[tilespmem:s19], [sflag:$0x2] =	stream.indirect.gather [hbm4b:s4+s17], $0x80, s18, s17, $0xb8;
	[tilespmem:$0x1C800] =	vst v63  }
0x5c: {  	_ =	swait.ge [sflag:s25], $0x4000  }
0x5d: {  	[sflag:s25] =	ssyncset.done $0x0  }
0x5e: {  	[sflag:s25] =	ssyncadd.s32 $0xFFFFC000  }
0x5f: {  	[spmem:s2] =	stream.indirect.scatter.add.f32 [tilespmem:s13], [sflag:$0x3], $0x80, s16, s17, $0xb8;
	[tilespmem:$0x1C800] =	vst v63  }
0x60: {  	_ =	swait.ge [sflag:s26], $0x4000  }
0x61: {  	[sflag:s26] =	ssyncset.done $0x0  }
0x62: {  	[sflag:s26] =	ssyncadd.s32 $0xFFFFC000  }
0x63: {  	[spmem:s2] =	stream.indirect.scatter.add.f32 [tilespmem:s19], [sflag:$0x4], $0x80, s28, s17, $0xb8;
	[tilespmem:$0x1C800] =	vst v63  }
0x64: {  	_ =	swait.ge [sflag:s29], $0x4000  }
0x65: {  	[sflag:s29] =	ssyncset.done $0x0  }
0x66: {  	[sflag:s29] =	ssyncadd.s32 $0xFFFFC000  }
0x67: {  	_ =	swait.ge [sflag:s30], $0x4000  }
0x68: {  	[sflag:s30] =	ssyncset.done $0x0  }
0x69: {  	[sflag:s30] =	ssyncadd.s32 $0xFFFFC000  }
0x6a: {  	[tilespmem:s13], [sflag:$0x1] =	stream.indirect.gather [hbm4b:s4+s17], $0x80, s31, s17, $0xb8;
	[tilespmem:$0x1C800] =	vst v63  }
0x6b: {  	_ = 	snop  }
0x6c: {  	[tilespmem:s19], [sflag:$0x2] =	stream.indirect.gather [hbm4b:s4+s17], $0x80, s0, s17, $0xb8;
	[tilespmem:$0x1C800] =	vst v63  }
0x6d: {  	_ =	swait.ge [sflag:s25], $0x4000  }
0x6e: {  	[sflag:s25] =	ssyncset.done $0x0  }
0x6f: {  	[sflag:s25] =	ssyncadd.s32 $0xFFFFC000  }
0x70: {  	[spmem:s2] =	stream.indirect.scatter.add.f32 [tilespmem:s13], [sflag:$0x3], $0x80, s1, s17, $0xb8;
	[tilespmem:$0x1C800] =	vst v63  }
0x71: {  	_ =	swait.ge [sflag:s26], $0x4000  }
0x72: {  	[sflag:s26] =	ssyncset.done $0x0  }
0x73: {  	[sflag:s26] =	ssyncadd.s32 $0xFFFFC000  }
0x74: {  	[spmem:s2] =	stream.indirect.scatter.add.f32 [tilespmem:s19], [sflag:$0x4], $0x80, s10, s17, $0xb8;
	[tilespmem:$0x1C800] =	vst v63  }
0x75: {  	_ =	swait.ge [sflag:s29], $0x4000  }
0x76: {  	[sflag:s29] =	ssyncset.done $0x0  }
0x77: {  	[sflag:s29] =	ssyncadd.s32 $0xFFFFC000  }
0x78: {  	_ =	swait.ge [sflag:s30], $0x4000  }
0x79: {  	[sflag:s30] =	ssyncset.done $0x0  }
0x7a: {  	[sflag:s30] =	ssyncadd.s32 $0xFFFFC000  }
0x7b: {  	[tilespmem:s13], [sflag:$0x1] =	stream.indirect.gather [hbm4b:s4+s17], $0x80, s11, s17, $0xb8;
	[tilespmem:$0x1C800] =	vst v63  }
0x7c: {  	_ = 	snop  }
0x7d: {  	[tilespmem:s19], [sflag:$0x2] =	stream.indirect.gather [hbm4b:s4+s17], $0x80, s12, s17, $0xb8;
	[tilespmem:$0x1C800] =	vst v63  }
0x7e: {  	_ =	swait.ge [sflag:s25], $0x4000  }
0x7f: {  	[sflag:s25] =	ssyncset.done $0x0  }
0x80: {  	[sflag:s25] =	ssyncadd.s32 $0xFFFFC000  }
0x81: {  	[spmem:s2] =	stream.indirect.scatter.add.f32 [tilespmem:s13], [sflag:$0x3], $0x80, s20, s17, $0xb8;
	[tilespmem:$0x1C800] =	vst v63  }
0x82: {  	_ =	swait.ge [sflag:s26], $0x4000  }
0x83: {  	[sflag:s26] =	ssyncset.done $0x0  }
0x84: {  	[sflag:s26] =	ssyncadd.s32 $0xFFFFC000  }
0x85: {  	[spmem:s2] =	stream.indirect.scatter.add.f32 [tilespmem:s19], [sflag:$0x4], $0x80, s21, s17, $0xb8;
	[tilespmem:$0x1C800] =	vst v63  }
0x86: {  	_ =	swait.ge [sflag:s29], $0x4000  }
0x87: {  	[sflag:s29] =	ssyncset.done $0x0  }
0x88: {  	[sflag:s29] =	ssyncadd.s32 $0xFFFFC000  }
0x89: {  	_ =	swait.ge [sflag:s30], $0x4000  }
0x8a: {  	[sflag:s30] =	ssyncset.done $0x0  }
0x8b: {  	[sflag:s30] =	ssyncadd.s32 $0xFFFFC000  }
0x8c: {  	[tilespmem:s13], [sflag:$0x1] =	stream.indirect.gather [hbm4b:s4+s17], $0x80, s22, s17, $0xb8;
	[tilespmem:$0x1C800] =	vst v63  }
0x8d: {  	_ = 	snop  }
0x8e: {  	[tilespmem:s19], [sflag:$0x2] =	stream.indirect.gather [hbm4b:s4+s17], $0x80, s23, s17, $0xb8;
	[tilespmem:$0x1C800] =	vst v63  }
0x8f: {  	p6 =	slt.u32 s9, $0x12;
	_ =	swait.ge [sflag:s25], $0x4000  }
0x90: {  	p1 =	por !p0, !p6;
	[sflag:s25] =	ssyncset.done $0x0  }
0x91: {  	p1 =	por !p1, !p1;
	[sflag:s25] =	ssyncadd.s32 $0xFFFFC000  }
0x92: {  	[spmem:s2] =	stream.indirect.scatter.add.f32 [tilespmem:s13], [sflag:$0x3], $0x80, s24, s17, $0xb8;
	[tilespmem:$0x1C800] =	vst v63  }
.Ltmp1:
0x93: {  	_ = 	snop;
	(pc) =	sbr.rel @p1 .LBB2_4-.Ltmp1, $4  }
0x94: {  	_ =	swait.ge [sflag:s26], $0x4000  }
0x95: {  	s9 =	sadd.s32 $0x1, s9;
	[sflag:s26] =	ssyncset.done $0x0  }
0x96: {  	s7 =	sadd.s32 $0x80, s7;
	s8 =	sadd.s32 $0x80, s8;
	[sflag:s26] =	ssyncadd.s32 $0xFFFFC000  }
0x97: {  	[spmem:s2] =	stream.indirect.scatter.add.f32 [tilespmem:s19], [sflag:$0x4], $0x80, s5, s17, $0xb8;
	[tilespmem:$0x1C800] =	vst v63  }
0x98: {  	_ =	swait.ge [sflag:s29], $0x4000  }
0x99: {  	[sflag:s29] =	ssyncset.done $0x0  }
0x9a: {  	[sflag:s29] =	ssyncadd.s32 $0xFFFFC000  }
0x9b: {  	_ =	swait.ge [sflag:s30], $0x4000  }
0x9c: {  	[sflag:s30] =	ssyncset.done $0x0  }
0x9d: {  	[sflag:s30] =	ssyncadd.s32 $0xFFFFC000  }
0x9e: {  	[bflag:$0x0] =	sbarrier.arrive $0xFFFF  }
0x9f: {  	s6 =	rddreg [dreg:$0x4]  }
0xa0: {  	[tilespmem:s13], [sflag:$0x5] =	stream.linear.gather [spmem:s6], $0x4000, $0x38;
	[tilespmem:$0x1C800] =	vst v63  }
0xa1: {  	_ =	swait.ge [sflag:s14], $0x4000  }
0xa2: {  	[sflag:s14] =	ssyncset.done $0x0  }
0xa3: {  	s9 =	rddreg [dreg:$0xc];
	[sflag:s14] =	ssyncadd.s32 $0xFFFFC000  }
0xa4: {  	[hbm4b:s9+s3] =	stream.linear.scatter [tilespmem:s13], [sflag:$0x5], $0x4000, $0x38;
	[tilespmem:$0x1C800] =	vst v63  }
0xa5: {  	_ =	swait.ge [sflag:s14], $0x4000  }
0xa6: {  	[sflag:s14] =	ssyncset.done $0x0  }
0xa7: {  	s7 =	rddreg [dreg:$0x5];
	[sflag:s14] =	ssyncadd.s32 $0xFFFFC000  }
0xa8: {  	[tilespmem:s13], [sflag:$0x5] =	stream.linear.gather [spmem:s7], $0x4000, $0x38;
	[tilespmem:$0x1C800] =	vst v63  }
0xa9: {  	_ =	swait.ge [sflag:s14], $0x4000  }
0xaa: {  	[sflag:s14] =	ssyncset.done $0x0  }
0xab: {  	s8 =	rddreg [dreg:$0xd];
	[sflag:s14] =	ssyncadd.s32 $0xFFFFC000  }
0xac: {  	[hbm4b:s8+s3] =	stream.linear.scatter [tilespmem:s13], [sflag:$0x5], $0x4000, $0x38;
	[tilespmem:$0x1C800] =	vst v63  }
0xad: {  	_ =	swait.ge [sflag:s14], $0x4000  }
0xae: {  	[sflag:s14] =	ssyncset.done $0x0  }
0xaf: {  	s9 =	rddreg [dreg:$0x6];
	[sflag:s14] =	ssyncadd.s32 $0xFFFFC000  }
0xb0: {  	[tilespmem:s13], [sflag:$0x5] =	stream.linear.gather [spmem:s9], $0x4000, $0x38;
	[tilespmem:$0x1C800] =	vst v63  }
0xb1: {  	_ =	swait.ge [sflag:s14], $0x4000  }
0xb2: {  	[sflag:s14] =	ssyncset.done $0x0  }
0xb3: {  	s7 =	rddreg [dreg:$0xe];
	[sflag:s14] =	ssyncadd.s32 $0xFFFFC000  }
0xb4: {  	[hbm4b:s7+s3] =	stream.linear.scatter [tilespmem:s13], [sflag:$0x5], $0x4000, $0x38;
	[tilespmem:$0x1C800] =	vst v63  }
0xb5: {  	_ =	swait.ge [sflag:s14], $0x4000  }
0xb6: {  	[sflag:s14] =	ssyncset.done $0x0  }
0xb7: {  	s8 =	rddreg [dreg:$0x7];
	[sflag:s14] =	ssyncadd.s32 $0xFFFFC000  }
0xb8: {  	[tilespmem:s13], [sflag:$0x5] =	stream.linear.gather [spmem:s8], $0x4000, $0x38;
	[tilespmem:$0x1C800] =	vst v63  }
0xb9: {  	_ =	swait.ge [sflag:s14], $0x4000  }
0xba: {  	[sflag:s14] =	ssyncset.done $0x0  }
0xbb: {  	s9 =	rddreg [dreg:$0xf];
	[sflag:s14] =	ssyncadd.s32 $0xFFFFC000  }
0xbc: {  	[hbm4b:s9+s3] =	stream.linear.scatter [tilespmem:s13], [sflag:$0x5], $0x4000, $0x38;
	[tilespmem:$0x1C800] =	vst v63  }
0xbd: {  	_ =	swait.ge [sflag:s14], $0x4000  }
0xbe: {  	[sflag:s14] =	ssyncset.done $0x0  }
0xbf: {  	s7 =	rddreg [dreg:$0x8];
	[sflag:s14] =	ssyncadd.s32 $0xFFFFC000  }
0xc0: {  	[tilespmem:s13], [sflag:$0x5] =	stream.linear.gather [spmem:s7], $0x4000, $0x38;
	[tilespmem:$0x1C800] =	vst v63  }
0xc1: {  	_ =	swait.ge [sflag:s14], $0x4000  }
0xc2: {  	[sflag:s14] =	ssyncset.done $0x0  }
0xc3: {  	s8 =	rddreg [dreg:$0x10];
	[sflag:s14] =	ssyncadd.s32 $0xFFFFC000  }
0xc4: {  	[hbm4b:s8+s3] =	stream.linear.scatter [tilespmem:s13], [sflag:$0x5], $0x4000, $0x38;
	[tilespmem:$0x1C800] =	vst v63  }
0xc5: {  	_ =	swait.ge [sflag:s14], $0x4000  }
0xc6: {  	s7 =	rddreg [dreg:$0x11]  }
0xc7: {  	s9 =	rddreg [dreg:$0x9];
	s7 =	sadd.s32 $0x1, s7  }
0xc8: {  	p1 =	sne.s32 s7, s9  }
.Ltmp2:
0xc9: {  	_ = 	snop;
	(pc) =	sbr.rel @p1 .LBB2_1-.Ltmp2, $3  }
0xca: {  	_ =	sdelay $0x1  }
0xcb: {  	[sflag:s14] =	ssyncset.done $0x0  }
0xcc: {  	[sflag:s14] =	ssyncadd.s32 $0xFFFFC000  }
0xcd: {  	_ =	sfence.sel $0x180000  }
0xce: {  	[bflag:$0x0] =	sbarrier.arrive $0xFFFF  }
0xcf: {  	_ =	strace $0x9000004D  }
0xd0: {  	s0 =	stileid.u32;
	[bflag:$0x2] =	sbarrier.arrive $0xFFFF  }
0xd1: {  	p0 =	sne.s32 s0, $0x0;
	s0 =	rddreg [dreg:$0x3]  }
0xd2: {  	s0 =	sadd.s32 @!p0 $0x100000, s0  }
0xd3: {  	[sflag:s0] =	ssyncadd.tile.s32 @!p0 $0x1;
	_ =	shalt  }
.Lfunc_end2:
_tile_overlayer_lowered:
.L_overlay_start_2:
0xd4: {  	(tag) =	ssettag $0x2  }
0xd5: {  	s0 =	rddreg [dreg:$0x0];
	s2 =	stileid.u32  }
0xd6: {  	s1 =	rddreg [dreg:$0x1];
	p0 =	sne.s32 s2, $0x0  }
0xd7: {  	s3 =	rddreg [dreg:$0x2];
	[bflag:$0x3] =	sbarrier.arrive $0xFFFF;
	s2 =	simm.s32 @!p0 $0x1C05  }
0xd8: {  	[timem:s3], [sflag:s2] =	dma.local @!p0 [hbm:s0], s1  }
0xd9: {  	s0 =	simm.s32 @!p0 $0x5  }
0xda: {  	_ =	swait.ge @!p0 [sflag:s0], s1  }
0xdb: {  	s1 =	ssub.s32 @!p0 $0x0, s1;
	[sflag:s0] =	ssyncset.done @!p0 $0x0  }
0xdc: {  	[sflag:s0] =	ssyncadd.s32 @!p0 s1  }
0xdd: {  	[bflag:$0x3] =	sbarrier.arrive $0xFFFF  }
0xde: {  	_ =	shalt  }

// kernel: kernel.8.cloned.1.call-start
scs
__scs_entry_jumppad:
0x0: {  	(pc) =	sbr.rel $0x88, $3  }
0x1: {  	(tag) =	ssettag $0x0;
	lr =	simm.s32 $0x1  }
0x2: {  	[smem:$0x3F9B] =	sst lr;
	_ =	strace $0xD0000000  }
0x3: {  	_ = 	snop  }
0x4: {  	_ = 	snop  }
0x5: {  	_ = 	snop  }
0x6: {  	_ = 	snop  }
0x7: {  	_ = 	snop  }
__scs_overlays_trampoline_lowered:
0x8: {  	[smem:$0x3FAA] =	sst s0  }
0x9: {  	[smem:$0x3FAB] =	sst s1  }
0xa: {  	[smem:$0x3FAC] =	sst s2  }
0xb: {  	[smem:$0x3FAD] =	sst s3  }
0xc: {  	[smem:$0x3FAE] =	sst s4  }
0xd: {  	[smem:$0x3FAF] =	sst s5  }
0xe: {  	[smem:$0x3FB0] =	sst s6  }
0xf: {  	[smem:$0x3FB1] =	sst s7  }
0x10: {  	[smem:$0x3FB2] =	sst s8  }
0x11: {  	[smem:$0x3FB3] =	sst s9;
	s0 =	simm.s32 @!p0 $0x0  }
0x12: {  	s1 =	sld [smem:$0x3F99];
	s0 =	simm.s32 @p0 $0x1  }
0x13: {  	[smem:$0x3FB4] =	sst s0;
	s0 =	simm.s32 @!p1 $0x0  }
0x14: {  	s2 =	sld [smem:$0x3F98];
	s0 =	simm.s32 @p1 $0x1  }
0x15: {  	[smem:$0x3FB5] =	sst s0;
	s0 =	simm.s32 @!p2 $0x0  }
0x16: {  	s3 =	sld [smem:$0x3FDB];
	s0 =	simm.s32 @p2 $0x1  }
0x17: {  	s4 =	simm.s32 $0x1BF5;
	[smem:$0x3FB7] =	sst s0  }
0x18: {  	s0 =	sld [smem:$0x3F9A];
	_ =	swait.ge [sflag:s4], $0x0  }
0x19: {  	s7 =	sld [smem:$0x3F9B]  }
0x1a: {  	s8 =	sadd.s32 $0xFFFFE003, lr  }
0x1b: {  	s9 =	sadd.s32 $0xFFFFFEF7, lr;
	s5 =	simm.s32 $0xFFFFFFFF;
	p2 =	slt.u32 s8, $0xFFFFF086  }
0x1c: {  	p1 =	slt.u32 s9, $0xF7A;
	s5 =	simm.s32 @!p2 $0x0  }
0x1d: {  	s5 =	simm.s32 @p1 $0x1;
	p0 =	seq.s32 s7, s2  }
0x1e: {  	s7 =	smul.u32 @!p0 $0xF7A, s2;
	p2 =	seq.s32 @!p0 s5, $0x0  }
0x1f: {  	s9 =	smul.u32 $0xF7A, s1;
	s8 =	simm.s32 @!p0 $0x1BF5;
	p2 =	por !p2, p0  }
0x20: {  	[sflag:s8] =	ssyncset.s32 @!p0 $0xFFFFF086;
	s6 =	sadd.s32 @!p0 s3, s7;
	s7 =	simm.s32 @!p0 $0x108  }
0x21: {  	s3 =	sadd.s32 s3, s9;
	s6 =	sadd.s32 @!p0 $0x88, s6;
	s7 =	simm.s32 @p2 $0x1082  }
0x22: {  	[simem:s7], [sflag:s8] =	dma.local @!p0 [hbm:s6], $0xF7A  }
0x23: {  	s9 =	sor.u32 $0xD0000000, s2;
	s6 =	simm.s32 $0x108;
	_ =	swait.ge @!p0 [sflag:s8], $0x0  }
0x24: {  	s3 =	sadd.s32 $0x88, s3;
	s6 =	simm.s32 @!p1 $0x1082;
	[sflag:s4] =	ssyncset.s32 $0xFFFFF086  }
0x25: {  	[simem:s6], [sflag:s4] =	dma.local [hbm:s3], $0xF7A  }
0x26: {  	[smem:$0x3F9B] =	sst s1;
	(tag) =	ssettag s2;
	_ =	strace s9  }
0x27: {  	s1 =	sld [smem:$0x3FAB]  }
0x28: {  	s2 =	sld [smem:$0x3FAC]  }
0x29: {  	s4 =	sld [smem:$0x3FAE]  }
0x2a: {  	p0 =	seq.s32 s5, $0x0;
	s5 =	sld [smem:$0x3FAF]  }
0x2b: {  	s6 =	sld [smem:$0x3FB0]  }
0x2c: {  	s7 =	sld [smem:$0x3FB1]  }
0x2d: {  	s3 =	simm.s32 $0x108;
	s8 =	sld [smem:$0x3FB2]  }
0x2e: {  	s3 =	simm.s32 @!p0 $0x1082;
	s9 =	sld [smem:$0x3FB3]  }
0x2f: {  	lr =	sadd.s32 s0, s3;
	s0 =	sld [smem:$0x3FAA]  }
0x30: {  	s3 =	sld [smem:$0x3FAD]  }
0x31: {  	[smem:$0x3FB6] =	sst s10  }
0x32: {  	s10 =	sld [smem:$0x3FB4];
	_ =	sdelay $0x3  }
0x33: {  	p0 =	seq.s32 s10, $0x1;
	s10 =	sld [smem:$0x3FB6];
	_ =	sdelay $0x3  }
0x34: {  	[smem:$0x3FB6] =	sst s10  }
0x35: {  	s10 =	sld [smem:$0x3FB5];
	_ =	sdelay $0x3  }
0x36: {  	p1 =	seq.s32 s10, $0x1;
	s10 =	sld [smem:$0x3FB6];
	_ =	sdelay $0x3  }
0x37: {  	[smem:$0x3FB6] =	sst s10  }
0x38: {  	s10 =	sld [smem:$0x3FB7]  }
0x39: {  	_ = 	snop;
	(pc) =	sbr.ind lr, $3  }
0x3a: {  	_ = 	snop  }
0x3b: {  	_ = 	snop  }
0x3c: {  	p2 =	seq.s32 s10, $0x1;
	s10 =	sld [smem:$0x3FB6]  }
0x3d: {  	_ =	shalt  }
0x3e: {  	_ =	shalt  }
0x3f: {  	_ =	shalt  }
0x40: {  	_ =	shalt  }
0x41: {  	_ =	shalt  }
0x42: {  	_ =	shalt  }
0x43: {  	_ =	shalt  }
0x44: {  	_ =	shalt  }
0x45: {  	_ =	shalt  }
0x46: {  	_ =	shalt  }
0x47: {  	_ =	shalt  }
0x48: {  	_ =	shalt  }
0x49: {  	_ =	shalt  }
0x4a: {  	_ =	shalt  }
0x4b: {  	_ =	shalt  }
0x4c: {  	_ =	shalt  }
0x4d: {  	_ =	shalt  }
0x4e: {  	_ =	shalt  }
0x4f: {  	_ =	shalt  }
0x50: {  	_ =	shalt  }
0x51: {  	_ =	shalt  }
0x52: {  	_ =	shalt  }
0x53: {  	_ =	shalt  }
0x54: {  	_ =	shalt  }
0x55: {  	_ =	shalt  }
0x56: {  	_ =	shalt  }
0x57: {  	_ =	shalt  }
0x58: {  	_ =	shalt  }
0x59: {  	_ =	shalt  }
0x5a: {  	_ =	shalt  }
0x5b: {  	_ =	shalt  }
0x5c: {  	_ =	shalt  }
0x5d: {  	_ =	shalt  }
0x5e: {  	_ =	shalt  }
0x5f: {  	_ =	shalt  }
0x60: {  	_ =	shalt  }
0x61: {  	_ =	shalt  }
0x62: {  	_ =	shalt  }
0x63: {  	_ =	shalt  }
0x64: {  	_ =	shalt  }
0x65: {  	_ =	shalt  }
0x66: {  	_ =	shalt  }
0x67: {  	_ =	shalt  }
0x68: {  	_ =	shalt  }
0x69: {  	_ =	shalt  }
0x6a: {  	_ =	shalt  }
0x6b: {  	_ =	shalt  }
0x6c: {  	_ =	shalt  }
0x6d: {  	_ =	shalt  }
0x6e: {  	_ =	shalt  }
0x6f: {  	_ =	shalt  }
0x70: {  	_ =	shalt  }
0x71: {  	_ =	shalt  }
0x72: {  	_ =	shalt  }
0x73: {  	_ =	shalt  }
0x74: {  	_ =	shalt  }
0x75: {  	_ =	shalt  }
0x76: {  	_ =	shalt  }
0x77: {  	_ =	shalt  }
0x78: {  	_ =	shalt  }
0x79: {  	_ =	shalt  }
0x7a: {  	_ =	shalt  }
0x7b: {  	_ =	shalt  }
0x7c: {  	_ =	shalt  }
0x7d: {  	_ =	shalt  }
0x7e: {  	_ =	shalt  }
0x7f: {  	_ =	shalt  }
0x80: {  	_ =	shalt  }
0x81: {  	_ =	shalt  }
0x82: {  	_ =	shalt  }
0x83: {  	_ =	shalt  }
0x84: {  	_ =	shalt  }
0x85: {  	_ =	shalt  }
0x86: {  	_ =	shalt  }
0x87: {  	_ =	shalt  }
.Lfunc_end0:
.L_simem_size_0:
called_computation_lowered:
.L_overlay_start_0:
0x88: {  	s2 =	sld [smem:$0x3FD9]  }
0x89: {  	s3 =	sld [smem:$0x3FFE];
	_ =	sdelay $0x1  }
0x8a: {  	s1 =	srdreg.scid  }
0x8b: {  	s0 =	sand.u32 $0x1, s1  }
0x8c: {  	s17 =	sshll.u32 s0, $0xA;
	s2 =	sadd.s32 s3, s2  }
0x8d: {  	s2 =	sadd.s32 s2, s17  }
0x8e: {  	[smem:$0x3FC2] =	sst s2  }
0x8f: {  	_ = 	snop  }
0x90: {  	s2 =	sld [smem:$0x3FD0];
	(tm) =	ssettm $0x1  }
0x91: {  	s18 =	sld [smem:$0x3FFB];
	_ =	sdelay $0x3  }
0x92: {  	_ =	strace s18  }
0x93: {  	s3 =	sld [smem:$0x3FFC];
	_ =	sdelay $0x3  }
0x94: {  	_ =	strace s3  }
0x95: {  	s3 =	sld [smem:$0x3FFD];
	_ =	sdelay $0x3  }
0x96: {  	_ =	strace s3  }
0x97: {  	_ =	strace $0x8FFFFFFF  }
0x98: {  	s19 =	sld [smem:$0x3FDB];
	_ =	sdelay $0x1  }
0x99: {  	s4 =	simm.s32 $_scs_section_size  }
0x9a: {  	s5 =	simm.s32 $_size__tile_overlayer_lowered;
	s6 =	simm.s32 $_tile_overlayer_lowered  }
0x9b: {  	s22 =	simm.s32 $0x1BFF;
	s21 =	sshll.u32 s6, $0x1;
	s3 =	sadd.s32 s4, s19  }
0x9c: {  	s7 =	simm.s32 $0x0;
	s20 =	sshll.u32 s5, $0x1;
	s5 =	sadd.s32 s21, s3  }
0x9d: {  	[timem:s7], [sflag:s22] =	dma.local [hbm:s5], s20  }
0x9e: {  	_ =	swait.ge [sflag:s22], s20  }
0x9f: {  	s4 =	ssub.s32 $0x0, s20;
	[sflag:s22] =	ssyncset.done $0x0  }
0xa0: {  	[sflag:s22] =	ssyncadd.s32 s4;
	_ =	sdelay $0x1  }
0xa1: {  	s23 =	simm.s32 $0x1B8B  }
0xa2: {  	_ =	swait.ge [sflag:s23], $0x1  }
0xa3: {  	[sflag:s23] =	ssyncset.done $0x0  }
0xa4: {  	s25 =	simm.s32 $0x1B8E;
	s24 =	sld [smem:$0x3FFE];
	[sflag:s23] =	ssyncadd.s32 $0xFFFFFFFF  }
0xa5: {  	s26 =	simm.s32 $execute0_lowered;
	[smem:$0x3FD2] =	sst s25  }
0xa6: {  	s5 =	sshll.u32 s26, $0x1;
	_ =	strace $0x80000046;
	[dreg:$0x1] =	wrdreg $0xFFFFFFFF  }
0xa7: {  	s28 =	simm.s32 $_size_execute0_lowered;
	s3 =	sadd.s32 s3, s5;
	[dreg:$0x0] =	wrdreg $0x0  }
0xa8: {  	s5 =	sshll.u32 s28, $0x1;
	[dreg:$0x2] =	wrdreg s3  }
0xa9: {  	[dreg:$0x3] =	wrdreg s5  }
0xaa: {  	[dreg:$0x4] =	wrdreg $0xC0  }
0xab: {  	_ =	task [dreg:s7], $0x5FFFF  }
0xac: {  	[dreg:$0x1] =	wrdreg $0xFFFFFFFF  }
0xad: {  	[dreg:$0x0] =	wrdreg $0x60  }
0xae: {  	[dreg:$0x2] =	wrdreg s24  }
0xaf: {  	[dreg:$0x3] =	wrdreg s2  }
0xb0: {  	[dreg:$0x4] =	wrdreg $0x0  }
0xb1: {  	[dreg:$0x5] =	wrdreg $0x9  }
0xb2: {  	_ =	task.clear_ibuf [dreg:s7], $0x6FFFF;
	_ =	strace $0x90000046  }
0xb3: {  	s29 =	simm.s32 $0x9;
	_ =	strace $0x80000048  }
0xb4: {  	_ =	swait.ge [sflag:s29], $0x1  }
0xb5: {  	[sflag:s29] =	ssyncadd.s32 $0xFFFFFFFF  }
0xb6: {  	_ =	strace $0x90000048  }
0xb7: {  	_ =	sfence  }
0xb8: {  	s30 =	sld [smem:$0x0];
	_ =	sdelay $0x2  }
0xb9: {  	s31 =	sshll.u32 s1, $0xD;
	s1 =	sshrl.u32 s1, $0x2  }
0xba: {  	s3 =	sand.u32 $0x4000, s31;
	s1 =	sadd.s32 s1, s30  }
0xbb: {  	s0 =	sor.u32 s3, s0;
	s1 =	sshll.u32 s1, $0x11  }
0xbc: {  	s0 =	sor.u32 s1, s0  }
0xbd: {  	s0 =	sadd.s32 $0x8F2B, s0  }
0xbe: {  	[sflag:s0] =	ssyncadd.remote.s32 $0x1  }
0xbf: {  	_ =	sfence.sel $0xFFFF  }
0xc0: {  	[dreg:$0x0] =	wrdreg $0xFFFFFFFF;
	(pc) =	sbr.abs _section_cstart, $3  }
0xc1: {  	[dreg:$0x1] =	wrdreg $0xFFFFFFFF  }
0xc2: {  	_ =	task.clear_ibuf [dreg:s7], $0x2FFFF;
	_ =	strace $0x9FFFFFFF  }
0xc3: {  	(tm) =	ssettm $0x7FFFFFFF  }
tec
execute0_lowered:
.L_overlay_start_1:
0x0: {  	(tag) =	ssettag $0x1  }
0x1: {  	s0 =	rddreg [dreg:$0x0]  }
0x2: {  	s1 =	rddreg [dreg:$0x1]  }
0x3: {  	s2 =	rddreg [dreg:$0x2]  }
0x4: {  	s17 =	stileid.u32;
	s4 =	srdreg.scid  }
0x5: {  	s3 =	simm.s32 $0x0;
	s18 =	simm.s32 $0x18180;
	s11 =	smul.u32 $0xA00, s17  }
0x6: {  	s19 =	simm.s32 $0x18200;
	s28 =	simm.s32 $0x18380;
	s6 =	smul.u32 $0x280, s17  }
0x7: {  	s29 =	simm.s32 $0x1;
	s30 =	simm.s32 $0x0;
	s7 =	smul.u32 $0x50000, s17  }
0x8: {  	s9 =	sand.u32 $0x1, s4;
	[smem:$0x7FF] =	sst s3;
	s20 =	smul.u32 $0x2800, s17  }
0x9: {  	s17 =	simm.s32 $0x18100;
	s4 =	smul.u32 $0x28000, s9;
	_ =	strace $0x80000047  }
0xa: {  	s5 =	ssub.s32 $0x2, s9;
	p0 =	seq.s32 s9, $0x1;
	s10 =	sadd.s32 s11, s0  }
0xb: {  	s22 =	sshrl.u32 s5, $0x1;
	s12 =	sadd.s32 $0x80, s6;
	s23 =	sshrl.u32 s7, $0x2  }
0xc: {  	s14 =	sadd.s32 $0x100, s6;
	s15 =	sadd.s32 $0x180, s6;
	s16 =	sadd.s32 $0x200, s6  }
0xd: {  	s11 =	sadd.s32 s11, s1;
	s0 =	sadd.s32 s4, s0;
	s13 =	ssub.s32 s5, s22  }
0xe: {  	s24 =	sshll.u32 s12, $0x7;
	s4 =	sadd.s32 s23, s2;
	s25 =	sshll.u32 s14, $0x7  }
0xf: {  	s26 =	sshll.u32 s15, $0x7;
	s8 =	sshll.u32 s16, $0x7;
	s21 =	sshll.u32 s12, $0x4  }
0x10: {  	s22 =	sshll.u32 s14, $0x4;
	s23 =	sshll.u32 s15, $0x4;
	s10 =	sadd.s32 $0x1E00, s10  }
0x11: {  	s12 =	simm.s32 $0x14000;
	s14 =	simm.s32 $0x18000;
	s15 =	simm.s32 $0x80  }
0x12: {  	s5 =	sadd.s32 s24, s2;
	s6 =	sadd.s32 s25, s2;
	s7 =	sadd.s32 s26, s2  }
.Ltmp0:
0x13: {  	s8 =	sadd.s32 s8, s2;
	s0 =	sadd.s32 $0xBE00, s0;
	(pc) =	sbr.rel .LBB2_1-.Ltmp0, $4  }
0x14: {  	s24 =	sshll.u32 s16, $0x4;
	s31 =	smax.u32 s13, $0x1;
	s13 =	simm.s32 $0x2  }
0x15: {  	s16 =	simm.s32 $0x18080;
	s25 =	simm.s32 $0x18280;
	s26 =	simm.s32 $0x18300  }
0x16: {  	[dreg:$0x4] =	wrdreg s31;
	s20 =	sadd.s32 s20, s0;
	s21 =	sadd.s32 s21, s0  }
0x17: {  	v0 =	vimm.f32 $0.0e+00;
	v1 =	vimm.f32 $1.000000000e+00;
	s22 =	sadd.s32 s22, s0;
	s23 =	sadd.s32 s23, s0;
	s24 =	sadd.s32 s24, s0  }
.LBB2_8:
0x18: {  	s0 =	sadd.s32 s31, s10;
	[sflag:s29] =	ssyncadd.s32 $0xFFFFC000  }
0x19: {  	[tilespmem:s14], [sflag:$0x2] =	stream.linear.gather [hbm4b:s0+s3], $0x400, $0x38;
	[tilespmem:$0x18400] =	vst v63  }
0x1a: {  	_ =	swait.ge [sflag:s13], $0x400  }
0x1b: {  	[sflag:s13] =	ssyncset.done $0x0  }
0x1c: {  	[sflag:s13] =	ssyncadd.s32 $0xFFFFFC00  }
0x1d: {  	[spmem:s2] =	stream.indirect.scatter.add.f32 [tilespmem:s12], [sflag:$0x1], $0x80, s14, s15, $0xb8;
	[tilespmem:$0x18400] =	vst v63  }
0x1e: {  	_ = 	snop  }
0x1f: {  	[spmem:s2] =	stream.indirect.scatter.add.f32 [tilespmem:s12], [sflag:$0x1], $0x80, s16, s15, $0xb8;
	[tilespmem:$0x18400] =	vst v63  }
0x20: {  	_ = 	snop  }
0x21: {  	[spmem:s2] =	stream.indirect.scatter.add.f32 [tilespmem:s12], [sflag:$0x1], $0x80, s17, s15, $0xb8;
	[tilespmem:$0x18400] =	vst v63  }
0x22: {  	_ = 	snop  }
0x23: {  	[spmem:s2] =	stream.indirect.scatter.add.f32 [tilespmem:s12], [sflag:$0x1], $0x80, s18, s15, $0xb8;
	[tilespmem:$0x18400] =	vst v63  }
0x24: {  	_ = 	snop  }
0x25: {  	[spmem:s2] =	stream.indirect.scatter.add.f32 [tilespmem:s12], [sflag:$0x1], $0x80, s19, s15, $0xb8;
	[tilespmem:$0x18400] =	vst v63  }
0x26: {  	_ = 	snop  }
0x27: {  	[spmem:s2] =	stream.indirect.scatter.add.f32 [tilespmem:s12], [sflag:$0x1], $0x80, s25, s15, $0xb8;
	[tilespmem:$0x18400] =	vst v63  }
0x28: {  	_ = 	snop  }
0x29: {  	[spmem:s2] =	stream.indirect.scatter.add.f32 [tilespmem:s12], [sflag:$0x1], $0x80, s26, s15, $0xb8;
	[tilespmem:$0x18400] =	vst v63  }
0x2a: {  	_ = 	snop  }
0x2b: {  	[spmem:s2] =	stream.indirect.scatter.add.f32 [tilespmem:s12], [sflag:$0x1], $0x80, s28, s15, $0xb8;
	[tilespmem:$0x18400] =	vst v63  }
0x2c: {  	_ =	swait.ge [sflag:s29], $0x4000  }
0x2d: {  	[sflag:s29] =	ssyncset.done $0x0  }
0x2e: {  	[sflag:s29] =	ssyncadd.s32 $0xFFFFC000  }
0x2f: {  	_ =	swait.ge [sflag:s29], $0x4000  }
0x30: {  	[sflag:s29] =	ssyncset.done $0x0  }
0x31: {  	[sflag:s29] =	ssyncadd.s32 $0xFFFFC000  }
0x32: {  	_ =	swait.ge [sflag:s29], $0x4000  }
0x33: {  	[sflag:s29] =	ssyncset.done $0x0  }
0x34: {  	[sflag:s29] =	ssyncadd.s32 $0xFFFFC000  }
0x35: {  	_ =	swait.ge [sflag:s29], $0x4000  }
0x36: {  	[sflag:s29] =	ssyncset.done $0x0  }
0x37: {  	[sflag:s29] =	ssyncadd.s32 $0xFFFFC000  }
0x38: {  	_ =	swait.ge [sflag:s29], $0x4000  }
0x39: {  	[sflag:s29] =	ssyncset.done $0x0  }
0x3a: {  	[sflag:s29] =	ssyncadd.s32 $0xFFFFC000  }
0x3b: {  	_ =	swait.ge [sflag:s29], $0x4000  }
0x3c: {  	[sflag:s29] =	ssyncset.done $0x0  }
0x3d: {  	[sflag:s29] =	ssyncadd.s32 $0xFFFFC000  }
0x3e: {  	_ =	swait.ge [sflag:s29], $0x4000  }
0x3f: {  	[sflag:s29] =	ssyncset.done $0x0  }
0x40: {  	[sflag:s29] =	ssyncadd.s32 $0xFFFFC000  }
0x41: {  	_ =	swait.ge [sflag:s29], $0x4000  }
0x42: {  	[sflag:s29] =	ssyncset.done $0x0  }
0x43: {  	[sflag:s29] =	ssyncadd.s32 $0xFFFFC000  }
.LBB2_12:
0x44: {  	[bflag:$0x0] =	sbarrier.arrive $0xFFFF  }
0x45: {  	[tilespmem:s12], [sflag:$0x2] =	stream.linear.gather [spmem:s4], $0x4000, $0x38;
	[tilespmem:$0x18400] =	vst v63  }
0x46: {  	_ =	swait.ge [sflag:s13], $0x4000  }
0x47: {  	[sflag:s13] =	ssyncset.done $0x0  }
0x48: {  	[sflag:s13] =	ssyncadd.s32 $0xFFFFC000  }
0x49: {  	[hbm4b:s20+s3] =	stream.linear.scatter [tilespmem:s12], [sflag:$0x2], $0x4000, $0x38;
	[tilespmem:$0x18400] =	vst v63  }
0x4a: {  	_ =	swait.ge [sflag:s13], $0x4000  }
0x4b: {  	[sflag:s13] =	ssyncset.done $0x0  }
0x4c: {  	[sflag:s13] =	ssyncadd.s32 $0xFFFFC000  }
0x4d: {  	[tilespmem:s12], [sflag:$0x2] =	stream.linear.gather [spmem:s5], $0x4000, $0x38;
	[tilespmem:$0x18400] =	vst v63  }
0x4e: {  	_ =	swait.ge [sflag:s13], $0x4000  }
0x4f: {  	[sflag:s13] =	ssyncset.done $0x0  }
0x50: {  	[sflag:s13] =	ssyncadd.s32 $0xFFFFC000  }
0x51: {  	[hbm4b:s21+s3] =	stream.linear.scatter [tilespmem:s12], [sflag:$0x2], $0x4000, $0x38;
	[tilespmem:$0x18400] =	vst v63  }
0x52: {  	_ =	swait.ge [sflag:s13], $0x4000  }
0x53: {  	[sflag:s13] =	ssyncset.done $0x0  }
0x54: {  	[sflag:s13] =	ssyncadd.s32 $0xFFFFC000  }
0x55: {  	[tilespmem:s12], [sflag:$0x2] =	stream.linear.gather [spmem:s6], $0x4000, $0x38;
	[tilespmem:$0x18400] =	vst v63  }
0x56: {  	_ =	swait.ge [sflag:s13], $0x4000  }
0x57: {  	[sflag:s13] =	ssyncset.done $0x0  }
0x58: {  	[sflag:s13] =	ssyncadd.s32 $0xFFFFC000  }
0x59: {  	[hbm4b:s22+s3] =	stream.linear.scatter [tilespmem:s12], [sflag:$0x2], $0x4000, $0x38;
	[tilespmem:$0x18400] =	vst v63  }
0x5a: {  	_ =	swait.ge [sflag:s13], $0x4000  }
0x5b: {  	[sflag:s13] =	ssyncset.done $0x0  }
0x5c: {  	[sflag:s13] =	ssyncadd.s32 $0xFFFFC000  }
0x5d: {  	[tilespmem:s12], [sflag:$0x2] =	stream.linear.gather [spmem:s7], $0x4000, $0x38;
	[tilespmem:$0x18400] =	vst v63  }
0x5e: {  	_ =	swait.ge [sflag:s13], $0x4000  }
0x5f: {  	[sflag:s13] =	ssyncset.done $0x0  }
0x60: {  	[sflag:s13] =	ssyncadd.s32 $0xFFFFC000  }
0x61: {  	[hbm4b:s23+s3] =	stream.linear.scatter [tilespmem:s12], [sflag:$0x2], $0x4000, $0x38;
	[tilespmem:$0x18400] =	vst v63  }
0x62: {  	_ =	swait.ge [sflag:s13], $0x4000  }
0x63: {  	[sflag:s13] =	ssyncset.done $0x0  }
0x64: {  	[sflag:s13] =	ssyncadd.s32 $0xFFFFC000  }
0x65: {  	[tilespmem:s12], [sflag:$0x2] =	stream.linear.gather [spmem:s8], $0x4000, $0x38;
	[tilespmem:$0x18400] =	vst v63  }
0x66: {  	_ =	swait.ge [sflag:s13], $0x4000  }
0x67: {  	[sflag:s13] =	ssyncset.done $0x0  }
0x68: {  	[sflag:s13] =	ssyncadd.s32 $0xFFFFC000  }
0x69: {  	[hbm4b:s24+s3] =	stream.linear.scatter [tilespmem:s12], [sflag:$0x2], $0x4000, $0x38;
	[tilespmem:$0x18400] =	vst v63  }
0x6a: {  	_ =	swait.ge [sflag:s13], $0x4000  }
0x6b: {  	s30 =	sadd.s32 $0x1, s30;
	s0 =	rddreg [dreg:$0x4]  }
0x6c: {  	p1 =	sne.s32 s30, s0  }
.Ltmp1:
0x6d: {  	_ = 	snop;
	(pc) =	sbr.rel @!p1 .LBB2_13-.Ltmp1, $3  }
0x6e: {  	_ =	sdelay $0x1  }
0x6f: {  	[sflag:s13] =	ssyncset.done $0x0  }
0x70: {  	[sflag:s13] =	ssyncadd.s32 $0xFFFFC000  }
.LBB2_1:
0x71: {  	s0 =	simm.s32 $0x0;
	s31 =	simm.s32 $0x200  }
.LBB2_2:
0x72: {  	p1 =	sne.s32 s31, $0xFE00;
	[tilespmem:s0+$0x14070] =	vst v0  }
0x73: {  	[tilespmem:s0+$0x14000] =	vst v0  }
0x74: {  	[tilespmem:s0+$0x14010] =	vst v0  }
.Ltmp2:
0x75: {  	[tilespmem:s0+$0x14020] =	vst v0;
	(pc) =	sbr.rel @p1 .LBB2_2-.Ltmp2, $4  }
0x76: {  	[tilespmem:s0+$0x14030] =	vst v0  }
0x77: {  	[tilespmem:s0+$0x14040] =	vst v0  }
0x78: {  	[tilespmem:s0+$0x14050] =	vst v0  }
0x79: {  	[tilespmem:s0+$0x14060] =	vst v0;
	s0 =	sshra.s32 s31, $0x2;
	s31 =	sadd.s32 $0x200, s31  }
0x7a: {  	[tilespmem:s0+$0x14070] =	vst v0  }
0x7b: {  	[tilespmem:s0+$0x14000] =	vst v0  }
0x7c: {  	[tilespmem:s0+$0x14010] =	vst v0  }
0x7d: {  	[tilespmem:s0+$0x14020] =	vst v0  }
0x7e: {  	[tilespmem:s0+$0x14030] =	vst v0  }
0x7f: {  	[tilespmem:s0+$0x14040] =	vst v0  }
0x80: {  	[tilespmem:s0+$0x14050] =	vst v0  }
0x81: {  	[tilespmem:s0+$0x14060] =	vst v0  }
0x82: {  	[spmem:s4] =	stream.linear.scatter [tilespmem:s12], [sflag:$0x2], $0x4000, $0x38;
	[tilespmem:$0x18400] =	vst v63  }
0x83: {  	_ =	swait.ge [sflag:s13], $0x4000  }
0x84: {  	[sflag:s13] =	ssyncset.done $0x0  }
0x85: {  	[sflag:s13] =	ssyncadd.s32 $0xFFFFC000  }
0x86: {  	[spmem:s5] =	stream.linear.scatter [tilespmem:s12], [sflag:$0x2], $0x4000, $0x38;
	[tilespmem:$0x18400] =	vst v63  }
0x87: {  	_ =	swait.ge [sflag:s13], $0x4000  }
0x88: {  	[sflag:s13] =	ssyncset.done $0x0  }
0x89: {  	[sflag:s13] =	ssyncadd.s32 $0xFFFFC000  }
0x8a: {  	[spmem:s6] =	stream.linear.scatter [tilespmem:s12], [sflag:$0x2], $0x4000, $0x38;
	[tilespmem:$0x18400] =	vst v63  }
0x8b: {  	_ =	swait.ge [sflag:s13], $0x4000  }
0x8c: {  	[sflag:s13] =	ssyncset.done $0x0  }
0x8d: {  	[sflag:s13] =	ssyncadd.s32 $0xFFFFC000  }
0x8e: {  	[spmem:s7] =	stream.linear.scatter [tilespmem:s12], [sflag:$0x2], $0x4000, $0x38;
	[tilespmem:$0x18400] =	vst v63  }
0x8f: {  	_ =	swait.ge [sflag:s13], $0x4000  }
0x90: {  	[sflag:s13] =	ssyncset.done $0x0  }
0x91: {  	[sflag:s13] =	ssyncadd.s32 $0xFFFFC000  }
0x92: {  	[spmem:s8] =	stream.linear.scatter [tilespmem:s12], [sflag:$0x2], $0x4000, $0x38;
	[tilespmem:$0x18400] =	vst v63  }
0x93: {  	_ =	swait.ge [sflag:s13], $0x4000  }
0x94: {  	[sflag:s13] =	ssyncset.done $0x0  }
0x95: {  	s0 =	simm.s32 $0x0;
	s31 =	simm.s32 $0x200;
	[sflag:s13] =	ssyncadd.s32 $0xFFFFC000  }
.LBB2_4:
0x96: {  	p1 =	sne.s32 s31, $0xFE00;
	[tilespmem:s0+$0x14070] =	vst v1  }
0x97: {  	[tilespmem:s0+$0x14000] =	vst v1  }
0x98: {  	[tilespmem:s0+$0x14010] =	vst v1  }
.Ltmp3:
0x99: {  	[tilespmem:s0+$0x14020] =	vst v1;
	(pc) =	sbr.rel @p1 .LBB2_4-.Ltmp3, $4  }
0x9a: {  	[tilespmem:s0+$0x14030] =	vst v1  }
0x9b: {  	[tilespmem:s0+$0x14040] =	vst v1  }
0x9c: {  	[tilespmem:s0+$0x14050] =	vst v1  }
0x9d: {  	[tilespmem:s0+$0x14060] =	vst v1;
	s0 =	sshra.s32 s31, $0x2;
	s31 =	sadd.s32 $0x200, s31  }
0x9e: {  	[tilespmem:s0+$0x14070] =	vst v1  }
0x9f: {  	[tilespmem:s0+$0x14000] =	vst v1  }
0xa0: {  	[tilespmem:s0+$0x14010] =	vst v1  }
0xa1: {  	[tilespmem:s0+$0x14020] =	vst v1  }
0xa2: {  	[tilespmem:s0+$0x14030] =	vst v1  }
.Ltmp4:
0xa3: {  	[tilespmem:s0+$0x14040] =	vst v1;
	(pc) =	sbr.rel @!p0 .LBB2_6-.Ltmp4, $3  }
0xa4: {  	[tilespmem:s0+$0x14050] =	vst v1  }
0xa5: {  	[tilespmem:s0+$0x14060] =	vst v1  }
0xa6: {  	[bflag:$0x0] =	sbarrier.arrive $0xFFFF;
	_ =	sdelay $0x1  }
0xa7: {  	s0 =	sadd.s32 $0x0, s11  }
0xa8: {  	[tilespmem:s14], [sflag:$0x2] =	stream.linear.gather [hbm4b:s0+s3], $0x400, $0x38;
	[tilespmem:$0x18400] =	vst v63  }
0xa9: {  	_ =	swait.ge [sflag:s13], $0x400  }
0xaa: {  	[sflag:s13] =	ssyncset.done $0x0  }
0xab: {  	[sflag:s13] =	ssyncadd.s32 $0xFFFFFC00  }
0xac: {  	[spmem:s2] =	stream.indirect.scatter.add.f32 [tilespmem:s12], [sflag:$0x1], $0x80, s14, s15, $0xb8;
	[tilespmem:$0x18400] =	vst v63  }
0xad: {  	_ = 	snop  }
0xae: {  	[spmem:s2] =	stream.indirect.scatter.add.f32 [tilespmem:s12], [sflag:$0x1], $0x80, s16, s15, $0xb8;
	[tilespmem:$0x18400] =	vst v63  }
0xaf: {  	_ = 	snop  }
0xb0: {  	[spmem:s2] =	stream.indirect.scatter.add.f32 [tilespmem:s12], [sflag:$0x1], $0x80, s17, s15, $0xb8;
	[tilespmem:$0x18400] =	vst v63  }
0xb1: {  	_ = 	snop  }
0xb2: {  	[spmem:s2] =	stream.indirect.scatter.add.f32 [tilespmem:s12], [sflag:$0x1], $0x80, s18, s15, $0xb8;
	[tilespmem:$0x18400] =	vst v63  }
0xb3: {  	_ = 	snop  }
0xb4: {  	[spmem:s2] =	stream.indirect.scatter.add.f32 [tilespmem:s12], [sflag:$0x1], $0x80, s19, s15, $0xb8;
	[tilespmem:$0x18400] =	vst v63  }
0xb5: {  	_ = 	snop  }
0xb6: {  	[spmem:s2] =	stream.indirect.scatter.add.f32 [tilespmem:s12], [sflag:$0x1], $0x80, s25, s15, $0xb8;
	[tilespmem:$0x18400] =	vst v63  }
0xb7: {  	_ = 	snop  }
0xb8: {  	[spmem:s2] =	stream.indirect.scatter.add.f32 [tilespmem:s12], [sflag:$0x1], $0x80, s26, s15, $0xb8;
	[tilespmem:$0x18400] =	vst v63  }
0xb9: {  	_ = 	snop  }
0xba: {  	[spmem:s2] =	stream.indirect.scatter.add.f32 [tilespmem:s12], [sflag:$0x1], $0x80, s28, s15, $0xb8;
	[tilespmem:$0x18400] =	vst v63  }
0xbb: {  	_ =	swait.ge [sflag:s29], $0x4000  }
0xbc: {  	[sflag:s29] =	ssyncset.done $0x0  }
0xbd: {  	[sflag:s29] =	ssyncadd.s32 $0xFFFFC000  }
0xbe: {  	_ =	swait.ge [sflag:s29], $0x4000  }
0xbf: {  	[sflag:s29] =	ssyncset.done $0x0  }
0xc0: {  	[sflag:s29] =	ssyncadd.s32 $0xFFFFC000  }
0xc1: {  	_ =	swait.ge [sflag:s29], $0x4000  }
0xc2: {  	[sflag:s29] =	ssyncset.done $0x0  }
0xc3: {  	[sflag:s29] =	ssyncadd.s32 $0xFFFFC000  }
0xc4: {  	_ =	swait.ge [sflag:s29], $0x4000  }
0xc5: {  	[sflag:s29] =	ssyncset.done $0x0  }
0xc6: {  	[sflag:s29] =	ssyncadd.s32 $0xFFFFC000  }
0xc7: {  	_ =	swait.ge [sflag:s29], $0x4000  }
0xc8: {  	[sflag:s29] =	ssyncset.done $0x0  }
0xc9: {  	[sflag:s29] =	ssyncadd.s32 $0xFFFFC000  }
0xca: {  	_ =	swait.ge [sflag:s29], $0x4000  }
0xcb: {  	[sflag:s29] =	ssyncset.done $0x0  }
0xcc: {  	[sflag:s29] =	ssyncadd.s32 $0xFFFFC000  }
0xcd: {  	_ =	swait.ge [sflag:s29], $0x4000  }
0xce: {  	[sflag:s29] =	ssyncset.done $0x0  }
0xcf: {  	[sflag:s29] =	ssyncadd.s32 $0xFFFFC000  }
0xd0: {  	_ =	swait.ge [sflag:s29], $0x4000  }
0xd1: {  	s31 =	simm.s32 $0x80;
	s1 =	simm.s32 $0x100;
	[sflag:s29] =	ssyncset.done $0x0  }
.LBB2_10:
0xd2: {  	s9 =	sadd.s32 s31, s11  }
0xd3: {  	[sflag:s29] =	ssyncadd.s32 $0xFFFFC000;
	s31 =	smov.u32 s1;
	s0 =	sadd.s32 $0x80, s1  }
0xd4: {  	[tilespmem:s14], [sflag:$0x2] =	stream.linear.gather [hbm4b:s9+s3], $0x400, $0x38;
	[tilespmem:$0x18400] =	vst v63  }
0xd5: {  	p1 =	sne.s32 s1, $0x980;
	_ =	swait.ge [sflag:s13], $0x400  }
0xd6: {  	[sflag:s13] =	ssyncset.done $0x0  }
0xd7: {  	[sflag:s13] =	ssyncadd.s32 $0xFFFFFC00  }
0xd8: {  	[spmem:s2] =	stream.indirect.scatter.add.f32 [tilespmem:s12], [sflag:$0x1], $0x80, s14, s15, $0xb8;
	[tilespmem:$0x18400] =	vst v63  }
0xd9: {  	_ = 	snop  }
0xda: {  	[spmem:s2] =	stream.indirect.scatter.add.f32 [tilespmem:s12], [sflag:$0x1], $0x80, s16, s15, $0xb8;
	[tilespmem:$0x18400] =	vst v63  }
0xdb: {  	_ = 	snop  }
0xdc: {  	[spmem:s2] =	stream.indirect.scatter.add.f32 [tilespmem:s12], [sflag:$0x1], $0x80, s17, s15, $0xb8;
	[tilespmem:$0x18400] =	vst v63  }
0xdd: {  	_ = 	snop  }
0xde: {  	[spmem:s2] =	stream.indirect.scatter.add.f32 [tilespmem:s12], [sflag:$0x1], $0x80, s18, s15, $0xb8;
	[tilespmem:$0x18400] =	vst v63  }
0xdf: {  	_ = 	snop  }
0xe0: {  	[spmem:s2] =	stream.indirect.scatter.add.f32 [tilespmem:s12], [sflag:$0x1], $0x80, s19, s15, $0xb8;
	[tilespmem:$0x18400] =	vst v63  }
0xe1: {  	_ = 	snop  }
0xe2: {  	[spmem:s2] =	stream.indirect.scatter.add.f32 [tilespmem:s12], [sflag:$0x1], $0x80, s25, s15, $0xb8;
	[tilespmem:$0x18400] =	vst v63  }
0xe3: {  	_ = 	snop  }
0xe4: {  	[spmem:s2] =	stream.indirect.scatter.add.f32 [tilespmem:s12], [sflag:$0x1], $0x80, s26, s15, $0xb8;
	[tilespmem:$0x18400] =	vst v63  }
0xe5: {  	_ = 	snop  }
0xe6: {  	[spmem:s2] =	stream.indirect.scatter.add.f32 [tilespmem:s12], [sflag:$0x1], $0x80, s28, s15, $0xb8;
	[tilespmem:$0x18400] =	vst v63  }
0xe7: {  	_ =	swait.ge [sflag:s29], $0x4000  }
0xe8: {  	[sflag:s29] =	ssyncset.done $0x0  }
0xe9: {  	[sflag:s29] =	ssyncadd.s32 $0xFFFFC000  }
0xea: {  	_ =	swait.ge [sflag:s29], $0x4000  }
0xeb: {  	[sflag:s29] =	ssyncset.done $0x0  }
0xec: {  	[sflag:s29] =	ssyncadd.s32 $0xFFFFC000  }
0xed: {  	_ =	swait.ge [sflag:s29], $0x4000  }
0xee: {  	[sflag:s29] =	ssyncset.done $0x0  }
0xef: {  	[sflag:s29] =	ssyncadd.s32 $0xFFFFC000  }
0xf0: {  	_ =	swait.ge [sflag:s29], $0x4000  }
0xf1: {  	[sflag:s29] =	ssyncset.done $0x0  }
0xf2: {  	[sflag:s29] =	ssyncadd.s32 $0xFFFFC000  }
0xf3: {  	_ =	swait.ge [sflag:s29], $0x4000  }
0xf4: {  	[sflag:s29] =	ssyncset.done $0x0  }
0xf5: {  	[sflag:s29] =	ssyncadd.s32 $0xFFFFC000  }
0xf6: {  	_ =	swait.ge [sflag:s29], $0x4000  }
0xf7: {  	[sflag:s29] =	ssyncset.done $0x0  }
0xf8: {  	[sflag:s29] =	ssyncadd.s32 $0xFFFFC000  }
.Ltmp5:
0xf9: {  	_ =	swait.ge [sflag:s29], $0x4000;
	(pc) =	sbr.rel @p1 .LBB2_10-.Ltmp5, $4  }
0xfa: {  	[sflag:s29] =	ssyncset.done $0x0  }
0xfb: {  	[sflag:s29] =	ssyncadd.s32 $0xFFFFC000  }
0xfc: {  	_ =	swait.ge [sflag:s29], $0x4000  }
0xfd: {  	s1 =	smov.u32 s0;
	[sflag:s29] =	ssyncset.done $0x0  }
0xfe: {  	s0 =	sadd.s32 s31, s11;
	[sflag:s29] =	ssyncadd.s32 $0xFFFFC000  }
0xff: {  	[tilespmem:s14], [sflag:$0x2] =	stream.linear.gather [hbm4b:s0+s3], $0x400, $0x38;
	[tilespmem:$0x18400] =	vst v63  }
0x100: {  	_ =	swait.ge [sflag:s13], $0x400  }
0x101: {  	[sflag:s13] =	ssyncset.done $0x0  }
0x102: {  	[sflag:s13] =	ssyncadd.s32 $0xFFFFFC00  }
0x103: {  	[spmem:s2] =	stream.indirect.scatter.add.f32 [tilespmem:s12], [sflag:$0x1], $0x80, s14, s15, $0xb8;
	[tilespmem:$0x18400] =	vst v63  }
0x104: {  	_ = 	snop  }
0x105: {  	[spmem:s2] =	stream.indirect.scatter.add.f32 [tilespmem:s12], [sflag:$0x1], $0x80, s16, s15, $0xb8;
	[tilespmem:$0x18400] =	vst v63  }
0x106: {  	_ = 	snop  }
0x107: {  	[spmem:s2] =	stream.indirect.scatter.add.f32 [tilespmem:s12], [sflag:$0x1], $0x80, s17, s15, $0xb8;
	[tilespmem:$0x18400] =	vst v63  }
0x108: {  	_ = 	snop  }
0x109: {  	[spmem:s2] =	stream.indirect.scatter.add.f32 [tilespmem:s12], [sflag:$0x1], $0x80, s18, s15, $0xb8;
	[tilespmem:$0x18400] =	vst v63  }
0x10a: {  	_ = 	snop  }
0x10b: {  	[spmem:s2] =	stream.indirect.scatter.add.f32 [tilespmem:s12], [sflag:$0x1], $0x80, s19, s15, $0xb8;
	[tilespmem:$0x18400] =	vst v63  }
0x10c: {  	_ = 	snop  }
0x10d: {  	[spmem:s2] =	stream.indirect.scatter.add.f32 [tilespmem:s12], [sflag:$0x1], $0x80, s25, s15, $0xb8;
	[tilespmem:$0x18400] =	vst v63  }
0x10e: {  	_ = 	snop  }
0x10f: {  	[spmem:s2] =	stream.indirect.scatter.add.f32 [tilespmem:s12], [sflag:$0x1], $0x80, s26, s15, $0xb8;
	[tilespmem:$0x18400] =	vst v63  }
0x110: {  	_ = 	snop  }
0x111: {  	[spmem:s2] =	stream.indirect.scatter.add.f32 [tilespmem:s12], [sflag:$0x1], $0x80, s28, s15, $0xb8;
	[tilespmem:$0x18400] =	vst v63  }
0x112: {  	_ =	swait.ge [sflag:s29], $0x4000  }
0x113: {  	[sflag:s29] =	ssyncset.done $0x0  }
0x114: {  	[sflag:s29] =	ssyncadd.s32 $0xFFFFC000  }
0x115: {  	_ =	swait.ge [sflag:s29], $0x4000  }
0x116: {  	[sflag:s29] =	ssyncset.done $0x0  }
0x117: {  	[sflag:s29] =	ssyncadd.s32 $0xFFFFC000  }
0x118: {  	_ =	swait.ge [sflag:s29], $0x4000  }
0x119: {  	[sflag:s29] =	ssyncset.done $0x0  }
0x11a: {  	[sflag:s29] =	ssyncadd.s32 $0xFFFFC000  }
0x11b: {  	_ =	swait.ge [sflag:s29], $0x4000  }
0x11c: {  	[sflag:s29] =	ssyncset.done $0x0  }
0x11d: {  	[sflag:s29] =	ssyncadd.s32 $0xFFFFC000  }
0x11e: {  	_ =	swait.ge [sflag:s29], $0x4000  }
0x11f: {  	[sflag:s29] =	ssyncset.done $0x0  }
0x120: {  	[sflag:s29] =	ssyncadd.s32 $0xFFFFC000  }
0x121: {  	_ =	swait.ge [sflag:s29], $0x4000  }
0x122: {  	[sflag:s29] =	ssyncset.done $0x0  }
0x123: {  	[sflag:s29] =	ssyncadd.s32 $0xFFFFC000  }
0x124: {  	_ =	swait.ge [sflag:s29], $0x4000  }
.Ltmp6:
0x125: {  	[sflag:s29] =	ssyncset.done $0x0;
	(pc) =	sbr.rel .LBB2_12-.Ltmp6, $4  }
0x126: {  	[sflag:s29] =	ssyncadd.s32 $0xFFFFC000  }
0x127: {  	_ =	swait.ge [sflag:s29], $0x4000  }
0x128: {  	[sflag:s29] =	ssyncset.done $0x0  }
0x129: {  	[sflag:s29] =	ssyncadd.s32 $0xFFFFC000  }
.LBB2_6:
0x12a: {  	s0 =	sadd.s32 $0x0, s10  }
0x12b: {  	[tilespmem:s14], [sflag:$0x2] =	stream.linear.gather [hbm4b:s0+s3], $0x400, $0x38;
	[tilespmem:$0x18400] =	vst v63  }
0x12c: {  	_ =	swait.ge [sflag:s13], $0x400  }
0x12d: {  	[sflag:s13] =	ssyncset.done $0x0  }
0x12e: {  	[sflag:s13] =	ssyncadd.s32 $0xFFFFFC00  }
0x12f: {  	[spmem:s2] =	stream.indirect.scatter.add.f32 [tilespmem:s12], [sflag:$0x1], $0x80, s14, s15, $0xb8;
	[tilespmem:$0x18400] =	vst v63  }
0x130: {  	_ = 	snop  }
0x131: {  	[spmem:s2] =	stream.indirect.scatter.add.f32 [tilespmem:s12], [sflag:$0x1], $0x80, s16, s15, $0xb8;
	[tilespmem:$0x18400] =	vst v63  }
0x132: {  	_ = 	snop  }
0x133: {  	[spmem:s2] =	stream.indirect.scatter.add.f32 [tilespmem:s12], [sflag:$0x1], $0x80, s17, s15, $0xb8;
	[tilespmem:$0x18400] =	vst v63  }
0x134: {  	_ = 	snop  }
0x135: {  	[spmem:s2] =	stream.indirect.scatter.add.f32 [tilespmem:s12], [sflag:$0x1], $0x80, s18, s15, $0xb8;
	[tilespmem:$0x18400] =	vst v63  }
0x136: {  	_ = 	snop  }
0x137: {  	[spmem:s2] =	stream.indirect.scatter.add.f32 [tilespmem:s12], [sflag:$0x1], $0x80, s19, s15, $0xb8;
	[tilespmem:$0x18400] =	vst v63  }
0x138: {  	_ = 	snop  }
0x139: {  	[spmem:s2] =	stream.indirect.scatter.add.f32 [tilespmem:s12], [sflag:$0x1], $0x80, s25, s15, $0xb8;
	[tilespmem:$0x18400] =	vst v63  }
0x13a: {  	_ = 	snop  }
0x13b: {  	[spmem:s2] =	stream.indirect.scatter.add.f32 [tilespmem:s12], [sflag:$0x1], $0x80, s26, s15, $0xb8;
	[tilespmem:$0x18400] =	vst v63  }
0x13c: {  	_ = 	snop  }
0x13d: {  	[spmem:s2] =	stream.indirect.scatter.add.f32 [tilespmem:s12], [sflag:$0x1], $0x80, s28, s15, $0xb8;
	[tilespmem:$0x18400] =	vst v63  }
0x13e: {  	_ =	swait.ge [sflag:s29], $0x4000  }
0x13f: {  	[sflag:s29] =	ssyncset.done $0x0  }
0x140: {  	[sflag:s29] =	ssyncadd.s32 $0xFFFFC000  }
0x141: {  	_ =	swait.ge [sflag:s29], $0x4000  }
0x142: {  	[sflag:s29] =	ssyncset.done $0x0  }
0x143: {  	[sflag:s29] =	ssyncadd.s32 $0xFFFFC000  }
0x144: {  	_ =	swait.ge [sflag:s29], $0x4000  }
0x145: {  	[sflag:s29] =	ssyncset.done $0x0  }
0x146: {  	[sflag:s29] =	ssyncadd.s32 $0xFFFFC000  }
0x147: {  	_ =	swait.ge [sflag:s29], $0x4000  }
0x148: {  	[sflag:s29] =	ssyncset.done $0x0  }
0x149: {  	[sflag:s29] =	ssyncadd.s32 $0xFFFFC000  }
0x14a: {  	_ =	swait.ge [sflag:s29], $0x4000  }
0x14b: {  	[sflag:s29] =	ssyncset.done $0x0  }
0x14c: {  	[sflag:s29] =	ssyncadd.s32 $0xFFFFC000  }
0x14d: {  	_ =	swait.ge [sflag:s29], $0x4000  }
0x14e: {  	[sflag:s29] =	ssyncset.done $0x0  }
0x14f: {  	[sflag:s29] =	ssyncadd.s32 $0xFFFFC000  }
0x150: {  	_ =	swait.ge [sflag:s29], $0x4000  }
0x151: {  	[sflag:s29] =	ssyncset.done $0x0  }
0x152: {  	[sflag:s29] =	ssyncadd.s32 $0xFFFFC000  }
0x153: {  	_ =	swait.ge [sflag:s29], $0x4000  }
0x154: {  	s31 =	simm.s32 $0x80;
	s0 =	simm.s32 $0x100;
	[sflag:s29] =	ssyncset.done $0x0  }
.LBB2_7:
0x155: {  	s9 =	sadd.s32 s31, s10  }
0x156: {  	[sflag:s29] =	ssyncadd.s32 $0xFFFFC000;
	s31 =	smov.u32 s0;
	s1 =	sadd.s32 $0x80, s0  }
0x157: {  	[tilespmem:s14], [sflag:$0x2] =	stream.linear.gather [hbm4b:s9+s3], $0x400, $0x38;
	[tilespmem:$0x18400] =	vst v63  }
0x158: {  	p1 =	seq.s32 s0, $0x980;
	_ =	swait.ge [sflag:s13], $0x400  }
0x159: {  	[sflag:s13] =	ssyncset.done $0x0  }
0x15a: {  	[sflag:s13] =	ssyncadd.s32 $0xFFFFFC00  }
0x15b: {  	[spmem:s2] =	stream.indirect.scatter.add.f32 [tilespmem:s12], [sflag:$0x1], $0x80, s14, s15, $0xb8;
	[tilespmem:$0x18400] =	vst v63  }
0x15c: {  	_ = 	snop  }
0x15d: {  	[spmem:s2] =	stream.indirect.scatter.add.f32 [tilespmem:s12], [sflag:$0x1], $0x80, s16, s15, $0xb8;
	[tilespmem:$0x18400] =	vst v63  }
0x15e: {  	_ = 	snop  }
0x15f: {  	[spmem:s2] =	stream.indirect.scatter.add.f32 [tilespmem:s12], [sflag:$0x1], $0x80, s17, s15, $0xb8;
	[tilespmem:$0x18400] =	vst v63  }
0x160: {  	_ = 	snop  }
0x161: {  	[spmem:s2] =	stream.indirect.scatter.add.f32 [tilespmem:s12], [sflag:$0x1], $0x80, s18, s15, $0xb8;
	[tilespmem:$0x18400] =	vst v63  }
0x162: {  	_ = 	snop  }
0x163: {  	[spmem:s2] =	stream.indirect.scatter.add.f32 [tilespmem:s12], [sflag:$0x1], $0x80, s19, s15, $0xb8;
	[tilespmem:$0x18400] =	vst v63  }
0x164: {  	_ = 	snop  }
0x165: {  	[spmem:s2] =	stream.indirect.scatter.add.f32 [tilespmem:s12], [sflag:$0x1], $0x80, s25, s15, $0xb8;
	[tilespmem:$0x18400] =	vst v63  }
0x166: {  	_ = 	snop  }
0x167: {  	[spmem:s2] =	stream.indirect.scatter.add.f32 [tilespmem:s12], [sflag:$0x1], $0x80, s26, s15, $0xb8;
	[tilespmem:$0x18400] =	vst v63  }
0x168: {  	_ = 	snop  }
0x169: {  	[spmem:s2] =	stream.indirect.scatter.add.f32 [tilespmem:s12], [sflag:$0x1], $0x80, s28, s15, $0xb8;
	[tilespmem:$0x18400] =	vst v63  }
0x16a: {  	_ =	swait.ge [sflag:s29], $0x4000  }
0x16b: {  	[sflag:s29] =	ssyncset.done $0x0  }
0x16c: {  	[sflag:s29] =	ssyncadd.s32 $0xFFFFC000  }
0x16d: {  	_ =	swait.ge [sflag:s29], $0x4000  }
0x16e: {  	[sflag:s29] =	ssyncset.done $0x0  }
0x16f: {  	[sflag:s29] =	ssyncadd.s32 $0xFFFFC000  }
0x170: {  	_ =	swait.ge [sflag:s29], $0x4000  }
0x171: {  	[sflag:s29] =	ssyncset.done $0x0  }
0x172: {  	[sflag:s29] =	ssyncadd.s32 $0xFFFFC000  }
0x173: {  	_ =	swait.ge [sflag:s29], $0x4000  }
0x174: {  	[sflag:s29] =	ssyncset.done $0x0  }
0x175: {  	[sflag:s29] =	ssyncadd.s32 $0xFFFFC000  }
0x176: {  	_ =	swait.ge [sflag:s29], $0x4000  }
0x177: {  	[sflag:s29] =	ssyncset.done $0x0  }
0x178: {  	[sflag:s29] =	ssyncadd.s32 $0xFFFFC000  }
0x179: {  	_ =	swait.ge [sflag:s29], $0x4000  }
0x17a: {  	[sflag:s29] =	ssyncset.done $0x0  }
0x17b: {  	[sflag:s29] =	ssyncadd.s32 $0xFFFFC000  }
.Ltmp7:
0x17c: {  	_ =	swait.ge [sflag:s29], $0x4000;
	(pc) =	sbr.rel @!p1 .LBB2_7-.Ltmp7, $4  }
0x17d: {  	[sflag:s29] =	ssyncset.done $0x0  }
0x17e: {  	[sflag:s29] =	ssyncadd.s32 $0xFFFFC000  }
0x17f: {  	_ =	swait.ge [sflag:s29], $0x4000  }
0x180: {  	s0 =	smov.u32 s1;
	[sflag:s29] =	ssyncset.done $0x0  }
.Ltmp8:
0x181: {  	_ = 	snop;
	(pc) =	sbr.rel .LBB2_8-.Ltmp8, $1  }
0x182: {  	_ =	sdelay $0x3  }
.LBB2_13:
0x183: {  	_ =	sfence.sel $0x180000  }
0x184: {  	[bflag:$0x0] =	sbarrier.arrive $0xFFFF  }
0x185: {  	_ =	strace $0x90000047  }
0x186: {  	s0 =	stileid.u32;
	[bflag:$0x2] =	sbarrier.arrive $0xFFFF  }
0x187: {  	p0 =	sne.s32 s0, $0x0;
	s0 =	rddreg [dreg:$0x3]  }
0x188: {  	s0 =	sadd.s32 @!p0 $0x100000, s0  }
0x189: {  	[sflag:s0] =	ssyncadd.tile.s32 @!p0 $0x1;
	_ =	shalt  }
.Lfunc_end2:
_tile_overlayer_lowered:
.L_overlay_start_2:
0x18a: {  	(tag) =	ssettag $0x2  }
0x18b: {  	s0 =	rddreg [dreg:$0x0];
	s2 =	stileid.u32  }
0x18c: {  	s1 =	rddreg [dreg:$0x1];
	p0 =	sne.s32 s2, $0x0  }
0x18d: {  	s3 =	rddreg [dreg:$0x2];
	[bflag:$0x3] =	sbarrier.arrive $0xFFFF;
	s2 =	simm.s32 @!p0 $0x1C02  }
0x18e: {  	[timem:s3], [sflag:s2] =	dma.local @!p0 [hbm:s0], s1  }
0x18f: {  	s0 =	simm.s32 @!p0 $0x2  }
0x190: {  	_ =	swait.ge @!p0 [sflag:s0], s1  }
0x191: {  	s1 =	ssub.s32 @!p0 $0x0, s1;
	[sflag:s0] =	ssyncset.done @!p0 $0x0  }
0x192: {  	[sflag:s0] =	ssyncadd.s32 @!p0 s1  }
0x193: {  	[bflag:$0x3] =	sbarrier.arrive $0xFFFF  }
0x194: {  	_ =	shalt  }

</sc_bundles>
